<compile_context>
chip_gen: v7x
topology: tpu7x:2x2x1
jax: 0.10.2.dev20260603
libtpu: 0.0.44.dev20260713+nightly
codegen_flags: <defaults>
</compile_context>

<pallas_src>
import functools

import jax
import jax.numpy as jnp
from jax import lax
from jax.experimental import pallas as pl
from jax.experimental.pallas import tpu as pltpu
from jax.experimental.pallas import tpu_sc as plsc

N = 10000
E = 320000
F = 128

NC = 2
NS = 16
L = 16
NW = NC * NS
ET = E // NW
SCH = 80
NB = ET // SCH
EC = 2000
NCH = ET // EC
NCB = EC // SCH
NP = 10240
RPT = NP // NS

BN = 1000
BK = 1024


def _k1_body(feat_ref, wt_ref, al_ref, ar_ref,
             fs_ref, el_ref, er_ref, mu_ref, ml_ref, mr_ref):
    i = pl.program_id(0)
    fs = jnp.dot(feat_ref[...], wt_ref[...], preferred_element_type=jnp.float32)
    fs_ref[...] = fs
    el = jnp.sum(fs * al_ref[...], axis=1)
    er = jnp.sum(fs * ar_ref[...], axis=1)
    el_ref[...] = el.reshape(BK // 128, 128)
    er_ref[...] = er.reshape(BK // 128, 128)
    valid = (i * BK + lax.broadcasted_iota(jnp.int32, (BK, 1), 0)) < N
    bmin = jnp.min(jnp.where(valid, fs, jnp.inf))
    bml = jnp.max(jnp.where(valid[:, 0], el, -jnp.inf))
    bmr = jnp.max(jnp.where(valid[:, 0], er, -jnp.inf))

    @pl.when(i == 0)
    def _():
        mu_ref[0, 0] = bmin
        ml_ref[0, 0] = bml
        mr_ref[0, 0] = bmr

    @pl.when(i > 0)
    def _():
        mu_ref[0, 0] = jnp.minimum(mu_ref[0, 0], bmin)
        ml_ref[0, 0] = jnp.maximum(ml_ref[0, 0], bml)
        mr_ref[0, 0] = jnp.maximum(mr_ref[0, 0], bmr)


_k1 = pl.pallas_call(
    _k1_body,
    grid=(NP // BK,),
    in_specs=[
        pl.BlockSpec((BK, F), lambda i: (i, 0)),
        pl.BlockSpec((F, F), lambda i: (0, 0)),
        pl.BlockSpec((1, F), lambda i: (0, 0)),
        pl.BlockSpec((1, F), lambda i: (0, 0)),
    ],
    out_specs=[
        pl.BlockSpec((BK, F), lambda i: (i, 0)),
        pl.BlockSpec((BK // 128, 128), lambda i: (i, 0)),
        pl.BlockSpec((BK // 128, 128), lambda i: (i, 0)),
        pl.BlockSpec((1, 1), lambda i: (0, 0), memory_space=pltpu.SMEM),
        pl.BlockSpec((1, 1), lambda i: (0, 0), memory_space=pltpu.SMEM),
        pl.BlockSpec((1, 1), lambda i: (0, 0), memory_space=pltpu.SMEM),
    ],
    out_shape=[
        jax.ShapeDtypeStruct((N, F), jnp.float32),
        jax.ShapeDtypeStruct((NP // 128, 128), jnp.float32),
        jax.ShapeDtypeStruct((NP // 128, 128), jnp.float32),
        jax.ShapeDtypeStruct((1, 1), jnp.float32),
        jax.ShapeDtypeStruct((1, 1), jnp.float32),
        jax.ShapeDtypeStruct((1, 1), jnp.float32),
    ],
)


def _k2_body(fs_ref, mu_ref, p_ref, sf_ref, pf_ref):
    p_eff = sf_ref[0, 0] + 1.0 / (1.0 + jnp.exp(-p_ref[0, 0]))
    x = fs_ref[...] - mu_ref[0, 0] + 1e-6
    pf_ref[...] = jnp.exp(p_eff * jnp.log(x))


_k2 = pl.pallas_call(
    _k2_body,
    grid=(N // BN,),
    in_specs=[
        pl.BlockSpec((BN, F), lambda i: (i, 0)),
        pl.BlockSpec((1, 1), lambda i: (0, 0), memory_space=pltpu.SMEM),
        pl.BlockSpec((1, 1), lambda i: (0, 0), memory_space=pltpu.SMEM),
        pl.BlockSpec((1, 1), lambda i: (0, 0), memory_space=pltpu.SMEM),
    ],
    out_specs=pl.BlockSpec((BN, F), lambda i: (i, 0)),
    out_shape=jax.ShapeDtypeStruct((N, F), jnp.float32),
)


def _k3_body(p0_ref, p1_ref, bias_ref, mu_ref, p_ref, sf_ref, out_ref):
    p_eff = sf_ref[0, 0] + 1.0 / (1.0 + jnp.exp(-p_ref[0, 0]))
    s = p0_ref[0] + p1_ref[0] + 1e-6
    out_ref[...] = jnp.exp(jnp.log(s) / p_eff) + mu_ref[0, 0] + bias_ref[...]


_k3 = pl.pallas_call(
    _k3_body,
    grid=(N // BN,),
    in_specs=[
        pl.BlockSpec((1, BN, F), lambda i: (0, i, 0)),
        pl.BlockSpec((1, BN, F), lambda i: (1, i, 0)),
        pl.BlockSpec((1, F), lambda i: (0, 0)),
        pl.BlockSpec((1, 1), lambda i: (0, 0), memory_space=pltpu.SMEM),
        pl.BlockSpec((1, 1), lambda i: (0, 0), memory_space=pltpu.SMEM),
        pl.BlockSpec((1, 1), lambda i: (0, 0), memory_space=pltpu.SMEM),
    ],
    out_specs=pl.BlockSpec((BN, F), lambda i: (i, 0)),
    out_shape=jax.ShapeDtypeStruct((N, F), jnp.float32),
)


_mesh = plsc.VectorSubcoreMesh(core_axis_name="c", subcore_axis_name="s")


@functools.partial(
    pl.kernel,
    mesh=_mesh,
    compiler_params=pltpu.CompilerParams(needs_layout_passes=False),
    out_type=(
        jax.ShapeDtypeStruct((E,), jnp.float32),
        jax.ShapeDtypeStruct((NC, NP), jnp.float32),
    ),
    scratch_types=[
        pltpu.VMEM((NP,), jnp.float32),
        pltpu.VMEM((NP,), jnp.float32),
        pltpu.VMEM((NCB, SCH), jnp.int32),
        pltpu.VMEM((NCB, SCH), jnp.int32),
        pltpu.VMEM((ET,), jnp.float32),
        pltpu.VMEM((L,), jnp.float32),
        pltpu.VMEM_SHARED((NP,), jnp.float32),
    ],
)
def _e1(el_hbm, er_hbm, ei5_hbm, m_hbm, z_hbm,
        ee_hbm, den_hbm,
        el_v, er_v, src4_v, dst4_v, ee_v, m_v, den_sp):
    cid = lax.axis_index("c")
    sid = lax.axis_index("s")
    wid = sid * NC + cid
    ebase = wid * ET

    pltpu.sync_copy(el_hbm, el_v)
    pltpu.sync_copy(er_hbm, er_v)
    pltpu.sync_copy(m_hbm, m_v)
    pltpu.sync_copy(z_hbm.at[pl.ds(sid * RPT, RPT)],
                    den_sp.at[pl.ds(sid * RPT, RPT)])
    plsc.subcore_barrier()

    mvec = m_v[...]

    for ch in range(NCH):
        pltpu.sync_copy(ei5_hbm.at[0, wid, ch], src4_v)
        pltpu.sync_copy(ei5_hbm.at[1, wid, ch], dst4_v)

        def body(b, carry, ch=ch):
            eoff = pl.multiple_of(ch * EC + b * SCH, 8)
            for g in range(SCH // L):
                off = eoff + g * L
                s16 = src4_v[b, pl.ds(g * L, L)]
                d16 = dst4_v[b, pl.ds(g * L, L)]
                e = (plsc.load_gather(el_v, [s16])
                     + plsc.load_gather(er_v, [d16]))
                e = jnp.where(e > 0, e, 0.2 * e)
                ee_v[pl.ds(off, L)] = jnp.exp(e - mvec)
            pltpu.sync_copy(ee_v.at[pl.ds(eoff, SCH)],
                            den_sp.at[dst4_v.at[b]], add=True)
            return carry

        lax.fori_loop(0, NCB, body, 0)

    pltpu.sync_copy(ee_v, ee_hbm.at[pl.ds(ebase, ET)])
    plsc.subcore_barrier()
    pltpu.sync_copy(den_sp.at[pl.ds(sid * RPT, RPT)],
                    den_hbm.at[cid, pl.ds(sid * RPT, RPT)])


@functools.partial(
    pl.kernel,
    mesh=_mesh,
    compiler_params=pltpu.CompilerParams(needs_layout_passes=False),
    out_type=jax.ShapeDtypeStruct((NC, NP, F), jnp.float32),
    scratch_types=[
        pltpu.VMEM((NCB, SCH), jnp.int32),
        pltpu.VMEM((NCB, SCH), jnp.int32),
        pltpu.VMEM((EC,), jnp.float32),
        pltpu.VMEM((N,), jnp.float32),
        pltpu.VMEM((SCH, F), jnp.float32),
        pltpu.VMEM((SCH, F), jnp.float32),
        pltpu.VMEM_SHARED((NP, F), jnp.float32),
        pltpu.VMEM_SHARED((NP,), jnp.float32),
        pltpu.SemaphoreType.DMA,
        pltpu.SemaphoreType.DMA,
        pltpu.SemaphoreType.DMA,
    ],
)
def _e2(pf_hbm, ei5_hbm, ee_hbm, den_hbm,
        out_hbm,
        src_v, dst2_v, ee_v, inv_v, rows0_v, rows1_v, acc_sp,
        inv_sp, sem0, sem1, semS):
    cid = lax.axis_index("c")
    sid = lax.axis_index("s")
    wid = sid * NC + cid
    ebase = wid * ET

    pltpu.sync_copy(den_hbm.at[0, pl.ds(sid * RPT, RPT)], ee_v.at[pl.ds(0, RPT)])
    pltpu.sync_copy(den_hbm.at[1, pl.ds(sid * RPT, RPT)],
                    ee_v.at[pl.ds(RPT, RPT)])

    def ibody(i, carry):
        off = pl.multiple_of(i * L, 8)
        d = ee_v[pl.ds(off, L)] + ee_v[pl.ds(RPT + off, L)]
        ee_v[pl.ds(off, L)] = 1.0 / d
        return carry

    lax.fori_loop(0, RPT // L, ibody, 0)
    pltpu.sync_copy(ee_v.at[pl.ds(0, RPT)], inv_sp.at[pl.ds(sid * RPT, RPT)])

    zero = jnp.zeros((L,), jnp.float32)

    def zbody(r, carry):
        for c in range(F // L):
            rows0_v[r, pl.ds(c * L, L)] = zero
        return carry

    lax.fori_loop(0, SCH, zbody, 0)
    for q in range(RPT // SCH):
        pltpu.sync_copy(rows0_v, acc_sp.at[pl.ds(sid * RPT + q * SCH, SCH)])
    plsc.subcore_barrier()
    pltpu.sync_copy(inv_sp.at[pl.ds(0, N)], inv_v)

    def gather(b, buf, sem):
        pltpu.async_copy(pf_hbm.at[src_v.at[b]], buf, sem)

    def gwait(b, buf, sem):
        pltpu.make_async_copy(pf_hbm.at[src_v.at[b]], buf, sem).wait()

    def ss(b, buf):
        pltpu.async_copy(buf, acc_sp.at[dst2_v.at[b]], semS, add=True)

    def sw(b, buf):
        pltpu.make_async_copy(buf, acc_sp.at[dst2_v.at[b]], semS).wait()

    def mul(b, buf):
        eoff = b * SCH

        def mul4(j4, mcarry):
            jb = j4 * 4
            for u in range(4):
                ab = plsc.load_gather(
                    ee_v, [jnp.full((L,), 0, jnp.int32) + (eoff + jb + u)])
                for c in range(F // L):
                    buf[jb + u, pl.ds(c * L, L)] = buf[jb + u, pl.ds(c * L, L)] * ab
            return mcarry

        lax.fori_loop(0, SCH // 4, mul4, 0)

    def chunk(ch, carry):
        pltpu.sync_copy(ei5_hbm.at[0, wid, ch], src_v)
        pltpu.sync_copy(ei5_hbm.at[1, wid, ch], dst2_v)
        pltpu.sync_copy(ee_hbm.at[pl.ds(ebase + ch * EC, EC)], ee_v)

        def apre(b, inner):
            eoff = pl.multiple_of(b * SCH, 8)
            for g in range(SCH // L):
                d16 = dst2_v[b, pl.ds(g * L, L)]
                inv16 = plsc.load_gather(inv_v, [d16])
                o = eoff + g * L
                ee_v[pl.ds(o, L)] = ee_v[pl.ds(o, L)] * inv16
            return inner

        lax.fori_loop(0, NCB, apre, 0)

        gather(0, rows0_v, sem0)
        gwait(0, rows0_v, sem0)
        gather(1, rows1_v, sem1)
        mul(0, rows0_v)
        ss(0, rows0_v)

        def pair(k, inner):
            b1 = 2 * k + 1
            b2 = 2 * k + 2
            gwait(b1, rows1_v, sem1)
            sw(b1 - 1, rows0_v)
            gather(b1 + 1, rows0_v, sem0)
            mul(b1, rows1_v)
            ss(b1, rows1_v)
            gwait(b2, rows0_v, sem0)
            sw(b2 - 1, rows1_v)
            gather(b2 + 1, rows1_v, sem1)
            mul(b2, rows0_v)
            ss(b2, rows0_v)
            return inner

        lax.fori_loop(0, (NCB - 3) // 2, pair, 0)
        gwait(NCB - 2, rows1_v, sem1)
        sw(NCB - 3, rows0_v)
        gather(NCB - 1, rows0_v, sem0)
        mul(NCB - 2, rows1_v)
        ss(NCB - 2, rows1_v)
        gwait(NCB - 1, rows0_v, sem0)
        sw(NCB - 2, rows1_v)
        mul(NCB - 1, rows0_v)
        ss(NCB - 1, rows0_v)
        sw(NCB - 1, rows0_v)
        return carry

    lax.fori_loop(0, NCH, chunk, 0)
    plsc.subcore_barrier()
    pltpu.sync_copy(acc_sp.at[pl.ds(sid * RPT, RPT)],
                    out_hbm.at[cid, pl.ds(sid * RPT, RPT)])


def kernel(feat, edge_index, p, s_f, W, attn_l, attn_r, bias):
    ei5 = edge_index.reshape(2, NW, NCH, NCB, SCH)
    al = attn_l.reshape(1, F)
    ar = attn_r.reshape(1, F)
    p11 = p.reshape(1, 1)
    sf11 = s_f.reshape(1, 1)

    fs, el, er, mu, ml, mr = _k1(feat, W.T, al, ar)

    shift = jnp.maximum(ml[0, 0] + mr[0, 0], 0.0)
    mvec = jnp.full((L,), shift, jnp.float32)
    zeros1 = jnp.zeros((NP,), jnp.float32)

    ee, den = _e1(el.reshape(NP), er.reshape(NP), ei5, mvec, zeros1)

    pre_f = _k2(fs, mu, p11, sf11)

    parts = _e2(pre_f, ei5, ee, den)

    out = _k3(parts, parts, bias.reshape(1, F), mu, p11, sf11)
    return out

# --- scband reference (transcript-rebuilt; emitter-appended) ---
"""Pipeline reference for scband-gatconv-g-70428873720562 (READ-ONLY COPY).

The authoritative reference and input builder live on the scoring server;
editing this copy changes nothing except your own understanding.
"""

import jax, jax.numpy as jnp
import numpy as np

N = 10000
E = 320000
D = 128
H = 1
F = 128


def setup_inputs(seed: int = 0) -> dict:
    key = jax.random.key(seed)
    ks = jax.random.split(key, 8)
    feat = jax.random.normal(ks[0], (N, D), dtype=jnp.float32)
    edge_index = jax.random.randint(ks[1], (2, E), 0, N, dtype=jnp.int32)
    p = jax.random.normal(ks[2], (1,), dtype=jnp.float32)
    s_f = jax.random.uniform(ks[3], (1,), dtype=jnp.float32)
    # learned parameters
    W = jax.random.normal(ks[4], (H * F, D), dtype=jnp.float32) * (1.0 / np.sqrt(D))
    attn_l = jax.random.normal(ks[5], (1, H, F), dtype=jnp.float32) * 0.1
    attn_r = jax.random.normal(ks[6], (1, H, F), dtype=jnp.float32) * 0.1
    bias = jnp.zeros((H * F,), dtype=jnp.float32)
    return {"feat": feat, "edge_index": edge_index, "p": p, "s_f": s_f,
            "W": W, "attn_l": attn_l, "attn_r": attn_r, "bias": bias}


def reference(feat, edge_index, p, s_f, W, attn_l, attn_r, bias):
    src = edge_index[0]
    dst = edge_index[1]
    # fc: feat_src = feat_dst = fc(feat).view(N, H, F)
    feat_src = (feat @ W.T).reshape(N, H, F)
    feat_dst = feat_src
    # attention logits
    el = jnp.sum(feat_src * attn_l, axis=-1)  # [N, H]
    er = jnp.sum(feat_dst * attn_r, axis=-1)  # [N, H]
    e = el[src] + er[dst]                      # [E, H] (u_add_v)
    e = jnp.where(e > 0, e, 0.2 * e)           # leaky_relu(negative_slope=0.2)
    # edge softmax over destination nodes
    m = jax.ops.segment_max(e, dst, num_segments=N)
    m = jnp.where(jnp.isfinite(m), m, 0.0)
    m = jax.lax.stop_gradient(m)
    ee = jnp.exp(e - m[dst])
    denom = jax.ops.segment_sum(ee, dst, num_segments=N)
    a = ee / denom[dst]                        # [E, H]
    # generalized power-mean aggregation
    p_eff = jax.nn.sigmoid(p)[0] + s_f[0]
    mu = jnp.min(feat_src)
    pre_f = jnp.power(feat_src - mu + 1e-6, p_eff)  # [N, H, F]
    msg = pre_f[src] * a[:, :, None]                # [E, H, F] (u_mul_e)
    pre_rst = jax.ops.segment_sum(msg, dst, num_segments=N)  # [N, H, F]
    rst = jnp.power(pre_rst + 1e-6, 1.0 / p_eff) + mu
    rst = rst + bias.reshape(1, H, F)
    rst = rst.reshape(N, H * F)  # concat=False -> flatten
    return rst

if __name__ == "__main__":
    import jax
    _d = setup_inputs()
    print(jax.jit(kernel)(*tuple(_d.values())))

</pallas_src>

<mosaic_0001>
#map = affine_map<(d0, d1) -> (0)>
#map1 = affine_map<(d0, d1) -> (0, 0, 0, 0, 0)>
#map2 = affine_map<(d0, d1) -> (0, 0)>
module attributes {stable_mosaic.version = 14 : i64} {
  func.func @_e1(%arg0: i32, %arg1: i32, %arg2: memref<10240xf32, #tpu.memory_space<hbm>>, %arg3: memref<10240xf32, #tpu.memory_space<hbm>>, %arg4: memref<2x32x5x25x80xi32, #tpu.memory_space<hbm>>, %arg5: memref<16xf32, #tpu.memory_space<hbm>>, %arg6: memref<10240xf32, #tpu.memory_space<hbm>>, %arg7: memref<320000xf32, #tpu.memory_space<hbm>>, %arg8: memref<2x10240xf32, #tpu.memory_space<hbm>>, %arg9: memref<10240xf32, #tpu.memory_space<vmem>>, %arg10: memref<10240xf32, #tpu.memory_space<vmem>>, %arg11: memref<25x80xi32, #tpu.memory_space<vmem>>, %arg12: memref<25x80xi32, #tpu.memory_space<vmem>>, %arg13: memref<10000xf32, #tpu.memory_space<vmem>>, %arg14: memref<16xf32, #tpu.memory_space<vmem>>, %arg15: memref<10240xf32, #tpu.memory_space<vmem_shared>>) attributes {dimension_semantics = [#tpu.dimension_semantics<core_parallel>, #tpu.dimension_semantics<subcore_parallel>], iteration_bounds = array<i64: 2, 16>, scalar_prefetch = 0 : i64, scratch_operands = 7 : i64, tpu.core_type = #tpu.core_type<sc_vector_subcore>, window_params = [{transform_indices = #map}, {transform_indices = #map}, {transform_indices = #map1}, {transform_indices = #map}, {transform_indices = #map}, {transform_indices = #map}, {transform_indices = #map2}]} {
    %mul3A = arith.constant 2 : i32
    %mul3A_0 = arith.muli %arg1, %mul3A : i32
    %add3A = arith.addi %mul3A_0, %arg0 : i32
    %mul3A_1 = arith.constant 10000 : i32
    %mul3A_2 = arith.muli %add3A, %mul3A_1 : i32
    "tpu.region"() ({
      %run_scoped3A_61 = tpu.sem_alloc : memref<!tpu.dma_semaphore, #tpu.memory_space<semaphore_mem>>
      tpu.enqueue_dma source(%arg2 : memref<10240xf32, #tpu.memory_space<hbm>>) target(%arg9 : memref<10240xf32, #tpu.memory_space<vmem>>) target_semaphore(%run_scoped3A_61 : memref<!tpu.dma_semaphore, #tpu.memory_space<semaphore_mem>>)
      tpu.wait_dma2 semaphore(%run_scoped3A_61 : memref<!tpu.dma_semaphore, #tpu.memory_space<semaphore_mem>>) src(%arg2 : memref<10240xf32, #tpu.memory_space<hbm>>) dst(%arg9 : memref<10240xf32, #tpu.memory_space<vmem>>)
      tpu.yield
    }) : () -> ()
    "tpu.region"() ({
      %run_scoped3A_61 = tpu.sem_alloc : memref<!tpu.dma_semaphore, #tpu.memory_space<semaphore_mem>>
      tpu.enqueue_dma source(%arg3 : memref<10240xf32, #tpu.memory_space<hbm>>) target(%arg10 : memref<10240xf32, #tpu.memory_space<vmem>>) target_semaphore(%run_scoped3A_61 : memref<!tpu.dma_semaphore, #tpu.memory_space<semaphore_mem>>)
      tpu.wait_dma2 semaphore(%run_scoped3A_61 : memref<!tpu.dma_semaphore, #tpu.memory_space<semaphore_mem>>) src(%arg3 : memref<10240xf32, #tpu.memory_space<hbm>>) dst(%arg10 : memref<10240xf32, #tpu.memory_space<vmem>>)
      tpu.yield
    }) : () -> ()
    "tpu.region"() ({
      %run_scoped3A_61 = tpu.sem_alloc : memref<!tpu.dma_semaphore, #tpu.memory_space<semaphore_mem>>
      tpu.enqueue_dma source(%arg5 : memref<16xf32, #tpu.memory_space<hbm>>) target(%arg14 : memref<16xf32, #tpu.memory_space<vmem>>) target_semaphore(%run_scoped3A_61 : memref<!tpu.dma_semaphore, #tpu.memory_space<semaphore_mem>>)
      tpu.wait_dma2 semaphore(%run_scoped3A_61 : memref<!tpu.dma_semaphore, #tpu.memory_space<semaphore_mem>>) src(%arg5 : memref<16xf32, #tpu.memory_space<hbm>>) dst(%arg14 : memref<16xf32, #tpu.memory_space<vmem>>)
      tpu.yield
    }) : () -> ()
    %mul3A_3 = arith.constant 640 : i32
    %mul3A_4 = arith.muli %arg1, %mul3A_3 : i32
    %mul3A_5 = arith.constant 640 : i32
    %mul3A_6 = arith.muli %arg1, %mul3A_5 : i32
    "tpu.region"() ({
      %run_scoped3A_61 = tpu.sem_alloc : memref<!tpu.dma_semaphore, #tpu.memory_space<semaphore_mem>>
      %dma_start3A = tpu.memref_slice %arg15[%mul3A_6] : memref<10240xf32, #tpu.memory_space<vmem_shared>> -> memref<640xf32, #tpu.memory_space<vmem_shared>>
      %dma_start3A_62 = tpu.memref_slice %arg6[%mul3A_4] : memref<10240xf32, #tpu.memory_space<hbm>> -> memref<640xf32, #tpu.memory_space<hbm>>
      tpu.enqueue_dma source(%dma_start3A_62 : memref<640xf32, #tpu.memory_space<hbm>>) target(%dma_start3A : memref<640xf32, #tpu.memory_space<vmem_shared>>) target_semaphore(%run_scoped3A_61 : memref<!tpu.dma_semaphore, #tpu.memory_space<semaphore_mem>>)
      %dma_wait3A = tpu.memref_slice %arg15[%mul3A_6] : memref<10240xf32, #tpu.memory_space<vmem_shared>> -> memref<640xf32, #tpu.memory_space<vmem_shared>>
      %dma_wait3A_63 = tpu.memref_slice %arg6[%mul3A_4] : memref<10240xf32, #tpu.memory_space<hbm>> -> memref<640xf32, #tpu.memory_space<hbm>>
      tpu.wait_dma2 semaphore(%run_scoped3A_61 : memref<!tpu.dma_semaphore, #tpu.memory_space<semaphore_mem>>) src(%dma_wait3A_63 : memref<640xf32, #tpu.memory_space<hbm>>) dst(%dma_wait3A : memref<640xf32, #tpu.memory_space<vmem_shared>>)
      tpu.yield
    }) : () -> ()
    %barrier3A = arith.constant 0 : index
    tpu.barrier barrier_id(%barrier3A)
    %get3A = arith.constant 0 : index
    %get3A_7 = tpu.vector_load %arg14[%get3A] {strides = array<i32>} : memref<16xf32, #tpu.memory_space<vmem>>, vector<16xf32>,
    %run_scoped3A = arith.constant 0 : i32
    %run_scoped3A_8 = arith.constant 0 : i32
    "tpu.region"() ({
      %run_scoped3A_61 = tpu.sem_alloc : memref<!tpu.dma_semaphore, #tpu.memory_space<semaphore_mem>>
      %dma_start3A = arith.constant 0 : i32
      %dma_start3A_62 = arith.constant 0 : i32
      %dma_start3A_63 = tpu.memref_slice %arg4[%run_scoped3A, %add3A, %run_scoped3A_8, %dma_start3A, %dma_start3A_62] : memref<2x32x5x25x80xi32, #tpu.memory_space<hbm>> -> memref<1x1x1x25x80xi32, #tpu.memory_space<hbm>>
      %dma_start3A_64 = tpu.memref_squeeze %dma_start3A_63 : memref<1x1x1x25x80xi32, #tpu.memory_space<hbm>> -> memref<25x80xi32, #tpu.memory_space<hbm>>
      %dma_start3A_65 = arith.constant 0 : i32
      %dma_start3A_66 = arith.constant 0 : i32
      %dma_start3A_67 = tpu.memref_slice %arg4[%run_scoped3A, %add3A, %run_scoped3A_8, %dma_start3A_65, %dma_start3A_66] : memref<2x32x5x25x80xi32, #tpu.memory_space<hbm>> -> memref<1x1x1x25x80xi32, #tpu.memory_space<hbm>>
      %dma_start3A_68 = tpu.memref_squeeze %dma_start3A_67 : memref<1x1x1x25x80xi32, #tpu.memory_space<hbm>> -> memref<25x80xi32, #tpu.memory_space<hbm>>
      tpu.enqueue_dma source(%dma_start3A_68 : memref<25x80xi32, #tpu.memory_space<hbm>>) target(%arg11 : memref<25x80xi32, #tpu.memory_space<vmem>>) target_semaphore(%run_scoped3A_61 : memref<!tpu.dma_semaphore, #tpu.memory_space<semaphore_mem>>)
      %dma_wait3A = arith.constant 0 : i32
      %dma_wait3A_69 = arith.constant 0 : i32
      %dma_wait3A_70 = tpu.memref_slice %arg4[%run_scoped3A, %add3A, %run_scoped3A_8, %dma_wait3A, %dma_wait3A_69] : memref<2x32x5x25x80xi32, #tpu.memory_space<hbm>> -> memref<1x1x1x25x80xi32, #tpu.memory_space<hbm>>
      %dma_wait3A_71 = tpu.memref_squeeze %dma_wait3A_70 : memref<1x1x1x25x80xi32, #tpu.memory_space<hbm>> -> memref<25x80xi32, #tpu.memory_space<hbm>>
      %dma_wait3A_72 = arith.constant 0 : i32
      %dma_wait3A_73 = arith.constant 0 : i32
      %dma_wait3A_74 = tpu.memref_slice %arg4[%run_scoped3A, %add3A, %run_scoped3A_8, %dma_wait3A_72, %dma_wait3A_73] : memref<2x32x5x25x80xi32, #tpu.memory_space<hbm>> -> memref<1x1x1x25x80xi32, #tpu.memory_space<hbm>>
      %dma_wait3A_75 = tpu.memref_squeeze %dma_wait3A_74 : memref<1x1x1x25x80xi32, #tpu.memory_space<hbm>> -> memref<25x80xi32, #tpu.memory_space<hbm>>
      tpu.wait_dma2 semaphore(%run_scoped3A_61 : memref<!tpu.dma_semaphore, #tpu.memory_space<semaphore_mem>>) src(%dma_wait3A_75 : memref<25x80xi32, #tpu.memory_space<hbm>>) dst(%arg11 : memref<25x80xi32, #tpu.memory_space<vmem>>)
      tpu.yield
    }) : () -> ()
    %run_scoped3A_9 = arith.constant 1 : i32
    %run_scoped3A_10 = arith.constant 0 : i32
    "tpu.region"() ({
      %run_scoped3A_61 = tpu.sem_alloc : memref<!tpu.dma_semaphore, #tpu.memory_space<semaphore_mem>>
      %dma_start3A = arith.constant 0 : i32
      %dma_start3A_62 = arith.constant 0 : i32
      %dma_start3A_63 = tpu.memref_slice %arg4[%run_scoped3A_9, %add3A, %run_scoped3A_10, %dma_start3A, %dma_start3A_62] : memref<2x32x5x25x80xi32, #tpu.memory_space<hbm>> -> memref<1x1x1x25x80xi32, #tpu.memory_space<hbm>>
      %dma_start3A_64 = tpu.memref_squeeze %dma_start3A_63 : memref<1x1x1x25x80xi32, #tpu.memory_space<hbm>> -> memref<25x80xi32, #tpu.memory_space<hbm>>
      %dma_start3A_65 = arith.constant 0 : i32
      %dma_start3A_66 = arith.constant 0 : i32
      %dma_start3A_67 = tpu.memref_slice %arg4[%run_scoped3A_9, %add3A, %run_scoped3A_10, %dma_start3A_65, %dma_start3A_66] : memref<2x32x5x25x80xi32, #tpu.memory_space<hbm>> -> memref<1x1x1x25x80xi32, #tpu.memory_space<hbm>>
      %dma_start3A_68 = tpu.memref_squeeze %dma_start3A_67 : memref<1x1x1x25x80xi32, #tpu.memory_space<hbm>> -> memref<25x80xi32, #tpu.memory_space<hbm>>
      tpu.enqueue_dma source(%dma_start3A_68 : memref<25x80xi32, #tpu.memory_space<hbm>>) target(%arg12 : memref<25x80xi32, #tpu.memory_space<vmem>>) target_semaphore(%run_scoped3A_61 : memref<!tpu.dma_semaphore, #tpu.memory_space<semaphore_mem>>)
      %dma_wait3A = arith.constant 0 : i32
      %dma_wait3A_69 = arith.constant 0 : i32
      %dma_wait3A_70 = tpu.memref_slice %arg4[%run_scoped3A_9, %add3A, %run_scoped3A_10, %dma_wait3A, %dma_wait3A_69] : memref<2x32x5x25x80xi32, #tpu.memory_space<hbm>> -> memref<1x1x1x25x80xi32, #tpu.memory_space<hbm>>
      %dma_wait3A_71 = tpu.memref_squeeze %dma_wait3A_70 : memref<1x1x1x25x80xi32, #tpu.memory_space<hbm>> -> memref<25x80xi32, #tpu.memory_space<hbm>>
      %dma_wait3A_72 = arith.constant 0 : i32
      %dma_wait3A_73 = arith.constant 0 : i32
      %dma_wait3A_74 = tpu.memref_slice %arg4[%run_scoped3A_9, %add3A, %run_scoped3A_10, %dma_wait3A_72, %dma_wait3A_73] : memref<2x32x5x25x80xi32, #tpu.memory_space<hbm>> -> memref<1x1x1x25x80xi32, #tpu.memory_space<hbm>>
      %dma_wait3A_75 = tpu.memref_squeeze %dma_wait3A_74 : memref<1x1x1x25x80xi32, #tpu.memory_space<hbm>> -> memref<25x80xi32, #tpu.memory_space<hbm>>
      tpu.wait_dma2 semaphore(%run_scoped3A_61 : memref<!tpu.dma_semaphore, #tpu.memory_space<semaphore_mem>>) src(%dma_wait3A_75 : memref<25x80xi32, #tpu.memory_space<hbm>>) dst(%arg12 : memref<25x80xi32, #tpu.memory_space<vmem>>)
      tpu.yield
    }) : () -> ()
    %scan3A = arith.constant 0 : i32
    %scan3A_11 = arith.constant 0 : i32
    %scan3A_12 = arith.constant 25 : i32
    %scan3A_13 = arith.addi %scan3A_11, %scan3A_12 : i32
    %scan3A_14 = arith.constant 1 : i32
    scf.for %scan3A_61 = %scan3A_11 to %scan3A_13 step %scan3A_14  : i32 {
      %mul3A_62 = arith.constant 80 : i32
      %mul3A_63 = arith.muli %scan3A_61, %mul3A_62 : i32
      %add3A_64 = arith.constant 0 : i32
      %add3A_65 = arith.addi %add3A_64, %mul3A_63 : i32
      %multiple_of3A = tpu.assume_multiple %add3A_65, 8 : i32
      %add3A_66 = arith.constant 0 : i32
      %add3A_67 = arith.addi %multiple_of3A, %add3A_66 : i32
      %get3A_68 = arith.index_cast %scan3A_61 : i32 to index
      %get3A_69 = arith.constant 0 : index
      %get3A_70 = tpu.vector_load %arg11[%get3A_68, %get3A_69] {strides = array<i32>} : memref<25x80xi32, #tpu.memory_space<vmem>>, vector<16xi32>,
      %get3A_71 = arith.index_cast %scan3A_61 : i32 to index
      %get3A_72 = arith.constant 0 : index
      %get3A_73 = tpu.vector_load %arg12[%get3A_71, %get3A_72] {strides = array<i32>} : memref<25x80xi32, #tpu.memory_space<vmem>>, vector<16xi32>,
      %gather3A = tpu.vector_load_idx %arg9[%get3A_70] : memref<10240xf32, #tpu.memory_space<vmem>>[vector<16xi32>], vector<16xf32>,
      %gather3A_74 = tpu.vector_load_idx %arg10[%get3A_73] : memref<10240xf32, #tpu.memory_space<vmem>>[vector<16xi32>], vector<16xf32>,
      %add3A_75 = arith.addf %gather3A, %gather3A_74 : vector<16xf32>
      %gt3A = arith.constant 0.000000e+00 : f32
      %gt3A_76 = vector.broadcast %gt3A : f32 to vector<16xf32>
      %gt3A_77 = arith.cmpf ogt, %add3A_75, %gt3A_76 : vector<16xf32>
      %mul3A_78 = arith.constant 2.000000e-01 : f32
      %mul3A_79 = vector.broadcast %mul3A_78 : f32 to vector<16xf32>
      %mul3A_80 = arith.mulf %mul3A_79, %add3A_75 : vector<16xf32>
      %select_n3A = arith.select %gt3A_77, %add3A_75, %mul3A_80 : vector<16xi1>, vector<16xf32>
      %sub3A = arith.subf %select_n3A, %get3A_7 : vector<16xf32>
      %exp3A = math.exp %sub3A : vector<16xf32>
      %swap3A = arith.index_cast %add3A_67 : i32 to index
      %swap3A_81 = tpu.vector_load %arg13[%swap3A] {strides = array<i32>} : memref<10000xf32, #tpu.memory_space<vmem>>, vector<16xf32>,
      tpu.vector_store %arg13[%swap3A], %exp3A {strides = array<i32>} : memref<10000xf32, #tpu.memory_space<vmem>>, vector<16xf32>,
      %add3A_82 = arith.constant 16 : i32
      %add3A_83 = arith.addi %multiple_of3A, %add3A_82 : i32
      %get3A_84 = arith.index_cast %scan3A_61 : i32 to index
      %get3A_85 = arith.constant 16 : index
      %get3A_86 = tpu.vector_load %arg11[%get3A_84, %get3A_85] {strides = array<i32>} : memref<25x80xi32, #tpu.memory_space<vmem>>, vector<16xi32>,
      %get3A_87 = arith.index_cast %scan3A_61 : i32 to index
      %get3A_88 = arith.constant 16 : index
      %get3A_89 = tpu.vector_load %arg12[%get3A_87, %get3A_88] {strides = array<i32>} : memref<25x80xi32, #tpu.memory_space<vmem>>, vector<16xi32>,
      %gather3A_90 = tpu.vector_load_idx %arg9[%get3A_86] : memref<10240xf32, #tpu.memory_space<vmem>>[vector<16xi32>], vector<16xf32>,
      %gather3A_91 = tpu.vector_load_idx %arg10[%get3A_89] : memref<10240xf32, #tpu.memory_space<vmem>>[vector<16xi32>], vector<16xf32>,
      %add3A_92 = arith.addf %gather3A_90, %gather3A_91 : vector<16xf32>
      %gt3A_93 = arith.constant 0.000000e+00 : f32
      %gt3A_94 = vector.broadcast %gt3A_93 : f32 to vector<16xf32>
      %gt3A_95 = arith.cmpf ogt, %add3A_92, %gt3A_94 : vector<16xf32>
      %mul3A_96 = arith.constant 2.000000e-01 : f32
      %mul3A_97 = vector.broadcast %mul3A_96 : f32 to vector<16xf32>
      %mul3A_98 = arith.mulf %mul3A_97, %add3A_92 : vector<16xf32>
      %select_n3A_99 = arith.select %gt3A_95, %add3A_92, %mul3A_98 : vector<16xi1>, vector<16xf32>
      %sub3A_100 = arith.subf %select_n3A_99, %get3A_7 : vector<16xf32>
      %exp3A_101 = math.exp %sub3A_100 : vector<16xf32>
      %swap3A_102 = arith.index_cast %add3A_83 : i32 to index
      %swap3A_103 = tpu.vector_load %arg13[%swap3A_102] {strides = array<i32>} : memref<10000xf32, #tpu.memory_space<vmem>>, vector<16xf32>,
      tpu.vector_store %arg13[%swap3A_102], %exp3A_101 {strides = array<i32>} : memref<10000xf32, #tpu.memory_space<vmem>>, vector<16xf32>,
      %add3A_104 = arith.constant 32 : i32
      %add3A_105 = arith.addi %multiple_of3A, %add3A_104 : i32
      %get3A_106 = arith.index_cast %scan3A_61 : i32 to index
      %get3A_107 = arith.constant 32 : index
      %get3A_108 = tpu.vector_load %arg11[%get3A_106, %get3A_107] {strides = array<i32>} : memref<25x80xi32, #tpu.memory_space<vmem>>, vector<16xi32>,
      %get3A_109 = arith.index_cast %scan3A_61 : i32 to index
      %get3A_110 = arith.constant 32 : index
      %get3A_111 = tpu.vector_load %arg12[%get3A_109, %get3A_110] {strides = array<i32>} : memref<25x80xi32, #tpu.memory_space<vmem>>, vector<16xi32>,
      %gather3A_112 = tpu.vector_load_idx %arg9[%get3A_108] : memref<10240xf32, #tpu.memory_space<vmem>>[vector<16xi32>], vector<16xf32>,
      %gather3A_113 = tpu.vector_load_idx %arg10[%get3A_111] : memref<10240xf32, #tpu.memory_space<vmem>>[vector<16xi32>], vector<16xf32>,
      %add3A_114 = arith.addf %gather3A_112, %gather3A_113 : vector<16xf32>
      %gt3A_115 = arith.constant 0.000000e+00 : f32
      %gt3A_116 = vector.broadcast %gt3A_115 : f32 to vector<16xf32>
      %gt3A_117 = arith.cmpf ogt, %add3A_114, %gt3A_116 : vector<16xf32>
      %mul3A_118 = arith.constant 2.000000e-01 : f32
      %mul3A_119 = vector.broadcast %mul3A_118 : f32 to vector<16xf32>
      %mul3A_120 = arith.mulf %mul3A_119, %add3A_114 : vector<16xf32>
      %select_n3A_121 = arith.select %gt3A_117, %add3A_114, %mul3A_120 : vector<16xi1>, vector<16xf32>
      %sub3A_122 = arith.subf %select_n3A_121, %get3A_7 : vector<16xf32>
      %exp3A_123 = math.exp %sub3A_122 : vector<16xf32>
      %swap3A_124 = arith.index_cast %add3A_105 : i32 to index
      %swap3A_125 = tpu.vector_load %arg13[%swap3A_124] {strides = array<i32>} : memref<10000xf32, #tpu.memory_space<vmem>>, vector<16xf32>,
      tpu.vector_store %arg13[%swap3A_124], %exp3A_123 {strides = array<i32>} : memref<10000xf32, #tpu.memory_space<vmem>>, vector<16xf32>,
      %add3A_126 = arith.constant 48 : i32
      %add3A_127 = arith.addi %multiple_of3A, %add3A_126 : i32
      %get3A_128 = arith.index_cast %scan3A_61 : i32 to index
      %get3A_129 = arith.constant 48 : index
      %get3A_130 = tpu.vector_load %arg11[%get3A_128, %get3A_129] {strides = array<i32>} : memref<25x80xi32, #tpu.memory_space<vmem>>, vector<16xi32>,
      %get3A_131 = arith.index_cast %scan3A_61 : i32 to index
      %get3A_132 = arith.constant 48 : index
      %get3A_133 = tpu.vector_load %arg12[%get3A_131, %get3A_132] {strides = array<i32>} : memref<25x80xi32, #tpu.memory_space<vmem>>, vector<16xi32>,
      %gather3A_134 = tpu.vector_load_idx %arg9[%get3A_130] : memref<10240xf32, #tpu.memory_space<vmem>>[vector<16xi32>], vector<16xf32>,
      %gather3A_135 = tpu.vector_load_idx %arg10[%get3A_133] : memref<10240xf32, #tpu.memory_space<vmem>>[vector<16xi32>], vector<16xf32>,
      %add3A_136 = arith.addf %gather3A_134, %gather3A_135 : vector<16xf32>
      %gt3A_137 = arith.constant 0.000000e+00 : f32
      %gt3A_138 = vector.broadcast %gt3A_137 : f32 to vector<16xf32>
      %gt3A_139 = arith.cmpf ogt, %add3A_136, %gt3A_138 : vector<16xf32>
      %mul3A_140 = arith.constant 2.000000e-01 : f32
      %mul3A_141 = vector.broadcast %mul3A_140 : f32 to vector<16xf32>
      %mul3A_142 = arith.mulf %mul3A_141, %add3A_136 : vector<16xf32>
      %select_n3A_143 = arith.select %gt3A_139, %add3A_136, %mul3A_142 : vector<16xi1>, vector<16xf32>
      %sub3A_144 = arith.subf %select_n3A_143, %get3A_7 : vector<16xf32>
      %exp3A_145 = math.exp %sub3A_144 : vector<16xf32>
      %swap3A_146 = arith.index_cast %add3A_127 : i32 to index
      %swap3A_147 = tpu.vector_load %arg13[%swap3A_146] {strides = array<i32>} : memref<10000xf32, #tpu.memory_space<vmem>>, vector<16xf32>,
      tpu.vector_store %arg13[%swap3A_146], %exp3A_145 {strides = array<i32>} : memref<10000xf32, #tpu.memory_space<vmem>>, vector<16xf32>,
      %add3A_148 = arith.constant 64 : i32
      %add3A_149 = arith.addi %multiple_of3A, %add3A_148 : i32
      %get3A_150 = arith.index_cast %scan3A_61 : i32 to index
      %get3A_151 = arith.constant 64 : index
      %get3A_152 = tpu.vector_load %arg11[%get3A_150, %get3A_151] {strides = array<i32>} : memref<25x80xi32, #tpu.memory_space<vmem>>, vector<16xi32>,
      %get3A_153 = arith.index_cast %scan3A_61 : i32 to index
      %get3A_154 = arith.constant 64 : index
      %get3A_155 = tpu.vector_load %arg12[%get3A_153, %get3A_154] {strides = array<i32>} : memref<25x80xi32, #tpu.memory_space<vmem>>, vector<16xi32>,
      %gather3A_156 = tpu.vector_load_idx %arg9[%get3A_152] : memref<10240xf32, #tpu.memory_space<vmem>>[vector<16xi32>], vector<16xf32>,
      %gather3A_157 = tpu.vector_load_idx %arg10[%get3A_155] : memref<10240xf32, #tpu.memory_space<vmem>>[vector<16xi32>], vector<16xf32>,
      %add3A_158 = arith.addf %gather3A_156, %gather3A_157 : vector<16xf32>
      %gt3A_159 = arith.constant 0.000000e+00 : f32
      %gt3A_160 = vector.broadcast %gt3A_159 : f32 to vector<16xf32>
      %gt3A_161 = arith.cmpf ogt, %add3A_158, %gt3A_160 : vector<16xf32>
      %mul3A_162 = arith.constant 2.000000e-01 : f32
      %mul3A_163 = vector.broadcast %mul3A_162 : f32 to vector<16xf32>
      %mul3A_164 = arith.mulf %mul3A_163, %add3A_158 : vector<16xf32>
      %select_n3A_165 = arith.select %gt3A_161, %add3A_158, %mul3A_164 : vector<16xi1>, vector<16xf32>
      %sub3A_166 = arith.subf %select_n3A_165, %get3A_7 : vector<16xf32>
      %exp3A_167 = math.exp %sub3A_166 : vector<16xf32>
      %swap3A_168 = arith.index_cast %add3A_149 : i32 to index
      %swap3A_169 = tpu.vector_load %arg13[%swap3A_168] {strides = array<i32>} : memref<10000xf32, #tpu.memory_space<vmem>>, vector<16xf32>,
      tpu.vector_store %arg13[%swap3A_168], %exp3A_167 {strides = array<i32>} : memref<10000xf32, #tpu.memory_space<vmem>>, vector<16xf32>,
      "tpu.region"() ({
        %run_scoped3A_170 = tpu.sem_alloc : memref<!tpu.dma_semaphore, #tpu.memory_space<semaphore_mem>>
        %dma_start3A = tpu.memref_slice %arg13[%multiple_of3A] : memref<10000xf32, #tpu.memory_space<vmem>> -> memref<80xf32, #tpu.memory_space<vmem>>
        %dma_start3A_171 = arith.constant 0 : i32
        %dma_start3A_172 = tpu.memref_slice %arg12[%scan3A_61, %dma_start3A_171] : memref<25x80xi32, #tpu.memory_space<vmem>> -> memref<1x80xi32, #tpu.memory_space<vmem>>
        %dma_start3A_173 = tpu.memref_squeeze %dma_start3A_172 : memref<1x80xi32, #tpu.memory_space<vmem>> -> memref<80xi32, #tpu.memory_space<vmem>>
        %dma_start3A_174 = arith.constant 0 : i32
        %dma_start3A_175 = tpu.memref_slice %arg15[%dma_start3A_174] : memref<10240xf32, #tpu.memory_space<vmem_shared>> -> memref<10240xf32, #tpu.memory_space<vmem_shared>>
        tpu.enqueue_indirect_dma source(%dma_start3A : memref<80xf32, #tpu.memory_space<vmem>>) target(%dma_start3A_175 : memref<10240xf32, #tpu.memory_space<vmem_shared>>) offsets(%dma_start3A_173 : memref<80xi32, #tpu.memory_space<vmem>>) semaphore(%run_scoped3A_170 : memref<!tpu.dma_semaphore, #tpu.memory_space<semaphore_mem>>) {add = true}
        %dma_wait3A = tpu.memref_slice %arg13[%multiple_of3A] : memref<10000xf32, #tpu.memory_space<vmem>> -> memref<80xf32, #tpu.memory_space<vmem>>
        %dma_wait3A_176 = arith.constant 0 : i32
        %dma_wait3A_177 = tpu.memref_slice %arg12[%scan3A_61, %dma_wait3A_176] : memref<25x80xi32, #tpu.memory_space<vmem>> -> memref<1x80xi32, #tpu.memory_space<vmem>>
        %dma_wait3A_178 = tpu.memref_squeeze %dma_wait3A_177 : memref<1x80xi32, #tpu.memory_space<vmem>> -> memref<80xi32, #tpu.memory_space<vmem>>
        %dma_wait3A_179 = arith.constant 0 : i32
        %dma_wait3A_180 = tpu.memref_slice %arg15[%dma_wait3A_179] : memref<10240xf32, #tpu.memory_space<vmem_shared>> -> memref<10240xf32, #tpu.memory_space<vmem_shared>>
        tpu.wait_indirect_dma semaphore(%run_scoped3A_170 : memref<!tpu.dma_semaphore, #tpu.memory_space<semaphore_mem>>) src(%dma_wait3A : memref<80xf32, #tpu.memory_space<vmem>>) dst(%dma_wait3A_180 : memref<10240xf32, #tpu.memory_space<vmem_shared>>)
        tpu.yield
      }) : () -> ()
    }
    %scan3A_15 = arith.constant 25 : i32
    %run_scoped3A_16 = arith.constant 0 : i32
    %run_scoped3A_17 = arith.constant 1 : i32
    "tpu.region"() ({
      %run_scoped3A_61 = tpu.sem_alloc : memref<!tpu.dma_semaphore, #tpu.memory_space<semaphore_mem>>
      %dma_start3A = arith.constant 0 : i32
      %dma_start3A_62 = arith.constant 0 : i32
      %dma_start3A_63 = tpu.memref_slice %arg4[%run_scoped3A_16, %add3A, %run_scoped3A_17, %dma_start3A, %dma_start3A_62] : memref<2x32x5x25x80xi32, #tpu.memory_space<hbm>> -> memref<1x1x1x25x80xi32, #tpu.memory_space<hbm>>
      %dma_start3A_64 = tpu.memref_squeeze %dma_start3A_63 : memref<1x1x1x25x80xi32, #tpu.memory_space<hbm>> -> memref<25x80xi32, #tpu.memory_space<hbm>>
      %dma_start3A_65 = arith.constant 0 : i32
      %dma_start3A_66 = arith.constant 0 : i32
      %dma_start3A_67 = tpu.memref_slice %arg4[%run_scoped3A_16, %add3A, %run_scoped3A_17, %dma_start3A_65, %dma_start3A_66] : memref<2x32x5x25x80xi32, #tpu.memory_space<hbm>> -> memref<1x1x1x25x80xi32, #tpu.memory_space<hbm>>
      %dma_start3A_68 = tpu.memref_squeeze %dma_start3A_67 : memref<1x1x1x25x80xi32, #tpu.memory_space<hbm>> -> memref<25x80xi32, #tpu.memory_space<hbm>>
      tpu.enqueue_dma source(%dma_start3A_68 : memref<25x80xi32, #tpu.memory_space<hbm>>) target(%arg11 : memref<25x80xi32, #tpu.memory_space<vmem>>) target_semaphore(%run_scoped3A_61 : memref<!tpu.dma_semaphore, #tpu.memory_space<semaphore_mem>>)
      %dma_wait3A = arith.constant 0 : i32
      %dma_wait3A_69 = arith.constant 0 : i32
      %dma_wait3A_70 = tpu.memref_slice %arg4[%run_scoped3A_16, %add3A, %run_scoped3A_17, %dma_wait3A, %dma_wait3A_69] : memref<2x32x5x25x80xi32, #tpu.memory_space<hbm>> -> memref<1x1x1x25x80xi32, #tpu.memory_space<hbm>>
      %dma_wait3A_71 = tpu.memref_squeeze %dma_wait3A_70 : memref<1x1x1x25x80xi32, #tpu.memory_space<hbm>> -> memref<25x80xi32, #tpu.memory_space<hbm>>
      %dma_wait3A_72 = arith.constant 0 : i32
      %dma_wait3A_73 = arith.constant 0 : i32
      %dma_wait3A_74 = tpu.memref_slice %arg4[%run_scoped3A_16, %add3A, %run_scoped3A_17, %dma_wait3A_72, %dma_wait3A_73] : memref<2x32x5x25x80xi32, #tpu.memory_space<hbm>> -> memref<1x1x1x25x80xi32, #tpu.memory_space<hbm>>
      %dma_wait3A_75 = tpu.memref_squeeze %dma_wait3A_74 : memref<1x1x1x25x80xi32, #tpu.memory_space<hbm>> -> memref<25x80xi32, #tpu.memory_space<hbm>>
      tpu.wait_dma2 semaphore(%run_scoped3A_61 : memref<!tpu.dma_semaphore, #tpu.memory_space<semaphore_mem>>) src(%dma_wait3A_75 : memref<25x80xi32, #tpu.memory_space<hbm>>) dst(%arg11 : memref<25x80xi32, #tpu.memory_space<vmem>>)
      tpu.yield
    }) : () -> ()
    %run_scoped3A_18 = arith.constant 1 : i32
    %run_scoped3A_19 = arith.constant 1 : i32
    "tpu.region"() ({
      %run_scoped3A_61 = tpu.sem_alloc : memref<!tpu.dma_semaphore, #tpu.memory_space<semaphore_mem>>
      %dma_start3A = arith.constant 0 : i32
      %dma_start3A_62 = arith.constant 0 : i32
      %dma_start3A_63 = tpu.memref_slice %arg4[%run_scoped3A_18, %add3A, %run_scoped3A_19, %dma_start3A, %dma_start3A_62] : memref<2x32x5x25x80xi32, #tpu.memory_space<hbm>> -> memref<1x1x1x25x80xi32, #tpu.memory_space<hbm>>
      %dma_start3A_64 = tpu.memref_squeeze %dma_start3A_63 : memref<1x1x1x25x80xi32, #tpu.memory_space<hbm>> -> memref<25x80xi32, #tpu.memory_space<hbm>>
      %dma_start3A_65 = arith.constant 0 : i32
      %dma_start3A_66 = arith.constant 0 : i32
      %dma_start3A_67 = tpu.memref_slice %arg4[%run_scoped3A_18, %add3A, %run_scoped3A_19, %dma_start3A_65, %dma_start3A_66] : memref<2x32x5x25x80xi32, #tpu.memory_space<hbm>> -> memref<1x1x1x25x80xi32, #tpu.memory_space<hbm>>
      %dma_start3A_68 = tpu.memref_squeeze %dma_start3A_67 : memref<1x1x1x25x80xi32, #tpu.memory_space<hbm>> -> memref<25x80xi32, #tpu.memory_space<hbm>>
      tpu.enqueue_dma source(%dma_start3A_68 : memref<25x80xi32, #tpu.memory_space<hbm>>) target(%arg12 : memref<25x80xi32, #tpu.memory_space<vmem>>) target_semaphore(%run_scoped3A_61 : memref<!tpu.dma_semaphore, #tpu.memory_space<semaphore_mem>>)
      %dma_wait3A = arith.constant 0 : i32
      %dma_wait3A_69 = arith.constant 0 : i32
      %dma_wait3A_70 = tpu.memref_slice %arg4[%run_scoped3A_18, %add3A, %run_scoped3A_19, %dma_wait3A, %dma_wait3A_69] : memref<2x32x5x25x80xi32, #tpu.memory_space<hbm>> -> memref<1x1x1x25x80xi32, #tpu.memory_space<hbm>>
      %dma_wait3A_71 = tpu.memref_squeeze %dma_wait3A_70 : memref<1x1x1x25x80xi32, #tpu.memory_space<hbm>> -> memref<25x80xi32, #tpu.memory_space<hbm>>
      %dma_wait3A_72 = arith.constant 0 : i32
      %dma_wait3A_73 = arith.constant 0 : i32
      %dma_wait3A_74 = tpu.memref_slice %arg4[%run_scoped3A_18, %add3A, %run_scoped3A_19, %dma_wait3A_72, %dma_wait3A_73] : memref<2x32x5x25x80xi32, #tpu.memory_space<hbm>> -> memref<1x1x1x25x80xi32, #tpu.memory_space<hbm>>
      %dma_wait3A_75 = tpu.memref_squeeze %dma_wait3A_74 : memref<1x1x1x25x80xi32, #tpu.memory_space<hbm>> -> memref<25x80xi32, #tpu.memory_space<hbm>>
      tpu.wait_dma2 semaphore(%run_scoped3A_61 : memref<!tpu.dma_semaphore, #tpu.memory_space<semaphore_mem>>) src(%dma_wait3A_75 : memref<25x80xi32, #tpu.memory_space<hbm>>) dst(%arg12 : memref<25x80xi32, #tpu.memory_space<vmem>>)
      tpu.yield
    }) : () -> ()
    %scan3A_20 = arith.constant 0 : i32
    %scan3A_21 = arith.constant 0 : i32
    %scan3A_22 = arith.constant 25 : i32
    %scan3A_23 = arith.addi %scan3A_21, %scan3A_22 : i32
    %scan3A_24 = arith.constant 1 : i32
    scf.for %scan3A_61 = %scan3A_21 to %scan3A_23 step %scan3A_24  : i32 {
      %mul3A_62 = arith.constant 80 : i32
      %mul3A_63 = arith.muli %scan3A_61, %mul3A_62 : i32
      %add3A_64 = arith.constant 2000 : i32
      %add3A_65 = arith.addi %add3A_64, %mul3A_63 : i32
      %multiple_of3A = tpu.assume_multiple %add3A_65, 8 : i32
      %add3A_66 = arith.constant 0 : i32
      %add3A_67 = arith.addi %multiple_of3A, %add3A_66 : i32
      %get3A_68 = arith.index_cast %scan3A_61 : i32 to index
      %get3A_69 = arith.constant 0 : index
      %get3A_70 = tpu.vector_load %arg11[%get3A_68, %get3A_69] {strides = array<i32>} : memref<25x80xi32, #tpu.memory_space<vmem>>, vector<16xi32>,
      %get3A_71 = arith.index_cast %scan3A_61 : i32 to index
      %get3A_72 = arith.constant 0 : index
      %get3A_73 = tpu.vector_load %arg12[%get3A_71, %get3A_72] {strides = array<i32>} : memref<25x80xi32, #tpu.memory_space<vmem>>, vector<16xi32>,
      %gather3A = tpu.vector_load_idx %arg9[%get3A_70] : memref<10240xf32, #tpu.memory_space<vmem>>[vector<16xi32>], vector<16xf32>,
      %gather3A_74 = tpu.vector_load_idx %arg10[%get3A_73] : memref<10240xf32, #tpu.memory_space<vmem>>[vector<16xi32>], vector<16xf32>,
      %add3A_75 = arith.addf %gather3A, %gather3A_74 : vector<16xf32>
      %gt3A = arith.constant 0.000000e+00 : f32
      %gt3A_76 = vector.broadcast %gt3A : f32 to vector<16xf32>
      %gt3A_77 = arith.cmpf ogt, %add3A_75, %gt3A_76 : vector<16xf32>
      %mul3A_78 = arith.constant 2.000000e-01 : f32
      %mul3A_79 = vector.broadcast %mul3A_78 : f32 to vector<16xf32>
      %mul3A_80 = arith.mulf %mul3A_79, %add3A_75 : vector<16xf32>
      %select_n3A = arith.select %gt3A_77, %add3A_75, %mul3A_80 : vector<16xi1>, vector<16xf32>
      %sub3A = arith.subf %select_n3A, %get3A_7 : vector<16xf32>
      %exp3A = math.exp %sub3A : vector<16xf32>
      %swap3A = arith.index_cast %add3A_67 : i32 to index
      %swap3A_81 = tpu.vector_load %arg13[%swap3A] {strides = array<i32>} : memref<10000xf32, #tpu.memory_space<vmem>>, vector<16xf32>,
      tpu.vector_store %arg13[%swap3A], %exp3A {strides = array<i32>} : memref<10000xf32, #tpu.memory_space<vmem>>, vector<16xf32>,
      %add3A_82 = arith.constant 16 : i32
      %add3A_83 = arith.addi %multiple_of3A, %add3A_82 : i32
      %get3A_84 = arith.index_cast %scan3A_61 : i32 to index
      %get3A_85 = arith.constant 16 : index
      %get3A_86 = tpu.vector_load %arg11[%get3A_84, %get3A_85] {strides = array<i32>} : memref<25x80xi32, #tpu.memory_space<vmem>>, vector<16xi32>,
      %get3A_87 = arith.index_cast %scan3A_61 : i32 to index
      %get3A_88 = arith.constant 16 : index
      %get3A_89 = tpu.vector_load %arg12[%get3A_87, %get3A_88] {strides = array<i32>} : memref<25x80xi32, #tpu.memory_space<vmem>>, vector<16xi32>,
      %gather3A_90 = tpu.vector_load_idx %arg9[%get3A_86] : memref<10240xf32, #tpu.memory_space<vmem>>[vector<16xi32>], vector<16xf32>,
      %gather3A_91 = tpu.vector_load_idx %arg10[%get3A_89] : memref<10240xf32, #tpu.memory_space<vmem>>[vector<16xi32>], vector<16xf32>,
      %add3A_92 = arith.addf %gather3A_90, %gather3A_91 : vector<16xf32>
      %gt3A_93 = arith.constant 0.000000e+00 : f32
      %gt3A_94 = vector.broadcast %gt3A_93 : f32 to vector<16xf32>
      %gt3A_95 = arith.cmpf ogt, %add3A_92, %gt3A_94 : vector<16xf32>
      %mul3A_96 = arith.constant 2.000000e-01 : f32
      %mul3A_97 = vector.broadcast %mul3A_96 : f32 to vector<16xf32>
      %mul3A_98 = arith.mulf %mul3A_97, %add3A_92 : vector<16xf32>
      %select_n3A_99 = arith.select %gt3A_95, %add3A_92, %mul3A_98 : vector<16xi1>, vector<16xf32>
      %sub3A_100 = arith.subf %select_n3A_99, %get3A_7 : vector<16xf32>
      %exp3A_101 = math.exp %sub3A_100 : vector<16xf32>
      %swap3A_102 = arith.index_cast %add3A_83 : i32 to index
      %swap3A_103 = tpu.vector_load %arg13[%swap3A_102] {strides = array<i32>} : memref<10000xf32, #tpu.memory_space<vmem>>, vector<16xf32>,
      tpu.vector_store %arg13[%swap3A_102], %exp3A_101 {strides = array<i32>} : memref<10000xf32, #tpu.memory_space<vmem>>, vector<16xf32>,
      %add3A_104 = arith.constant 32 : i32
      %add3A_105 = arith.addi %multiple_of3A, %add3A_104 : i32
      %get3A_106 = arith.index_cast %scan3A_61 : i32 to index
      %get3A_107 = arith.constant 32 : index
      %get3A_108 = tpu.vector_load %arg11[%get3A_106, %get3A_107] {strides = array<i32>} : memref<25x80xi32, #tpu.memory_space<vmem>>, vector<16xi32>,
      %get3A_109 = arith.index_cast %scan3A_61 : i32 to index
      %get3A_110 = arith.constant 32 : index
      %get3A_111 = tpu.vector_load %arg12[%get3A_109, %get3A_110] {strides = array<i32>} : memref<25x80xi32, #tpu.memory_space<vmem>>, vector<16xi32>,
      %gather3A_112 = tpu.vector_load_idx %arg9[%get3A_108] : memref<10240xf32, #tpu.memory_space<vmem>>[vector<16xi32>], vector<16xf32>,
      %gather3A_113 = tpu.vector_load_idx %arg10[%get3A_111] : memref<10240xf32, #tpu.memory_space<vmem>>[vector<16xi32>], vector<16xf32>,
      %add3A_114 = arith.addf %gather3A_112, %gather3A_113 : vector<16xf32>
      %gt3A_115 = arith.constant 0.000000e+00 : f32
      %gt3A_116 = vector.broadcast %gt3A_115 : f32 to vector<16xf32>
      %gt3A_117 = arith.cmpf ogt, %add3A_114, %gt3A_116 : vector<16xf32>
      %mul3A_118 = arith.constant 2.000000e-01 : f32
      %mul3A_119 = vector.broadcast %mul3A_118 : f32 to vector<16xf32>
      %mul3A_120 = arith.mulf %mul3A_119, %add3A_114 : vector<16xf32>
      %select_n3A_121 = arith.select %gt3A_117, %add3A_114, %mul3A_120 : vector<16xi1>, vector<16xf32>
      %sub3A_122 = arith.subf %select_n3A_121, %get3A_7 : vector<16xf32>
      %exp3A_123 = math.exp %sub3A_122 : vector<16xf32>
      %swap3A_124 = arith.index_cast %add3A_105 : i32 to index
      %swap3A_125 = tpu.vector_load %arg13[%swap3A_124] {strides = array<i32>} : memref<10000xf32, #tpu.memory_space<vmem>>, vector<16xf32>,
      tpu.vector_store %arg13[%swap3A_124], %exp3A_123 {strides = array<i32>} : memref<10000xf32, #tpu.memory_space<vmem>>, vector<16xf32>,
      %add3A_126 = arith.constant 48 : i32
      %add3A_127 = arith.addi %multiple_of3A, %add3A_126 : i32
      %get3A_128 = arith.index_cast %scan3A_61 : i32 to index
      %get3A_129 = arith.constant 48 : index
      %get3A_130 = tpu.vector_load %arg11[%get3A_128, %get3A_129] {strides = array<i32>} : memref<25x80xi32, #tpu.memory_space<vmem>>, vector<16xi32>,
      %get3A_131 = arith.index_cast %scan3A_61 : i32 to index
      %get3A_132 = arith.constant 48 : index
      %get3A_133 = tpu.vector_load %arg12[%get3A_131, %get3A_132] {strides = array<i32>} : memref<25x80xi32, #tpu.memory_space<vmem>>, vector<16xi32>,
      %gather3A_134 = tpu.vector_load_idx %arg9[%get3A_130] : memref<10240xf32, #tpu.memory_space<vmem>>[vector<16xi32>], vector<16xf32>,
      %gather3A_135 = tpu.vector_load_idx %arg10[%get3A_133] : memref<10240xf32, #tpu.memory_space<vmem>>[vector<16xi32>], vector<16xf32>,
      %add3A_136 = arith.addf %gather3A_134, %gather3A_135 : vector<16xf32>
      %gt3A_137 = arith.constant 0.000000e+00 : f32
      %gt3A_138 = vector.broadcast %gt3A_137 : f32 to vector<16xf32>
      %gt3A_139 = arith.cmpf ogt, %add3A_136, %gt3A_138 : vector<16xf32>
      %mul3A_140 = arith.constant 2.000000e-01 : f32
      %mul3A_141 = vector.broadcast %mul3A_140 : f32 to vector<16xf32>
      %mul3A_142 = arith.mulf %mul3A_141, %add3A_136 : vector<16xf32>
      %select_n3A_143 = arith.select %gt3A_139, %add3A_136, %mul3A_142 : vector<16xi1>, vector<16xf32>
      %sub3A_144 = arith.subf %select_n3A_143, %get3A_7 : vector<16xf32>
      %exp3A_145 = math.exp %sub3A_144 : vector<16xf32>
      %swap3A_146 = arith.index_cast %add3A_127 : i32 to index
      %swap3A_147 = tpu.vector_load %arg13[%swap3A_146] {strides = array<i32>} : memref<10000xf32, #tpu.memory_space<vmem>>, vector<16xf32>,
      tpu.vector_store %arg13[%swap3A_146], %exp3A_145 {strides = array<i32>} : memref<10000xf32, #tpu.memory_space<vmem>>, vector<16xf32>,
      %add3A_148 = arith.constant 64 : i32
      %add3A_149 = arith.addi %multiple_of3A, %add3A_148 : i32
      %get3A_150 = arith.index_cast %scan3A_61 : i32 to index
      %get3A_151 = arith.constant 64 : index
      %get3A_152 = tpu.vector_load %arg11[%get3A_150, %get3A_151] {strides = array<i32>} : memref<25x80xi32, #tpu.memory_space<vmem>>, vector<16xi32>,
      %get3A_153 = arith.index_cast %scan3A_61 : i32 to index
      %get3A_154 = arith.constant 64 : index
      %get3A_155 = tpu.vector_load %arg12[%get3A_153, %get3A_154] {strides = array<i32>} : memref<25x80xi32, #tpu.memory_space<vmem>>, vector<16xi32>,
      %gather3A_156 = tpu.vector_load_idx %arg9[%get3A_152] : memref<10240xf32, #tpu.memory_space<vmem>>[vector<16xi32>], vector<16xf32>,
      %gather3A_157 = tpu.vector_load_idx %arg10[%get3A_155] : memref<10240xf32, #tpu.memory_space<vmem>>[vector<16xi32>], vector<16xf32>,
      %add3A_158 = arith.addf %gather3A_156, %gather3A_157 : vector<16xf32>
      %gt3A_159 = arith.constant 0.000000e+00 : f32
      %gt3A_160 = vector.broadcast %gt3A_159 : f32 to vector<16xf32>
      %gt3A_161 = arith.cmpf ogt, %add3A_158, %gt3A_160 : vector<16xf32>
      %mul3A_162 = arith.constant 2.000000e-01 : f32
      %mul3A_163 = vector.broadcast %mul3A_162 : f32 to vector<16xf32>
      %mul3A_164 = arith.mulf %mul3A_163, %add3A_158 : vector<16xf32>
      %select_n3A_165 = arith.select %gt3A_161, %add3A_158, %mul3A_164 : vector<16xi1>, vector<16xf32>
      %sub3A_166 = arith.subf %select_n3A_165, %get3A_7 : vector<16xf32>
      %exp3A_167 = math.exp %sub3A_166 : vector<16xf32>
      %swap3A_168 = arith.index_cast %add3A_149 : i32 to index
      %swap3A_169 = tpu.vector_load %arg13[%swap3A_168] {strides = array<i32>} : memref<10000xf32, #tpu.memory_space<vmem>>, vector<16xf32>,
      tpu.vector_store %arg13[%swap3A_168], %exp3A_167 {strides = array<i32>} : memref<10000xf32, #tpu.memory_space<vmem>>, vector<16xf32>,
      "tpu.region"() ({
        %run_scoped3A_170 = tpu.sem_alloc : memref<!tpu.dma_semaphore, #tpu.memory_space<semaphore_mem>>
        %dma_start3A = tpu.memref_slice %arg13[%multiple_of3A] : memref<10000xf32, #tpu.memory_space<vmem>> -> memref<80xf32, #tpu.memory_space<vmem>>
        %dma_start3A_171 = arith.constant 0 : i32
        %dma_start3A_172 = tpu.memref_slice %arg12[%scan3A_61, %dma_start3A_171] : memref<25x80xi32, #tpu.memory_space<vmem>> -> memref<1x80xi32, #tpu.memory_space<vmem>>
        %dma_start3A_173 = tpu.memref_squeeze %dma_start3A_172 : memref<1x80xi32, #tpu.memory_space<vmem>> -> memref<80xi32, #tpu.memory_space<vmem>>
        %dma_start3A_174 = arith.constant 0 : i32
        %dma_start3A_175 = tpu.memref_slice %arg15[%dma_start3A_174] : memref<10240xf32, #tpu.memory_space<vmem_shared>> -> memref<10240xf32, #tpu.memory_space<vmem_shared>>
        tpu.enqueue_indirect_dma source(%dma_start3A : memref<80xf32, #tpu.memory_space<vmem>>) target(%dma_start3A_175 : memref<10240xf32, #tpu.memory_space<vmem_shared>>) offsets(%dma_start3A_173 : memref<80xi32, #tpu.memory_space<vmem>>) semaphore(%run_scoped3A_170 : memref<!tpu.dma_semaphore, #tpu.memory_space<semaphore_mem>>) {add = true}
        %dma_wait3A = tpu.memref_slice %arg13[%multiple_of3A] : memref<10000xf32, #tpu.memory_space<vmem>> -> memref<80xf32, #tpu.memory_space<vmem>>
        %dma_wait3A_176 = arith.constant 0 : i32
        %dma_wait3A_177 = tpu.memref_slice %arg12[%scan3A_61, %dma_wait3A_176] : memref<25x80xi32, #tpu.memory_space<vmem>> -> memref<1x80xi32, #tpu.memory_space<vmem>>
        %dma_wait3A_178 = tpu.memref_squeeze %dma_wait3A_177 : memref<1x80xi32, #tpu.memory_space<vmem>> -> memref<80xi32, #tpu.memory_space<vmem>>
        %dma_wait3A_179 = arith.constant 0 : i32
        %dma_wait3A_180 = tpu.memref_slice %arg15[%dma_wait3A_179] : memref<10240xf32, #tpu.memory_space<vmem_shared>> -> memref<10240xf32, #tpu.memory_space<vmem_shared>>
        tpu.wait_indirect_dma semaphore(%run_scoped3A_170 : memref<!tpu.dma_semaphore, #tpu.memory_space<semaphore_mem>>) src(%dma_wait3A : memref<80xf32, #tpu.memory_space<vmem>>) dst(%dma_wait3A_180 : memref<10240xf32, #tpu.memory_space<vmem_shared>>)
        tpu.yield
      }) : () -> ()
    }
    %scan3A_25 = arith.constant 25 : i32
    %run_scoped3A_26 = arith.constant 0 : i32
    %run_scoped3A_27 = arith.constant 2 : i32
    "tpu.region"() ({
      %run_scoped3A_61 = tpu.sem_alloc : memref<!tpu.dma_semaphore, #tpu.memory_space<semaphore_mem>>
      %dma_start3A = arith.constant 0 : i32
      %dma_start3A_62 = arith.constant 0 : i32
      %dma_start3A_63 = tpu.memref_slice %arg4[%run_scoped3A_26, %add3A, %run_scoped3A_27, %dma_start3A, %dma_start3A_62] : memref<2x32x5x25x80xi32, #tpu.memory_space<hbm>> -> memref<1x1x1x25x80xi32, #tpu.memory_space<hbm>>
      %dma_start3A_64 = tpu.memref_squeeze %dma_start3A_63 : memref<1x1x1x25x80xi32, #tpu.memory_space<hbm>> -> memref<25x80xi32, #tpu.memory_space<hbm>>
      %dma_start3A_65 = arith.constant 0 : i32
      %dma_start3A_66 = arith.constant 0 : i32
      %dma_start3A_67 = tpu.memref_slice %arg4[%run_scoped3A_26, %add3A, %run_scoped3A_27, %dma_start3A_65, %dma_start3A_66] : memref<2x32x5x25x80xi32, #tpu.memory_space<hbm>> -> memref<1x1x1x25x80xi32, #tpu.memory_space<hbm>>
      %dma_start3A_68 = tpu.memref_squeeze %dma_start3A_67 : memref<1x1x1x25x80xi32, #tpu.memory_space<hbm>> -> memref<25x80xi32, #tpu.memory_space<hbm>>
      tpu.enqueue_dma source(%dma_start3A_68 : memref<25x80xi32, #tpu.memory_space<hbm>>) target(%arg11 : memref<25x80xi32, #tpu.memory_space<vmem>>) target_semaphore(%run_scoped3A_61 : memref<!tpu.dma_semaphore, #tpu.memory_space<semaphore_mem>>)
      %dma_wait3A = arith.constant 0 : i32
      %dma_wait3A_69 = arith.constant 0 : i32
      %dma_wait3A_70 = tpu.memref_slice %arg4[%run_scoped3A_26, %add3A, %run_scoped3A_27, %dma_wait3A, %dma_wait3A_69] : memref<2x32x5x25x80xi32, #tpu.memory_space<hbm>> -> memref<1x1x1x25x80xi32, #tpu.memory_space<hbm>>
      %dma_wait3A_71 = tpu.memref_squeeze %dma_wait3A_70 : memref<1x1x1x25x80xi32, #tpu.memory_space<hbm>> -> memref<25x80xi32, #tpu.memory_space<hbm>>
      %dma_wait3A_72 = arith.constant 0 : i32
      %dma_wait3A_73 = arith.constant 0 : i32
      %dma_wait3A_74 = tpu.memref_slice %arg4[%run_scoped3A_26, %add3A, %run_scoped3A_27, %dma_wait3A_72, %dma_wait3A_73] : memref<2x32x5x25x80xi32, #tpu.memory_space<hbm>> -> memref<1x1x1x25x80xi32, #tpu.memory_space<hbm>>
      %dma_wait3A_75 = tpu.memref_squeeze %dma_wait3A_74 : memref<1x1x1x25x80xi32, #tpu.memory_space<hbm>> -> memref<25x80xi32, #tpu.memory_space<hbm>>
      tpu.wait_dma2 semaphore(%run_scoped3A_61 : memref<!tpu.dma_semaphore, #tpu.memory_space<semaphore_mem>>) src(%dma_wait3A_75 : memref<25x80xi32, #tpu.memory_space<hbm>>) dst(%arg11 : memref<25x80xi32, #tpu.memory_space<vmem>>)
      tpu.yield
    }) : () -> ()
    %run_scoped3A_28 = arith.constant 1 : i32
    %run_scoped3A_29 = arith.constant 2 : i32
    "tpu.region"() ({
      %run_scoped3A_61 = tpu.sem_alloc : memref<!tpu.dma_semaphore, #tpu.memory_space<semaphore_mem>>
      %dma_start3A = arith.constant 0 : i32
      %dma_start3A_62 = arith.constant 0 : i32
      %dma_start3A_63 = tpu.memref_slice %arg4[%run_scoped3A_28, %add3A, %run_scoped3A_29, %dma_start3A, %dma_start3A_62] : memref<2x32x5x25x80xi32, #tpu.memory_space<hbm>> -> memref<1x1x1x25x80xi32, #tpu.memory_space<hbm>>
      %dma_start3A_64 = tpu.memref_squeeze %dma_start3A_63 : memref<1x1x1x25x80xi32, #tpu.memory_space<hbm>> -> memref<25x80xi32, #tpu.memory_space<hbm>>
      %dma_start3A_65 = arith.constant 0 : i32
      %dma_start3A_66 = arith.constant 0 : i32
      %dma_start3A_67 = tpu.memref_slice %arg4[%run_scoped3A_28, %add3A, %run_scoped3A_29, %dma_start3A_65, %dma_start3A_66] : memref<2x32x5x25x80xi32, #tpu.memory_space<hbm>> -> memref<1x1x1x25x80xi32, #tpu.memory_space<hbm>>
      %dma_start3A_68 = tpu.memref_squeeze %dma_start3A_67 : memref<1x1x1x25x80xi32, #tpu.memory_space<hbm>> -> memref<25x80xi32, #tpu.memory_space<hbm>>
      tpu.enqueue_dma source(%dma_start3A_68 : memref<25x80xi32, #tpu.memory_space<hbm>>) target(%arg12 : memref<25x80xi32, #tpu.memory_space<vmem>>) target_semaphore(%run_scoped3A_61 : memref<!tpu.dma_semaphore, #tpu.memory_space<semaphore_mem>>)
      %dma_wait3A = arith.constant 0 : i32
      %dma_wait3A_69 = arith.constant 0 : i32
      %dma_wait3A_70 = tpu.memref_slice %arg4[%run_scoped3A_28, %add3A, %run_scoped3A_29, %dma_wait3A, %dma_wait3A_69] : memref<2x32x5x25x80xi32, #tpu.memory_space<hbm>> -> memref<1x1x1x25x80xi32, #tpu.memory_space<hbm>>
      %dma_wait3A_71 = tpu.memref_squeeze %dma_wait3A_70 : memref<1x1x1x25x80xi32, #tpu.memory_space<hbm>> -> memref<25x80xi32, #tpu.memory_space<hbm>>
      %dma_wait3A_72 = arith.constant 0 : i32
      %dma_wait3A_73 = arith.constant 0 : i32
      %dma_wait3A_74 = tpu.memref_slice %arg4[%run_scoped3A_28, %add3A, %run_scoped3A_29, %dma_wait3A_72, %dma_wait3A_73] : memref<2x32x5x25x80xi32, #tpu.memory_space<hbm>> -> memref<1x1x1x25x80xi32, #tpu.memory_space<hbm>>
      %dma_wait3A_75 = tpu.memref_squeeze %dma_wait3A_74 : memref<1x1x1x25x80xi32, #tpu.memory_space<hbm>> -> memref<25x80xi32, #tpu.memory_space<hbm>>
      tpu.wait_dma2 semaphore(%run_scoped3A_61 : memref<!tpu.dma_semaphore, #tpu.memory_space<semaphore_mem>>) src(%dma_wait3A_75 : memref<25x80xi32, #tpu.memory_space<hbm>>) dst(%arg12 : memref<25x80xi32, #tpu.memory_space<vmem>>)
      tpu.yield
    }) : () -> ()
    %scan3A_30 = arith.constant 0 : i32
    %scan3A_31 = arith.constant 0 : i32
    %scan3A_32 = arith.constant 25 : i32
    %scan3A_33 = arith.addi %scan3A_31, %scan3A_32 : i32
    %scan3A_34 = arith.constant 1 : i32
    scf.for %scan3A_61 = %scan3A_31 to %scan3A_33 step %scan3A_34  : i32 {
      %mul3A_62 = arith.constant 80 : i32
      %mul3A_63 = arith.muli %scan3A_61, %mul3A_62 : i32
      %add3A_64 = arith.constant 4000 : i32
      %add3A_65 = arith.addi %add3A_64, %mul3A_63 : i32
      %multiple_of3A = tpu.assume_multiple %add3A_65, 8 : i32
      %add3A_66 = arith.constant 0 : i32
      %add3A_67 = arith.addi %multiple_of3A, %add3A_66 : i32
      %get3A_68 = arith.index_cast %scan3A_61 : i32 to index
      %get3A_69 = arith.constant 0 : index
      %get3A_70 = tpu.vector_load %arg11[%get3A_68, %get3A_69] {strides = array<i32>} : memref<25x80xi32, #tpu.memory_space<vmem>>, vector<16xi32>,
      %get3A_71 = arith.index_cast %scan3A_61 : i32 to index
      %get3A_72 = arith.constant 0 : index
      %get3A_73 = tpu.vector_load %arg12[%get3A_71, %get3A_72] {strides = array<i32>} : memref<25x80xi32, #tpu.memory_space<vmem>>, vector<16xi32>,
      %gather3A = tpu.vector_load_idx %arg9[%get3A_70] : memref<10240xf32, #tpu.memory_space<vmem>>[vector<16xi32>], vector<16xf32>,
      %gather3A_74 = tpu.vector_load_idx %arg10[%get3A_73] : memref<10240xf32, #tpu.memory_space<vmem>>[vector<16xi32>], vector<16xf32>,
      %add3A_75 = arith.addf %gather3A, %gather3A_74 : vector<16xf32>
      %gt3A = arith.constant 0.000000e+00 : f32
      %gt3A_76 = vector.broadcast %gt3A : f32 to vector<16xf32>
      %gt3A_77 = arith.cmpf ogt, %add3A_75, %gt3A_76 : vector<16xf32>
      %mul3A_78 = arith.constant 2.000000e-01 : f32
      %mul3A_79 = vector.broadcast %mul3A_78 : f32 to vector<16xf32>
      %mul3A_80 = arith.mulf %mul3A_79, %add3A_75 : vector<16xf32>
      %select_n3A = arith.select %gt3A_77, %add3A_75, %mul3A_80 : vector<16xi1>, vector<16xf32>
      %sub3A = arith.subf %select_n3A, %get3A_7 : vector<16xf32>
      %exp3A = math.exp %sub3A : vector<16xf32>
      %swap3A = arith.index_cast %add3A_67 : i32 to index
      %swap3A_81 = tpu.vector_load %arg13[%swap3A] {strides = array<i32>} : memref<10000xf32, #tpu.memory_space<vmem>>, vector<16xf32>,
      tpu.vector_store %arg13[%swap3A], %exp3A {strides = array<i32>} : memref<10000xf32, #tpu.memory_space<vmem>>, vector<16xf32>,
      %add3A_82 = arith.constant 16 : i32
      %add3A_83 = arith.addi %multiple_of3A, %add3A_82 : i32
      %get3A_84 = arith.index_cast %scan3A_61 : i32 to index
      %get3A_85 = arith.constant 16 : index
      %get3A_86 = tpu.vector_load %arg11[%get3A_84, %get3A_85] {strides = array<i32>} : memref<25x80xi32, #tpu.memory_space<vmem>>, vector<16xi32>,
      %get3A_87 = arith.index_cast %scan3A_61 : i32 to index
      %get3A_88 = arith.constant 16 : index
      %get3A_89 = tpu.vector_load %arg12[%get3A_87, %get3A_88] {strides = array<i32>} : memref<25x80xi32, #tpu.memory_space<vmem>>, vector<16xi32>,
      %gather3A_90 = tpu.vector_load_idx %arg9[%get3A_86] : memref<10240xf32, #tpu.memory_space<vmem>>[vector<16xi32>], vector<16xf32>,
      %gather3A_91 = tpu.vector_load_idx %arg10[%get3A_89] : memref<10240xf32, #tpu.memory_space<vmem>>[vector<16xi32>], vector<16xf32>,
      %add3A_92 = arith.addf %gather3A_90, %gather3A_91 : vector<16xf32>
      %gt3A_93 = arith.constant 0.000000e+00 : f32
      %gt3A_94 = vector.broadcast %gt3A_93 : f32 to vector<16xf32>
      %gt3A_95 = arith.cmpf ogt, %add3A_92, %gt3A_94 : vector<16xf32>
      %mul3A_96 = arith.constant 2.000000e-01 : f32
      %mul3A_97 = vector.broadcast %mul3A_96 : f32 to vector<16xf32>
      %mul3A_98 = arith.mulf %mul3A_97, %add3A_92 : vector<16xf32>
      %select_n3A_99 = arith.select %gt3A_95, %add3A_92, %mul3A_98 : vector<16xi1>, vector<16xf32>
      %sub3A_100 = arith.subf %select_n3A_99, %get3A_7 : vector<16xf32>
      %exp3A_101 = math.exp %sub3A_100 : vector<16xf32>
      %swap3A_102 = arith.index_cast %add3A_83 : i32 to index
      %swap3A_103 = tpu.vector_load %arg13[%swap3A_102] {strides = array<i32>} : memref<10000xf32, #tpu.memory_space<vmem>>, vector<16xf32>,
      tpu.vector_store %arg13[%swap3A_102], %exp3A_101 {strides = array<i32>} : memref<10000xf32, #tpu.memory_space<vmem>>, vector<16xf32>,
      %add3A_104 = arith.constant 32 : i32
      %add3A_105 = arith.addi %multiple_of3A, %add3A_104 : i32
      %get3A_106 = arith.index_cast %scan3A_61 : i32 to index
      %get3A_107 = arith.constant 32 : index
      %get3A_108 = tpu.vector_load %arg11[%get3A_106, %get3A_107] {strides = array<i32>} : memref<25x80xi32, #tpu.memory_space<vmem>>, vector<16xi32>,
      %get3A_109 = arith.index_cast %scan3A_61 : i32 to index
      %get3A_110 = arith.constant 32 : index
      %get3A_111 = tpu.vector_load %arg12[%get3A_109, %get3A_110] {strides = array<i32>} : memref<25x80xi32, #tpu.memory_space<vmem>>, vector<16xi32>,
      %gather3A_112 = tpu.vector_load_idx %arg9[%get3A_108] : memref<10240xf32, #tpu.memory_space<vmem>>[vector<16xi32>], vector<16xf32>,
      %gather3A_113 = tpu.vector_load_idx %arg10[%get3A_111] : memref<10240xf32, #tpu.memory_space<vmem>>[vector<16xi32>], vector<16xf32>,
      %add3A_114 = arith.addf %gather3A_112, %gather3A_113 : vector<16xf32>
      %gt3A_115 = arith.constant 0.000000e+00 : f32
      %gt3A_116 = vector.broadcast %gt3A_115 : f32 to vector<16xf32>
      %gt3A_117 = arith.cmpf ogt, %add3A_114, %gt3A_116 : vector<16xf32>
      %mul3A_118 = arith.constant 2.000000e-01 : f32
      %mul3A_119 = vector.broadcast %mul3A_118 : f32 to vector<16xf32>
      %mul3A_120 = arith.mulf %mul3A_119, %add3A_114 : vector<16xf32>
      %select_n3A_121 = arith.select %gt3A_117, %add3A_114, %mul3A_120 : vector<16xi1>, vector<16xf32>
      %sub3A_122 = arith.subf %select_n3A_121, %get3A_7 : vector<16xf32>
      %exp3A_123 = math.exp %sub3A_122 : vector<16xf32>
      %swap3A_124 = arith.index_cast %add3A_105 : i32 to index
      %swap3A_125 = tpu.vector_load %arg13[%swap3A_124] {strides = array<i32>} : memref<10000xf32, #tpu.memory_space<vmem>>, vector<16xf32>,
      tpu.vector_store %arg13[%swap3A_124], %exp3A_123 {strides = array<i32>} : memref<10000xf32, #tpu.memory_space<vmem>>, vector<16xf32>,
      %add3A_126 = arith.constant 48 : i32
      %add3A_127 = arith.addi %multiple_of3A, %add3A_126 : i32
      %get3A_128 = arith.index_cast %scan3A_61 : i32 to index
      %get3A_129 = arith.constant 48 : index
      %get3A_130 = tpu.vector_load %arg11[%get3A_128, %get3A_129] {strides = array<i32>} : memref<25x80xi32, #tpu.memory_space<vmem>>, vector<16xi32>,
      %get3A_131 = arith.index_cast %scan3A_61 : i32 to index
      %get3A_132 = arith.constant 48 : index
      %get3A_133 = tpu.vector_load %arg12[%get3A_131, %get3A_132] {strides = array<i32>} : memref<25x80xi32, #tpu.memory_space<vmem>>, vector<16xi32>,
      %gather3A_134 = tpu.vector_load_idx %arg9[%get3A_130] : memref<10240xf32, #tpu.memory_space<vmem>>[vector<16xi32>], vector<16xf32>,
      %gather3A_135 = tpu.vector_load_idx %arg10[%get3A_133] : memref<10240xf32, #tpu.memory_space<vmem>>[vector<16xi32>], vector<16xf32>,
      %add3A_136 = arith.addf %gather3A_134, %gather3A_135 : vector<16xf32>
      %gt3A_137 = arith.constant 0.000000e+00 : f32
      %gt3A_138 = vector.broadcast %gt3A_137 : f32 to vector<16xf32>
      %gt3A_139 = arith.cmpf ogt, %add3A_136, %gt3A_138 : vector<16xf32>
      %mul3A_140 = arith.constant 2.000000e-01 : f32
      %mul3A_141 = vector.broadcast %mul3A_140 : f32 to vector<16xf32>
      %mul3A_142 = arith.mulf %mul3A_141, %add3A_136 : vector<16xf32>
      %select_n3A_143 = arith.select %gt3A_139, %add3A_136, %mul3A_142 : vector<16xi1>, vector<16xf32>
      %sub3A_144 = arith.subf %select_n3A_143, %get3A_7 : vector<16xf32>
      %exp3A_145 = math.exp %sub3A_144 : vector<16xf32>
      %swap3A_146 = arith.index_cast %add3A_127 : i32 to index
      %swap3A_147 = tpu.vector_load %arg13[%swap3A_146] {strides = array<i32>} : memref<10000xf32, #tpu.memory_space<vmem>>, vector<16xf32>,
      tpu.vector_store %arg13[%swap3A_146], %exp3A_145 {strides = array<i32>} : memref<10000xf32, #tpu.memory_space<vmem>>, vector<16xf32>,
      %add3A_148 = arith.constant 64 : i32
      %add3A_149 = arith.addi %multiple_of3A, %add3A_148 : i32
      %get3A_150 = arith.index_cast %scan3A_61 : i32 to index
      %get3A_151 = arith.constant 64 : index
      %get3A_152 = tpu.vector_load %arg11[%get3A_150, %get3A_151] {strides = array<i32>} : memref<25x80xi32, #tpu.memory_space<vmem>>, vector<16xi32>,
      %get3A_153 = arith.index_cast %scan3A_61 : i32 to index
      %get3A_154 = arith.constant 64 : index
      %get3A_155 = tpu.vector_load %arg12[%get3A_153, %get3A_154] {strides = array<i32>} : memref<25x80xi32, #tpu.memory_space<vmem>>, vector<16xi32>,
      %gather3A_156 = tpu.vector_load_idx %arg9[%get3A_152] : memref<10240xf32, #tpu.memory_space<vmem>>[vector<16xi32>], vector<16xf32>,
      %gather3A_157 = tpu.vector_load_idx %arg10[%get3A_155] : memref<10240xf32, #tpu.memory_space<vmem>>[vector<16xi32>], vector<16xf32>,
      %add3A_158 = arith.addf %gather3A_156, %gather3A_157 : vector<16xf32>
      %gt3A_159 = arith.constant 0.000000e+00 : f32
      %gt3A_160 = vector.broadcast %gt3A_159 : f32 to vector<16xf32>
      %gt3A_161 = arith.cmpf ogt, %add3A_158, %gt3A_160 : vector<16xf32>
      %mul3A_162 = arith.constant 2.000000e-01 : f32
      %mul3A_163 = vector.broadcast %mul3A_162 : f32 to vector<16xf32>
      %mul3A_164 = arith.mulf %mul3A_163, %add3A_158 : vector<16xf32>
      %select_n3A_165 = arith.select %gt3A_161, %add3A_158, %mul3A_164 : vector<16xi1>, vector<16xf32>
      %sub3A_166 = arith.subf %select_n3A_165, %get3A_7 : vector<16xf32>
      %exp3A_167 = math.exp %sub3A_166 : vector<16xf32>
      %swap3A_168 = arith.index_cast %add3A_149 : i32 to index
      %swap3A_169 = tpu.vector_load %arg13[%swap3A_168] {strides = array<i32>} : memref<10000xf32, #tpu.memory_space<vmem>>, vector<16xf32>,
      tpu.vector_store %arg13[%swap3A_168], %exp3A_167 {strides = array<i32>} : memref<10000xf32, #tpu.memory_space<vmem>>, vector<16xf32>,
      "tpu.region"() ({
        %run_scoped3A_170 = tpu.sem_alloc : memref<!tpu.dma_semaphore, #tpu.memory_space<semaphore_mem>>
        %dma_start3A = tpu.memref_slice %arg13[%multiple_of3A] : memref<10000xf32, #tpu.memory_space<vmem>> -> memref<80xf32, #tpu.memory_space<vmem>>
        %dma_start3A_171 = arith.constant 0 : i32
        %dma_start3A_172 = tpu.memref_slice %arg12[%scan3A_61, %dma_start3A_171] : memref<25x80xi32, #tpu.memory_space<vmem>> -> memref<1x80xi32, #tpu.memory_space<vmem>>
        %dma_start3A_173 = tpu.memref_squeeze %dma_start3A_172 : memref<1x80xi32, #tpu.memory_space<vmem>> -> memref<80xi32, #tpu.memory_space<vmem>>
        %dma_start3A_174 = arith.constant 0 : i32
        %dma_start3A_175 = tpu.memref_slice %arg15[%dma_start3A_174] : memref<10240xf32, #tpu.memory_space<vmem_shared>> -> memref<10240xf32, #tpu.memory_space<vmem_shared>>
        tpu.enqueue_indirect_dma source(%dma_start3A : memref<80xf32, #tpu.memory_space<vmem>>) target(%dma_start3A_175 : memref<10240xf32, #tpu.memory_space<vmem_shared>>) offsets(%dma_start3A_173 : memref<80xi32, #tpu.memory_space<vmem>>) semaphore(%run_scoped3A_170 : memref<!tpu.dma_semaphore, #tpu.memory_space<semaphore_mem>>) {add = true}
        %dma_wait3A = tpu.memref_slice %arg13[%multiple_of3A] : memref<10000xf32, #tpu.memory_space<vmem>> -> memref<80xf32, #tpu.memory_space<vmem>>
        %dma_wait3A_176 = arith.constant 0 : i32
        %dma_wait3A_177 = tpu.memref_slice %arg12[%scan3A_61, %dma_wait3A_176] : memref<25x80xi32, #tpu.memory_space<vmem>> -> memref<1x80xi32, #tpu.memory_space<vmem>>
        %dma_wait3A_178 = tpu.memref_squeeze %dma_wait3A_177 : memref<1x80xi32, #tpu.memory_space<vmem>> -> memref<80xi32, #tpu.memory_space<vmem>>
        %dma_wait3A_179 = arith.constant 0 : i32
        %dma_wait3A_180 = tpu.memref_slice %arg15[%dma_wait3A_179] : memref<10240xf32, #tpu.memory_space<vmem_shared>> -> memref<10240xf32, #tpu.memory_space<vmem_shared>>
        tpu.wait_indirect_dma semaphore(%run_scoped3A_170 : memref<!tpu.dma_semaphore, #tpu.memory_space<semaphore_mem>>) src(%dma_wait3A : memref<80xf32, #tpu.memory_space<vmem>>) dst(%dma_wait3A_180 : memref<10240xf32, #tpu.memory_space<vmem_shared>>)
        tpu.yield
      }) : () -> ()
    }
    %scan3A_35 = arith.constant 25 : i32
    %run_scoped3A_36 = arith.constant 0 : i32
    %run_scoped3A_37 = arith.constant 3 : i32
    "tpu.region"() ({
      %run_scoped3A_61 = tpu.sem_alloc : memref<!tpu.dma_semaphore, #tpu.memory_space<semaphore_mem>>
      %dma_start3A = arith.constant 0 : i32
      %dma_start3A_62 = arith.constant 0 : i32
      %dma_start3A_63 = tpu.memref_slice %arg4[%run_scoped3A_36, %add3A, %run_scoped3A_37, %dma_start3A, %dma_start3A_62] : memref<2x32x5x25x80xi32, #tpu.memory_space<hbm>> -> memref<1x1x1x25x80xi32, #tpu.memory_space<hbm>>
      %dma_start3A_64 = tpu.memref_squeeze %dma_start3A_63 : memref<1x1x1x25x80xi32, #tpu.memory_space<hbm>> -> memref<25x80xi32, #tpu.memory_space<hbm>>
      %dma_start3A_65 = arith.constant 0 : i32
      %dma_start3A_66 = arith.constant 0 : i32
      %dma_start3A_67 = tpu.memref_slice %arg4[%run_scoped3A_36, %add3A, %run_scoped3A_37, %dma_start3A_65, %dma_start3A_66] : memref<2x32x5x25x80xi32, #tpu.memory_space<hbm>> -> memref<1x1x1x25x80xi32, #tpu.memory_space<hbm>>
      %dma_start3A_68 = tpu.memref_squeeze %dma_start3A_67 : memref<1x1x1x25x80xi32, #tpu.memory_space<hbm>> -> memref<25x80xi32, #tpu.memory_space<hbm>>
      tpu.enqueue_dma source(%dma_start3A_68 : memref<25x80xi32, #tpu.memory_space<hbm>>) target(%arg11 : memref<25x80xi32, #tpu.memory_space<vmem>>) target_semaphore(%run_scoped3A_61 : memref<!tpu.dma_semaphore, #tpu.memory_space<semaphore_mem>>)
      %dma_wait3A = arith.constant 0 : i32
      %dma_wait3A_69 = arith.constant 0 : i32
      %dma_wait3A_70 = tpu.memref_slice %arg4[%run_scoped3A_36, %add3A, %run_scoped3A_37, %dma_wait3A, %dma_wait3A_69] : memref<2x32x5x25x80xi32, #tpu.memory_space<hbm>> -> memref<1x1x1x25x80xi32, #tpu.memory_space<hbm>>
      %dma_wait3A_71 = tpu.memref_squeeze %dma_wait3A_70 : memref<1x1x1x25x80xi32, #tpu.memory_space<hbm>> -> memref<25x80xi32, #tpu.memory_space<hbm>>
      %dma_wait3A_72 = arith.constant 0 : i32
      %dma_wait3A_73 = arith.constant 0 : i32
      %dma_wait3A_74 = tpu.memref_slice %arg4[%run_scoped3A_36, %add3A, %run_scoped3A_37, %dma_wait3A_72, %dma_wait3A_73] : memref<2x32x5x25x80xi32, #tpu.memory_space<hbm>> -> memref<1x1x1x25x80xi32, #tpu.memory_space<hbm>>
      %dma_wait3A_75 = tpu.memref_squeeze %dma_wait3A_74 : memref<1x1x1x25x80xi32, #tpu.memory_space<hbm>> -> memref<25x80xi32, #tpu.memory_space<hbm>>
      tpu.wait_dma2 semaphore(%run_scoped3A_61 : memref<!tpu.dma_semaphore, #tpu.memory_space<semaphore_mem>>) src(%dma_wait3A_75 : memref<25x80xi32, #tpu.memory_space<hbm>>) dst(%arg11 : memref<25x80xi32, #tpu.memory_space<vmem>>)
      tpu.yield
    }) : () -> ()
    %run_scoped3A_38 = arith.constant 1 : i32
    %run_scoped3A_39 = arith.constant 3 : i32
    "tpu.region"() ({
      %run_scoped3A_61 = tpu.sem_alloc : memref<!tpu.dma_semaphore, #tpu.memory_space<semaphore_mem>>
      %dma_start3A = arith.constant 0 : i32
      %dma_start3A_62 = arith.constant 0 : i32
      %dma_start3A_63 = tpu.memref_slice %arg4[%run_scoped3A_38, %add3A, %run_scoped3A_39, %dma_start3A, %dma_start3A_62] : memref<2x32x5x25x80xi32, #tpu.memory_space<hbm>> -> memref<1x1x1x25x80xi32, #tpu.memory_space<hbm>>
      %dma_start3A_64 = tpu.memref_squeeze %dma_start3A_63 : memref<1x1x1x25x80xi32, #tpu.memory_space<hbm>> -> memref<25x80xi32, #tpu.memory_space<hbm>>
      %dma_start3A_65 = arith.constant 0 : i32
      %dma_start3A_66 = arith.constant 0 : i32
      %dma_start3A_67 = tpu.memref_slice %arg4[%run_scoped3A_38, %add3A, %run_scoped3A_39, %dma_start3A_65, %dma_start3A_66] : memref<2x32x5x25x80xi32, #tpu.memory_space<hbm>> -> memref<1x1x1x25x80xi32, #tpu.memory_space<hbm>>
      %dma_start3A_68 = tpu.memref_squeeze %dma_start3A_67 : memref<1x1x1x25x80xi32, #tpu.memory_space<hbm>> -> memref<25x80xi32, #tpu.memory_space<hbm>>
      tpu.enqueue_dma source(%dma_start3A_68 : memref<25x80xi32, #tpu.memory_space<hbm>>) target(%arg12 : memref<25x80xi32, #tpu.memory_space<vmem>>) target_semaphore(%run_scoped3A_61 : memref<!tpu.dma_semaphore, #tpu.memory_space<semaphore_mem>>)
      %dma_wait3A = arith.constant 0 : i32
      %dma_wait3A_69 = arith.constant 0 : i32
      %dma_wait3A_70 = tpu.memref_slice %arg4[%run_scoped3A_38, %add3A, %run_scoped3A_39, %dma_wait3A, %dma_wait3A_69] : memref<2x32x5x25x80xi32, #tpu.memory_space<hbm>> -> memref<1x1x1x25x80xi32, #tpu.memory_space<hbm>>
      %dma_wait3A_71 = tpu.memref_squeeze %dma_wait3A_70 : memref<1x1x1x25x80xi32, #tpu.memory_space<hbm>> -> memref<25x80xi32, #tpu.memory_space<hbm>>
      %dma_wait3A_72 = arith.constant 0 : i32
      %dma_wait3A_73 = arith.constant 0 : i32
      %dma_wait3A_74 = tpu.memref_slice %arg4[%run_scoped3A_38, %add3A, %run_scoped3A_39, %dma_wait3A_72, %dma_wait3A_73] : memref<2x32x5x25x80xi32, #tpu.memory_space<hbm>> -> memref<1x1x1x25x80xi32, #tpu.memory_space<hbm>>
      %dma_wait3A_75 = tpu.memref_squeeze %dma_wait3A_74 : memref<1x1x1x25x80xi32, #tpu.memory_space<hbm>> -> memref<25x80xi32, #tpu.memory_space<hbm>>
      tpu.wait_dma2 semaphore(%run_scoped3A_61 : memref<!tpu.dma_semaphore, #tpu.memory_space<semaphore_mem>>) src(%dma_wait3A_75 : memref<25x80xi32, #tpu.memory_space<hbm>>) dst(%arg12 : memref<25x80xi32, #tpu.memory_space<vmem>>)
      tpu.yield
    }) : () -> ()
    %scan3A_40 = arith.constant 0 : i32
    %scan3A_41 = arith.constant 0 : i32
    %scan3A_42 = arith.constant 25 : i32
    %scan3A_43 = arith.addi %scan3A_41, %scan3A_42 : i32
    %scan3A_44 = arith.constant 1 : i32
    scf.for %scan3A_61 = %scan3A_41 to %scan3A_43 step %scan3A_44  : i32 {
      %mul3A_62 = arith.constant 80 : i32
      %mul3A_63 = arith.muli %scan3A_61, %mul3A_62 : i32
      %add3A_64 = arith.constant 6000 : i32
      %add3A_65 = arith.addi %add3A_64, %mul3A_63 : i32
      %multiple_of3A = tpu.assume_multiple %add3A_65, 8 : i32
      %add3A_66 = arith.constant 0 : i32
      %add3A_67 = arith.addi %multiple_of3A, %add3A_66 : i32
      %get3A_68 = arith.index_cast %scan3A_61 : i32 to index
      %get3A_69 = arith.constant 0 : index
      %get3A_70 = tpu.vector_load %arg11[%get3A_68, %get3A_69] {strides = array<i32>} : memref<25x80xi32, #tpu.memory_space<vmem>>, vector<16xi32>,
      %get3A_71 = arith.index_cast %scan3A_61 : i32 to index
      %get3A_72 = arith.constant 0 : index
      %get3A_73 = tpu.vector_load %arg12[%get3A_71, %get3A_72] {strides = array<i32>} : memref<25x80xi32, #tpu.memory_space<vmem>>, vector<16xi32>,
      %gather3A = tpu.vector_load_idx %arg9[%get3A_70] : memref<10240xf32, #tpu.memory_space<vmem>>[vector<16xi32>], vector<16xf32>,
      %gather3A_74 = tpu.vector_load_idx %arg10[%get3A_73] : memref<10240xf32, #tpu.memory_space<vmem>>[vector<16xi32>], vector<16xf32>,
      %add3A_75 = arith.addf %gather3A, %gather3A_74 : vector<16xf32>
      %gt3A = arith.constant 0.000000e+00 : f32
      %gt3A_76 = vector.broadcast %gt3A : f32 to vector<16xf32>
      %gt3A_77 = arith.cmpf ogt, %add3A_75, %gt3A_76 : vector<16xf32>
      %mul3A_78 = arith.constant 2.000000e-01 : f32
      %mul3A_79 = vector.broadcast %mul3A_78 : f32 to vector<16xf32>
      %mul3A_80 = arith.mulf %mul3A_79, %add3A_75 : vector<16xf32>
      %select_n3A = arith.select %gt3A_77, %add3A_75, %mul3A_80 : vector<16xi1>, vector<16xf32>
      %sub3A = arith.subf %select_n3A, %get3A_7 : vector<16xf32>
      %exp3A = math.exp %sub3A : vector<16xf32>
      %swap3A = arith.index_cast %add3A_67 : i32 to index
      %swap3A_81 = tpu.vector_load %arg13[%swap3A] {strides = array<i32>} : memref<10000xf32, #tpu.memory_space<vmem>>, vector<16xf32>,
      tpu.vector_store %arg13[%swap3A], %exp3A {strides = array<i32>} : memref<10000xf32, #tpu.memory_space<vmem>>, vector<16xf32>,
      %add3A_82 = arith.constant 16 : i32
      %add3A_83 = arith.addi %multiple_of3A, %add3A_82 : i32
      %get3A_84 = arith.index_cast %scan3A_61 : i32 to index
      %get3A_85 = arith.constant 16 : index
      %get3A_86 = tpu.vector_load %arg11[%get3A_84, %get3A_85] {strides = array<i32>} : memref<25x80xi32, #tpu.memory_space<vmem>>, vector<16xi32>,
      %get3A_87 = arith.index_cast %scan3A_61 : i32 to index
      %get3A_88 = arith.constant 16 : index
      %get3A_89 = tpu.vector_load %arg12[%get3A_87, %get3A_88] {strides = array<i32>} : memref<25x80xi32, #tpu.memory_space<vmem>>, vector<16xi32>,
      %gather3A_90 = tpu.vector_load_idx %arg9[%get3A_86] : memref<10240xf32, #tpu.memory_space<vmem>>[vector<16xi32>], vector<16xf32>,
      %gather3A_91 = tpu.vector_load_idx %arg10[%get3A_89] : memref<10240xf32, #tpu.memory_space<vmem>>[vector<16xi32>], vector<16xf32>,
      %add3A_92 = arith.addf %gather3A_90, %gather3A_91 : vector<16xf32>
      %gt3A_93 = arith.constant 0.000000e+00 : f32
      %gt3A_94 = vector.broadcast %gt3A_93 : f32 to vector<16xf32>
      %gt3A_95 = arith.cmpf ogt, %add3A_92, %gt3A_94 : vector<16xf32>
      %mul3A_96 = arith.constant 2.000000e-01 : f32
      %mul3A_97 = vector.broadcast %mul3A_96 : f32 to vector<16xf32>
      %mul3A_98 = arith.mulf %mul3A_97, %add3A_92 : vector<16xf32>
      %select_n3A_99 = arith.select %gt3A_95, %add3A_92, %mul3A_98 : vector<16xi1>, vector<16xf32>
      %sub3A_100 = arith.subf %select_n3A_99, %get3A_7 : vector<16xf32>
      %exp3A_101 = math.exp %sub3A_100 : vector<16xf32>
      %swap3A_102 = arith.index_cast %add3A_83 : i32 to index
      %swap3A_103 = tpu.vector_load %arg13[%swap3A_102] {strides = array<i32>} : memref<10000xf32, #tpu.memory_space<vmem>>, vector<16xf32>,
      tpu.vector_store %arg13[%swap3A_102], %exp3A_101 {strides = array<i32>} : memref<10000xf32, #tpu.memory_space<vmem>>, vector<16xf32>,
      %add3A_104 = arith.constant 32 : i32
      %add3A_105 = arith.addi %multiple_of3A, %add3A_104 : i32
      %get3A_106 = arith.index_cast %scan3A_61 : i32 to index
      %get3A_107 = arith.constant 32 : index
      %get3A_108 = tpu.vector_load %arg11[%get3A_106, %get3A_107] {strides = array<i32>} : memref<25x80xi32, #tpu.memory_space<vmem>>, vector<16xi32>,
      %get3A_109 = arith.index_cast %scan3A_61 : i32 to index
      %get3A_110 = arith.constant 32 : index
      %get3A_111 = tpu.vector_load %arg12[%get3A_109, %get3A_110] {strides = array<i32>} : memref<25x80xi32, #tpu.memory_space<vmem>>, vector<16xi32>,
      %gather3A_112 = tpu.vector_load_idx %arg9[%get3A_108] : memref<10240xf32, #tpu.memory_space<vmem>>[vector<16xi32>], vector<16xf32>,
      %gather3A_113 = tpu.vector_load_idx %arg10[%get3A_111] : memref<10240xf32, #tpu.memory_space<vmem>>[vector<16xi32>], vector<16xf32>,
      %add3A_114 = arith.addf %gather3A_112, %gather3A_113 : vector<16xf32>
      %gt3A_115 = arith.constant 0.000000e+00 : f32
      %gt3A_116 = vector.broadcast %gt3A_115 : f32 to vector<16xf32>
      %gt3A_117 = arith.cmpf ogt, %add3A_114, %gt3A_116 : vector<16xf32>
      %mul3A_118 = arith.constant 2.000000e-01 : f32
      %mul3A_119 = vector.broadcast %mul3A_118 : f32 to vector<16xf32>
      %mul3A_120 = arith.mulf %mul3A_119, %add3A_114 : vector<16xf32>
      %select_n3A_121 = arith.select %gt3A_117, %add3A_114, %mul3A_120 : vector<16xi1>, vector<16xf32>
      %sub3A_122 = arith.subf %select_n3A_121, %get3A_7 : vector<16xf32>
      %exp3A_123 = math.exp %sub3A_122 : vector<16xf32>
      %swap3A_124 = arith.index_cast %add3A_105 : i32 to index
      %swap3A_125 = tpu.vector_load %arg13[%swap3A_124] {strides = array<i32>} : memref<10000xf32, #tpu.memory_space<vmem>>, vector<16xf32>,
      tpu.vector_store %arg13[%swap3A_124], %exp3A_123 {strides = array<i32>} : memref<10000xf32, #tpu.memory_space<vmem>>, vector<16xf32>,
      %add3A_126 = arith.constant 48 : i32
      %add3A_127 = arith.addi %multiple_of3A, %add3A_126 : i32
      %get3A_128 = arith.index_cast %scan3A_61 : i32 to index
      %get3A_129 = arith.constant 48 : index
      %get3A_130 = tpu.vector_load %arg11[%get3A_128, %get3A_129] {strides = array<i32>} : memref<25x80xi32, #tpu.memory_space<vmem>>, vector<16xi32>,
      %get3A_131 = arith.index_cast %scan3A_61 : i32 to index
      %get3A_132 = arith.constant 48 : index
      %get3A_133 = tpu.vector_load %arg12[%get3A_131, %get3A_132] {strides = array<i32>} : memref<25x80xi32, #tpu.memory_space<vmem>>, vector<16xi32>,
      %gather3A_134 = tpu.vector_load_idx %arg9[%get3A_130] : memref<10240xf32, #tpu.memory_space<vmem>>[vector<16xi32>], vector<16xf32>,
      %gather3A_135 = tpu.vector_load_idx %arg10[%get3A_133] : memref<10240xf32, #tpu.memory_space<vmem>>[vector<16xi32>], vector<16xf32>,
      %add3A_136 = arith.addf %gather3A_134, %gather3A_135 : vector<16xf32>
      %gt3A_137 = arith.constant 0.000000e+00 : f32
      %gt3A_138 = vector.broadcast %gt3A_137 : f32 to vector<16xf32>
      %gt3A_139 = arith.cmpf ogt, %add3A_136, %gt3A_138 : vector<16xf32>
      %mul3A_140 = arith.constant 2.000000e-01 : f32
      %mul3A_141 = vector.broadcast %mul3A_140 : f32 to vector<16xf32>
      %mul3A_142 = arith.mulf %mul3A_141, %add3A_136 : vector<16xf32>
      %select_n3A_143 = arith.select %gt3A_139, %add3A_136, %mul3A_142 : vector<16xi1>, vector<16xf32>
      %sub3A_144 = arith.subf %select_n3A_143, %get3A_7 : vector<16xf32>
      %exp3A_145 = math.exp %sub3A_144 : vector<16xf32>
      %swap3A_146 = arith.index_cast %add3A_127 : i32 to index
      %swap3A_147 = tpu.vector_load %arg13[%swap3A_146] {strides = array<i32>} : memref<10000xf32, #tpu.memory_space<vmem>>, vector<16xf32>,
      tpu.vector_store %arg13[%swap3A_146], %exp3A_145 {strides = array<i32>} : memref<10000xf32, #tpu.memory_space<vmem>>, vector<16xf32>,
      %add3A_148 = arith.constant 64 : i32
      %add3A_149 = arith.addi %multiple_of3A, %add3A_148 : i32
      %get3A_150 = arith.index_cast %scan3A_61 : i32 to index
      %get3A_151 = arith.constant 64 : index
      %get3A_152 = tpu.vector_load %arg11[%get3A_150, %get3A_151] {strides = array<i32>} : memref<25x80xi32, #tpu.memory_space<vmem>>, vector<16xi32>,
      %get3A_153 = arith.index_cast %scan3A_61 : i32 to index
      %get3A_154 = arith.constant 64 : index
      %get3A_155 = tpu.vector_load %arg12[%get3A_153, %get3A_154] {strides = array<i32>} : memref<25x80xi32, #tpu.memory_space<vmem>>, vector<16xi32>,
      %gather3A_156 = tpu.vector_load_idx %arg9[%get3A_152] : memref<10240xf32, #tpu.memory_space<vmem>>[vector<16xi32>], vector<16xf32>,
      %gather3A_157 = tpu.vector_load_idx %arg10[%get3A_155] : memref<10240xf32, #tpu.memory_space<vmem>>[vector<16xi32>], vector<16xf32>,
      %add3A_158 = arith.addf %gather3A_156, %gather3A_157 : vector<16xf32>
      %gt3A_159 = arith.constant 0.000000e+00 : f32
      %gt3A_160 = vector.broadcast %gt3A_159 : f32 to vector<16xf32>
      %gt3A_161 = arith.cmpf ogt, %add3A_158, %gt3A_160 : vector<16xf32>
      %mul3A_162 = arith.constant 2.000000e-01 : f32
      %mul3A_163 = vector.broadcast %mul3A_162 : f32 to vector<16xf32>
      %mul3A_164 = arith.mulf %mul3A_163, %add3A_158 : vector<16xf32>
      %select_n3A_165 = arith.select %gt3A_161, %add3A_158, %mul3A_164 : vector<16xi1>, vector<16xf32>
      %sub3A_166 = arith.subf %select_n3A_165, %get3A_7 : vector<16xf32>
      %exp3A_167 = math.exp %sub3A_166 : vector<16xf32>
      %swap3A_168 = arith.index_cast %add3A_149 : i32 to index
      %swap3A_169 = tpu.vector_load %arg13[%swap3A_168] {strides = array<i32>} : memref<10000xf32, #tpu.memory_space<vmem>>, vector<16xf32>,
      tpu.vector_store %arg13[%swap3A_168], %exp3A_167 {strides = array<i32>} : memref<10000xf32, #tpu.memory_space<vmem>>, vector<16xf32>,
      "tpu.region"() ({
        %run_scoped3A_170 = tpu.sem_alloc : memref<!tpu.dma_semaphore, #tpu.memory_space<semaphore_mem>>
        %dma_start3A = tpu.memref_slice %arg13[%multiple_of3A] : memref<10000xf32, #tpu.memory_space<vmem>> -> memref<80xf32, #tpu.memory_space<vmem>>
        %dma_start3A_171 = arith.constant 0 : i32
        %dma_start3A_172 = tpu.memref_slice %arg12[%scan3A_61, %dma_start3A_171] : memref<25x80xi32, #tpu.memory_space<vmem>> -> memref<1x80xi32, #tpu.memory_space<vmem>>
        %dma_start3A_173 = tpu.memref_squeeze %dma_start3A_172 : memref<1x80xi32, #tpu.memory_space<vmem>> -> memref<80xi32, #tpu.memory_space<vmem>>
        %dma_start3A_174 = arith.constant 0 : i32
        %dma_start3A_175 = tpu.memref_slice %arg15[%dma_start3A_174] : memref<10240xf32, #tpu.memory_space<vmem_shared>> -> memref<10240xf32, #tpu.memory_space<vmem_shared>>
        tpu.enqueue_indirect_dma source(%dma_start3A : memref<80xf32, #tpu.memory_space<vmem>>) target(%dma_start3A_175 : memref<10240xf32, #tpu.memory_space<vmem_shared>>) offsets(%dma_start3A_173 : memref<80xi32, #tpu.memory_space<vmem>>) semaphore(%run_scoped3A_170 : memref<!tpu.dma_semaphore, #tpu.memory_space<semaphore_mem>>) {add = true}
        %dma_wait3A = tpu.memref_slice %arg13[%multiple_of3A] : memref<10000xf32, #tpu.memory_space<vmem>> -> memref<80xf32, #tpu.memory_space<vmem>>
        %dma_wait3A_176 = arith.constant 0 : i32
        %dma_wait3A_177 = tpu.memref_slice %arg12[%scan3A_61, %dma_wait3A_176] : memref<25x80xi32, #tpu.memory_space<vmem>> -> memref<1x80xi32, #tpu.memory_space<vmem>>
        %dma_wait3A_178 = tpu.memref_squeeze %dma_wait3A_177 : memref<1x80xi32, #tpu.memory_space<vmem>> -> memref<80xi32, #tpu.memory_space<vmem>>
        %dma_wait3A_179 = arith.constant 0 : i32
        %dma_wait3A_180 = tpu.memref_slice %arg15[%dma_wait3A_179] : memref<10240xf32, #tpu.memory_space<vmem_shared>> -> memref<10240xf32, #tpu.memory_space<vmem_shared>>
        tpu.wait_indirect_dma semaphore(%run_scoped3A_170 : memref<!tpu.dma_semaphore, #tpu.memory_space<semaphore_mem>>) src(%dma_wait3A : memref<80xf32, #tpu.memory_space<vmem>>) dst(%dma_wait3A_180 : memref<10240xf32, #tpu.memory_space<vmem_shared>>)
        tpu.yield
      }) : () -> ()
    }
    %scan3A_45 = arith.constant 25 : i32
    %run_scoped3A_46 = arith.constant 0 : i32
    %run_scoped3A_47 = arith.constant 4 : i32
    "tpu.region"() ({
      %run_scoped3A_61 = tpu.sem_alloc : memref<!tpu.dma_semaphore, #tpu.memory_space<semaphore_mem>>
      %dma_start3A = arith.constant 0 : i32
      %dma_start3A_62 = arith.constant 0 : i32
      %dma_start3A_63 = tpu.memref_slice %arg4[%run_scoped3A_46, %add3A, %run_scoped3A_47, %dma_start3A, %dma_start3A_62] : memref<2x32x5x25x80xi32, #tpu.memory_space<hbm>> -> memref<1x1x1x25x80xi32, #tpu.memory_space<hbm>>
      %dma_start3A_64 = tpu.memref_squeeze %dma_start3A_63 : memref<1x1x1x25x80xi32, #tpu.memory_space<hbm>> -> memref<25x80xi32, #tpu.memory_space<hbm>>
      %dma_start3A_65 = arith.constant 0 : i32
      %dma_start3A_66 = arith.constant 0 : i32
      %dma_start3A_67 = tpu.memref_slice %arg4[%run_scoped3A_46, %add3A, %run_scoped3A_47, %dma_start3A_65, %dma_start3A_66] : memref<2x32x5x25x80xi32, #tpu.memory_space<hbm>> -> memref<1x1x1x25x80xi32, #tpu.memory_space<hbm>>
      %dma_start3A_68 = tpu.memref_squeeze %dma_start3A_67 : memref<1x1x1x25x80xi32, #tpu.memory_space<hbm>> -> memref<25x80xi32, #tpu.memory_space<hbm>>
      tpu.enqueue_dma source(%dma_start3A_68 : memref<25x80xi32, #tpu.memory_space<hbm>>) target(%arg11 : memref<25x80xi32, #tpu.memory_space<vmem>>) target_semaphore(%run_scoped3A_61 : memref<!tpu.dma_semaphore, #tpu.memory_space<semaphore_mem>>)
      %dma_wait3A = arith.constant 0 : i32
      %dma_wait3A_69 = arith.constant 0 : i32
      %dma_wait3A_70 = tpu.memref_slice %arg4[%run_scoped3A_46, %add3A, %run_scoped3A_47, %dma_wait3A, %dma_wait3A_69] : memref<2x32x5x25x80xi32, #tpu.memory_space<hbm>> -> memref<1x1x1x25x80xi32, #tpu.memory_space<hbm>>
      %dma_wait3A_71 = tpu.memref_squeeze %dma_wait3A_70 : memref<1x1x1x25x80xi32, #tpu.memory_space<hbm>> -> memref<25x80xi32, #tpu.memory_space<hbm>>
      %dma_wait3A_72 = arith.constant 0 : i32
      %dma_wait3A_73 = arith.constant 0 : i32
      %dma_wait3A_74 = tpu.memref_slice %arg4[%run_scoped3A_46, %add3A, %run_scoped3A_47, %dma_wait3A_72, %dma_wait3A_73] : memref<2x32x5x25x80xi32, #tpu.memory_space<hbm>> -> memref<1x1x1x25x80xi32, #tpu.memory_space<hbm>>
      %dma_wait3A_75 = tpu.memref_squeeze %dma_wait3A_74 : memref<1x1x1x25x80xi32, #tpu.memory_space<hbm>> -> memref<25x80xi32, #tpu.memory_space<hbm>>
      tpu.wait_dma2 semaphore(%run_scoped3A_61 : memref<!tpu.dma_semaphore, #tpu.memory_space<semaphore_mem>>) src(%dma_wait3A_75 : memref<25x80xi32, #tpu.memory_space<hbm>>) dst(%arg11 : memref<25x80xi32, #tpu.memory_space<vmem>>)
      tpu.yield
    }) : () -> ()
    %run_scoped3A_48 = arith.constant 1 : i32
    %run_scoped3A_49 = arith.constant 4 : i32
    "tpu.region"() ({
      %run_scoped3A_61 = tpu.sem_alloc : memref<!tpu.dma_semaphore, #tpu.memory_space<semaphore_mem>>
      %dma_start3A = arith.constant 0 : i32
      %dma_start3A_62 = arith.constant 0 : i32
      %dma_start3A_63 = tpu.memref_slice %arg4[%run_scoped3A_48, %add3A, %run_scoped3A_49, %dma_start3A, %dma_start3A_62] : memref<2x32x5x25x80xi32, #tpu.memory_space<hbm>> -> memref<1x1x1x25x80xi32, #tpu.memory_space<hbm>>
      %dma_start3A_64 = tpu.memref_squeeze %dma_start3A_63 : memref<1x1x1x25x80xi32, #tpu.memory_space<hbm>> -> memref<25x80xi32, #tpu.memory_space<hbm>>
      %dma_start3A_65 = arith.constant 0 : i32
      %dma_start3A_66 = arith.constant 0 : i32
      %dma_start3A_67 = tpu.memref_slice %arg4[%run_scoped3A_48, %add3A, %run_scoped3A_49, %dma_start3A_65, %dma_start3A_66] : memref<2x32x5x25x80xi32, #tpu.memory_space<hbm>> -> memref<1x1x1x25x80xi32, #tpu.memory_space<hbm>>
      %dma_start3A_68 = tpu.memref_squeeze %dma_start3A_67 : memref<1x1x1x25x80xi32, #tpu.memory_space<hbm>> -> memref<25x80xi32, #tpu.memory_space<hbm>>
      tpu.enqueue_dma source(%dma_start3A_68 : memref<25x80xi32, #tpu.memory_space<hbm>>) target(%arg12 : memref<25x80xi32, #tpu.memory_space<vmem>>) target_semaphore(%run_scoped3A_61 : memref<!tpu.dma_semaphore, #tpu.memory_space<semaphore_mem>>)
      %dma_wait3A = arith.constant 0 : i32
      %dma_wait3A_69 = arith.constant 0 : i32
      %dma_wait3A_70 = tpu.memref_slice %arg4[%run_scoped3A_48, %add3A, %run_scoped3A_49, %dma_wait3A, %dma_wait3A_69] : memref<2x32x5x25x80xi32, #tpu.memory_space<hbm>> -> memref<1x1x1x25x80xi32, #tpu.memory_space<hbm>>
      %dma_wait3A_71 = tpu.memref_squeeze %dma_wait3A_70 : memref<1x1x1x25x80xi32, #tpu.memory_space<hbm>> -> memref<25x80xi32, #tpu.memory_space<hbm>>
      %dma_wait3A_72 = arith.constant 0 : i32
      %dma_wait3A_73 = arith.constant 0 : i32
      %dma_wait3A_74 = tpu.memref_slice %arg4[%run_scoped3A_48, %add3A, %run_scoped3A_49, %dma_wait3A_72, %dma_wait3A_73] : memref<2x32x5x25x80xi32, #tpu.memory_space<hbm>> -> memref<1x1x1x25x80xi32, #tpu.memory_space<hbm>>
      %dma_wait3A_75 = tpu.memref_squeeze %dma_wait3A_74 : memref<1x1x1x25x80xi32, #tpu.memory_space<hbm>> -> memref<25x80xi32, #tpu.memory_space<hbm>>
      tpu.wait_dma2 semaphore(%run_scoped3A_61 : memref<!tpu.dma_semaphore, #tpu.memory_space<semaphore_mem>>) src(%dma_wait3A_75 : memref<25x80xi32, #tpu.memory_space<hbm>>) dst(%arg12 : memref<25x80xi32, #tpu.memory_space<vmem>>)
      tpu.yield
    }) : () -> ()
    %scan3A_50 = arith.constant 0 : i32
    %scan3A_51 = arith.constant 0 : i32
    %scan3A_52 = arith.constant 25 : i32
    %scan3A_53 = arith.addi %scan3A_51, %scan3A_52 : i32
    %scan3A_54 = arith.constant 1 : i32
    scf.for %scan3A_61 = %scan3A_51 to %scan3A_53 step %scan3A_54  : i32 {
      %mul3A_62 = arith.constant 80 : i32
      %mul3A_63 = arith.muli %scan3A_61, %mul3A_62 : i32
      %add3A_64 = arith.constant 8000 : i32
      %add3A_65 = arith.addi %add3A_64, %mul3A_63 : i32
      %multiple_of3A = tpu.assume_multiple %add3A_65, 8 : i32
      %add3A_66 = arith.constant 0 : i32
      %add3A_67 = arith.addi %multiple_of3A, %add3A_66 : i32
      %get3A_68 = arith.index_cast %scan3A_61 : i32 to index
      %get3A_69 = arith.constant 0 : index
      %get3A_70 = tpu.vector_load %arg11[%get3A_68, %get3A_69] {strides = array<i32>} : memref<25x80xi32, #tpu.memory_space<vmem>>, vector<16xi32>,
      %get3A_71 = arith.index_cast %scan3A_61 : i32 to index
      %get3A_72 = arith.constant 0 : index
      %get3A_73 = tpu.vector_load %arg12[%get3A_71, %get3A_72] {strides = array<i32>} : memref<25x80xi32, #tpu.memory_space<vmem>>, vector<16xi32>,
      %gather3A = tpu.vector_load_idx %arg9[%get3A_70] : memref<10240xf32, #tpu.memory_space<vmem>>[vector<16xi32>], vector<16xf32>,
      %gather3A_74 = tpu.vector_load_idx %arg10[%get3A_73] : memref<10240xf32, #tpu.memory_space<vmem>>[vector<16xi32>], vector<16xf32>,
      %add3A_75 = arith.addf %gather3A, %gather3A_74 : vector<16xf32>
      %gt3A = arith.constant 0.000000e+00 : f32
      %gt3A_76 = vector.broadcast %gt3A : f32 to vector<16xf32>
      %gt3A_77 = arith.cmpf ogt, %add3A_75, %gt3A_76 : vector<16xf32>
      %mul3A_78 = arith.constant 2.000000e-01 : f32
      %mul3A_79 = vector.broadcast %mul3A_78 : f32 to vector<16xf32>
      %mul3A_80 = arith.mulf %mul3A_79, %add3A_75 : vector<16xf32>
      %select_n3A = arith.select %gt3A_77, %add3A_75, %mul3A_80 : vector<16xi1>, vector<16xf32>
      %sub3A = arith.subf %select_n3A, %get3A_7 : vector<16xf32>
      %exp3A = math.exp %sub3A : vector<16xf32>
      %swap3A = arith.index_cast %add3A_67 : i32 to index
      %swap3A_81 = tpu.vector_load %arg13[%swap3A] {strides = array<i32>} : memref<10000xf32, #tpu.memory_space<vmem>>, vector<16xf32>,
      tpu.vector_store %arg13[%swap3A], %exp3A {strides = array<i32>} : memref<10000xf32, #tpu.memory_space<vmem>>, vector<16xf32>,
      %add3A_82 = arith.constant 16 : i32
      %add3A_83 = arith.addi %multiple_of3A, %add3A_82 : i32
      %get3A_84 = arith.index_cast %scan3A_61 : i32 to index
      %get3A_85 = arith.constant 16 : index
      %get3A_86 = tpu.vector_load %arg11[%get3A_84, %get3A_85] {strides = array<i32>} : memref<25x80xi32, #tpu.memory_space<vmem>>, vector<16xi32>,
      %get3A_87 = arith.index_cast %scan3A_61 : i32 to index
      %get3A_88 = arith.constant 16 : index
      %get3A_89 = tpu.vector_load %arg12[%get3A_87, %get3A_88] {strides = array<i32>} : memref<25x80xi32, #tpu.memory_space<vmem>>, vector<16xi32>,
      %gather3A_90 = tpu.vector_load_idx %arg9[%get3A_86] : memref<10240xf32, #tpu.memory_space<vmem>>[vector<16xi32>], vector<16xf32>,
      %gather3A_91 = tpu.vector_load_idx %arg10[%get3A_89] : memref<10240xf32, #tpu.memory_space<vmem>>[vector<16xi32>], vector<16xf32>,
      %add3A_92 = arith.addf %gather3A_90, %gather3A_91 : vector<16xf32>
      %gt3A_93 = arith.constant 0.000000e+00 : f32
      %gt3A_94 = vector.broadcast %gt3A_93 : f32 to vector<16xf32>
      %gt3A_95 = arith.cmpf ogt, %add3A_92, %gt3A_94 : vector<16xf32>
      %mul3A_96 = arith.constant 2.000000e-01 : f32
      %mul3A_97 = vector.broadcast %mul3A_96 : f32 to vector<16xf32>
      %mul3A_98 = arith.mulf %mul3A_97, %add3A_92 : vector<16xf32>
      %select_n3A_99 = arith.select %gt3A_95, %add3A_92, %mul3A_98 : vector<16xi1>, vector<16xf32>
      %sub3A_100 = arith.subf %select_n3A_99, %get3A_7 : vector<16xf32>
      %exp3A_101 = math.exp %sub3A_100 : vector<16xf32>
      %swap3A_102 = arith.index_cast %add3A_83 : i32 to index
      %swap3A_103 = tpu.vector_load %arg13[%swap3A_102] {strides = array<i32>} : memref<10000xf32, #tpu.memory_space<vmem>>, vector<16xf32>,
      tpu.vector_store %arg13[%swap3A_102], %exp3A_101 {strides = array<i32>} : memref<10000xf32, #tpu.memory_space<vmem>>, vector<16xf32>,
      %add3A_104 = arith.constant 32 : i32
      %add3A_105 = arith.addi %multiple_of3A, %add3A_104 : i32
      %get3A_106 = arith.index_cast %scan3A_61 : i32 to index
      %get3A_107 = arith.constant 32 : index
      %get3A_108 = tpu.vector_load %arg11[%get3A_106, %get3A_107] {strides = array<i32>} : memref<25x80xi32, #tpu.memory_space<vmem>>, vector<16xi32>,
      %get3A_109 = arith.index_cast %scan3A_61 : i32 to index
      %get3A_110 = arith.constant 32 : index
      %get3A_111 = tpu.vector_load %arg12[%get3A_109, %get3A_110] {strides = array<i32>} : memref<25x80xi32, #tpu.memory_space<vmem>>, vector<16xi32>,
      %gather3A_112 = tpu.vector_load_idx %arg9[%get3A_108] : memref<10240xf32, #tpu.memory_space<vmem>>[vector<16xi32>], vector<16xf32>,
      %gather3A_113 = tpu.vector_load_idx %arg10[%get3A_111] : memref<10240xf32, #tpu.memory_space<vmem>>[vector<16xi32>], vector<16xf32>,
      %add3A_114 = arith.addf %gather3A_112, %gather3A_113 : vector<16xf32>
      %gt3A_115 = arith.constant 0.000000e+00 : f32
      %gt3A_116 = vector.broadcast %gt3A_115 : f32 to vector<16xf32>
      %gt3A_117 = arith.cmpf ogt, %add3A_114, %gt3A_116 : vector<16xf32>
      %mul3A_118 = arith.constant 2.000000e-01 : f32
      %mul3A_119 = vector.broadcast %mul3A_118 : f32 to vector<16xf32>
      %mul3A_120 = arith.mulf %mul3A_119, %add3A_114 : vector<16xf32>
      %select_n3A_121 = arith.select %gt3A_117, %add3A_114, %mul3A_120 : vector<16xi1>, vector<16xf32>
      %sub3A_122 = arith.subf %select_n3A_121, %get3A_7 : vector<16xf32>
      %exp3A_123 = math.exp %sub3A_122 : vector<16xf32>
      %swap3A_124 = arith.index_cast %add3A_105 : i32 to index
      %swap3A_125 = tpu.vector_load %arg13[%swap3A_124] {strides = array<i32>} : memref<10000xf32, #tpu.memory_space<vmem>>, vector<16xf32>,
      tpu.vector_store %arg13[%swap3A_124], %exp3A_123 {strides = array<i32>} : memref<10000xf32, #tpu.memory_space<vmem>>, vector<16xf32>,
      %add3A_126 = arith.constant 48 : i32
      %add3A_127 = arith.addi %multiple_of3A, %add3A_126 : i32
      %get3A_128 = arith.index_cast %scan3A_61 : i32 to index
      %get3A_129 = arith.constant 48 : index
      %get3A_130 = tpu.vector_load %arg11[%get3A_128, %get3A_129] {strides = array<i32>} : memref<25x80xi32, #tpu.memory_space<vmem>>, vector<16xi32>,
      %get3A_131 = arith.index_cast %scan3A_61 : i32 to index
      %get3A_132 = arith.constant 48 : index
      %get3A_133 = tpu.vector_load %arg12[%get3A_131, %get3A_132] {strides = array<i32>} : memref<25x80xi32, #tpu.memory_space<vmem>>, vector<16xi32>,
      %gather3A_134 = tpu.vector_load_idx %arg9[%get3A_130] : memref<10240xf32, #tpu.memory_space<vmem>>[vector<16xi32>], vector<16xf32>,
      %gather3A_135 = tpu.vector_load_idx %arg10[%get3A_133] : memref<10240xf32, #tpu.memory_space<vmem>>[vector<16xi32>], vector<16xf32>,
      %add3A_136 = arith.addf %gather3A_134, %gather3A_135 : vector<16xf32>
      %gt3A_137 = arith.constant 0.000000e+00 : f32
      %gt3A_138 = vector.broadcast %gt3A_137 : f32 to vector<16xf32>
      %gt3A_139 = arith.cmpf ogt, %add3A_136, %gt3A_138 : vector<16xf32>
      %mul3A_140 = arith.constant 2.000000e-01 : f32
      %mul3A_141 = vector.broadcast %mul3A_140 : f32 to vector<16xf32>
      %mul3A_142 = arith.mulf %mul3A_141, %add3A_136 : vector<16xf32>
      %select_n3A_143 = arith.select %gt3A_139, %add3A_136, %mul3A_142 : vector<16xi1>, vector<16xf32>
      %sub3A_144 = arith.subf %select_n3A_143, %get3A_7 : vector<16xf32>
      %exp3A_145 = math.exp %sub3A_144 : vector<16xf32>
      %swap3A_146 = arith.index_cast %add3A_127 : i32 to index
      %swap3A_147 = tpu.vector_load %arg13[%swap3A_146] {strides = array<i32>} : memref<10000xf32, #tpu.memory_space<vmem>>, vector<16xf32>,
      tpu.vector_store %arg13[%swap3A_146], %exp3A_145 {strides = array<i32>} : memref<10000xf32, #tpu.memory_space<vmem>>, vector<16xf32>,
      %add3A_148 = arith.constant 64 : i32
      %add3A_149 = arith.addi %multiple_of3A, %add3A_148 : i32
      %get3A_150 = arith.index_cast %scan3A_61 : i32 to index
      %get3A_151 = arith.constant 64 : index
      %get3A_152 = tpu.vector_load %arg11[%get3A_150, %get3A_151] {strides = array<i32>} : memref<25x80xi32, #tpu.memory_space<vmem>>, vector<16xi32>,
      %get3A_153 = arith.index_cast %scan3A_61 : i32 to index
      %get3A_154 = arith.constant 64 : index
      %get3A_155 = tpu.vector_load %arg12[%get3A_153, %get3A_154] {strides = array<i32>} : memref<25x80xi32, #tpu.memory_space<vmem>>, vector<16xi32>,
      %gather3A_156 = tpu.vector_load_idx %arg9[%get3A_152] : memref<10240xf32, #tpu.memory_space<vmem>>[vector<16xi32>], vector<16xf32>,
      %gather3A_157 = tpu.vector_load_idx %arg10[%get3A_155] : memref<10240xf32, #tpu.memory_space<vmem>>[vector<16xi32>], vector<16xf32>,
      %add3A_158 = arith.addf %gather3A_156, %gather3A_157 : vector<16xf32>
      %gt3A_159 = arith.constant 0.000000e+00 : f32
      %gt3A_160 = vector.broadcast %gt3A_159 : f32 to vector<16xf32>
      %gt3A_161 = arith.cmpf ogt, %add3A_158, %gt3A_160 : vector<16xf32>
      %mul3A_162 = arith.constant 2.000000e-01 : f32
      %mul3A_163 = vector.broadcast %mul3A_162 : f32 to vector<16xf32>
      %mul3A_164 = arith.mulf %mul3A_163, %add3A_158 : vector<16xf32>
      %select_n3A_165 = arith.select %gt3A_161, %add3A_158, %mul3A_164 : vector<16xi1>, vector<16xf32>
      %sub3A_166 = arith.subf %select_n3A_165, %get3A_7 : vector<16xf32>
      %exp3A_167 = math.exp %sub3A_166 : vector<16xf32>
      %swap3A_168 = arith.index_cast %add3A_149 : i32 to index
      %swap3A_169 = tpu.vector_load %arg13[%swap3A_168] {strides = array<i32>} : memref<10000xf32, #tpu.memory_space<vmem>>, vector<16xf32>,
      tpu.vector_store %arg13[%swap3A_168], %exp3A_167 {strides = array<i32>} : memref<10000xf32, #tpu.memory_space<vmem>>, vector<16xf32>,
      "tpu.region"() ({
        %run_scoped3A_170 = tpu.sem_alloc : memref<!tpu.dma_semaphore, #tpu.memory_space<semaphore_mem>>
        %dma_start3A = tpu.memref_slice %arg13[%multiple_of3A] : memref<10000xf32, #tpu.memory_space<vmem>> -> memref<80xf32, #tpu.memory_space<vmem>>
        %dma_start3A_171 = arith.constant 0 : i32
        %dma_start3A_172 = tpu.memref_slice %arg12[%scan3A_61, %dma_start3A_171] : memref<25x80xi32, #tpu.memory_space<vmem>> -> memref<1x80xi32, #tpu.memory_space<vmem>>
        %dma_start3A_173 = tpu.memref_squeeze %dma_start3A_172 : memref<1x80xi32, #tpu.memory_space<vmem>> -> memref<80xi32, #tpu.memory_space<vmem>>
        %dma_start3A_174 = arith.constant 0 : i32
        %dma_start3A_175 = tpu.memref_slice %arg15[%dma_start3A_174] : memref<10240xf32, #tpu.memory_space<vmem_shared>> -> memref<10240xf32, #tpu.memory_space<vmem_shared>>
        tpu.enqueue_indirect_dma source(%dma_start3A : memref<80xf32, #tpu.memory_space<vmem>>) target(%dma_start3A_175 : memref<10240xf32, #tpu.memory_space<vmem_shared>>) offsets(%dma_start3A_173 : memref<80xi32, #tpu.memory_space<vmem>>) semaphore(%run_scoped3A_170 : memref<!tpu.dma_semaphore, #tpu.memory_space<semaphore_mem>>) {add = true}
        %dma_wait3A = tpu.memref_slice %arg13[%multiple_of3A] : memref<10000xf32, #tpu.memory_space<vmem>> -> memref<80xf32, #tpu.memory_space<vmem>>
        %dma_wait3A_176 = arith.constant 0 : i32
        %dma_wait3A_177 = tpu.memref_slice %arg12[%scan3A_61, %dma_wait3A_176] : memref<25x80xi32, #tpu.memory_space<vmem>> -> memref<1x80xi32, #tpu.memory_space<vmem>>
        %dma_wait3A_178 = tpu.memref_squeeze %dma_wait3A_177 : memref<1x80xi32, #tpu.memory_space<vmem>> -> memref<80xi32, #tpu.memory_space<vmem>>
        %dma_wait3A_179 = arith.constant 0 : i32
        %dma_wait3A_180 = tpu.memref_slice %arg15[%dma_wait3A_179] : memref<10240xf32, #tpu.memory_space<vmem_shared>> -> memref<10240xf32, #tpu.memory_space<vmem_shared>>
        tpu.wait_indirect_dma semaphore(%run_scoped3A_170 : memref<!tpu.dma_semaphore, #tpu.memory_space<semaphore_mem>>) src(%dma_wait3A : memref<80xf32, #tpu.memory_space<vmem>>) dst(%dma_wait3A_180 : memref<10240xf32, #tpu.memory_space<vmem_shared>>)
        tpu.yield
      }) : () -> ()
    }
    %scan3A_55 = arith.constant 25 : i32
    "tpu.region"() ({
      %run_scoped3A_61 = tpu.sem_alloc : memref<!tpu.dma_semaphore, #tpu.memory_space<semaphore_mem>>
      %dma_start3A = tpu.memref_slice %arg7[%mul3A_2] : memref<320000xf32, #tpu.memory_space<hbm>> -> memref<10000xf32, #tpu.memory_space<hbm>>
      %dma_start3A_62 = tpu.memref_slice %arg7[%mul3A_2] : memref<320000xf32, #tpu.memory_space<hbm>> -> memref<10000xf32, #tpu.memory_space<hbm>>
      tpu.enqueue_dma source(%arg13 : memref<10000xf32, #tpu.memory_space<vmem>>) target(%dma_start3A_62 : memref<10000xf32, #tpu.memory_space<hbm>>) target_semaphore(%run_scoped3A_61 : memref<!tpu.dma_semaphore, #tpu.memory_space<semaphore_mem>>)
      %dma_wait3A = tpu.memref_slice %arg7[%mul3A_2] : memref<320000xf32, #tpu.memory_space<hbm>> -> memref<10000xf32, #tpu.memory_space<hbm>>
      %dma_wait3A_63 = tpu.memref_slice %arg7[%mul3A_2] : memref<320000xf32, #tpu.memory_space<hbm>> -> memref<10000xf32, #tpu.memory_space<hbm>>
      tpu.wait_dma2 semaphore(%run_scoped3A_61 : memref<!tpu.dma_semaphore, #tpu.memory_space<semaphore_mem>>) src(%arg13 : memref<10000xf32, #tpu.memory_space<vmem>>) dst(%dma_wait3A_63 : memref<10000xf32, #tpu.memory_space<hbm>>)
      tpu.yield
    }) : () -> ()
    %barrier3A_56 = arith.constant 0 : index
    tpu.barrier barrier_id(%barrier3A_56)
    %mul3A_57 = arith.constant 640 : i32
    %mul3A_58 = arith.muli %arg1, %mul3A_57 : i32
    %mul3A_59 = arith.constant 640 : i32
    %mul3A_60 = arith.muli %arg1, %mul3A_59 : i32
    "tpu.region"() ({
      %run_scoped3A_61 = tpu.sem_alloc : memref<!tpu.dma_semaphore, #tpu.memory_space<semaphore_mem>>
      %dma_start3A = tpu.memref_slice %arg8[%arg0, %mul3A_60] : memref<2x10240xf32, #tpu.memory_space<hbm>> -> memref<1x640xf32, #tpu.memory_space<hbm>>
      %dma_start3A_62 = tpu.memref_squeeze %dma_start3A : memref<1x640xf32, #tpu.memory_space<hbm>> -> memref<640xf32, #tpu.memory_space<hbm>>
      %dma_start3A_63 = tpu.memref_slice %arg15[%mul3A_58] : memref<10240xf32, #tpu.memory_space<vmem_shared>> -> memref<640xf32, #tpu.memory_space<vmem_shared>>
      tpu.enqueue_dma source(%dma_start3A_63 : memref<640xf32, #tpu.memory_space<vmem_shared>>) target(%dma_start3A_62 : memref<640xf32, #tpu.memory_space<hbm>>) target_semaphore(%run_scoped3A_61 : memref<!tpu.dma_semaphore, #tpu.memory_space<semaphore_mem>>)
      %dma_wait3A = tpu.memref_slice %arg8[%arg0, %mul3A_60] : memref<2x10240xf32, #tpu.memory_space<hbm>> -> memref<1x640xf32, #tpu.memory_space<hbm>>
      %dma_wait3A_64 = tpu.memref_squeeze %dma_wait3A : memref<1x640xf32, #tpu.memory_space<hbm>> -> memref<640xf32, #tpu.memory_space<hbm>>
      %dma_wait3A_65 = tpu.memref_slice %arg15[%mul3A_58] : memref<10240xf32, #tpu.memory_space<vmem_shared>> -> memref<640xf32, #tpu.memory_space<vmem_shared>>
      tpu.wait_dma2 semaphore(%run_scoped3A_61 : memref<!tpu.dma_semaphore, #tpu.memory_space<semaphore_mem>>) src(%dma_wait3A_65 : memref<640xf32, #tpu.memory_space<vmem_shared>>) dst(%dma_wait3A_64 : memref<640xf32, #tpu.memory_space<hbm>>)
      tpu.yield
    }) : () -> ()
    return
  }
}

#map = affine_map<(d0, d1) -> (0, 0)>
#map1 = affine_map<(d0, d1) -> (0, 0, 0, 0, 0)>
#map2 = affine_map<(d0, d1) -> (0)>
#map3 = affine_map<(d0, d1) -> (0, 0, 0)>
module attributes {stable_mosaic.version = 14 : i64} {
  func.func @_e2(%arg0: i32, %arg1: i32, %arg2: memref<10000x128xf32, #tpu.memory_space<hbm>>, %arg3: memref<2x32x5x25x80xi32, #tpu.memory_space<hbm>>, %arg4: memref<320000xf32, #tpu.memory_space<hbm>>, %arg5: memref<2x10240xf32, #tpu.memory_space<hbm>>, %arg6: memref<2x10240x128xf32, #tpu.memory_space<hbm>>, %arg7: memref<25x80xi32, #tpu.memory_space<vmem>>, %arg8: memref<25x80xi32, #tpu.memory_space<vmem>>, %arg9: memref<2000xf32, #tpu.memory_space<vmem>>, %arg10: memref<10000xf32, #tpu.memory_space<vmem>>, %arg11: memref<80x128xf32, #tpu.memory_space<vmem>>, %arg12: memref<80x128xf32, #tpu.memory_space<vmem>>, %arg13: memref<10240x128xf32, #tpu.memory_space<vmem_shared>>, %arg14: memref<10240xf32, #tpu.memory_space<vmem_shared>>, %arg15: memref<!tpu.dma_semaphore, #tpu.memory_space<semaphore_mem>>, %arg16: memref<!tpu.dma_semaphore, #tpu.memory_space<semaphore_mem>>, %arg17: memref<!tpu.dma_semaphore, #tpu.memory_space<semaphore_mem>>) attributes {dimension_semantics = [#tpu.dimension_semantics<core_parallel>, #tpu.dimension_semantics<subcore_parallel>], iteration_bounds = array<i64: 2, 16>, scalar_prefetch = 0 : i64, scratch_operands = 11 : i64, tpu.core_type = #tpu.core_type<sc_vector_subcore>, window_params = [{transform_indices = #map}, {transform_indices = #map1}, {transform_indices = #map2}, {transform_indices = #map}, {transform_indices = #map3}]} {
    %mul3A = arith.constant 2 : i32
    %mul3A_0 = arith.muli %arg1, %mul3A : i32
    %add3A = arith.addi %mul3A_0, %arg0 : i32
    %mul3A_1 = arith.constant 10000 : i32
    %mul3A_2 = arith.muli %add3A, %mul3A_1 : i32
    %mul3A_3 = arith.constant 640 : i32
    %mul3A_4 = arith.muli %arg1, %mul3A_3 : i32
    %run_scoped3A = arith.constant 0 : i32
    "tpu.region"() ({
      %run_scoped3A_65 = tpu.sem_alloc : memref<!tpu.dma_semaphore, #tpu.memory_space<semaphore_mem>>
      %dma_start3A = arith.constant 0 : i32
      %dma_start3A_66 = tpu.memref_slice %arg9[%dma_start3A] : memref<2000xf32, #tpu.memory_space<vmem>> -> memref<640xf32, #tpu.memory_space<vmem>>
      %dma_start3A_67 = tpu.memref_slice %arg5[%run_scoped3A, %mul3A_4] : memref<2x10240xf32, #tpu.memory_space<hbm>> -> memref<1x640xf32, #tpu.memory_space<hbm>>
      %dma_start3A_68 = tpu.memref_squeeze %dma_start3A_67 : memref<1x640xf32, #tpu.memory_space<hbm>> -> memref<640xf32, #tpu.memory_space<hbm>>
      %dma_start3A_69 = arith.constant 0 : i32
      %dma_start3A_70 = tpu.memref_slice %arg9[%dma_start3A_69] : memref<2000xf32, #tpu.memory_space<vmem>> -> memref<640xf32, #tpu.memory_space<vmem>>
      %dma_start3A_71 = tpu.memref_slice %arg5[%run_scoped3A, %mul3A_4] : memref<2x10240xf32, #tpu.memory_space<hbm>> -> memref<1x640xf32, #tpu.memory_space<hbm>>
      %dma_start3A_72 = tpu.memref_squeeze %dma_start3A_71 : memref<1x640xf32, #tpu.memory_space<hbm>> -> memref<640xf32, #tpu.memory_space<hbm>>
      tpu.enqueue_dma source(%dma_start3A_72 : memref<640xf32, #tpu.memory_space<hbm>>) target(%dma_start3A_70 : memref<640xf32, #tpu.memory_space<vmem>>) target_semaphore(%run_scoped3A_65 : memref<!tpu.dma_semaphore, #tpu.memory_space<semaphore_mem>>)
      %dma_wait3A = arith.constant 0 : i32
      %dma_wait3A_73 = tpu.memref_slice %arg9[%dma_wait3A] : memref<2000xf32, #tpu.memory_space<vmem>> -> memref<640xf32, #tpu.memory_space<vmem>>
      %dma_wait3A_74 = tpu.memref_slice %arg5[%run_scoped3A, %mul3A_4] : memref<2x10240xf32, #tpu.memory_space<hbm>> -> memref<1x640xf32, #tpu.memory_space<hbm>>
      %dma_wait3A_75 = tpu.memref_squeeze %dma_wait3A_74 : memref<1x640xf32, #tpu.memory_space<hbm>> -> memref<640xf32, #tpu.memory_space<hbm>>
      %dma_wait3A_76 = arith.constant 0 : i32
      %dma_wait3A_77 = tpu.memref_slice %arg9[%dma_wait3A_76] : memref<2000xf32, #tpu.memory_space<vmem>> -> memref<640xf32, #tpu.memory_space<vmem>>
      %dma_wait3A_78 = tpu.memref_slice %arg5[%run_scoped3A, %mul3A_4] : memref<2x10240xf32, #tpu.memory_space<hbm>> -> memref<1x640xf32, #tpu.memory_space<hbm>>
      %dma_wait3A_79 = tpu.memref_squeeze %dma_wait3A_78 : memref<1x640xf32, #tpu.memory_space<hbm>> -> memref<640xf32, #tpu.memory_space<hbm>>
      tpu.wait_dma2 semaphore(%run_scoped3A_65 : memref<!tpu.dma_semaphore, #tpu.memory_space<semaphore_mem>>) src(%dma_wait3A_79 : memref<640xf32, #tpu.memory_space<hbm>>) dst(%dma_wait3A_77 : memref<640xf32, #tpu.memory_space<vmem>>)
      tpu.yield
    }) : () -> ()
    %mul3A_5 = arith.constant 640 : i32
    %mul3A_6 = arith.muli %arg1, %mul3A_5 : i32
    %run_scoped3A_7 = arith.constant 1 : i32
    "tpu.region"() ({
      %run_scoped3A_65 = tpu.sem_alloc : memref<!tpu.dma_semaphore, #tpu.memory_space<semaphore_mem>>
      %dma_start3A = arith.constant 640 : i32
      %dma_start3A_66 = tpu.memref_slice %arg9[%dma_start3A] : memref<2000xf32, #tpu.memory_space<vmem>> -> memref<640xf32, #tpu.memory_space<vmem>>
      %dma_start3A_67 = tpu.memref_slice %arg5[%run_scoped3A_7, %mul3A_6] : memref<2x10240xf32, #tpu.memory_space<hbm>> -> memref<1x640xf32, #tpu.memory_space<hbm>>
      %dma_start3A_68 = tpu.memref_squeeze %dma_start3A_67 : memref<1x640xf32, #tpu.memory_space<hbm>> -> memref<640xf32, #tpu.memory_space<hbm>>
      %dma_start3A_69 = arith.constant 640 : i32
      %dma_start3A_70 = tpu.memref_slice %arg9[%dma_start3A_69] : memref<2000xf32, #tpu.memory_space<vmem>> -> memref<640xf32, #tpu.memory_space<vmem>>
      %dma_start3A_71 = tpu.memref_slice %arg5[%run_scoped3A_7, %mul3A_6] : memref<2x10240xf32, #tpu.memory_space<hbm>> -> memref<1x640xf32, #tpu.memory_space<hbm>>
      %dma_start3A_72 = tpu.memref_squeeze %dma_start3A_71 : memref<1x640xf32, #tpu.memory_space<hbm>> -> memref<640xf32, #tpu.memory_space<hbm>>
      tpu.enqueue_dma source(%dma_start3A_72 : memref<640xf32, #tpu.memory_space<hbm>>) target(%dma_start3A_70 : memref<640xf32, #tpu.memory_space<vmem>>) target_semaphore(%run_scoped3A_65 : memref<!tpu.dma_semaphore, #tpu.memory_space<semaphore_mem>>)
      %dma_wait3A = arith.constant 640 : i32
      %dma_wait3A_73 = tpu.memref_slice %arg9[%dma_wait3A] : memref<2000xf32, #tpu.memory_space<vmem>> -> memref<640xf32, #tpu.memory_space<vmem>>
      %dma_wait3A_74 = tpu.memref_slice %arg5[%run_scoped3A_7, %mul3A_6] : memref<2x10240xf32, #tpu.memory_space<hbm>> -> memref<1x640xf32, #tpu.memory_space<hbm>>
      %dma_wait3A_75 = tpu.memref_squeeze %dma_wait3A_74 : memref<1x640xf32, #tpu.memory_space<hbm>> -> memref<640xf32, #tpu.memory_space<hbm>>
      %dma_wait3A_76 = arith.constant 640 : i32
      %dma_wait3A_77 = tpu.memref_slice %arg9[%dma_wait3A_76] : memref<2000xf32, #tpu.memory_space<vmem>> -> memref<640xf32, #tpu.memory_space<vmem>>
      %dma_wait3A_78 = tpu.memref_slice %arg5[%run_scoped3A_7, %mul3A_6] : memref<2x10240xf32, #tpu.memory_space<hbm>> -> memref<1x640xf32, #tpu.memory_space<hbm>>
      %dma_wait3A_79 = tpu.memref_squeeze %dma_wait3A_78 : memref<1x640xf32, #tpu.memory_space<hbm>> -> memref<640xf32, #tpu.memory_space<hbm>>
      tpu.wait_dma2 semaphore(%run_scoped3A_65 : memref<!tpu.dma_semaphore, #tpu.memory_space<semaphore_mem>>) src(%dma_wait3A_79 : memref<640xf32, #tpu.memory_space<hbm>>) dst(%dma_wait3A_77 : memref<640xf32, #tpu.memory_space<vmem>>)
      tpu.yield
    }) : () -> ()
    %scan3A = arith.constant 0 : i32
    %scan3A_8 = arith.constant 0 : i32
    %scan3A_9 = arith.constant 40 : i32
    %scan3A_10 = arith.addi %scan3A_8, %scan3A_9 : i32
    %scan3A_11 = arith.constant 1 : i32
    scf.for %scan3A_65 = %scan3A_8 to %scan3A_10 step %scan3A_11  : i32 {
      %mul3A_66 = arith.constant 16 : i32
      %mul3A_67 = arith.muli %scan3A_65, %mul3A_66 : i32
      %multiple_of3A = tpu.assume_multiple %mul3A_67, 8 : i32
      %get3A = arith.index_cast %multiple_of3A : i32 to index
      %get3A_68 = tpu.vector_load %arg9[%get3A] {strides = array<i32>} : memref<2000xf32, #tpu.memory_space<vmem>>, vector<16xf32>,
      %add3A_69 = arith.constant 640 : i32
      %add3A_70 = arith.addi %add3A_69, %multiple_of3A : i32
      %get3A_71 = arith.index_cast %add3A_70 : i32 to index
      %get3A_72 = tpu.vector_load %arg9[%get3A_71] {strides = array<i32>} : memref<2000xf32, #tpu.memory_space<vmem>>, vector<16xf32>,
      %add3A_73 = arith.addf %get3A_68, %get3A_72 : vector<16xf32>
      %div3A = arith.constant 1.000000e+00 : f32
      %div3A_74 = vector.broadcast %div3A : f32 to vector<16xf32>
      %div3A_75 = arith.divf %div3A_74, %add3A_73 : vector<16xf32>
      %swap3A = arith.index_cast %multiple_of3A : i32 to index
      %swap3A_76 = tpu.vector_load %arg9[%swap3A] {strides = array<i32>} : memref<2000xf32, #tpu.memory_space<vmem>>, vector<16xf32>,
      tpu.vector_store %arg9[%swap3A], %div3A_75 {strides = array<i32>} : memref<2000xf32, #tpu.memory_space<vmem>>, vector<16xf32>,
    }
    %scan3A_12 = arith.constant 40 : i32
    %mul3A_13 = arith.constant 640 : i32
    %mul3A_14 = arith.muli %arg1, %mul3A_13 : i32
    "tpu.region"() ({
      %run_scoped3A_65 = tpu.sem_alloc : memref<!tpu.dma_semaphore, #tpu.memory_space<semaphore_mem>>
      %dma_start3A = arith.constant 0 : i32
      %dma_start3A_66 = tpu.memref_slice %arg9[%dma_start3A] : memref<2000xf32, #tpu.memory_space<vmem>> -> memref<640xf32, #tpu.memory_space<vmem>>
      %dma_start3A_67 = tpu.memref_slice %arg14[%mul3A_14] : memref<10240xf32, #tpu.memory_space<vmem_shared>> -> memref<640xf32, #tpu.memory_space<vmem_shared>>
      %dma_start3A_68 = tpu.memref_slice %arg14[%mul3A_14] : memref<10240xf32, #tpu.memory_space<vmem_shared>> -> memref<640xf32, #tpu.memory_space<vmem_shared>>
      %dma_start3A_69 = arith.constant 0 : i32
      %dma_start3A_70 = tpu.memref_slice %arg9[%dma_start3A_69] : memref<2000xf32, #tpu.memory_space<vmem>> -> memref<640xf32, #tpu.memory_space<vmem>>
      tpu.enqueue_dma source(%dma_start3A_70 : memref<640xf32, #tpu.memory_space<vmem>>) target(%dma_start3A_68 : memref<640xf32, #tpu.memory_space<vmem_shared>>) target_semaphore(%run_scoped3A_65 : memref<!tpu.dma_semaphore, #tpu.memory_space<semaphore_mem>>)
      %dma_wait3A = arith.constant 0 : i32
      %dma_wait3A_71 = tpu.memref_slice %arg9[%dma_wait3A] : memref<2000xf32, #tpu.memory_space<vmem>> -> memref<640xf32, #tpu.memory_space<vmem>>
      %dma_wait3A_72 = tpu.memref_slice %arg14[%mul3A_14] : memref<10240xf32, #tpu.memory_space<vmem_shared>> -> memref<640xf32, #tpu.memory_space<vmem_shared>>
      %dma_wait3A_73 = tpu.memref_slice %arg14[%mul3A_14] : memref<10240xf32, #tpu.memory_space<vmem_shared>> -> memref<640xf32, #tpu.memory_space<vmem_shared>>
      %dma_wait3A_74 = arith.constant 0 : i32
      %dma_wait3A_75 = tpu.memref_slice %arg9[%dma_wait3A_74] : memref<2000xf32, #tpu.memory_space<vmem>> -> memref<640xf32, #tpu.memory_space<vmem>>
      tpu.wait_dma2 semaphore(%run_scoped3A_65 : memref<!tpu.dma_semaphore, #tpu.memory_space<semaphore_mem>>) src(%dma_wait3A_75 : memref<640xf32, #tpu.memory_space<vmem>>) dst(%dma_wait3A_73 : memref<640xf32, #tpu.memory_space<vmem_shared>>)
      tpu.yield
    }) : () -> ()
    %broadcast_in_dim3A = arith.constant 0.000000e+00 : f32
    %broadcast_in_dim3A_15 = vector.broadcast %broadcast_in_dim3A : f32 to vector<16xf32>
    %scan3A_16 = arith.constant 0 : i32
    %scan3A_17 = arith.constant 0 : i32
    %scan3A_18 = arith.constant 80 : i32
    %scan3A_19 = arith.addi %scan3A_17, %scan3A_18 : i32
    %scan3A_20 = arith.constant 1 : i32
    scf.for %scan3A_65 = %scan3A_17 to %scan3A_19 step %scan3A_20  : i32 {
      %swap3A = arith.index_cast %scan3A_65 : i32 to index
      %swap3A_66 = arith.constant 0 : index
      %swap3A_67 = tpu.vector_load %arg11[%swap3A, %swap3A_66] {strides = array<i32>} : memref<80x128xf32, #tpu.memory_space<vmem>>, vector<16xf32>,
      tpu.vector_store %arg11[%swap3A, %swap3A_66], %broadcast_in_dim3A_15 {strides = array<i32>} : memref<80x128xf32, #tpu.memory_space<vmem>>, vector<16xf32>,
      %swap3A_68 = arith.index_cast %scan3A_65 : i32 to index
      %swap3A_69 = arith.constant 16 : index
      %swap3A_70 = tpu.vector_load %arg11[%swap3A_68, %swap3A_69] {strides = array<i32>} : memref<80x128xf32, #tpu.memory_space<vmem>>, vector<16xf32>,
      tpu.vector_store %arg11[%swap3A_68, %swap3A_69], %broadcast_in_dim3A_15 {strides = array<i32>} : memref<80x128xf32, #tpu.memory_space<vmem>>, vector<16xf32>,
      %swap3A_71 = arith.index_cast %scan3A_65 : i32 to index
      %swap3A_72 = arith.constant 32 : index
      %swap3A_73 = tpu.vector_load %arg11[%swap3A_71, %swap3A_72] {strides = array<i32>} : memref<80x128xf32, #tpu.memory_space<vmem>>, vector<16xf32>,
      tpu.vector_store %arg11[%swap3A_71, %swap3A_72], %broadcast_in_dim3A_15 {strides = array<i32>} : memref<80x128xf32, #tpu.memory_space<vmem>>, vector<16xf32>,
      %swap3A_74 = arith.index_cast %scan3A_65 : i32 to index
      %swap3A_75 = arith.constant 48 : index
      %swap3A_76 = tpu.vector_load %arg11[%swap3A_74, %swap3A_75] {strides = array<i32>} : memref<80x128xf32, #tpu.memory_space<vmem>>, vector<16xf32>,
      tpu.vector_store %arg11[%swap3A_74, %swap3A_75], %broadcast_in_dim3A_15 {strides = array<i32>} : memref<80x128xf32, #tpu.memory_space<vmem>>, vector<16xf32>,
      %swap3A_77 = arith.index_cast %scan3A_65 : i32 to index
      %swap3A_78 = arith.constant 64 : index
      %swap3A_79 = tpu.vector_load %arg11[%swap3A_77, %swap3A_78] {strides = array<i32>} : memref<80x128xf32, #tpu.memory_space<vmem>>, vector<16xf32>,
      tpu.vector_store %arg11[%swap3A_77, %swap3A_78], %broadcast_in_dim3A_15 {strides = array<i32>} : memref<80x128xf32, #tpu.memory_space<vmem>>, vector<16xf32>,
      %swap3A_80 = arith.index_cast %scan3A_65 : i32 to index
      %swap3A_81 = arith.constant 80 : index
      %swap3A_82 = tpu.vector_load %arg11[%swap3A_80, %swap3A_81] {strides = array<i32>} : memref<80x128xf32, #tpu.memory_space<vmem>>, vector<16xf32>,
      tpu.vector_store %arg11[%swap3A_80, %swap3A_81], %broadcast_in_dim3A_15 {strides = array<i32>} : memref<80x128xf32, #tpu.memory_space<vmem>>, vector<16xf32>,
      %swap3A_83 = arith.index_cast %scan3A_65 : i32 to index
      %swap3A_84 = arith.constant 96 : index
      %swap3A_85 = tpu.vector_load %arg11[%swap3A_83, %swap3A_84] {strides = array<i32>} : memref<80x128xf32, #tpu.memory_space<vmem>>, vector<16xf32>,
      tpu.vector_store %arg11[%swap3A_83, %swap3A_84], %broadcast_in_dim3A_15 {strides = array<i32>} : memref<80x128xf32, #tpu.memory_space<vmem>>, vector<16xf32>,
      %swap3A_86 = arith.index_cast %scan3A_65 : i32 to index
      %swap3A_87 = arith.constant 112 : index
      %swap3A_88 = tpu.vector_load %arg11[%swap3A_86, %swap3A_87] {strides = array<i32>} : memref<80x128xf32, #tpu.memory_space<vmem>>, vector<16xf32>,
      tpu.vector_store %arg11[%swap3A_86, %swap3A_87], %broadcast_in_dim3A_15 {strides = array<i32>} : memref<80x128xf32, #tpu.memory_space<vmem>>, vector<16xf32>,
    }
    %scan3A_21 = arith.constant 80 : i32
    %mul3A_22 = arith.constant 640 : i32
    %mul3A_23 = arith.muli %arg1, %mul3A_22 : i32
    %add3A_24 = arith.constant 0 : i32
    %add3A_25 = arith.addi %mul3A_23, %add3A_24 : i32
    "tpu.region"() ({
      %run_scoped3A_65 = tpu.sem_alloc : memref<!tpu.dma_semaphore, #tpu.memory_space<semaphore_mem>>
      %dma_start3A = arith.constant 0 : i32
      %dma_start3A_66 = tpu.memref_slice %arg13[%add3A_25, %dma_start3A] : memref<10240x128xf32, #tpu.memory_space<vmem_shared>> -> memref<80x128xf32, #tpu.memory_space<vmem_shared>>
      %dma_start3A_67 = arith.constant 0 : i32
      %dma_start3A_68 = tpu.memref_slice %arg13[%add3A_25, %dma_start3A_67] : memref<10240x128xf32, #tpu.memory_space<vmem_shared>> -> memref<80x128xf32, #tpu.memory_space<vmem_shared>>
      tpu.enqueue_dma source(%arg11 : memref<80x128xf32, #tpu.memory_space<vmem>>) target(%dma_start3A_68 : memref<80x128xf32, #tpu.memory_space<vmem_shared>>) target_semaphore(%run_scoped3A_65 : memref<!tpu.dma_semaphore, #tpu.memory_space<semaphore_mem>>)
      %dma_wait3A = arith.constant 0 : i32
      %dma_wait3A_69 = tpu.memref_slice %arg13[%add3A_25, %dma_wait3A] : memref<10240x128xf32, #tpu.memory_space<vmem_shared>> -> memref<80x128xf32, #tpu.memory_space<vmem_shared>>
      %dma_wait3A_70 = arith.constant 0 : i32
      %dma_wait3A_71 = tpu.memref_slice %arg13[%add3A_25, %dma_wait3A_70] : memref<10240x128xf32, #tpu.memory_space<vmem_shared>> -> memref<80x128xf32, #tpu.memory_space<vmem_shared>>
      tpu.wait_dma2 semaphore(%run_scoped3A_65 : memref<!tpu.dma_semaphore, #tpu.memory_space<semaphore_mem>>) src(%arg11 : memref<80x128xf32, #tpu.memory_space<vmem>>) dst(%dma_wait3A_71 : memref<80x128xf32, #tpu.memory_space<vmem_shared>>)
      tpu.yield
    }) : () -> ()
    %mul3A_26 = arith.constant 640 : i32
    %mul3A_27 = arith.muli %arg1, %mul3A_26 : i32
    %add3A_28 = arith.constant 80 : i32
    %add3A_29 = arith.addi %mul3A_27, %add3A_28 : i32
    "tpu.region"() ({
      %run_scoped3A_65 = tpu.sem_alloc : memref<!tpu.dma_semaphore, #tpu.memory_space<semaphore_mem>>
      %dma_start3A = arith.constant 0 : i32
      %dma_start3A_66 = tpu.memref_slice %arg13[%add3A_29, %dma_start3A] : memref<10240x128xf32, #tpu.memory_space<vmem_shared>> -> memref<80x128xf32, #tpu.memory_space<vmem_shared>>
      %dma_start3A_67 = arith.constant 0 : i32
      %dma_start3A_68 = tpu.memref_slice %arg13[%add3A_29, %dma_start3A_67] : memref<10240x128xf32, #tpu.memory_space<vmem_shared>> -> memref<80x128xf32, #tpu.memory_space<vmem_shared>>
      tpu.enqueue_dma source(%arg11 : memref<80x128xf32, #tpu.memory_space<vmem>>) target(%dma_start3A_68 : memref<80x128xf32, #tpu.memory_space<vmem_shared>>) target_semaphore(%run_scoped3A_65 : memref<!tpu.dma_semaphore, #tpu.memory_space<semaphore_mem>>)
      %dma_wait3A = arith.constant 0 : i32
      %dma_wait3A_69 = tpu.memref_slice %arg13[%add3A_29, %dma_wait3A] : memref<10240x128xf32, #tpu.memory_space<vmem_shared>> -> memref<80x128xf32, #tpu.memory_space<vmem_shared>>
      %dma_wait3A_70 = arith.constant 0 : i32
      %dma_wait3A_71 = tpu.memref_slice %arg13[%add3A_29, %dma_wait3A_70] : memref<10240x128xf32, #tpu.memory_space<vmem_shared>> -> memref<80x128xf32, #tpu.memory_space<vmem_shared>>
      tpu.wait_dma2 semaphore(%run_scoped3A_65 : memref<!tpu.dma_semaphore, #tpu.memory_space<semaphore_mem>>) src(%arg11 : memref<80x128xf32, #tpu.memory_space<vmem>>) dst(%dma_wait3A_71 : memref<80x128xf32, #tpu.memory_space<vmem_shared>>)
      tpu.yield
    }) : () -> ()
    %mul3A_30 = arith.constant 640 : i32
    %mul3A_31 = arith.muli %arg1, %mul3A_30 : i32
    %add3A_32 = arith.constant 160 : i32
    %add3A_33 = arith.addi %mul3A_31, %add3A_32 : i32
    "tpu.region"() ({
      %run_scoped3A_65 = tpu.sem_alloc : memref<!tpu.dma_semaphore, #tpu.memory_space<semaphore_mem>>
      %dma_start3A = arith.constant 0 : i32
      %dma_start3A_66 = tpu.memref_slice %arg13[%add3A_33, %dma_start3A] : memref<10240x128xf32, #tpu.memory_space<vmem_shared>> -> memref<80x128xf32, #tpu.memory_space<vmem_shared>>
      %dma_start3A_67 = arith.constant 0 : i32
      %dma_start3A_68 = tpu.memref_slice %arg13[%add3A_33, %dma_start3A_67] : memref<10240x128xf32, #tpu.memory_space<vmem_shared>> -> memref<80x128xf32, #tpu.memory_space<vmem_shared>>
      tpu.enqueue_dma source(%arg11 : memref<80x128xf32, #tpu.memory_space<vmem>>) target(%dma_start3A_68 : memref<80x128xf32, #tpu.memory_space<vmem_shared>>) target_semaphore(%run_scoped3A_65 : memref<!tpu.dma_semaphore, #tpu.memory_space<semaphore_mem>>)
      %dma_wait3A = arith.constant 0 : i32
      %dma_wait3A_69 = tpu.memref_slice %arg13[%add3A_33, %dma_wait3A] : memref<10240x128xf32, #tpu.memory_space<vmem_shared>> -> memref<80x128xf32, #tpu.memory_space<vmem_shared>>
      %dma_wait3A_70 = arith.constant 0 : i32
      %dma_wait3A_71 = tpu.memref_slice %arg13[%add3A_33, %dma_wait3A_70] : memref<10240x128xf32, #tpu.memory_space<vmem_shared>> -> memref<80x128xf32, #tpu.memory_space<vmem_shared>>
      tpu.wait_dma2 semaphore(%run_scoped3A_65 : memref<!tpu.dma_semaphore, #tpu.memory_space<semaphore_mem>>) src(%arg11 : memref<80x128xf32, #tpu.memory_space<vmem>>) dst(%dma_wait3A_71 : memref<80x128xf32, #tpu.memory_space<vmem_shared>>)
      tpu.yield
    }) : () -> ()
    %mul3A_34 = arith.constant 640 : i32
    %mul3A_35 = arith.muli %arg1, %mul3A_34 : i32
    %add3A_36 = arith.constant 240 : i32
    %add3A_37 = arith.addi %mul3A_35, %add3A_36 : i32
    "tpu.region"() ({
      %run_scoped3A_65 = tpu.sem_alloc : memref<!tpu.dma_semaphore, #tpu.memory_space<semaphore_mem>>
      %dma_start3A = arith.constant 0 : i32
      %dma_start3A_66 = tpu.memref_slice %arg13[%add3A_37, %dma_start3A] : memref<10240x128xf32, #tpu.memory_space<vmem_shared>> -> memref<80x128xf32, #tpu.memory_space<vmem_shared>>
      %dma_start3A_67 = arith.constant 0 : i32
      %dma_start3A_68 = tpu.memref_slice %arg13[%add3A_37, %dma_start3A_67] : memref<10240x128xf32, #tpu.memory_space<vmem_shared>> -> memref<80x128xf32, #tpu.memory_space<vmem_shared>>
      tpu.enqueue_dma source(%arg11 : memref<80x128xf32, #tpu.memory_space<vmem>>) target(%dma_start3A_68 : memref<80x128xf32, #tpu.memory_space<vmem_shared>>) target_semaphore(%run_scoped3A_65 : memref<!tpu.dma_semaphore, #tpu.memory_space<semaphore_mem>>)
      %dma_wait3A = arith.constant 0 : i32
      %dma_wait3A_69 = tpu.memref_slice %arg13[%add3A_37, %dma_wait3A] : memref<10240x128xf32, #tpu.memory_space<vmem_shared>> -> memref<80x128xf32, #tpu.memory_space<vmem_shared>>
      %dma_wait3A_70 = arith.constant 0 : i32
      %dma_wait3A_71 = tpu.memref_slice %arg13[%add3A_37, %dma_wait3A_70] : memref<10240x128xf32, #tpu.memory_space<vmem_shared>> -> memref<80x128xf32, #tpu.memory_space<vmem_shared>>
      tpu.wait_dma2 semaphore(%run_scoped3A_65 : memref<!tpu.dma_semaphore, #tpu.memory_space<semaphore_mem>>) src(%arg11 : memref<80x128xf32, #tpu.memory_space<vmem>>) dst(%dma_wait3A_71 : memref<80x128xf32, #tpu.memory_space<vmem_shared>>)
      tpu.yield
    }) : () -> ()
    %mul3A_38 = arith.constant 640 : i32
    %mul3A_39 = arith.muli %arg1, %mul3A_38 : i32
    %add3A_40 = arith.constant 320 : i32
    %add3A_41 = arith.addi %mul3A_39, %add3A_40 : i32
    "tpu.region"() ({
      %run_scoped3A_65 = tpu.sem_alloc : memref<!tpu.dma_semaphore, #tpu.memory_space<semaphore_mem>>
      %dma_start3A = arith.constant 0 : i32
      %dma_start3A_66 = tpu.memref_slice %arg13[%add3A_41, %dma_start3A] : memref<10240x128xf32, #tpu.memory_space<vmem_shared>> -> memref<80x128xf32, #tpu.memory_space<vmem_shared>>
      %dma_start3A_67 = arith.constant 0 : i32
      %dma_start3A_68 = tpu.memref_slice %arg13[%add3A_41, %dma_start3A_67] : memref<10240x128xf32, #tpu.memory_space<vmem_shared>> -> memref<80x128xf32, #tpu.memory_space<vmem_shared>>
      tpu.enqueue_dma source(%arg11 : memref<80x128xf32, #tpu.memory_space<vmem>>) target(%dma_start3A_68 : memref<80x128xf32, #tpu.memory_space<vmem_shared>>) target_semaphore(%run_scoped3A_65 : memref<!tpu.dma_semaphore, #tpu.memory_space<semaphore_mem>>)
      %dma_wait3A = arith.constant 0 : i32
      %dma_wait3A_69 = tpu.memref_slice %arg13[%add3A_41, %dma_wait3A] : memref<10240x128xf32, #tpu.memory_space<vmem_shared>> -> memref<80x128xf32, #tpu.memory_space<vmem_shared>>
      %dma_wait3A_70 = arith.constant 0 : i32
      %dma_wait3A_71 = tpu.memref_slice %arg13[%add3A_41, %dma_wait3A_70] : memref<10240x128xf32, #tpu.memory_space<vmem_shared>> -> memref<80x128xf32, #tpu.memory_space<vmem_shared>>
      tpu.wait_dma2 semaphore(%run_scoped3A_65 : memref<!tpu.dma_semaphore, #tpu.memory_space<semaphore_mem>>) src(%arg11 : memref<80x128xf32, #tpu.memory_space<vmem>>) dst(%dma_wait3A_71 : memref<80x128xf32, #tpu.memory_space<vmem_shared>>)
      tpu.yield
    }) : () -> ()
    %mul3A_42 = arith.constant 640 : i32
    %mul3A_43 = arith.muli %arg1, %mul3A_42 : i32
    %add3A_44 = arith.constant 400 : i32
    %add3A_45 = arith.addi %mul3A_43, %add3A_44 : i32
    "tpu.region"() ({
      %run_scoped3A_65 = tpu.sem_alloc : memref<!tpu.dma_semaphore, #tpu.memory_space<semaphore_mem>>
      %dma_start3A = arith.constant 0 : i32
      %dma_start3A_66 = tpu.memref_slice %arg13[%add3A_45, %dma_start3A] : memref<10240x128xf32, #tpu.memory_space<vmem_shared>> -> memref<80x128xf32, #tpu.memory_space<vmem_shared>>
      %dma_start3A_67 = arith.constant 0 : i32
      %dma_start3A_68 = tpu.memref_slice %arg13[%add3A_45, %dma_start3A_67] : memref<10240x128xf32, #tpu.memory_space<vmem_shared>> -> memref<80x128xf32, #tpu.memory_space<vmem_shared>>
      tpu.enqueue_dma source(%arg11 : memref<80x128xf32, #tpu.memory_space<vmem>>) target(%dma_start3A_68 : memref<80x128xf32, #tpu.memory_space<vmem_shared>>) target_semaphore(%run_scoped3A_65 : memref<!tpu.dma_semaphore, #tpu.memory_space<semaphore_mem>>)
      %dma_wait3A = arith.constant 0 : i32
      %dma_wait3A_69 = tpu.memref_slice %arg13[%add3A_45, %dma_wait3A] : memref<10240x128xf32, #tpu.memory_space<vmem_shared>> -> memref<80x128xf32, #tpu.memory_space<vmem_shared>>
      %dma_wait3A_70 = arith.constant 0 : i32
      %dma_wait3A_71 = tpu.memref_slice %arg13[%add3A_45, %dma_wait3A_70] : memref<10240x128xf32, #tpu.memory_space<vmem_shared>> -> memref<80x128xf32, #tpu.memory_space<vmem_shared>>
      tpu.wait_dma2 semaphore(%run_scoped3A_65 : memref<!tpu.dma_semaphore, #tpu.memory_space<semaphore_mem>>) src(%arg11 : memref<80x128xf32, #tpu.memory_space<vmem>>) dst(%dma_wait3A_71 : memref<80x128xf32, #tpu.memory_space<vmem_shared>>)
      tpu.yield
    }) : () -> ()
    %mul3A_46 = arith.constant 640 : i32
    %mul3A_47 = arith.muli %arg1, %mul3A_46 : i32
    %add3A_48 = arith.constant 480 : i32
    %add3A_49 = arith.addi %mul3A_47, %add3A_48 : i32
    "tpu.region"() ({
      %run_scoped3A_65 = tpu.sem_alloc : memref<!tpu.dma_semaphore, #tpu.memory_space<semaphore_mem>>
      %dma_start3A = arith.constant 0 : i32
      %dma_start3A_66 = tpu.memref_slice %arg13[%add3A_49, %dma_start3A] : memref<10240x128xf32, #tpu.memory_space<vmem_shared>> -> memref<80x128xf32, #tpu.memory_space<vmem_shared>>
      %dma_start3A_67 = arith.constant 0 : i32
      %dma_start3A_68 = tpu.memref_slice %arg13[%add3A_49, %dma_start3A_67] : memref<10240x128xf32, #tpu.memory_space<vmem_shared>> -> memref<80x128xf32, #tpu.memory_space<vmem_shared>>
      tpu.enqueue_dma source(%arg11 : memref<80x128xf32, #tpu.memory_space<vmem>>) target(%dma_start3A_68 : memref<80x128xf32, #tpu.memory_space<vmem_shared>>) target_semaphore(%run_scoped3A_65 : memref<!tpu.dma_semaphore, #tpu.memory_space<semaphore_mem>>)
      %dma_wait3A = arith.constant 0 : i32
      %dma_wait3A_69 = tpu.memref_slice %arg13[%add3A_49, %dma_wait3A] : memref<10240x128xf32, #tpu.memory_space<vmem_shared>> -> memref<80x128xf32, #tpu.memory_space<vmem_shared>>
      %dma_wait3A_70 = arith.constant 0 : i32
      %dma_wait3A_71 = tpu.memref_slice %arg13[%add3A_49, %dma_wait3A_70] : memref<10240x128xf32, #tpu.memory_space<vmem_shared>> -> memref<80x128xf32, #tpu.memory_space<vmem_shared>>
      tpu.wait_dma2 semaphore(%run_scoped3A_65 : memref<!tpu.dma_semaphore, #tpu.memory_space<semaphore_mem>>) src(%arg11 : memref<80x128xf32, #tpu.memory_space<vmem>>) dst(%dma_wait3A_71 : memref<80x128xf32, #tpu.memory_space<vmem_shared>>)
      tpu.yield
    }) : () -> ()
    %mul3A_50 = arith.constant 640 : i32
    %mul3A_51 = arith.muli %arg1, %mul3A_50 : i32
    %add3A_52 = arith.constant 560 : i32
    %add3A_53 = arith.addi %mul3A_51, %add3A_52 : i32
    "tpu.region"() ({
      %run_scoped3A_65 = tpu.sem_alloc : memref<!tpu.dma_semaphore, #tpu.memory_space<semaphore_mem>>
      %dma_start3A = arith.constant 0 : i32
      %dma_start3A_66 = tpu.memref_slice %arg13[%add3A_53, %dma_start3A] : memref<10240x128xf32, #tpu.memory_space<vmem_shared>> -> memref<80x128xf32, #tpu.memory_space<vmem_shared>>
      %dma_start3A_67 = arith.constant 0 : i32
      %dma_start3A_68 = tpu.memref_slice %arg13[%add3A_53, %dma_start3A_67] : memref<10240x128xf32, #tpu.memory_space<vmem_shared>> -> memref<80x128xf32, #tpu.memory_space<vmem_shared>>
      tpu.enqueue_dma source(%arg11 : memref<80x128xf32, #tpu.memory_space<vmem>>) target(%dma_start3A_68 : memref<80x128xf32, #tpu.memory_space<vmem_shared>>) target_semaphore(%run_scoped3A_65 : memref<!tpu.dma_semaphore, #tpu.memory_space<semaphore_mem>>)
      %dma_wait3A = arith.constant 0 : i32
      %dma_wait3A_69 = tpu.memref_slice %arg13[%add3A_53, %dma_wait3A] : memref<10240x128xf32, #tpu.memory_space<vmem_shared>> -> memref<80x128xf32, #tpu.memory_space<vmem_shared>>
      %dma_wait3A_70 = arith.constant 0 : i32
      %dma_wait3A_71 = tpu.memref_slice %arg13[%add3A_53, %dma_wait3A_70] : memref<10240x128xf32, #tpu.memory_space<vmem_shared>> -> memref<80x128xf32, #tpu.memory_space<vmem_shared>>
      tpu.wait_dma2 semaphore(%run_scoped3A_65 : memref<!tpu.dma_semaphore, #tpu.memory_space<semaphore_mem>>) src(%arg11 : memref<80x128xf32, #tpu.memory_space<vmem>>) dst(%dma_wait3A_71 : memref<80x128xf32, #tpu.memory_space<vmem_shared>>)
      tpu.yield
    }) : () -> ()
    %barrier3A = arith.constant 0 : index
    tpu.barrier barrier_id(%barrier3A)
    "tpu.region"() ({
      %run_scoped3A_65 = tpu.sem_alloc : memref<!tpu.dma_semaphore, #tpu.memory_space<semaphore_mem>>
      %dma_start3A = arith.constant 0 : i32
      %dma_start3A_66 = tpu.memref_slice %arg14[%dma_start3A] : memref<10240xf32, #tpu.memory_space<vmem_shared>> -> memref<10000xf32, #tpu.memory_space<vmem_shared>>
      %dma_start3A_67 = arith.constant 0 : i32
      %dma_start3A_68 = tpu.memref_slice %arg14[%dma_start3A_67] : memref<10240xf32, #tpu.memory_space<vmem_shared>> -> memref<10000xf32, #tpu.memory_space<vmem_shared>>
      tpu.enqueue_dma source(%dma_start3A_68 : memref<10000xf32, #tpu.memory_space<vmem_shared>>) target(%arg10 : memref<10000xf32, #tpu.memory_space<vmem>>) target_semaphore(%run_scoped3A_65 : memref<!tpu.dma_semaphore, #tpu.memory_space<semaphore_mem>>)
      %dma_wait3A = arith.constant 0 : i32
      %dma_wait3A_69 = tpu.memref_slice %arg14[%dma_wait3A] : memref<10240xf32, #tpu.memory_space<vmem_shared>> -> memref<10000xf32, #tpu.memory_space<vmem_shared>>
      %dma_wait3A_70 = arith.constant 0 : i32
      %dma_wait3A_71 = tpu.memref_slice %arg14[%dma_wait3A_70] : memref<10240xf32, #tpu.memory_space<vmem_shared>> -> memref<10000xf32, #tpu.memory_space<vmem_shared>>
      tpu.wait_dma2 semaphore(%run_scoped3A_65 : memref<!tpu.dma_semaphore, #tpu.memory_space<semaphore_mem>>) src(%dma_wait3A_71 : memref<10000xf32, #tpu.memory_space<vmem_shared>>) dst(%arg10 : memref<10000xf32, #tpu.memory_space<vmem>>)
      tpu.yield
    }) : () -> ()
    %scan3A_54 = arith.constant 0 : i32
    %scan3A_55 = arith.constant 0 : i32
    %scan3A_56 = arith.constant 5 : i32
    %scan3A_57 = arith.addi %scan3A_55, %scan3A_56 : i32
    %scan3A_58 = arith.constant 1 : i32
    scf.for %scan3A_65 = %scan3A_55 to %scan3A_57 step %scan3A_58  : i32 {
      %run_scoped3A_66 = arith.constant 0 : i32
      "tpu.region"() ({
        %run_scoped3A_183 = tpu.sem_alloc : memref<!tpu.dma_semaphore, #tpu.memory_space<semaphore_mem>>
        %dma_start3A_184 = arith.constant 0 : i32
        %dma_start3A_185 = arith.constant 0 : i32
        %dma_start3A_186 = tpu.memref_slice %arg3[%run_scoped3A_66, %add3A, %scan3A_65, %dma_start3A_184, %dma_start3A_185] : memref<2x32x5x25x80xi32, #tpu.memory_space<hbm>> -> memref<1x1x1x25x80xi32, #tpu.memory_space<hbm>>
        %dma_start3A_187 = tpu.memref_squeeze %dma_start3A_186 : memref<1x1x1x25x80xi32, #tpu.memory_space<hbm>> -> memref<25x80xi32, #tpu.memory_space<hbm>>
        %dma_start3A_188 = arith.constant 0 : i32
        %dma_start3A_189 = arith.constant 0 : i32
        %dma_start3A_190 = tpu.memref_slice %arg3[%run_scoped3A_66, %add3A, %scan3A_65, %dma_start3A_188, %dma_start3A_189] : memref<2x32x5x25x80xi32, #tpu.memory_space<hbm>> -> memref<1x1x1x25x80xi32, #tpu.memory_space<hbm>>
        %dma_start3A_191 = tpu.memref_squeeze %dma_start3A_190 : memref<1x1x1x25x80xi32, #tpu.memory_space<hbm>> -> memref<25x80xi32, #tpu.memory_space<hbm>>
        tpu.enqueue_dma source(%dma_start3A_191 : memref<25x80xi32, #tpu.memory_space<hbm>>) target(%arg7 : memref<25x80xi32, #tpu.memory_space<vmem>>) target_semaphore(%run_scoped3A_183 : memref<!tpu.dma_semaphore, #tpu.memory_space<semaphore_mem>>)
        %dma_wait3A_192 = arith.constant 0 : i32
        %dma_wait3A_193 = arith.constant 0 : i32
        %dma_wait3A_194 = tpu.memref_slice %arg3[%run_scoped3A_66, %add3A, %scan3A_65, %dma_wait3A_192, %dma_wait3A_193] : memref<2x32x5x25x80xi32, #tpu.memory_space<hbm>> -> memref<1x1x1x25x80xi32, #tpu.memory_space<hbm>>
        %dma_wait3A_195 = tpu.memref_squeeze %dma_wait3A_194 : memref<1x1x1x25x80xi32, #tpu.memory_space<hbm>> -> memref<25x80xi32, #tpu.memory_space<hbm>>
        %dma_wait3A_196 = arith.constant 0 : i32
        %dma_wait3A_197 = arith.constant 0 : i32
        %dma_wait3A_198 = tpu.memref_slice %arg3[%run_scoped3A_66, %add3A, %scan3A_65, %dma_wait3A_196, %dma_wait3A_197] : memref<2x32x5x25x80xi32, #tpu.memory_space<hbm>> -> memref<1x1x1x25x80xi32, #tpu.memory_space<hbm>>
        %dma_wait3A_199 = tpu.memref_squeeze %dma_wait3A_198 : memref<1x1x1x25x80xi32, #tpu.memory_space<hbm>> -> memref<25x80xi32, #tpu.memory_space<hbm>>
        tpu.wait_dma2 semaphore(%run_scoped3A_183 : memref<!tpu.dma_semaphore, #tpu.memory_space<semaphore_mem>>) src(%dma_wait3A_199 : memref<25x80xi32, #tpu.memory_space<hbm>>) dst(%arg7 : memref<25x80xi32, #tpu.memory_space<vmem>>)
        tpu.yield
      }) : () -> ()
      %run_scoped3A_67 = arith.constant 1 : i32
      "tpu.region"() ({
        %run_scoped3A_183 = tpu.sem_alloc : memref<!tpu.dma_semaphore, #tpu.memory_space<semaphore_mem>>
        %dma_start3A_184 = arith.constant 0 : i32
        %dma_start3A_185 = arith.constant 0 : i32
        %dma_start3A_186 = tpu.memref_slice %arg3[%run_scoped3A_67, %add3A, %scan3A_65, %dma_start3A_184, %dma_start3A_185] : memref<2x32x5x25x80xi32, #tpu.memory_space<hbm>> -> memref<1x1x1x25x80xi32, #tpu.memory_space<hbm>>
        %dma_start3A_187 = tpu.memref_squeeze %dma_start3A_186 : memref<1x1x1x25x80xi32, #tpu.memory_space<hbm>> -> memref<25x80xi32, #tpu.memory_space<hbm>>
        %dma_start3A_188 = arith.constant 0 : i32
        %dma_start3A_189 = arith.constant 0 : i32
        %dma_start3A_190 = tpu.memref_slice %arg3[%run_scoped3A_67, %add3A, %scan3A_65, %dma_start3A_188, %dma_start3A_189] : memref<2x32x5x25x80xi32, #tpu.memory_space<hbm>> -> memref<1x1x1x25x80xi32, #tpu.memory_space<hbm>>
        %dma_start3A_191 = tpu.memref_squeeze %dma_start3A_190 : memref<1x1x1x25x80xi32, #tpu.memory_space<hbm>> -> memref<25x80xi32, #tpu.memory_space<hbm>>
        tpu.enqueue_dma source(%dma_start3A_191 : memref<25x80xi32, #tpu.memory_space<hbm>>) target(%arg8 : memref<25x80xi32, #tpu.memory_space<vmem>>) target_semaphore(%run_scoped3A_183 : memref<!tpu.dma_semaphore, #tpu.memory_space<semaphore_mem>>)
        %dma_wait3A_192 = arith.constant 0 : i32
        %dma_wait3A_193 = arith.constant 0 : i32
        %dma_wait3A_194 = tpu.memref_slice %arg3[%run_scoped3A_67, %add3A, %scan3A_65, %dma_wait3A_192, %dma_wait3A_193] : memref<2x32x5x25x80xi32, #tpu.memory_space<hbm>> -> memref<1x1x1x25x80xi32, #tpu.memory_space<hbm>>
        %dma_wait3A_195 = tpu.memref_squeeze %dma_wait3A_194 : memref<1x1x1x25x80xi32, #tpu.memory_space<hbm>> -> memref<25x80xi32, #tpu.memory_space<hbm>>
        %dma_wait3A_196 = arith.constant 0 : i32
        %dma_wait3A_197 = arith.constant 0 : i32
        %dma_wait3A_198 = tpu.memref_slice %arg3[%run_scoped3A_67, %add3A, %scan3A_65, %dma_wait3A_196, %dma_wait3A_197] : memref<2x32x5x25x80xi32, #tpu.memory_space<hbm>> -> memref<1x1x1x25x80xi32, #tpu.memory_space<hbm>>
        %dma_wait3A_199 = tpu.memref_squeeze %dma_wait3A_198 : memref<1x1x1x25x80xi32, #tpu.memory_space<hbm>> -> memref<25x80xi32, #tpu.memory_space<hbm>>
        tpu.wait_dma2 semaphore(%run_scoped3A_183 : memref<!tpu.dma_semaphore, #tpu.memory_space<semaphore_mem>>) src(%dma_wait3A_199 : memref<25x80xi32, #tpu.memory_space<hbm>>) dst(%arg8 : memref<25x80xi32, #tpu.memory_space<vmem>>)
        tpu.yield
      }) : () -> ()
      %mul3A_68 = arith.constant 2000 : i32
      %mul3A_69 = arith.muli %scan3A_65, %mul3A_68 : i32
      %add3A_70 = arith.addi %mul3A_2, %mul3A_69 : i32
      "tpu.region"() ({
        %run_scoped3A_183 = tpu.sem_alloc : memref<!tpu.dma_semaphore, #tpu.memory_space<semaphore_mem>>
        %dma_start3A_184 = tpu.memref_slice %arg4[%add3A_70] : memref<320000xf32, #tpu.memory_space<hbm>> -> memref<2000xf32, #tpu.memory_space<hbm>>
        %dma_start3A_185 = tpu.memref_slice %arg4[%add3A_70] : memref<320000xf32, #tpu.memory_space<hbm>> -> memref<2000xf32, #tpu.memory_space<hbm>>
        tpu.enqueue_dma source(%dma_start3A_185 : memref<2000xf32, #tpu.memory_space<hbm>>) target(%arg9 : memref<2000xf32, #tpu.memory_space<vmem>>) target_semaphore(%run_scoped3A_183 : memref<!tpu.dma_semaphore, #tpu.memory_space<semaphore_mem>>)
        %dma_wait3A_186 = tpu.memref_slice %arg4[%add3A_70] : memref<320000xf32, #tpu.memory_space<hbm>> -> memref<2000xf32, #tpu.memory_space<hbm>>
        %dma_wait3A_187 = tpu.memref_slice %arg4[%add3A_70] : memref<320000xf32, #tpu.memory_space<hbm>> -> memref<2000xf32, #tpu.memory_space<hbm>>
        tpu.wait_dma2 semaphore(%run_scoped3A_183 : memref<!tpu.dma_semaphore, #tpu.memory_space<semaphore_mem>>) src(%dma_wait3A_187 : memref<2000xf32, #tpu.memory_space<hbm>>) dst(%arg9 : memref<2000xf32, #tpu.memory_space<vmem>>)
        tpu.yield
      }) : () -> ()
      %scan3A_71 = arith.constant 0 : i32
      %scan3A_72 = arith.constant 0 : i32
      %scan3A_73 = arith.constant 25 : i32
      %scan3A_74 = arith.addi %scan3A_72, %scan3A_73 : i32
      %scan3A_75 = arith.constant 1 : i32
      scf.for %scan3A_183 = %scan3A_72 to %scan3A_74 step %scan3A_75  : i32 {
        %mul3A_184 = arith.constant 80 : i32
        %mul3A_185 = arith.muli %scan3A_183, %mul3A_184 : i32
        %multiple_of3A = tpu.assume_multiple %mul3A_185, 8 : i32
        %get3A = arith.index_cast %scan3A_183 : i32 to index
        %get3A_186 = arith.constant 0 : index
        %get3A_187 = tpu.vector_load %arg8[%get3A, %get3A_186] {strides = array<i32>} : memref<25x80xi32, #tpu.memory_space<vmem>>, vector<16xi32>,
        %gather3A = tpu.vector_load_idx %arg10[%get3A_187] : memref<10000xf32, #tpu.memory_space<vmem>>[vector<16xi32>], vector<16xf32>,
        %add3A_188 = arith.constant 0 : i32
        %add3A_189 = arith.addi %multiple_of3A, %add3A_188 : i32
        %get3A_190 = arith.index_cast %add3A_189 : i32 to index
        %get3A_191 = tpu.vector_load %arg9[%get3A_190] {strides = array<i32>} : memref<2000xf32, #tpu.memory_space<vmem>>, vector<16xf32>,
        %mul3A_192 = arith.mulf %get3A_191, %gather3A : vector<16xf32>
        %swap3A = arith.index_cast %add3A_189 : i32 to index
        %swap3A_193 = tpu.vector_load %arg9[%swap3A] {strides = array<i32>} : memref<2000xf32, #tpu.memory_space<vmem>>, vector<16xf32>,
        tpu.vector_store %arg9[%swap3A], %mul3A_192 {strides = array<i32>} : memref<2000xf32, #tpu.memory_space<vmem>>, vector<16xf32>,
        %get3A_194 = arith.index_cast %scan3A_183 : i32 to index
        %get3A_195 = arith.constant 16 : index
        %get3A_196 = tpu.vector_load %arg8[%get3A_194, %get3A_195] {strides = array<i32>} : memref<25x80xi32, #tpu.memory_space<vmem>>, vector<16xi32>,
        %gather3A_197 = tpu.vector_load_idx %arg10[%get3A_196] : memref<10000xf32, #tpu.memory_space<vmem>>[vector<16xi32>], vector<16xf32>,
        %add3A_198 = arith.constant 16 : i32
        %add3A_199 = arith.addi %multiple_of3A, %add3A_198 : i32
        %get3A_200 = arith.index_cast %add3A_199 : i32 to index
        %get3A_201 = tpu.vector_load %arg9[%get3A_200] {strides = array<i32>} : memref<2000xf32, #tpu.memory_space<vmem>>, vector<16xf32>,
        %mul3A_202 = arith.mulf %get3A_201, %gather3A_197 : vector<16xf32>
        %swap3A_203 = arith.index_cast %add3A_199 : i32 to index
        %swap3A_204 = tpu.vector_load %arg9[%swap3A_203] {strides = array<i32>} : memref<2000xf32, #tpu.memory_space<vmem>>, vector<16xf32>,
        tpu.vector_store %arg9[%swap3A_203], %mul3A_202 {strides = array<i32>} : memref<2000xf32, #tpu.memory_space<vmem>>, vector<16xf32>,
        %get3A_205 = arith.index_cast %scan3A_183 : i32 to index
        %get3A_206 = arith.constant 32 : index
        %get3A_207 = tpu.vector_load %arg8[%get3A_205, %get3A_206] {strides = array<i32>} : memref<25x80xi32, #tpu.memory_space<vmem>>, vector<16xi32>,
        %gather3A_208 = tpu.vector_load_idx %arg10[%get3A_207] : memref<10000xf32, #tpu.memory_space<vmem>>[vector<16xi32>], vector<16xf32>,
        %add3A_209 = arith.constant 32 : i32
        %add3A_210 = arith.addi %multiple_of3A, %add3A_209 : i32
        %get3A_211 = arith.index_cast %add3A_210 : i32 to index
        %get3A_212 = tpu.vector_load %arg9[%get3A_211] {strides = array<i32>} : memref<2000xf32, #tpu.memory_space<vmem>>, vector<16xf32>,
        %mul3A_213 = arith.mulf %get3A_212, %gather3A_208 : vector<16xf32>
        %swap3A_214 = arith.index_cast %add3A_210 : i32 to index
        %swap3A_215 = tpu.vector_load %arg9[%swap3A_214] {strides = array<i32>} : memref<2000xf32, #tpu.memory_space<vmem>>, vector<16xf32>,
        tpu.vector_store %arg9[%swap3A_214], %mul3A_213 {strides = array<i32>} : memref<2000xf32, #tpu.memory_space<vmem>>, vector<16xf32>,
        %get3A_216 = arith.index_cast %scan3A_183 : i32 to index
        %get3A_217 = arith.constant 48 : index
        %get3A_218 = tpu.vector_load %arg8[%get3A_216, %get3A_217] {strides = array<i32>} : memref<25x80xi32, #tpu.memory_space<vmem>>, vector<16xi32>,
        %gather3A_219 = tpu.vector_load_idx %arg10[%get3A_218] : memref<10000xf32, #tpu.memory_space<vmem>>[vector<16xi32>], vector<16xf32>,
        %add3A_220 = arith.constant 48 : i32
        %add3A_221 = arith.addi %multiple_of3A, %add3A_220 : i32
        %get3A_222 = arith.index_cast %add3A_221 : i32 to index
        %get3A_223 = tpu.vector_load %arg9[%get3A_222] {strides = array<i32>} : memref<2000xf32, #tpu.memory_space<vmem>>, vector<16xf32>,
        %mul3A_224 = arith.mulf %get3A_223, %gather3A_219 : vector<16xf32>
        %swap3A_225 = arith.index_cast %add3A_221 : i32 to index
        %swap3A_226 = tpu.vector_load %arg9[%swap3A_225] {strides = array<i32>} : memref<2000xf32, #tpu.memory_space<vmem>>, vector<16xf32>,
        tpu.vector_store %arg9[%swap3A_225], %mul3A_224 {strides = array<i32>} : memref<2000xf32, #tpu.memory_space<vmem>>, vector<16xf32>,
        %get3A_227 = arith.index_cast %scan3A_183 : i32 to index
        %get3A_228 = arith.constant 64 : index
        %get3A_229 = tpu.vector_load %arg8[%get3A_227, %get3A_228] {strides = array<i32>} : memref<25x80xi32, #tpu.memory_space<vmem>>, vector<16xi32>,
        %gather3A_230 = tpu.vector_load_idx %arg10[%get3A_229] : memref<10000xf32, #tpu.memory_space<vmem>>[vector<16xi32>], vector<16xf32>,
        %add3A_231 = arith.constant 64 : i32
        %add3A_232 = arith.addi %multiple_of3A, %add3A_231 : i32
        %get3A_233 = arith.index_cast %add3A_232 : i32 to index
        %get3A_234 = tpu.vector_load %arg9[%get3A_233] {strides = array<i32>} : memref<2000xf32, #tpu.memory_space<vmem>>, vector<16xf32>,
        %mul3A_235 = arith.mulf %get3A_234, %gather3A_230 : vector<16xf32>
        %swap3A_236 = arith.index_cast %add3A_232 : i32 to index
        %swap3A_237 = tpu.vector_load %arg9[%swap3A_236] {strides = array<i32>} : memref<2000xf32, #tpu.memory_space<vmem>>, vector<16xf32>,
        tpu.vector_store %arg9[%swap3A_236], %mul3A_235 {strides = array<i32>} : memref<2000xf32, #tpu.memory_space<vmem>>, vector<16xf32>,
      }
      %scan3A_76 = arith.constant 25 : i32
      %dma_start3A = arith.constant 0 : i32
      %dma_start3A_77 = arith.constant 0 : i32
      %dma_start3A_78 = tpu.memref_slice %arg7[%dma_start3A, %dma_start3A_77] : memref<25x80xi32, #tpu.memory_space<vmem>> -> memref<1x80xi32, #tpu.memory_space<vmem>>
      %dma_start3A_79 = tpu.memref_squeeze %dma_start3A_78 : memref<1x80xi32, #tpu.memory_space<vmem>> -> memref<80xi32, #tpu.memory_space<vmem>>
      %dma_start3A_80 = arith.constant 0 : i32
      %dma_start3A_81 = arith.constant 0 : i32
      %dma_start3A_82 = tpu.memref_slice %arg2[%dma_start3A_80, %dma_start3A_81] : memref<10000x128xf32, #tpu.memory_space<hbm>> -> memref<10000x128xf32, #tpu.memory_space<hbm>>
      tpu.enqueue_indirect_dma source(%dma_start3A_82 : memref<10000x128xf32, #tpu.memory_space<hbm>>) target(%arg11 : memref<80x128xf32, #tpu.memory_space<vmem>>) offsets(%dma_start3A_79 : memref<80xi32, #tpu.memory_space<vmem>>) semaphore(%arg15 : memref<!tpu.dma_semaphore, #tpu.memory_space<semaphore_mem>>)
      %dma_wait3A = arith.constant 0 : i32
      %dma_wait3A_83 = arith.constant 0 : i32
      %dma_wait3A_84 = tpu.memref_slice %arg7[%dma_wait3A, %dma_wait3A_83] : memref<25x80xi32, #tpu.memory_space<vmem>> -> memref<1x80xi32, #tpu.memory_space<vmem>>
      %dma_wait3A_85 = tpu.memref_squeeze %dma_wait3A_84 : memref<1x80xi32, #tpu.memory_space<vmem>> -> memref<80xi32, #tpu.memory_space<vmem>>
      %dma_wait3A_86 = arith.constant 0 : i32
      %dma_wait3A_87 = arith.constant 0 : i32
      %dma_wait3A_88 = tpu.memref_slice %arg2[%dma_wait3A_86, %dma_wait3A_87] : memref<10000x128xf32, #tpu.memory_space<hbm>> -> memref<10000x128xf32, #tpu.memory_space<hbm>>
      tpu.wait_indirect_dma semaphore(%arg15 : memref<!tpu.dma_semaphore, #tpu.memory_space<semaphore_mem>>) src(%dma_wait3A_88 : memref<10000x128xf32, #tpu.memory_space<hbm>>) dst(%arg11 : memref<80x128xf32, #tpu.memory_space<vmem>>)
      %dma_start3A_89 = arith.constant 1 : i32
      %dma_start3A_90 = arith.constant 0 : i32
      %dma_start3A_91 = tpu.memref_slice %arg7[%dma_start3A_89, %dma_start3A_90] : memref<25x80xi32, #tpu.memory_space<vmem>> -> memref<1x80xi32, #tpu.memory_space<vmem>>
      %dma_start3A_92 = tpu.memref_squeeze %dma_start3A_91 : memref<1x80xi32, #tpu.memory_space<vmem>> -> memref<80xi32, #tpu.memory_space<vmem>>
      %dma_start3A_93 = arith.constant 0 : i32
      %dma_start3A_94 = arith.constant 0 : i32
      %dma_start3A_95 = tpu.memref_slice %arg2[%dma_start3A_93, %dma_start3A_94] : memref<10000x128xf32, #tpu.memory_space<hbm>> -> memref<10000x128xf32, #tpu.memory_space<hbm>>
      tpu.enqueue_indirect_dma source(%dma_start3A_95 : memref<10000x128xf32, #tpu.memory_space<hbm>>) target(%arg12 : memref<80x128xf32, #tpu.memory_space<vmem>>) offsets(%dma_start3A_92 : memref<80xi32, #tpu.memory_space<vmem>>) semaphore(%arg16 : memref<!tpu.dma_semaphore, #tpu.memory_space<semaphore_mem>>)
      %scan3A_96 = arith.constant 0 : i32
      %scan3A_97 = arith.constant 0 : i32
      %scan3A_98 = arith.constant 20 : i32
      %scan3A_99 = arith.addi %scan3A_97, %scan3A_98 : i32
      %scan3A_100 = arith.constant 1 : i32
      scf.for %scan3A_183 = %scan3A_97 to %scan3A_99 step %scan3A_100  : i32 {
        %mul3A_184 = arith.constant 4 : i32
        %mul3A_185 = arith.muli %scan3A_183, %mul3A_184 : i32
        %broadcast_in_dim3A_186 = arith.constant 0 : i32
        %broadcast_in_dim3A_187 = vector.broadcast %broadcast_in_dim3A_186 : i32 to vector<16xi32>
        %add3A_188 = arith.constant 0 : i32
        %add3A_189 = arith.addi %add3A_188, %mul3A_185 : i32
        %add3A_190 = arith.constant 0 : i32
        %add3A_191 = arith.addi %add3A_189, %add3A_190 : i32
        %add3A_192 = vector.broadcast %add3A_191 : i32 to vector<16xi32>
        %add3A_193 = arith.addi %broadcast_in_dim3A_187, %add3A_192 : vector<16xi32>
        %gather3A = tpu.vector_load_idx %arg9[%add3A_193] : memref<2000xf32, #tpu.memory_space<vmem>>[vector<16xi32>], vector<16xf32>,
        %add3A_194 = arith.constant 0 : i32
        %add3A_195 = arith.addi %mul3A_185, %add3A_194 : i32
        %get3A = arith.index_cast %add3A_195 : i32 to index
        %get3A_196 = arith.constant 0 : index
        %get3A_197 = tpu.vector_load %arg11[%get3A, %get3A_196] {strides = array<i32>} : memref<80x128xf32, #tpu.memory_space<vmem>>, vector<16xf32>,
        %mul3A_198 = arith.mulf %get3A_197, %gather3A : vector<16xf32>
        %add3A_199 = arith.constant 0 : i32
        %add3A_200 = arith.addi %mul3A_185, %add3A_199 : i32
        %swap3A = arith.index_cast %add3A_200 : i32 to index
        %swap3A_201 = arith.constant 0 : index
        %swap3A_202 = tpu.vector_load %arg11[%swap3A, %swap3A_201] {strides = array<i32>} : memref<80x128xf32, #tpu.memory_space<vmem>>, vector<16xf32>,
        tpu.vector_store %arg11[%swap3A, %swap3A_201], %mul3A_198 {strides = array<i32>} : memref<80x128xf32, #tpu.memory_space<vmem>>, vector<16xf32>,
        %add3A_203 = arith.constant 0 : i32
        %add3A_204 = arith.addi %mul3A_185, %add3A_203 : i32
        %get3A_205 = arith.index_cast %add3A_204 : i32 to index
        %get3A_206 = arith.constant 16 : index
        %get3A_207 = tpu.vector_load %arg11[%get3A_205, %get3A_206] {strides = array<i32>} : memref<80x128xf32, #tpu.memory_space<vmem>>, vector<16xf32>,
        %mul3A_208 = arith.mulf %get3A_207, %gather3A : vector<16xf32>
        %add3A_209 = arith.constant 0 : i32
        %add3A_210 = arith.addi %mul3A_185, %add3A_209 : i32
        %swap3A_211 = arith.index_cast %add3A_210 : i32 to index
        %swap3A_212 = arith.constant 16 : index
        %swap3A_213 = tpu.vector_load %arg11[%swap3A_211, %swap3A_212] {strides = array<i32>} : memref<80x128xf32, #tpu.memory_space<vmem>>, vector<16xf32>,
        tpu.vector_store %arg11[%swap3A_211, %swap3A_212], %mul3A_208 {strides = array<i32>} : memref<80x128xf32, #tpu.memory_space<vmem>>, vector<16xf32>,
        %add3A_214 = arith.constant 0 : i32
        %add3A_215 = arith.addi %mul3A_185, %add3A_214 : i32
        %get3A_216 = arith.index_cast %add3A_215 : i32 to index
        %get3A_217 = arith.constant 32 : index
        %get3A_218 = tpu.vector_load %arg11[%get3A_216, %get3A_217] {strides = array<i32>} : memref<80x128xf32, #tpu.memory_space<vmem>>, vector<16xf32>,
        %mul3A_219 = arith.mulf %get3A_218, %gather3A : vector<16xf32>
        %add3A_220 = arith.constant 0 : i32
        %add3A_221 = arith.addi %mul3A_185, %add3A_220 : i32
        %swap3A_222 = arith.index_cast %add3A_221 : i32 to index
        %swap3A_223 = arith.constant 32 : index
        %swap3A_224 = tpu.vector_load %arg11[%swap3A_222, %swap3A_223] {strides = array<i32>} : memref<80x128xf32, #tpu.memory_space<vmem>>, vector<16xf32>,
        tpu.vector_store %arg11[%swap3A_222, %swap3A_223], %mul3A_219 {strides = array<i32>} : memref<80x128xf32, #tpu.memory_space<vmem>>, vector<16xf32>,
        %add3A_225 = arith.constant 0 : i32
        %add3A_226 = arith.addi %mul3A_185, %add3A_225 : i32
        %get3A_227 = arith.index_cast %add3A_226 : i32 to index
        %get3A_228 = arith.constant 48 : index
        %get3A_229 = tpu.vector_load %arg11[%get3A_227, %get3A_228] {strides = array<i32>} : memref<80x128xf32, #tpu.memory_space<vmem>>, vector<16xf32>,
        %mul3A_230 = arith.mulf %get3A_229, %gather3A : vector<16xf32>
        %add3A_231 = arith.constant 0 : i32
        %add3A_232 = arith.addi %mul3A_185, %add3A_231 : i32
        %swap3A_233 = arith.index_cast %add3A_232 : i32 to index
        %swap3A_234 = arith.constant 48 : index
        %swap3A_235 = tpu.vector_load %arg11[%swap3A_233, %swap3A_234] {strides = array<i32>} : memref<80x128xf32, #tpu.memory_space<vmem>>, vector<16xf32>,
        tpu.vector_store %arg11[%swap3A_233, %swap3A_234], %mul3A_230 {strides = array<i32>} : memref<80x128xf32, #tpu.memory_space<vmem>>, vector<16xf32>,
        %add3A_236 = arith.constant 0 : i32
        %add3A_237 = arith.addi %mul3A_185, %add3A_236 : i32
        %get3A_238 = arith.index_cast %add3A_237 : i32 to index
        %get3A_239 = arith.constant 64 : index
        %get3A_240 = tpu.vector_load %arg11[%get3A_238, %get3A_239] {strides = array<i32>} : memref<80x128xf32, #tpu.memory_space<vmem>>, vector<16xf32>,
        %mul3A_241 = arith.mulf %get3A_240, %gather3A : vector<16xf32>
        %add3A_242 = arith.constant 0 : i32
        %add3A_243 = arith.addi %mul3A_185, %add3A_242 : i32
        %swap3A_244 = arith.index_cast %add3A_243 : i32 to index
        %swap3A_245 = arith.constant 64 : index
        %swap3A_246 = tpu.vector_load %arg11[%swap3A_244, %swap3A_245] {strides = array<i32>} : memref<80x128xf32, #tpu.memory_space<vmem>>, vector<16xf32>,
        tpu.vector_store %arg11[%swap3A_244, %swap3A_245], %mul3A_241 {strides = array<i32>} : memref<80x128xf32, #tpu.memory_space<vmem>>, vector<16xf32>,
        %add3A_247 = arith.constant 0 : i32
        %add3A_248 = arith.addi %mul3A_185, %add3A_247 : i32
        %get3A_249 = arith.index_cast %add3A_248 : i32 to index
        %get3A_250 = arith.constant 80 : index
        %get3A_251 = tpu.vector_load %arg11[%get3A_249, %get3A_250] {strides = array<i32>} : memref<80x128xf32, #tpu.memory_space<vmem>>, vector<16xf32>,
        %mul3A_252 = arith.mulf %get3A_251, %gather3A : vector<16xf32>
        %add3A_253 = arith.constant 0 : i32
        %add3A_254 = arith.addi %mul3A_185, %add3A_253 : i32
        %swap3A_255 = arith.index_cast %add3A_254 : i32 to index
        %swap3A_256 = arith.constant 80 : index
        %swap3A_257 = tpu.vector_load %arg11[%swap3A_255, %swap3A_256] {strides = array<i32>} : memref<80x128xf32, #tpu.memory_space<vmem>>, vector<16xf32>,
        tpu.vector_store %arg11[%swap3A_255, %swap3A_256], %mul3A_252 {strides = array<i32>} : memref<80x128xf32, #tpu.memory_space<vmem>>, vector<16xf32>,
        %add3A_258 = arith.constant 0 : i32
        %add3A_259 = arith.addi %mul3A_185, %add3A_258 : i32
        %get3A_260 = arith.index_cast %add3A_259 : i32 to index
        %get3A_261 = arith.constant 96 : index
        %get3A_262 = tpu.vector_load %arg11[%get3A_260, %get3A_261] {strides = array<i32>} : memref<80x128xf32, #tpu.memory_space<vmem>>, vector<16xf32>,
        %mul3A_263 = arith.mulf %get3A_262, %gather3A : vector<16xf32>
        %add3A_264 = arith.constant 0 : i32
        %add3A_265 = arith.addi %mul3A_185, %add3A_264 : i32
        %swap3A_266 = arith.index_cast %add3A_265 : i32 to index
        %swap3A_267 = arith.constant 96 : index
        %swap3A_268 = tpu.vector_load %arg11[%swap3A_266, %swap3A_267] {strides = array<i32>} : memref<80x128xf32, #tpu.memory_space<vmem>>, vector<16xf32>,
        tpu.vector_store %arg11[%swap3A_266, %swap3A_267], %mul3A_263 {strides = array<i32>} : memref<80x128xf32, #tpu.memory_space<vmem>>, vector<16xf32>,
        %add3A_269 = arith.constant 0 : i32
        %add3A_270 = arith.addi %mul3A_185, %add3A_269 : i32
        %get3A_271 = arith.index_cast %add3A_270 : i32 to index
        %get3A_272 = arith.constant 112 : index
        %get3A_273 = tpu.vector_load %arg11[%get3A_271, %get3A_272] {strides = array<i32>} : memref<80x128xf32, #tpu.memory_space<vmem>>, vector<16xf32>,
        %mul3A_274 = arith.mulf %get3A_273, %gather3A : vector<16xf32>
        %add3A_275 = arith.constant 0 : i32
        %add3A_276 = arith.addi %mul3A_185, %add3A_275 : i32
        %swap3A_277 = arith.index_cast %add3A_276 : i32 to index
        %swap3A_278 = arith.constant 112 : index
        %swap3A_279 = tpu.vector_load %arg11[%swap3A_277, %swap3A_278] {strides = array<i32>} : memref<80x128xf32, #tpu.memory_space<vmem>>, vector<16xf32>,
        tpu.vector_store %arg11[%swap3A_277, %swap3A_278], %mul3A_274 {strides = array<i32>} : memref<80x128xf32, #tpu.memory_space<vmem>>, vector<16xf32>,
        %broadcast_in_dim3A_280 = arith.constant 0 : i32
        %broadcast_in_dim3A_281 = vector.broadcast %broadcast_in_dim3A_280 : i32 to vector<16xi32>
        %add3A_282 = arith.constant 0 : i32
        %add3A_283 = arith.addi %add3A_282, %mul3A_185 : i32
        %add3A_284 = arith.constant 1 : i32
        %add3A_285 = arith.addi %add3A_283, %add3A_284 : i32
        %add3A_286 = vector.broadcast %add3A_285 : i32 to vector<16xi32>
        %add3A_287 = arith.addi %broadcast_in_dim3A_281, %add3A_286 : vector<16xi32>
        %gather3A_288 = tpu.vector_load_idx %arg9[%add3A_287] : memref<2000xf32, #tpu.memory_space<vmem>>[vector<16xi32>], vector<16xf32>,
        %add3A_289 = arith.constant 1 : i32
        %add3A_290 = arith.addi %mul3A_185, %add3A_289 : i32
        %get3A_291 = arith.index_cast %add3A_290 : i32 to index
        %get3A_292 = arith.constant 0 : index
        %get3A_293 = tpu.vector_load %arg11[%get3A_291, %get3A_292] {strides = array<i32>} : memref<80x128xf32, #tpu.memory_space<vmem>>, vector<16xf32>,
        %mul3A_294 = arith.mulf %get3A_293, %gather3A_288 : vector<16xf32>
        %add3A_295 = arith.constant 1 : i32
        %add3A_296 = arith.addi %mul3A_185, %add3A_295 : i32
        %swap3A_297 = arith.index_cast %add3A_296 : i32 to index
        %swap3A_298 = arith.constant 0 : index
        %swap3A_299 = tpu.vector_load %arg11[%swap3A_297, %swap3A_298] {strides = array<i32>} : memref<80x128xf32, #tpu.memory_space<vmem>>, vector<16xf32>,
        tpu.vector_store %arg11[%swap3A_297, %swap3A_298], %mul3A_294 {strides = array<i32>} : memref<80x128xf32, #tpu.memory_space<vmem>>, vector<16xf32>,
        %add3A_300 = arith.constant 1 : i32
        %add3A_301 = arith.addi %mul3A_185, %add3A_300 : i32
        %get3A_302 = arith.index_cast %add3A_301 : i32 to index
        %get3A_303 = arith.constant 16 : index
        %get3A_304 = tpu.vector_load %arg11[%get3A_302, %get3A_303] {strides = array<i32>} : memref<80x128xf32, #tpu.memory_space<vmem>>, vector<16xf32>,
        %mul3A_305 = arith.mulf %get3A_304, %gather3A_288 : vector<16xf32>
        %add3A_306 = arith.constant 1 : i32
        %add3A_307 = arith.addi %mul3A_185, %add3A_306 : i32
        %swap3A_308 = arith.index_cast %add3A_307 : i32 to index
        %swap3A_309 = arith.constant 16 : index
        %swap3A_310 = tpu.vector_load %arg11[%swap3A_308, %swap3A_309] {strides = array<i32>} : memref<80x128xf32, #tpu.memory_space<vmem>>, vector<16xf32>,
        tpu.vector_store %arg11[%swap3A_308, %swap3A_309], %mul3A_305 {strides = array<i32>} : memref<80x128xf32, #tpu.memory_space<vmem>>, vector<16xf32>,
        %add3A_311 = arith.constant 1 : i32
        %add3A_312 = arith.addi %mul3A_185, %add3A_311 : i32
        %get3A_313 = arith.index_cast %add3A_312 : i32 to index
        %get3A_314 = arith.constant 32 : index
        %get3A_315 = tpu.vector_load %arg11[%get3A_313, %get3A_314] {strides = array<i32>} : memref<80x128xf32, #tpu.memory_space<vmem>>, vector<16xf32>,
        %mul3A_316 = arith.mulf %get3A_315, %gather3A_288 : vector<16xf32>
        %add3A_317 = arith.constant 1 : i32
        %add3A_318 = arith.addi %mul3A_185, %add3A_317 : i32
        %swap3A_319 = arith.index_cast %add3A_318 : i32 to index
        %swap3A_320 = arith.constant 32 : index
        %swap3A_321 = tpu.vector_load %arg11[%swap3A_319, %swap3A_320] {strides = array<i32>} : memref<80x128xf32, #tpu.memory_space<vmem>>, vector<16xf32>,
        tpu.vector_store %arg11[%swap3A_319, %swap3A_320], %mul3A_316 {strides = array<i32>} : memref<80x128xf32, #tpu.memory_space<vmem>>, vector<16xf32>,
        %add3A_322 = arith.constant 1 : i32
        %add3A_323 = arith.addi %mul3A_185, %add3A_322 : i32
        %get3A_324 = arith.index_cast %add3A_323 : i32 to index
        %get3A_325 = arith.constant 48 : index
        %get3A_326 = tpu.vector_load %arg11[%get3A_324, %get3A_325] {strides = array<i32>} : memref<80x128xf32, #tpu.memory_space<vmem>>, vector<16xf32>,
        %mul3A_327 = arith.mulf %get3A_326, %gather3A_288 : vector<16xf32>
        %add3A_328 = arith.constant 1 : i32
        %add3A_329 = arith.addi %mul3A_185, %add3A_328 : i32
        %swap3A_330 = arith.index_cast %add3A_329 : i32 to index
        %swap3A_331 = arith.constant 48 : index
        %swap3A_332 = tpu.vector_load %arg11[%swap3A_330, %swap3A_331] {strides = array<i32>} : memref<80x128xf32, #tpu.memory_space<vmem>>, vector<16xf32>,
        tpu.vector_store %arg11[%swap3A_330, %swap3A_331], %mul3A_327 {strides = array<i32>} : memref<80x128xf32, #tpu.memory_space<vmem>>, vector<16xf32>,
        %add3A_333 = arith.constant 1 : i32
        %add3A_334 = arith.addi %mul3A_185, %add3A_333 : i32
        %get3A_335 = arith.index_cast %add3A_334 : i32 to index
        %get3A_336 = arith.constant 64 : index
        %get3A_337 = tpu.vector_load %arg11[%get3A_335, %get3A_336] {strides = array<i32>} : memref<80x128xf32, #tpu.memory_space<vmem>>, vector<16xf32>,
        %mul3A_338 = arith.mulf %get3A_337, %gather3A_288 : vector<16xf32>
        %add3A_339 = arith.constant 1 : i32
        %add3A_340 = arith.addi %mul3A_185, %add3A_339 : i32
        %swap3A_341 = arith.index_cast %add3A_340 : i32 to index
        %swap3A_342 = arith.constant 64 : index
        %swap3A_343 = tpu.vector_load %arg11[%swap3A_341, %swap3A_342] {strides = array<i32>} : memref<80x128xf32, #tpu.memory_space<vmem>>, vector<16xf32>,
        tpu.vector_store %arg11[%swap3A_341, %swap3A_342], %mul3A_338 {strides = array<i32>} : memref<80x128xf32, #tpu.memory_space<vmem>>, vector<16xf32>,
        %add3A_344 = arith.constant 1 : i32
        %add3A_345 = arith.addi %mul3A_185, %add3A_344 : i32
        %get3A_346 = arith.index_cast %add3A_345 : i32 to index
        %get3A_347 = arith.constant 80 : index
        %get3A_348 = tpu.vector_load %arg11[%get3A_346, %get3A_347] {strides = array<i32>} : memref<80x128xf32, #tpu.memory_space<vmem>>, vector<16xf32>,
        %mul3A_349 = arith.mulf %get3A_348, %gather3A_288 : vector<16xf32>
        %add3A_350 = arith.constant 1 : i32
        %add3A_351 = arith.addi %mul3A_185, %add3A_350 : i32
        %swap3A_352 = arith.index_cast %add3A_351 : i32 to index
        %swap3A_353 = arith.constant 80 : index
        %swap3A_354 = tpu.vector_load %arg11[%swap3A_352, %swap3A_353] {strides = array<i32>} : memref<80x128xf32, #tpu.memory_space<vmem>>, vector<16xf32>,
        tpu.vector_store %arg11[%swap3A_352, %swap3A_353], %mul3A_349 {strides = array<i32>} : memref<80x128xf32, #tpu.memory_space<vmem>>, vector<16xf32>,
        %add3A_355 = arith.constant 1 : i32
        %add3A_356 = arith.addi %mul3A_185, %add3A_355 : i32
        %get3A_357 = arith.index_cast %add3A_356 : i32 to index
        %get3A_358 = arith.constant 96 : index
        %get3A_359 = tpu.vector_load %arg11[%get3A_357, %get3A_358] {strides = array<i32>} : memref<80x128xf32, #tpu.memory_space<vmem>>, vector<16xf32>,
        %mul3A_360 = arith.mulf %get3A_359, %gather3A_288 : vector<16xf32>
        %add3A_361 = arith.constant 1 : i32
        %add3A_362 = arith.addi %mul3A_185, %add3A_361 : i32
        %swap3A_363 = arith.index_cast %add3A_362 : i32 to index
        %swap3A_364 = arith.constant 96 : index
        %swap3A_365 = tpu.vector_load %arg11[%swap3A_363, %swap3A_364] {strides = array<i32>} : memref<80x128xf32, #tpu.memory_space<vmem>>, vector<16xf32>,
        tpu.vector_store %arg11[%swap3A_363, %swap3A_364], %mul3A_360 {strides = array<i32>} : memref<80x128xf32, #tpu.memory_space<vmem>>, vector<16xf32>,
        %add3A_366 = arith.constant 1 : i32
        %add3A_367 = arith.addi %mul3A_185, %add3A_366 : i32
        %get3A_368 = arith.index_cast %add3A_367 : i32 to index
        %get3A_369 = arith.constant 112 : index
        %get3A_370 = tpu.vector_load %arg11[%get3A_368, %get3A_369] {strides = array<i32>} : memref<80x128xf32, #tpu.memory_space<vmem>>, vector<16xf32>,
        %mul3A_371 = arith.mulf %get3A_370, %gather3A_288 : vector<16xf32>
        %add3A_372 = arith.constant 1 : i32
        %add3A_373 = arith.addi %mul3A_185, %add3A_372 : i32
        %swap3A_374 = arith.index_cast %add3A_373 : i32 to index
        %swap3A_375 = arith.constant 112 : index
        %swap3A_376 = tpu.vector_load %arg11[%swap3A_374, %swap3A_375] {strides = array<i32>} : memref<80x128xf32, #tpu.memory_space<vmem>>, vector<16xf32>,
        tpu.vector_store %arg11[%swap3A_374, %swap3A_375], %mul3A_371 {strides = array<i32>} : memref<80x128xf32, #tpu.memory_space<vmem>>, vector<16xf32>,
        %broadcast_in_dim3A_377 = arith.constant 0 : i32
        %broadcast_in_dim3A_378 = vector.broadcast %broadcast_in_dim3A_377 : i32 to vector<16xi32>
        %add3A_379 = arith.constant 0 : i32
        %add3A_380 = arith.addi %add3A_379, %mul3A_185 : i32
        %add3A_381 = arith.constant 2 : i32
        %add3A_382 = arith.addi %add3A_380, %add3A_381 : i32
        %add3A_383 = vector.broadcast %add3A_382 : i32 to vector<16xi32>
        %add3A_384 = arith.addi %broadcast_in_dim3A_378, %add3A_383 : vector<16xi32>
        %gather3A_385 = tpu.vector_load_idx %arg9[%add3A_384] : memref<2000xf32, #tpu.memory_space<vmem>>[vector<16xi32>], vector<16xf32>,
        %add3A_386 = arith.constant 2 : i32
        %add3A_387 = arith.addi %mul3A_185, %add3A_386 : i32
        %get3A_388 = arith.index_cast %add3A_387 : i32 to index
        %get3A_389 = arith.constant 0 : index
        %get3A_390 = tpu.vector_load %arg11[%get3A_388, %get3A_389] {strides = array<i32>} : memref<80x128xf32, #tpu.memory_space<vmem>>, vector<16xf32>,
        %mul3A_391 = arith.mulf %get3A_390, %gather3A_385 : vector<16xf32>
        %add3A_392 = arith.constant 2 : i32
        %add3A_393 = arith.addi %mul3A_185, %add3A_392 : i32
        %swap3A_394 = arith.index_cast %add3A_393 : i32 to index
        %swap3A_395 = arith.constant 0 : index
        %swap3A_396 = tpu.vector_load %arg11[%swap3A_394, %swap3A_395] {strides = array<i32>} : memref<80x128xf32, #tpu.memory_space<vmem>>, vector<16xf32>,
        tpu.vector_store %arg11[%swap3A_394, %swap3A_395], %mul3A_391 {strides = array<i32>} : memref<80x128xf32, #tpu.memory_space<vmem>>, vector<16xf32>,
        %add3A_397 = arith.constant 2 : i32
        %add3A_398 = arith.addi %mul3A_185, %add3A_397 : i32
        %get3A_399 = arith.index_cast %add3A_398 : i32 to index
        %get3A_400 = arith.constant 16 : index
        %get3A_401 = tpu.vector_load %arg11[%get3A_399, %get3A_400] {strides = array<i32>} : memref<80x128xf32, #tpu.memory_space<vmem>>, vector<16xf32>,
        %mul3A_402 = arith.mulf %get3A_401, %gather3A_385 : vector<16xf32>
        %add3A_403 = arith.constant 2 : i32
        %add3A_404 = arith.addi %mul3A_185, %add3A_403 : i32
        %swap3A_405 = arith.index_cast %add3A_404 : i32 to index
        %swap3A_406 = arith.constant 16 : index
        %swap3A_407 = tpu.vector_load %arg11[%swap3A_405, %swap3A_406] {strides = array<i32>} : memref<80x128xf32, #tpu.memory_space<vmem>>, vector<16xf32>,
        tpu.vector_store %arg11[%swap3A_405, %swap3A_406], %mul3A_402 {strides = array<i32>} : memref<80x128xf32, #tpu.memory_space<vmem>>, vector<16xf32>,
        %add3A_408 = arith.constant 2 : i32
        %add3A_409 = arith.addi %mul3A_185, %add3A_408 : i32
        %get3A_410 = arith.index_cast %add3A_409 : i32 to index
        %get3A_411 = arith.constant 32 : index
        %get3A_412 = tpu.vector_load %arg11[%get3A_410, %get3A_411] {strides = array<i32>} : memref<80x128xf32, #tpu.memory_space<vmem>>, vector<16xf32>,
        %mul3A_413 = arith.mulf %get3A_412, %gather3A_385 : vector<16xf32>
        %add3A_414 = arith.constant 2 : i32
        %add3A_415 = arith.addi %mul3A_185, %add3A_414 : i32
        %swap3A_416 = arith.index_cast %add3A_415 : i32 to index
        %swap3A_417 = arith.constant 32 : index
        %swap3A_418 = tpu.vector_load %arg11[%swap3A_416, %swap3A_417] {strides = array<i32>} : memref<80x128xf32, #tpu.memory_space<vmem>>, vector<16xf32>,
        tpu.vector_store %arg11[%swap3A_416, %swap3A_417], %mul3A_413 {strides = array<i32>} : memref<80x128xf32, #tpu.memory_space<vmem>>, vector<16xf32>,
        %add3A_419 = arith.constant 2 : i32
        %add3A_420 = arith.addi %mul3A_185, %add3A_419 : i32
        %get3A_421 = arith.index_cast %add3A_420 : i32 to index
        %get3A_422 = arith.constant 48 : index
        %get3A_423 = tpu.vector_load %arg11[%get3A_421, %get3A_422] {strides = array<i32>} : memref<80x128xf32, #tpu.memory_space<vmem>>, vector<16xf32>,
        %mul3A_424 = arith.mulf %get3A_423, %gather3A_385 : vector<16xf32>
        %add3A_425 = arith.constant 2 : i32
        %add3A_426 = arith.addi %mul3A_185, %add3A_425 : i32
        %swap3A_427 = arith.index_cast %add3A_426 : i32 to index
        %swap3A_428 = arith.constant 48 : index
        %swap3A_429 = tpu.vector_load %arg11[%swap3A_427, %swap3A_428] {strides = array<i32>} : memref<80x128xf32, #tpu.memory_space<vmem>>, vector<16xf32>,
        tpu.vector_store %arg11[%swap3A_427, %swap3A_428], %mul3A_424 {strides = array<i32>} : memref<80x128xf32, #tpu.memory_space<vmem>>, vector<16xf32>,
        %add3A_430 = arith.constant 2 : i32
        %add3A_431 = arith.addi %mul3A_185, %add3A_430 : i32
        %get3A_432 = arith.index_cast %add3A_431 : i32 to index
        %get3A_433 = arith.constant 64 : index
        %get3A_434 = tpu.vector_load %arg11[%get3A_432, %get3A_433] {strides = array<i32>} : memref<80x128xf32, #tpu.memory_space<vmem>>, vector<16xf32>,
        %mul3A_435 = arith.mulf %get3A_434, %gather3A_385 : vector<16xf32>
        %add3A_436 = arith.constant 2 : i32
        %add3A_437 = arith.addi %mul3A_185, %add3A_436 : i32
        %swap3A_438 = arith.index_cast %add3A_437 : i32 to index
        %swap3A_439 = arith.constant 64 : index
        %swap3A_440 = tpu.vector_load %arg11[%swap3A_438, %swap3A_439] {strides = array<i32>} : memref<80x128xf32, #tpu.memory_space<vmem>>, vector<16xf32>,
        tpu.vector_store %arg11[%swap3A_438, %swap3A_439], %mul3A_435 {strides = array<i32>} : memref<80x128xf32, #tpu.memory_space<vmem>>, vector<16xf32>,
        %add3A_441 = arith.constant 2 : i32
        %add3A_442 = arith.addi %mul3A_185, %add3A_441 : i32
        %get3A_443 = arith.index_cast %add3A_442 : i32 to index
        %get3A_444 = arith.constant 80 : index
        %get3A_445 = tpu.vector_load %arg11[%get3A_443, %get3A_444] {strides = array<i32>} : memref<80x128xf32, #tpu.memory_space<vmem>>, vector<16xf32>,
        %mul3A_446 = arith.mulf %get3A_445, %gather3A_385 : vector<16xf32>
        %add3A_447 = arith.constant 2 : i32
        %add3A_448 = arith.addi %mul3A_185, %add3A_447 : i32
        %swap3A_449 = arith.index_cast %add3A_448 : i32 to index
        %swap3A_450 = arith.constant 80 : index
        %swap3A_451 = tpu.vector_load %arg11[%swap3A_449, %swap3A_450] {strides = array<i32>} : memref<80x128xf32, #tpu.memory_space<vmem>>, vector<16xf32>,
        tpu.vector_store %arg11[%swap3A_449, %swap3A_450], %mul3A_446 {strides = array<i32>} : memref<80x128xf32, #tpu.memory_space<vmem>>, vector<16xf32>,
        %add3A_452 = arith.constant 2 : i32
        %add3A_453 = arith.addi %mul3A_185, %add3A_452 : i32
        %get3A_454 = arith.index_cast %add3A_453 : i32 to index
        %get3A_455 = arith.constant 96 : index
        %get3A_456 = tpu.vector_load %arg11[%get3A_454, %get3A_455] {strides = array<i32>} : memref<80x128xf32, #tpu.memory_space<vmem>>, vector<16xf32>,
        %mul3A_457 = arith.mulf %get3A_456, %gather3A_385 : vector<16xf32>
        %add3A_458 = arith.constant 2 : i32
        %add3A_459 = arith.addi %mul3A_185, %add3A_458 : i32
        %swap3A_460 = arith.index_cast %add3A_459 : i32 to index
        %swap3A_461 = arith.constant 96 : index
        %swap3A_462 = tpu.vector_load %arg11[%swap3A_460, %swap3A_461] {strides = array<i32>} : memref<80x128xf32, #tpu.memory_space<vmem>>, vector<16xf32>,
        tpu.vector_store %arg11[%swap3A_460, %swap3A_461], %mul3A_457 {strides = array<i32>} : memref<80x128xf32, #tpu.memory_space<vmem>>, vector<16xf32>,
        %add3A_463 = arith.constant 2 : i32
        %add3A_464 = arith.addi %mul3A_185, %add3A_463 : i32
        %get3A_465 = arith.index_cast %add3A_464 : i32 to index
        %get3A_466 = arith.constant 112 : index
        %get3A_467 = tpu.vector_load %arg11[%get3A_465, %get3A_466] {strides = array<i32>} : memref<80x128xf32, #tpu.memory_space<vmem>>, vector<16xf32>,
        %mul3A_468 = arith.mulf %get3A_467, %gather3A_385 : vector<16xf32>
        %add3A_469 = arith.constant 2 : i32
        %add3A_470 = arith.addi %mul3A_185, %add3A_469 : i32
        %swap3A_471 = arith.index_cast %add3A_470 : i32 to index
        %swap3A_472 = arith.constant 112 : index
        %swap3A_473 = tpu.vector_load %arg11[%swap3A_471, %swap3A_472] {strides = array<i32>} : memref<80x128xf32, #tpu.memory_space<vmem>>, vector<16xf32>,
        tpu.vector_store %arg11[%swap3A_471, %swap3A_472], %mul3A_468 {strides = array<i32>} : memref<80x128xf32, #tpu.memory_space<vmem>>, vector<16xf32>,
        %broadcast_in_dim3A_474 = arith.constant 0 : i32
        %broadcast_in_dim3A_475 = vector.broadcast %broadcast_in_dim3A_474 : i32 to vector<16xi32>
        %add3A_476 = arith.constant 0 : i32
        %add3A_477 = arith.addi %add3A_476, %mul3A_185 : i32
        %add3A_478 = arith.constant 3 : i32
        %add3A_479 = arith.addi %add3A_477, %add3A_478 : i32
        %add3A_480 = vector.broadcast %add3A_479 : i32 to vector<16xi32>
        %add3A_481 = arith.addi %broadcast_in_dim3A_475, %add3A_480 : vector<16xi32>
        %gather3A_482 = tpu.vector_load_idx %arg9[%add3A_481] : memref<2000xf32, #tpu.memory_space<vmem>>[vector<16xi32>], vector<16xf32>,
        %add3A_483 = arith.constant 3 : i32
        %add3A_484 = arith.addi %mul3A_185, %add3A_483 : i32
        %get3A_485 = arith.index_cast %add3A_484 : i32 to index
        %get3A_486 = arith.constant 0 : index
        %get3A_487 = tpu.vector_load %arg11[%get3A_485, %get3A_486] {strides = array<i32>} : memref<80x128xf32, #tpu.memory_space<vmem>>, vector<16xf32>,
        %mul3A_488 = arith.mulf %get3A_487, %gather3A_482 : vector<16xf32>
        %add3A_489 = arith.constant 3 : i32
        %add3A_490 = arith.addi %mul3A_185, %add3A_489 : i32
        %swap3A_491 = arith.index_cast %add3A_490 : i32 to index
        %swap3A_492 = arith.constant 0 : index
        %swap3A_493 = tpu.vector_load %arg11[%swap3A_491, %swap3A_492] {strides = array<i32>} : memref<80x128xf32, #tpu.memory_space<vmem>>, vector<16xf32>,
        tpu.vector_store %arg11[%swap3A_491, %swap3A_492], %mul3A_488 {strides = array<i32>} : memref<80x128xf32, #tpu.memory_space<vmem>>, vector<16xf32>,
        %add3A_494 = arith.constant 3 : i32
        %add3A_495 = arith.addi %mul3A_185, %add3A_494 : i32
        %get3A_496 = arith.index_cast %add3A_495 : i32 to index
        %get3A_497 = arith.constant 16 : index
        %get3A_498 = tpu.vector_load %arg11[%get3A_496, %get3A_497] {strides = array<i32>} : memref<80x128xf32, #tpu.memory_space<vmem>>, vector<16xf32>,
        %mul3A_499 = arith.mulf %get3A_498, %gather3A_482 : vector<16xf32>
        %add3A_500 = arith.constant 3 : i32
        %add3A_501 = arith.addi %mul3A_185, %add3A_500 : i32
        %swap3A_502 = arith.index_cast %add3A_501 : i32 to index
        %swap3A_503 = arith.constant 16 : index
        %swap3A_504 = tpu.vector_load %arg11[%swap3A_502, %swap3A_503] {strides = array<i32>} : memref<80x128xf32, #tpu.memory_space<vmem>>, vector<16xf32>,
        tpu.vector_store %arg11[%swap3A_502, %swap3A_503], %mul3A_499 {strides = array<i32>} : memref<80x128xf32, #tpu.memory_space<vmem>>, vector<16xf32>,
        %add3A_505 = arith.constant 3 : i32
        %add3A_506 = arith.addi %mul3A_185, %add3A_505 : i32
        %get3A_507 = arith.index_cast %add3A_506 : i32 to index
        %get3A_508 = arith.constant 32 : index
        %get3A_509 = tpu.vector_load %arg11[%get3A_507, %get3A_508] {strides = array<i32>} : memref<80x128xf32, #tpu.memory_space<vmem>>, vector<16xf32>,
        %mul3A_510 = arith.mulf %get3A_509, %gather3A_482 : vector<16xf32>
        %add3A_511 = arith.constant 3 : i32
        %add3A_512 = arith.addi %mul3A_185, %add3A_511 : i32
        %swap3A_513 = arith.index_cast %add3A_512 : i32 to index
        %swap3A_514 = arith.constant 32 : index
        %swap3A_515 = tpu.vector_load %arg11[%swap3A_513, %swap3A_514] {strides = array<i32>} : memref<80x128xf32, #tpu.memory_space<vmem>>, vector<16xf32>,
        tpu.vector_store %arg11[%swap3A_513, %swap3A_514], %mul3A_510 {strides = array<i32>} : memref<80x128xf32, #tpu.memory_space<vmem>>, vector<16xf32>,
        %add3A_516 = arith.constant 3 : i32
        %add3A_517 = arith.addi %mul3A_185, %add3A_516 : i32
        %get3A_518 = arith.index_cast %add3A_517 : i32 to index
        %get3A_519 = arith.constant 48 : index
        %get3A_520 = tpu.vector_load %arg11[%get3A_518, %get3A_519] {strides = array<i32>} : memref<80x128xf32, #tpu.memory_space<vmem>>, vector<16xf32>,
        %mul3A_521 = arith.mulf %get3A_520, %gather3A_482 : vector<16xf32>
        %add3A_522 = arith.constant 3 : i32
        %add3A_523 = arith.addi %mul3A_185, %add3A_522 : i32
        %swap3A_524 = arith.index_cast %add3A_523 : i32 to index
        %swap3A_525 = arith.constant 48 : index
        %swap3A_526 = tpu.vector_load %arg11[%swap3A_524, %swap3A_525] {strides = array<i32>} : memref<80x128xf32, #tpu.memory_space<vmem>>, vector<16xf32>,
        tpu.vector_store %arg11[%swap3A_524, %swap3A_525], %mul3A_521 {strides = array<i32>} : memref<80x128xf32, #tpu.memory_space<vmem>>, vector<16xf32>,
        %add3A_527 = arith.constant 3 : i32
        %add3A_528 = arith.addi %mul3A_185, %add3A_527 : i32
        %get3A_529 = arith.index_cast %add3A_528 : i32 to index
        %get3A_530 = arith.constant 64 : index
        %get3A_531 = tpu.vector_load %arg11[%get3A_529, %get3A_530] {strides = array<i32>} : memref<80x128xf32, #tpu.memory_space<vmem>>, vector<16xf32>,
        %mul3A_532 = arith.mulf %get3A_531, %gather3A_482 : vector<16xf32>
        %add3A_533 = arith.constant 3 : i32
        %add3A_534 = arith.addi %mul3A_185, %add3A_533 : i32
        %swap3A_535 = arith.index_cast %add3A_534 : i32 to index
        %swap3A_536 = arith.constant 64 : index
        %swap3A_537 = tpu.vector_load %arg11[%swap3A_535, %swap3A_536] {strides = array<i32>} : memref<80x128xf32, #tpu.memory_space<vmem>>, vector<16xf32>,
        tpu.vector_store %arg11[%swap3A_535, %swap3A_536], %mul3A_532 {strides = array<i32>} : memref<80x128xf32, #tpu.memory_space<vmem>>, vector<16xf32>,
        %add3A_538 = arith.constant 3 : i32
        %add3A_539 = arith.addi %mul3A_185, %add3A_538 : i32
        %get3A_540 = arith.index_cast %add3A_539 : i32 to index
        %get3A_541 = arith.constant 80 : index
        %get3A_542 = tpu.vector_load %arg11[%get3A_540, %get3A_541] {strides = array<i32>} : memref<80x128xf32, #tpu.memory_space<vmem>>, vector<16xf32>,
        %mul3A_543 = arith.mulf %get3A_542, %gather3A_482 : vector<16xf32>
        %add3A_544 = arith.constant 3 : i32
        %add3A_545 = arith.addi %mul3A_185, %add3A_544 : i32
        %swap3A_546 = arith.index_cast %add3A_545 : i32 to index
        %swap3A_547 = arith.constant 80 : index
        %swap3A_548 = tpu.vector_load %arg11[%swap3A_546, %swap3A_547] {strides = array<i32>} : memref<80x128xf32, #tpu.memory_space<vmem>>, vector<16xf32>,
        tpu.vector_store %arg11[%swap3A_546, %swap3A_547], %mul3A_543 {strides = array<i32>} : memref<80x128xf32, #tpu.memory_space<vmem>>, vector<16xf32>,
        %add3A_549 = arith.constant 3 : i32
        %add3A_550 = arith.addi %mul3A_185, %add3A_549 : i32
        %get3A_551 = arith.index_cast %add3A_550 : i32 to index
        %get3A_552 = arith.constant 96 : index
        %get3A_553 = tpu.vector_load %arg11[%get3A_551, %get3A_552] {strides = array<i32>} : memref<80x128xf32, #tpu.memory_space<vmem>>, vector<16xf32>,
        %mul3A_554 = arith.mulf %get3A_553, %gather3A_482 : vector<16xf32>
        %add3A_555 = arith.constant 3 : i32
        %add3A_556 = arith.addi %mul3A_185, %add3A_555 : i32
        %swap3A_557 = arith.index_cast %add3A_556 : i32 to index
        %swap3A_558 = arith.constant 96 : index
        %swap3A_559 = tpu.vector_load %arg11[%swap3A_557, %swap3A_558] {strides = array<i32>} : memref<80x128xf32, #tpu.memory_space<vmem>>, vector<16xf32>,
        tpu.vector_store %arg11[%swap3A_557, %swap3A_558], %mul3A_554 {strides = array<i32>} : memref<80x128xf32, #tpu.memory_space<vmem>>, vector<16xf32>,
        %add3A_560 = arith.constant 3 : i32
        %add3A_561 = arith.addi %mul3A_185, %add3A_560 : i32
        %get3A_562 = arith.index_cast %add3A_561 : i32 to index
        %get3A_563 = arith.constant 112 : index
        %get3A_564 = tpu.vector_load %arg11[%get3A_562, %get3A_563] {strides = array<i32>} : memref<80x128xf32, #tpu.memory_space<vmem>>, vector<16xf32>,
        %mul3A_565 = arith.mulf %get3A_564, %gather3A_482 : vector<16xf32>
        %add3A_566 = arith.constant 3 : i32
        %add3A_567 = arith.addi %mul3A_185, %add3A_566 : i32
        %swap3A_568 = arith.index_cast %add3A_567 : i32 to index
        %swap3A_569 = arith.constant 112 : index
        %swap3A_570 = tpu.vector_load %arg11[%swap3A_568, %swap3A_569] {strides = array<i32>} : memref<80x128xf32, #tpu.memory_space<vmem>>, vector<16xf32>,
        tpu.vector_store %arg11[%swap3A_568, %swap3A_569], %mul3A_565 {strides = array<i32>} : memref<80x128xf32, #tpu.memory_space<vmem>>, vector<16xf32>,
      }
      %scan3A_101 = arith.constant 20 : i32
      %dma_start3A_102 = arith.constant 0 : i32
      %dma_start3A_103 = arith.constant 0 : i32
      %dma_start3A_104 = tpu.memref_slice %arg8[%dma_start3A_102, %dma_start3A_103] : memref<25x80xi32, #tpu.memory_space<vmem>> -> memref<1x80xi32, #tpu.memory_space<vmem>>
      %dma_start3A_105 = tpu.memref_squeeze %dma_start3A_104 : memref<1x80xi32, #tpu.memory_space<vmem>> -> memref<80xi32, #tpu.memory_space<vmem>>
      %dma_start3A_106 = arith.constant 0 : i32
      %dma_start3A_107 = arith.constant 0 : i32
      %dma_start3A_108 = tpu.memref_slice %arg13[%dma_start3A_106, %dma_start3A_107] : memref<10240x128xf32, #tpu.memory_space<vmem_shared>> -> memref<10240x128xf32, #tpu.memory_space<vmem_shared>>
      tpu.enqueue_indirect_dma source(%arg11 : memref<80x128xf32, #tpu.memory_space<vmem>>) target(%dma_start3A_108 : memref<10240x128xf32, #tpu.memory_space<vmem_shared>>) offsets(%dma_start3A_105 : memref<80xi32, #tpu.memory_space<vmem>>) semaphore(%arg17 : memref<!tpu.dma_semaphore, #tpu.memory_space<semaphore_mem>>) {add = true}
      %scan3A_109 = arith.constant 0 : i32
      %scan3A_110 = arith.constant 0 : i32
      %scan3A_111 = arith.constant 11 : i32
      %scan3A_112 = arith.addi %scan3A_110, %scan3A_111 : i32
      %scan3A_113 = arith.constant 1 : i32
      scf.for %scan3A_183 = %scan3A_110 to %scan3A_112 step %scan3A_113  : i32 {
        %mul3A_184 = arith.constant 2 : i32
        %mul3A_185 = arith.muli %mul3A_184, %scan3A_183 : i32
        %add3A_186 = arith.constant 1 : i32
        %add3A_187 = arith.addi %mul3A_185, %add3A_186 : i32
        %mul3A_188 = arith.constant 2 : i32
        %mul3A_189 = arith.muli %mul3A_188, %scan3A_183 : i32
        %add3A_190 = arith.constant 2 : i32
        %add3A_191 = arith.addi %mul3A_189, %add3A_190 : i32
        %dma_wait3A_192 = arith.constant 0 : i32
        %dma_wait3A_193 = tpu.memref_slice %arg7[%add3A_187, %dma_wait3A_192] : memref<25x80xi32, #tpu.memory_space<vmem>> -> memref<1x80xi32, #tpu.memory_space<vmem>>
        %dma_wait3A_194 = tpu.memref_squeeze %dma_wait3A_193 : memref<1x80xi32, #tpu.memory_space<vmem>> -> memref<80xi32, #tpu.memory_space<vmem>>
        %dma_wait3A_195 = arith.constant 0 : i32
        %dma_wait3A_196 = arith.constant 0 : i32
        %dma_wait3A_197 = tpu.memref_slice %arg2[%dma_wait3A_195, %dma_wait3A_196] : memref<10000x128xf32, #tpu.memory_space<hbm>> -> memref<10000x128xf32, #tpu.memory_space<hbm>>
        tpu.wait_indirect_dma semaphore(%arg16 : memref<!tpu.dma_semaphore, #tpu.memory_space<semaphore_mem>>) src(%dma_wait3A_197 : memref<10000x128xf32, #tpu.memory_space<hbm>>) dst(%arg12 : memref<80x128xf32, #tpu.memory_space<vmem>>)
        %sub3A = arith.constant 1 : i32
        %sub3A_198 = arith.subi %add3A_187, %sub3A : i32
        %dma_wait3A_199 = arith.constant 0 : i32
        %dma_wait3A_200 = tpu.memref_slice %arg8[%sub3A_198, %dma_wait3A_199] : memref<25x80xi32, #tpu.memory_space<vmem>> -> memref<1x80xi32, #tpu.memory_space<vmem>>
        %dma_wait3A_201 = tpu.memref_squeeze %dma_wait3A_200 : memref<1x80xi32, #tpu.memory_space<vmem>> -> memref<80xi32, #tpu.memory_space<vmem>>
        %dma_wait3A_202 = arith.constant 0 : i32
        %dma_wait3A_203 = arith.constant 0 : i32
        %dma_wait3A_204 = tpu.memref_slice %arg13[%dma_wait3A_202, %dma_wait3A_203] : memref<10240x128xf32, #tpu.memory_space<vmem_shared>> -> memref<10240x128xf32, #tpu.memory_space<vmem_shared>>
        tpu.wait_indirect_dma semaphore(%arg17 : memref<!tpu.dma_semaphore, #tpu.memory_space<semaphore_mem>>) src(%arg11 : memref<80x128xf32, #tpu.memory_space<vmem>>) dst(%dma_wait3A_204 : memref<10240x128xf32, #tpu.memory_space<vmem_shared>>)
        %add3A_205 = arith.constant 1 : i32
        %add3A_206 = arith.addi %add3A_187, %add3A_205 : i32
        %dma_start3A_207 = arith.constant 0 : i32
        %dma_start3A_208 = tpu.memref_slice %arg7[%add3A_206, %dma_start3A_207] : memref<25x80xi32, #tpu.memory_space<vmem>> -> memref<1x80xi32, #tpu.memory_space<vmem>>
        %dma_start3A_209 = tpu.memref_squeeze %dma_start3A_208 : memref<1x80xi32, #tpu.memory_space<vmem>> -> memref<80xi32, #tpu.memory_space<vmem>>
        %dma_start3A_210 = arith.constant 0 : i32
        %dma_start3A_211 = arith.constant 0 : i32
        %dma_start3A_212 = tpu.memref_slice %arg2[%dma_start3A_210, %dma_start3A_211] : memref<10000x128xf32, #tpu.memory_space<hbm>> -> memref<10000x128xf32, #tpu.memory_space<hbm>>
        tpu.enqueue_indirect_dma source(%dma_start3A_212 : memref<10000x128xf32, #tpu.memory_space<hbm>>) target(%arg11 : memref<80x128xf32, #tpu.memory_space<vmem>>) offsets(%dma_start3A_209 : memref<80xi32, #tpu.memory_space<vmem>>) semaphore(%arg15 : memref<!tpu.dma_semaphore, #tpu.memory_space<semaphore_mem>>)
        %mul3A_213 = arith.constant 80 : i32
        %mul3A_214 = arith.muli %add3A_187, %mul3A_213 : i32
        %scan3A_215 = arith.constant 0 : i32
        %scan3A_216 = arith.constant 0 : i32
        %scan3A_217 = arith.constant 20 : i32
        %scan3A_218 = arith.addi %scan3A_216, %scan3A_217 : i32
        %scan3A_219 = arith.constant 1 : i32
        scf.for %scan3A_263 = %scan3A_216 to %scan3A_218 step %scan3A_219  : i32 {
          %mul3A_264 = arith.constant 4 : i32
          %mul3A_265 = arith.muli %scan3A_263, %mul3A_264 : i32
          %broadcast_in_dim3A_266 = arith.constant 0 : i32
          %broadcast_in_dim3A_267 = vector.broadcast %broadcast_in_dim3A_266 : i32 to vector<16xi32>
          %add3A_268 = arith.addi %mul3A_214, %mul3A_265 : i32
          %add3A_269 = arith.constant 0 : i32
          %add3A_270 = arith.addi %add3A_268, %add3A_269 : i32
          %add3A_271 = vector.broadcast %add3A_270 : i32 to vector<16xi32>
          %add3A_272 = arith.addi %broadcast_in_dim3A_267, %add3A_271 : vector<16xi32>
          %gather3A = tpu.vector_load_idx %arg9[%add3A_272] : memref<2000xf32, #tpu.memory_space<vmem>>[vector<16xi32>], vector<16xf32>,
          %add3A_273 = arith.constant 0 : i32
          %add3A_274 = arith.addi %mul3A_265, %add3A_273 : i32
          %get3A = arith.index_cast %add3A_274 : i32 to index
          %get3A_275 = arith.constant 0 : index
          %get3A_276 = tpu.vector_load %arg12[%get3A, %get3A_275] {strides = array<i32>} : memref<80x128xf32, #tpu.memory_space<vmem>>, vector<16xf32>,
          %mul3A_277 = arith.mulf %get3A_276, %gather3A : vector<16xf32>
          %add3A_278 = arith.constant 0 : i32
          %add3A_279 = arith.addi %mul3A_265, %add3A_278 : i32
          %swap3A = arith.index_cast %add3A_279 : i32 to index
          %swap3A_280 = arith.constant 0 : index
          %swap3A_281 = tpu.vector_load %arg12[%swap3A, %swap3A_280] {strides = array<i32>} : memref<80x128xf32, #tpu.memory_space<vmem>>, vector<16xf32>,
          tpu.vector_store %arg12[%swap3A, %swap3A_280], %mul3A_277 {strides = array<i32>} : memref<80x128xf32, #tpu.memory_space<vmem>>, vector<16xf32>,
          %add3A_282 = arith.constant 0 : i32
          %add3A_283 = arith.addi %mul3A_265, %add3A_282 : i32
          %get3A_284 = arith.index_cast %add3A_283 : i32 to index
          %get3A_285 = arith.constant 16 : index
          %get3A_286 = tpu.vector_load %arg12[%get3A_284, %get3A_285] {strides = array<i32>} : memref<80x128xf32, #tpu.memory_space<vmem>>, vector<16xf32>,
          %mul3A_287 = arith.mulf %get3A_286, %gather3A : vector<16xf32>
          %add3A_288 = arith.constant 0 : i32
          %add3A_289 = arith.addi %mul3A_265, %add3A_288 : i32
          %swap3A_290 = arith.index_cast %add3A_289 : i32 to index
          %swap3A_291 = arith.constant 16 : index
          %swap3A_292 = tpu.vector_load %arg12[%swap3A_290, %swap3A_291] {strides = array<i32>} : memref<80x128xf32, #tpu.memory_space<vmem>>, vector<16xf32>,
          tpu.vector_store %arg12[%swap3A_290, %swap3A_291], %mul3A_287 {strides = array<i32>} : memref<80x128xf32, #tpu.memory_space<vmem>>, vector<16xf32>,
          %add3A_293 = arith.constant 0 : i32
          %add3A_294 = arith.addi %mul3A_265, %add3A_293 : i32
          %get3A_295 = arith.index_cast %add3A_294 : i32 to index
          %get3A_296 = arith.constant 32 : index
          %get3A_297 = tpu.vector_load %arg12[%get3A_295, %get3A_296] {strides = array<i32>} : memref<80x128xf32, #tpu.memory_space<vmem>>, vector<16xf32>,
          %mul3A_298 = arith.mulf %get3A_297, %gather3A : vector<16xf32>
          %add3A_299 = arith.constant 0 : i32
          %add3A_300 = arith.addi %mul3A_265, %add3A_299 : i32
          %swap3A_301 = arith.index_cast %add3A_300 : i32 to index
          %swap3A_302 = arith.constant 32 : index
          %swap3A_303 = tpu.vector_load %arg12[%swap3A_301, %swap3A_302] {strides = array<i32>} : memref<80x128xf32, #tpu.memory_space<vmem>>, vector<16xf32>,
          tpu.vector_store %arg12[%swap3A_301, %swap3A_302], %mul3A_298 {strides = array<i32>} : memref<80x128xf32, #tpu.memory_space<vmem>>, vector<16xf32>,
          %add3A_304 = arith.constant 0 : i32
          %add3A_305 = arith.addi %mul3A_265, %add3A_304 : i32
          %get3A_306 = arith.index_cast %add3A_305 : i32 to index
          %get3A_307 = arith.constant 48 : index
          %get3A_308 = tpu.vector_load %arg12[%get3A_306, %get3A_307] {strides = array<i32>} : memref<80x128xf32, #tpu.memory_space<vmem>>, vector<16xf32>,
          %mul3A_309 = arith.mulf %get3A_308, %gather3A : vector<16xf32>
          %add3A_310 = arith.constant 0 : i32
          %add3A_311 = arith.addi %mul3A_265, %add3A_310 : i32
          %swap3A_312 = arith.index_cast %add3A_311 : i32 to index
          %swap3A_313 = arith.constant 48 : index
          %swap3A_314 = tpu.vector_load %arg12[%swap3A_312, %swap3A_313] {strides = array<i32>} : memref<80x128xf32, #tpu.memory_space<vmem>>, vector<16xf32>,
          tpu.vector_store %arg12[%swap3A_312, %swap3A_313], %mul3A_309 {strides = array<i32>} : memref<80x128xf32, #tpu.memory_space<vmem>>, vector<16xf32>,
          %add3A_315 = arith.constant 0 : i32
          %add3A_316 = arith.addi %mul3A_265, %add3A_315 : i32
          %get3A_317 = arith.index_cast %add3A_316 : i32 to index
          %get3A_318 = arith.constant 64 : index
          %get3A_319 = tpu.vector_load %arg12[%get3A_317, %get3A_318] {strides = array<i32>} : memref<80x128xf32, #tpu.memory_space<vmem>>, vector<16xf32>,
          %mul3A_320 = arith.mulf %get3A_319, %gather3A : vector<16xf32>
          %add3A_321 = arith.constant 0 : i32
          %add3A_322 = arith.addi %mul3A_265, %add3A_321 : i32
          %swap3A_323 = arith.index_cast %add3A_322 : i32 to index
          %swap3A_324 = arith.constant 64 : index
          %swap3A_325 = tpu.vector_load %arg12[%swap3A_323, %swap3A_324] {strides = array<i32>} : memref<80x128xf32, #tpu.memory_space<vmem>>, vector<16xf32>,
          tpu.vector_store %arg12[%swap3A_323, %swap3A_324], %mul3A_320 {strides = array<i32>} : memref<80x128xf32, #tpu.memory_space<vmem>>, vector<16xf32>,
          %add3A_326 = arith.constant 0 : i32
          %add3A_327 = arith.addi %mul3A_265, %add3A_326 : i32
          %get3A_328 = arith.index_cast %add3A_327 : i32 to index
          %get3A_329 = arith.constant 80 : index
          %get3A_330 = tpu.vector_load %arg12[%get3A_328, %get3A_329] {strides = array<i32>} : memref<80x128xf32, #tpu.memory_space<vmem>>, vector<16xf32>,
          %mul3A_331 = arith.mulf %get3A_330, %gather3A : vector<16xf32>
          %add3A_332 = arith.constant 0 : i32
          %add3A_333 = arith.addi %mul3A_265, %add3A_332 : i32
          %swap3A_334 = arith.index_cast %add3A_333 : i32 to index
          %swap3A_335 = arith.constant 80 : index
          %swap3A_336 = tpu.vector_load %arg12[%swap3A_334, %swap3A_335] {strides = array<i32>} : memref<80x128xf32, #tpu.memory_space<vmem>>, vector<16xf32>,
          tpu.vector_store %arg12[%swap3A_334, %swap3A_335], %mul3A_331 {strides = array<i32>} : memref<80x128xf32, #tpu.memory_space<vmem>>, vector<16xf32>,
          %add3A_337 = arith.constant 0 : i32
          %add3A_338 = arith.addi %mul3A_265, %add3A_337 : i32
          %get3A_339 = arith.index_cast %add3A_338 : i32 to index
          %get3A_340 = arith.constant 96 : index
          %get3A_341 = tpu.vector_load %arg12[%get3A_339, %get3A_340] {strides = array<i32>} : memref<80x128xf32, #tpu.memory_space<vmem>>, vector<16xf32>,
          %mul3A_342 = arith.mulf %get3A_341, %gather3A : vector<16xf32>
          %add3A_343 = arith.constant 0 : i32
          %add3A_344 = arith.addi %mul3A_265, %add3A_343 : i32
          %swap3A_345 = arith.index_cast %add3A_344 : i32 to index
          %swap3A_346 = arith.constant 96 : index
          %swap3A_347 = tpu.vector_load %arg12[%swap3A_345, %swap3A_346] {strides = array<i32>} : memref<80x128xf32, #tpu.memory_space<vmem>>, vector<16xf32>,
          tpu.vector_store %arg12[%swap3A_345, %swap3A_346], %mul3A_342 {strides = array<i32>} : memref<80x128xf32, #tpu.memory_space<vmem>>, vector<16xf32>,
          %add3A_348 = arith.constant 0 : i32
          %add3A_349 = arith.addi %mul3A_265, %add3A_348 : i32
          %get3A_350 = arith.index_cast %add3A_349 : i32 to index
          %get3A_351 = arith.constant 112 : index
          %get3A_352 = tpu.vector_load %arg12[%get3A_350, %get3A_351] {strides = array<i32>} : memref<80x128xf32, #tpu.memory_space<vmem>>, vector<16xf32>,
          %mul3A_353 = arith.mulf %get3A_352, %gather3A : vector<16xf32>
          %add3A_354 = arith.constant 0 : i32
          %add3A_355 = arith.addi %mul3A_265, %add3A_354 : i32
          %swap3A_356 = arith.index_cast %add3A_355 : i32 to index
          %swap3A_357 = arith.constant 112 : index
          %swap3A_358 = tpu.vector_load %arg12[%swap3A_356, %swap3A_357] {strides = array<i32>} : memref<80x128xf32, #tpu.memory_space<vmem>>, vector<16xf32>,
          tpu.vector_store %arg12[%swap3A_356, %swap3A_357], %mul3A_353 {strides = array<i32>} : memref<80x128xf32, #tpu.memory_space<vmem>>, vector<16xf32>,
          %broadcast_in_dim3A_359 = arith.constant 0 : i32
          %broadcast_in_dim3A_360 = vector.broadcast %broadcast_in_dim3A_359 : i32 to vector<16xi32>
          %add3A_361 = arith.addi %mul3A_214, %mul3A_265 : i32
          %add3A_362 = arith.constant 1 : i32
          %add3A_363 = arith.addi %add3A_361, %add3A_362 : i32
          %add3A_364 = vector.broadcast %add3A_363 : i32 to vector<16xi32>
          %add3A_365 = arith.addi %broadcast_in_dim3A_360, %add3A_364 : vector<16xi32>
          %gather3A_366 = tpu.vector_load_idx %arg9[%add3A_365] : memref<2000xf32, #tpu.memory_space<vmem>>[vector<16xi32>], vector<16xf32>,
          %add3A_367 = arith.constant 1 : i32
          %add3A_368 = arith.addi %mul3A_265, %add3A_367 : i32
          %get3A_369 = arith.index_cast %add3A_368 : i32 to index
          %get3A_370 = arith.constant 0 : index
          %get3A_371 = tpu.vector_load %arg12[%get3A_369, %get3A_370] {strides = array<i32>} : memref<80x128xf32, #tpu.memory_space<vmem>>, vector<16xf32>,
          %mul3A_372 = arith.mulf %get3A_371, %gather3A_366 : vector<16xf32>
          %add3A_373 = arith.constant 1 : i32
          %add3A_374 = arith.addi %mul3A_265, %add3A_373 : i32
          %swap3A_375 = arith.index_cast %add3A_374 : i32 to index
          %swap3A_376 = arith.constant 0 : index
          %swap3A_377 = tpu.vector_load %arg12[%swap3A_375, %swap3A_376] {strides = array<i32>} : memref<80x128xf32, #tpu.memory_space<vmem>>, vector<16xf32>,
          tpu.vector_store %arg12[%swap3A_375, %swap3A_376], %mul3A_372 {strides = array<i32>} : memref<80x128xf32, #tpu.memory_space<vmem>>, vector<16xf32>,
          %add3A_378 = arith.constant 1 : i32
          %add3A_379 = arith.addi %mul3A_265, %add3A_378 : i32
          %get3A_380 = arith.index_cast %add3A_379 : i32 to index
          %get3A_381 = arith.constant 16 : index
          %get3A_382 = tpu.vector_load %arg12[%get3A_380, %get3A_381] {strides = array<i32>} : memref<80x128xf32, #tpu.memory_space<vmem>>, vector<16xf32>,
          %mul3A_383 = arith.mulf %get3A_382, %gather3A_366 : vector<16xf32>
          %add3A_384 = arith.constant 1 : i32
          %add3A_385 = arith.addi %mul3A_265, %add3A_384 : i32
          %swap3A_386 = arith.index_cast %add3A_385 : i32 to index
          %swap3A_387 = arith.constant 16 : index
          %swap3A_388 = tpu.vector_load %arg12[%swap3A_386, %swap3A_387] {strides = array<i32>} : memref<80x128xf32, #tpu.memory_space<vmem>>, vector<16xf32>,
          tpu.vector_store %arg12[%swap3A_386, %swap3A_387], %mul3A_383 {strides = array<i32>} : memref<80x128xf32, #tpu.memory_space<vmem>>, vector<16xf32>,
          %add3A_389 = arith.constant 1 : i32
          %add3A_390 = arith.addi %mul3A_265, %add3A_389 : i32
          %get3A_391 = arith.index_cast %add3A_390 : i32 to index
          %get3A_392 = arith.constant 32 : index
          %get3A_393 = tpu.vector_load %arg12[%get3A_391, %get3A_392] {strides = array<i32>} : memref<80x128xf32, #tpu.memory_space<vmem>>, vector<16xf32>,
          %mul3A_394 = arith.mulf %get3A_393, %gather3A_366 : vector<16xf32>
          %add3A_395 = arith.constant 1 : i32
          %add3A_396 = arith.addi %mul3A_265, %add3A_395 : i32
          %swap3A_397 = arith.index_cast %add3A_396 : i32 to index
          %swap3A_398 = arith.constant 32 : index
          %swap3A_399 = tpu.vector_load %arg12[%swap3A_397, %swap3A_398] {strides = array<i32>} : memref<80x128xf32, #tpu.memory_space<vmem>>, vector<16xf32>,
          tpu.vector_store %arg12[%swap3A_397, %swap3A_398], %mul3A_394 {strides = array<i32>} : memref<80x128xf32, #tpu.memory_space<vmem>>, vector<16xf32>,
          %add3A_400 = arith.constant 1 : i32
          %add3A_401 = arith.addi %mul3A_265, %add3A_400 : i32
          %get3A_402 = arith.index_cast %add3A_401 : i32 to index
          %get3A_403 = arith.constant 48 : index
          %get3A_404 = tpu.vector_load %arg12[%get3A_402, %get3A_403] {strides = array<i32>} : memref<80x128xf32, #tpu.memory_space<vmem>>, vector<16xf32>,
          %mul3A_405 = arith.mulf %get3A_404, %gather3A_366 : vector<16xf32>
          %add3A_406 = arith.constant 1 : i32
          %add3A_407 = arith.addi %mul3A_265, %add3A_406 : i32
          %swap3A_408 = arith.index_cast %add3A_407 : i32 to index
          %swap3A_409 = arith.constant 48 : index
          %swap3A_410 = tpu.vector_load %arg12[%swap3A_408, %swap3A_409] {strides = array<i32>} : memref<80x128xf32, #tpu.memory_space<vmem>>, vector<16xf32>,
          tpu.vector_store %arg12[%swap3A_408, %swap3A_409], %mul3A_405 {strides = array<i32>} : memref<80x128xf32, #tpu.memory_space<vmem>>, vector<16xf32>,
          %add3A_411 = arith.constant 1 : i32
          %add3A_412 = arith.addi %mul3A_265, %add3A_411 : i32
          %get3A_413 = arith.index_cast %add3A_412 : i32 to index
          %get3A_414 = arith.constant 64 : index
          %get3A_415 = tpu.vector_load %arg12[%get3A_413, %get3A_414] {strides = array<i32>} : memref<80x128xf32, #tpu.memory_space<vmem>>, vector<16xf32>,
          %mul3A_416 = arith.mulf %get3A_415, %gather3A_366 : vector<16xf32>
          %add3A_417 = arith.constant 1 : i32
          %add3A_418 = arith.addi %mul3A_265, %add3A_417 : i32
          %swap3A_419 = arith.index_cast %add3A_418 : i32 to index
          %swap3A_420 = arith.constant 64 : index
          %swap3A_421 = tpu.vector_load %arg12[%swap3A_419, %swap3A_420] {strides = array<i32>} : memref<80x128xf32, #tpu.memory_space<vmem>>, vector<16xf32>,
          tpu.vector_store %arg12[%swap3A_419, %swap3A_420], %mul3A_416 {strides = array<i32>} : memref<80x128xf32, #tpu.memory_space<vmem>>, vector<16xf32>,
          %add3A_422 = arith.constant 1 : i32
          %add3A_423 = arith.addi %mul3A_265, %add3A_422 : i32
          %get3A_424 = arith.index_cast %add3A_423 : i32 to index
          %get3A_425 = arith.constant 80 : index
          %get3A_426 = tpu.vector_load %arg12[%get3A_424, %get3A_425] {strides = array<i32>} : memref<80x128xf32, #tpu.memory_space<vmem>>, vector<16xf32>,
          %mul3A_427 = arith.mulf %get3A_426, %gather3A_366 : vector<16xf32>
          %add3A_428 = arith.constant 1 : i32
          %add3A_429 = arith.addi %mul3A_265, %add3A_428 : i32
          %swap3A_430 = arith.index_cast %add3A_429 : i32 to index
          %swap3A_431 = arith.constant 80 : index
          %swap3A_432 = tpu.vector_load %arg12[%swap3A_430, %swap3A_431] {strides = array<i32>} : memref<80x128xf32, #tpu.memory_space<vmem>>, vector<16xf32>,
          tpu.vector_store %arg12[%swap3A_430, %swap3A_431], %mul3A_427 {strides = array<i32>} : memref<80x128xf32, #tpu.memory_space<vmem>>, vector<16xf32>,
          %add3A_433 = arith.constant 1 : i32
          %add3A_434 = arith.addi %mul3A_265, %add3A_433 : i32
          %get3A_435 = arith.index_cast %add3A_434 : i32 to index
          %get3A_436 = arith.constant 96 : index
          %get3A_437 = tpu.vector_load %arg12[%get3A_435, %get3A_436] {strides = array<i32>} : memref<80x128xf32, #tpu.memory_space<vmem>>, vector<16xf32>,
          %mul3A_438 = arith.mulf %get3A_437, %gather3A_366 : vector<16xf32>
          %add3A_439 = arith.constant 1 : i32
          %add3A_440 = arith.addi %mul3A_265, %add3A_439 : i32
          %swap3A_441 = arith.index_cast %add3A_440 : i32 to index
          %swap3A_442 = arith.constant 96 : index
          %swap3A_443 = tpu.vector_load %arg12[%swap3A_441, %swap3A_442] {strides = array<i32>} : memref<80x128xf32, #tpu.memory_space<vmem>>, vector<16xf32>,
          tpu.vector_store %arg12[%swap3A_441, %swap3A_442], %mul3A_438 {strides = array<i32>} : memref<80x128xf32, #tpu.memory_space<vmem>>, vector<16xf32>,
          %add3A_444 = arith.constant 1 : i32
          %add3A_445 = arith.addi %mul3A_265, %add3A_444 : i32
          %get3A_446 = arith.index_cast %add3A_445 : i32 to index
          %get3A_447 = arith.constant 112 : index
          %get3A_448 = tpu.vector_load %arg12[%get3A_446, %get3A_447] {strides = array<i32>} : memref<80x128xf32, #tpu.memory_space<vmem>>, vector<16xf32>,
          %mul3A_449 = arith.mulf %get3A_448, %gather3A_366 : vector<16xf32>
          %add3A_450 = arith.constant 1 : i32
          %add3A_451 = arith.addi %mul3A_265, %add3A_450 : i32
          %swap3A_452 = arith.index_cast %add3A_451 : i32 to index
          %swap3A_453 = arith.constant 112 : index
          %swap3A_454 = tpu.vector_load %arg12[%swap3A_452, %swap3A_453] {strides = array<i32>} : memref<80x128xf32, #tpu.memory_space<vmem>>, vector<16xf32>,
          tpu.vector_store %arg12[%swap3A_452, %swap3A_453], %mul3A_449 {strides = array<i32>} : memref<80x128xf32, #tpu.memory_space<vmem>>, vector<16xf32>,
          %broadcast_in_dim3A_455 = arith.constant 0 : i32
          %broadcast_in_dim3A_456 = vector.broadcast %broadcast_in_dim3A_455 : i32 to vector<16xi32>
          %add3A_457 = arith.addi %mul3A_214, %mul3A_265 : i32
          %add3A_458 = arith.constant 2 : i32
          %add3A_459 = arith.addi %add3A_457, %add3A_458 : i32
          %add3A_460 = vector.broadcast %add3A_459 : i32 to vector<16xi32>
          %add3A_461 = arith.addi %broadcast_in_dim3A_456, %add3A_460 : vector<16xi32>
          %gather3A_462 = tpu.vector_load_idx %arg9[%add3A_461] : memref<2000xf32, #tpu.memory_space<vmem>>[vector<16xi32>], vector<16xf32>,
          %add3A_463 = arith.constant 2 : i32
          %add3A_464 = arith.addi %mul3A_265, %add3A_463 : i32
          %get3A_465 = arith.index_cast %add3A_464 : i32 to index
          %get3A_466 = arith.constant 0 : index
          %get3A_467 = tpu.vector_load %arg12[%get3A_465, %get3A_466] {strides = array<i32>} : memref<80x128xf32, #tpu.memory_space<vmem>>, vector<16xf32>,
          %mul3A_468 = arith.mulf %get3A_467, %gather3A_462 : vector<16xf32>
          %add3A_469 = arith.constant 2 : i32
          %add3A_470 = arith.addi %mul3A_265, %add3A_469 : i32
          %swap3A_471 = arith.index_cast %add3A_470 : i32 to index
          %swap3A_472 = arith.constant 0 : index
          %swap3A_473 = tpu.vector_load %arg12[%swap3A_471, %swap3A_472] {strides = array<i32>} : memref<80x128xf32, #tpu.memory_space<vmem>>, vector<16xf32>,
          tpu.vector_store %arg12[%swap3A_471, %swap3A_472], %mul3A_468 {strides = array<i32>} : memref<80x128xf32, #tpu.memory_space<vmem>>, vector<16xf32>,
          %add3A_474 = arith.constant 2 : i32
          %add3A_475 = arith.addi %mul3A_265, %add3A_474 : i32
          %get3A_476 = arith.index_cast %add3A_475 : i32 to index
          %get3A_477 = arith.constant 16 : index
          %get3A_478 = tpu.vector_load %arg12[%get3A_476, %get3A_477] {strides = array<i32>} : memref<80x128xf32, #tpu.memory_space<vmem>>, vector<16xf32>,
          %mul3A_479 = arith.mulf %get3A_478, %gather3A_462 : vector<16xf32>
          %add3A_480 = arith.constant 2 : i32
          %add3A_481 = arith.addi %mul3A_265, %add3A_480 : i32
          %swap3A_482 = arith.index_cast %add3A_481 : i32 to index
          %swap3A_483 = arith.constant 16 : index
          %swap3A_484 = tpu.vector_load %arg12[%swap3A_482, %swap3A_483] {strides = array<i32>} : memref<80x128xf32, #tpu.memory_space<vmem>>, vector<16xf32>,
          tpu.vector_store %arg12[%swap3A_482, %swap3A_483], %mul3A_479 {strides = array<i32>} : memref<80x128xf32, #tpu.memory_space<vmem>>, vector<16xf32>,
          %add3A_485 = arith.constant 2 : i32
          %add3A_486 = arith.addi %mul3A_265, %add3A_485 : i32
          %get3A_487 = arith.index_cast %add3A_486 : i32 to index
          %get3A_488 = arith.constant 32 : index
          %get3A_489 = tpu.vector_load %arg12[%get3A_487, %get3A_488] {strides = array<i32>} : memref<80x128xf32, #tpu.memory_space<vmem>>, vector<16xf32>,
          %mul3A_490 = arith.mulf %get3A_489, %gather3A_462 : vector<16xf32>
          %add3A_491 = arith.constant 2 : i32
          %add3A_492 = arith.addi %mul3A_265, %add3A_491 : i32
          %swap3A_493 = arith.index_cast %add3A_492 : i32 to index
          %swap3A_494 = arith.constant 32 : index
          %swap3A_495 = tpu.vector_load %arg12[%swap3A_493, %swap3A_494] {strides = array<i32>} : memref<80x128xf32, #tpu.memory_space<vmem>>, vector<16xf32>,
          tpu.vector_store %arg12[%swap3A_493, %swap3A_494], %mul3A_490 {strides = array<i32>} : memref<80x128xf32, #tpu.memory_space<vmem>>, vector<16xf32>,
          %add3A_496 = arith.constant 2 : i32
          %add3A_497 = arith.addi %mul3A_265, %add3A_496 : i32
          %get3A_498 = arith.index_cast %add3A_497 : i32 to index
          %get3A_499 = arith.constant 48 : index
          %get3A_500 = tpu.vector_load %arg12[%get3A_498, %get3A_499] {strides = array<i32>} : memref<80x128xf32, #tpu.memory_space<vmem>>, vector<16xf32>,
          %mul3A_501 = arith.mulf %get3A_500, %gather3A_462 : vector<16xf32>
          %add3A_502 = arith.constant 2 : i32
          %add3A_503 = arith.addi %mul3A_265, %add3A_502 : i32
          %swap3A_504 = arith.index_cast %add3A_503 : i32 to index
          %swap3A_505 = arith.constant 48 : index
          %swap3A_506 = tpu.vector_load %arg12[%swap3A_504, %swap3A_505] {strides = array<i32>} : memref<80x128xf32, #tpu.memory_space<vmem>>, vector<16xf32>,
          tpu.vector_store %arg12[%swap3A_504, %swap3A_505], %mul3A_501 {strides = array<i32>} : memref<80x128xf32, #tpu.memory_space<vmem>>, vector<16xf32>,
          %add3A_507 = arith.constant 2 : i32
          %add3A_508 = arith.addi %mul3A_265, %add3A_507 : i32
          %get3A_509 = arith.index_cast %add3A_508 : i32 to index
          %get3A_510 = arith.constant 64 : index
          %get3A_511 = tpu.vector_load %arg12[%get3A_509, %get3A_510] {strides = array<i32>} : memref<80x128xf32, #tpu.memory_space<vmem>>, vector<16xf32>,
          %mul3A_512 = arith.mulf %get3A_511, %gather3A_462 : vector<16xf32>
          %add3A_513 = arith.constant 2 : i32
          %add3A_514 = arith.addi %mul3A_265, %add3A_513 : i32
          %swap3A_515 = arith.index_cast %add3A_514 : i32 to index
          %swap3A_516 = arith.constant 64 : index
          %swap3A_517 = tpu.vector_load %arg12[%swap3A_515, %swap3A_516] {strides = array<i32>} : memref<80x128xf32, #tpu.memory_space<vmem>>, vector<16xf32>,
          tpu.vector_store %arg12[%swap3A_515, %swap3A_516], %mul3A_512 {strides = array<i32>} : memref<80x128xf32, #tpu.memory_space<vmem>>, vector<16xf32>,
          %add3A_518 = arith.constant 2 : i32
          %add3A_519 = arith.addi %mul3A_265, %add3A_518 : i32
          %get3A_520 = arith.index_cast %add3A_519 : i32 to index
          %get3A_521 = arith.constant 80 : index
          %get3A_522 = tpu.vector_load %arg12[%get3A_520, %get3A_521] {strides = array<i32>} : memref<80x128xf32, #tpu.memory_space<vmem>>, vector<16xf32>,
          %mul3A_523 = arith.mulf %get3A_522, %gather3A_462 : vector<16xf32>
          %add3A_524 = arith.constant 2 : i32
          %add3A_525 = arith.addi %mul3A_265, %add3A_524 : i32
          %swap3A_526 = arith.index_cast %add3A_525 : i32 to index
          %swap3A_527 = arith.constant 80 : index
          %swap3A_528 = tpu.vector_load %arg12[%swap3A_526, %swap3A_527] {strides = array<i32>} : memref<80x128xf32, #tpu.memory_space<vmem>>, vector<16xf32>,
          tpu.vector_store %arg12[%swap3A_526, %swap3A_527], %mul3A_523 {strides = array<i32>} : memref<80x128xf32, #tpu.memory_space<vmem>>, vector<16xf32>,
          %add3A_529 = arith.constant 2 : i32
          %add3A_530 = arith.addi %mul3A_265, %add3A_529 : i32
          %get3A_531 = arith.index_cast %add3A_530 : i32 to index
          %get3A_532 = arith.constant 96 : index
          %get3A_533 = tpu.vector_load %arg12[%get3A_531, %get3A_532] {strides = array<i32>} : memref<80x128xf32, #tpu.memory_space<vmem>>, vector<16xf32>,
          %mul3A_534 = arith.mulf %get3A_533, %gather3A_462 : vector<16xf32>
          %add3A_535 = arith.constant 2 : i32
          %add3A_536 = arith.addi %mul3A_265, %add3A_535 : i32
          %swap3A_537 = arith.index_cast %add3A_536 : i32 to index
          %swap3A_538 = arith.constant 96 : index
          %swap3A_539 = tpu.vector_load %arg12[%swap3A_537, %swap3A_538] {strides = array<i32>} : memref<80x128xf32, #tpu.memory_space<vmem>>, vector<16xf32>,
          tpu.vector_store %arg12[%swap3A_537, %swap3A_538], %mul3A_534 {strides = array<i32>} : memref<80x128xf32, #tpu.memory_space<vmem>>, vector<16xf32>,
          %add3A_540 = arith.constant 2 : i32
          %add3A_541 = arith.addi %mul3A_265, %add3A_540 : i32
          %get3A_542 = arith.index_cast %add3A_541 : i32 to index
          %get3A_543 = arith.constant 112 : index
          %get3A_544 = tpu.vector_load %arg12[%get3A_542, %get3A_543] {strides = array<i32>} : memref<80x128xf32, #tpu.memory_space<vmem>>, vector<16xf32>,
          %mul3A_545 = arith.mulf %get3A_544, %gather3A_462 : vector<16xf32>
          %add3A_546 = arith.constant 2 : i32
          %add3A_547 = arith.addi %mul3A_265, %add3A_546 : i32
          %swap3A_548 = arith.index_cast %add3A_547 : i32 to index
          %swap3A_549 = arith.constant 112 : index
          %swap3A_550 = tpu.vector_load %arg12[%swap3A_548, %swap3A_549] {strides = array<i32>} : memref<80x128xf32, #tpu.memory_space<vmem>>, vector<16xf32>,
          tpu.vector_store %arg12[%swap3A_548, %swap3A_549], %mul3A_545 {strides = array<i32>} : memref<80x128xf32, #tpu.memory_space<vmem>>, vector<16xf32>,
          %broadcast_in_dim3A_551 = arith.constant 0 : i32
          %broadcast_in_dim3A_552 = vector.broadcast %broadcast_in_dim3A_551 : i32 to vector<16xi32>
          %add3A_553 = arith.addi %mul3A_214, %mul3A_265 : i32
          %add3A_554 = arith.constant 3 : i32
          %add3A_555 = arith.addi %add3A_553, %add3A_554 : i32
          %add3A_556 = vector.broadcast %add3A_555 : i32 to vector<16xi32>
          %add3A_557 = arith.addi %broadcast_in_dim3A_552, %add3A_556 : vector<16xi32>
          %gather3A_558 = tpu.vector_load_idx %arg9[%add3A_557] : memref<2000xf32, #tpu.memory_space<vmem>>[vector<16xi32>], vector<16xf32>,
          %add3A_559 = arith.constant 3 : i32
          %add3A_560 = arith.addi %mul3A_265, %add3A_559 : i32
          %get3A_561 = arith.index_cast %add3A_560 : i32 to index
          %get3A_562 = arith.constant 0 : index
          %get3A_563 = tpu.vector_load %arg12[%get3A_561, %get3A_562] {strides = array<i32>} : memref<80x128xf32, #tpu.memory_space<vmem>>, vector<16xf32>,
          %mul3A_564 = arith.mulf %get3A_563, %gather3A_558 : vector<16xf32>
          %add3A_565 = arith.constant 3 : i32
          %add3A_566 = arith.addi %mul3A_265, %add3A_565 : i32
          %swap3A_567 = arith.index_cast %add3A_566 : i32 to index
          %swap3A_568 = arith.constant 0 : index
          %swap3A_569 = tpu.vector_load %arg12[%swap3A_567, %swap3A_568] {strides = array<i32>} : memref<80x128xf32, #tpu.memory_space<vmem>>, vector<16xf32>,
          tpu.vector_store %arg12[%swap3A_567, %swap3A_568], %mul3A_564 {strides = array<i32>} : memref<80x128xf32, #tpu.memory_space<vmem>>, vector<16xf32>,
          %add3A_570 = arith.constant 3 : i32
          %add3A_571 = arith.addi %mul3A_265, %add3A_570 : i32
          %get3A_572 = arith.index_cast %add3A_571 : i32 to index
          %get3A_573 = arith.constant 16 : index
          %get3A_574 = tpu.vector_load %arg12[%get3A_572, %get3A_573] {strides = array<i32>} : memref<80x128xf32, #tpu.memory_space<vmem>>, vector<16xf32>,
          %mul3A_575 = arith.mulf %get3A_574, %gather3A_558 : vector<16xf32>
          %add3A_576 = arith.constant 3 : i32
          %add3A_577 = arith.addi %mul3A_265, %add3A_576 : i32
          %swap3A_578 = arith.index_cast %add3A_577 : i32 to index
          %swap3A_579 = arith.constant 16 : index
          %swap3A_580 = tpu.vector_load %arg12[%swap3A_578, %swap3A_579] {strides = array<i32>} : memref<80x128xf32, #tpu.memory_space<vmem>>, vector<16xf32>,
          tpu.vector_store %arg12[%swap3A_578, %swap3A_579], %mul3A_575 {strides = array<i32>} : memref<80x128xf32, #tpu.memory_space<vmem>>, vector<16xf32>,
          %add3A_581 = arith.constant 3 : i32
          %add3A_582 = arith.addi %mul3A_265, %add3A_581 : i32
          %get3A_583 = arith.index_cast %add3A_582 : i32 to index
          %get3A_584 = arith.constant 32 : index
          %get3A_585 = tpu.vector_load %arg12[%get3A_583, %get3A_584] {strides = array<i32>} : memref<80x128xf32, #tpu.memory_space<vmem>>, vector<16xf32>,
          %mul3A_586 = arith.mulf %get3A_585, %gather3A_558 : vector<16xf32>
          %add3A_587 = arith.constant 3 : i32
          %add3A_588 = arith.addi %mul3A_265, %add3A_587 : i32
          %swap3A_589 = arith.index_cast %add3A_588 : i32 to index
          %swap3A_590 = arith.constant 32 : index
          %swap3A_591 = tpu.vector_load %arg12[%swap3A_589, %swap3A_590] {strides = array<i32>} : memref<80x128xf32, #tpu.memory_space<vmem>>, vector<16xf32>,
          tpu.vector_store %arg12[%swap3A_589, %swap3A_590], %mul3A_586 {strides = array<i32>} : memref<80x128xf32, #tpu.memory_space<vmem>>, vector<16xf32>,
          %add3A_592 = arith.constant 3 : i32
          %add3A_593 = arith.addi %mul3A_265, %add3A_592 : i32
          %get3A_594 = arith.index_cast %add3A_593 : i32 to index
          %get3A_595 = arith.constant 48 : index
          %get3A_596 = tpu.vector_load %arg12[%get3A_594, %get3A_595] {strides = array<i32>} : memref<80x128xf32, #tpu.memory_space<vmem>>, vector<16xf32>,
          %mul3A_597 = arith.mulf %get3A_596, %gather3A_558 : vector<16xf32>
          %add3A_598 = arith.constant 3 : i32
          %add3A_599 = arith.addi %mul3A_265, %add3A_598 : i32
          %swap3A_600 = arith.index_cast %add3A_599 : i32 to index
          %swap3A_601 = arith.constant 48 : index
          %swap3A_602 = tpu.vector_load %arg12[%swap3A_600, %swap3A_601] {strides = array<i32>} : memref<80x128xf32, #tpu.memory_space<vmem>>, vector<16xf32>,
          tpu.vector_store %arg12[%swap3A_600, %swap3A_601], %mul3A_597 {strides = array<i32>} : memref<80x128xf32, #tpu.memory_space<vmem>>, vector<16xf32>,
          %add3A_603 = arith.constant 3 : i32
          %add3A_604 = arith.addi %mul3A_265, %add3A_603 : i32
          %get3A_605 = arith.index_cast %add3A_604 : i32 to index
          %get3A_606 = arith.constant 64 : index
          %get3A_607 = tpu.vector_load %arg12[%get3A_605, %get3A_606] {strides = array<i32>} : memref<80x128xf32, #tpu.memory_space<vmem>>, vector<16xf32>,
          %mul3A_608 = arith.mulf %get3A_607, %gather3A_558 : vector<16xf32>
          %add3A_609 = arith.constant 3 : i32
          %add3A_610 = arith.addi %mul3A_265, %add3A_609 : i32
          %swap3A_611 = arith.index_cast %add3A_610 : i32 to index
          %swap3A_612 = arith.constant 64 : index
          %swap3A_613 = tpu.vector_load %arg12[%swap3A_611, %swap3A_612] {strides = array<i32>} : memref<80x128xf32, #tpu.memory_space<vmem>>, vector<16xf32>,
          tpu.vector_store %arg12[%swap3A_611, %swap3A_612], %mul3A_608 {strides = array<i32>} : memref<80x128xf32, #tpu.memory_space<vmem>>, vector<16xf32>,
          %add3A_614 = arith.constant 3 : i32
          %add3A_615 = arith.addi %mul3A_265, %add3A_614 : i32
          %get3A_616 = arith.index_cast %add3A_615 : i32 to index
          %get3A_617 = arith.constant 80 : index
          %get3A_618 = tpu.vector_load %arg12[%get3A_616, %get3A_617] {strides = array<i32>} : memref<80x128xf32, #tpu.memory_space<vmem>>, vector<16xf32>,
          %mul3A_619 = arith.mulf %get3A_618, %gather3A_558 : vector<16xf32>
          %add3A_620 = arith.constant 3 : i32
          %add3A_621 = arith.addi %mul3A_265, %add3A_620 : i32
          %swap3A_622 = arith.index_cast %add3A_621 : i32 to index
          %swap3A_623 = arith.constant 80 : index
          %swap3A_624 = tpu.vector_load %arg12[%swap3A_622, %swap3A_623] {strides = array<i32>} : memref<80x128xf32, #tpu.memory_space<vmem>>, vector<16xf32>,
          tpu.vector_store %arg12[%swap3A_622, %swap3A_623], %mul3A_619 {strides = array<i32>} : memref<80x128xf32, #tpu.memory_space<vmem>>, vector<16xf32>,
          %add3A_625 = arith.constant 3 : i32
          %add3A_626 = arith.addi %mul3A_265, %add3A_625 : i32
          %get3A_627 = arith.index_cast %add3A_626 : i32 to index
          %get3A_628 = arith.constant 96 : index
          %get3A_629 = tpu.vector_load %arg12[%get3A_627, %get3A_628] {strides = array<i32>} : memref<80x128xf32, #tpu.memory_space<vmem>>, vector<16xf32>,
          %mul3A_630 = arith.mulf %get3A_629, %gather3A_558 : vector<16xf32>
          %add3A_631 = arith.constant 3 : i32
          %add3A_632 = arith.addi %mul3A_265, %add3A_631 : i32
          %swap3A_633 = arith.index_cast %add3A_632 : i32 to index
          %swap3A_634 = arith.constant 96 : index
          %swap3A_635 = tpu.vector_load %arg12[%swap3A_633, %swap3A_634] {strides = array<i32>} : memref<80x128xf32, #tpu.memory_space<vmem>>, vector<16xf32>,
          tpu.vector_store %arg12[%swap3A_633, %swap3A_634], %mul3A_630 {strides = array<i32>} : memref<80x128xf32, #tpu.memory_space<vmem>>, vector<16xf32>,
          %add3A_636 = arith.constant 3 : i32
          %add3A_637 = arith.addi %mul3A_265, %add3A_636 : i32
          %get3A_638 = arith.index_cast %add3A_637 : i32 to index
          %get3A_639 = arith.constant 112 : index
          %get3A_640 = tpu.vector_load %arg12[%get3A_638, %get3A_639] {strides = array<i32>} : memref<80x128xf32, #tpu.memory_space<vmem>>, vector<16xf32>,
          %mul3A_641 = arith.mulf %get3A_640, %gather3A_558 : vector<16xf32>
          %add3A_642 = arith.constant 3 : i32
          %add3A_643 = arith.addi %mul3A_265, %add3A_642 : i32
          %swap3A_644 = arith.index_cast %add3A_643 : i32 to index
          %swap3A_645 = arith.constant 112 : index
          %swap3A_646 = tpu.vector_load %arg12[%swap3A_644, %swap3A_645] {strides = array<i32>} : memref<80x128xf32, #tpu.memory_space<vmem>>, vector<16xf32>,
          tpu.vector_store %arg12[%swap3A_644, %swap3A_645], %mul3A_641 {strides = array<i32>} : memref<80x128xf32, #tpu.memory_space<vmem>>, vector<16xf32>,
        }
        %scan3A_220 = arith.constant 20 : i32
        %dma_start3A_221 = arith.constant 0 : i32
        %dma_start3A_222 = tpu.memref_slice %arg8[%add3A_187, %dma_start3A_221] : memref<25x80xi32, #tpu.memory_space<vmem>> -> memref<1x80xi32, #tpu.memory_space<vmem>>
        %dma_start3A_223 = tpu.memref_squeeze %dma_start3A_222 : memref<1x80xi32, #tpu.memory_space<vmem>> -> memref<80xi32, #tpu.memory_space<vmem>>
        %dma_start3A_224 = arith.constant 0 : i32
        %dma_start3A_225 = arith.constant 0 : i32
        %dma_start3A_226 = tpu.memref_slice %arg13[%dma_start3A_224, %dma_start3A_225] : memref<10240x128xf32, #tpu.memory_space<vmem_shared>> -> memref<10240x128xf32, #tpu.memory_space<vmem_shared>>
        tpu.enqueue_indirect_dma source(%arg12 : memref<80x128xf32, #tpu.memory_space<vmem>>) target(%dma_start3A_226 : memref<10240x128xf32, #tpu.memory_space<vmem_shared>>) offsets(%dma_start3A_223 : memref<80xi32, #tpu.memory_space<vmem>>) semaphore(%arg17 : memref<!tpu.dma_semaphore, #tpu.memory_space<semaphore_mem>>) {add = true}
        %dma_wait3A_227 = arith.constant 0 : i32
        %dma_wait3A_228 = tpu.memref_slice %arg7[%add3A_191, %dma_wait3A_227] : memref<25x80xi32, #tpu.memory_space<vmem>> -> memref<1x80xi32, #tpu.memory_space<vmem>>
        %dma_wait3A_229 = tpu.memref_squeeze %dma_wait3A_228 : memref<1x80xi32, #tpu.memory_space<vmem>> -> memref<80xi32, #tpu.memory_space<vmem>>
        %dma_wait3A_230 = arith.constant 0 : i32
        %dma_wait3A_231 = arith.constant 0 : i32
        %dma_wait3A_232 = tpu.memref_slice %arg2[%dma_wait3A_230, %dma_wait3A_231] : memref<10000x128xf32, #tpu.memory_space<hbm>> -> memref<10000x128xf32, #tpu.memory_space<hbm>>
        tpu.wait_indirect_dma semaphore(%arg15 : memref<!tpu.dma_semaphore, #tpu.memory_space<semaphore_mem>>) src(%dma_wait3A_232 : memref<10000x128xf32, #tpu.memory_space<hbm>>) dst(%arg11 : memref<80x128xf32, #tpu.memory_space<vmem>>)
        %sub3A_233 = arith.constant 1 : i32
        %sub3A_234 = arith.subi %add3A_191, %sub3A_233 : i32
        %dma_wait3A_235 = arith.constant 0 : i32
        %dma_wait3A_236 = tpu.memref_slice %arg8[%sub3A_234, %dma_wait3A_235] : memref<25x80xi32, #tpu.memory_space<vmem>> -> memref<1x80xi32, #tpu.memory_space<vmem>>
        %dma_wait3A_237 = tpu.memref_squeeze %dma_wait3A_236 : memref<1x80xi32, #tpu.memory_space<vmem>> -> memref<80xi32, #tpu.memory_space<vmem>>
        %dma_wait3A_238 = arith.constant 0 : i32
        %dma_wait3A_239 = arith.constant 0 : i32
        %dma_wait3A_240 = tpu.memref_slice %arg13[%dma_wait3A_238, %dma_wait3A_239] : memref<10240x128xf32, #tpu.memory_space<vmem_shared>> -> memref<10240x128xf32, #tpu.memory_space<vmem_shared>>
        tpu.wait_indirect_dma semaphore(%arg17 : memref<!tpu.dma_semaphore, #tpu.memory_space<semaphore_mem>>) src(%arg12 : memref<80x128xf32, #tpu.memory_space<vmem>>) dst(%dma_wait3A_240 : memref<10240x128xf32, #tpu.memory_space<vmem_shared>>)
        %add3A_241 = arith.constant 1 : i32
        %add3A_242 = arith.addi %add3A_191, %add3A_241 : i32
        %dma_start3A_243 = arith.constant 0 : i32
        %dma_start3A_244 = tpu.memref_slice %arg7[%add3A_242, %dma_start3A_243] : memref<25x80xi32, #tpu.memory_space<vmem>> -> memref<1x80xi32, #tpu.memory_space<vmem>>
        %dma_start3A_245 = tpu.memref_squeeze %dma_start3A_244 : memref<1x80xi32, #tpu.memory_space<vmem>> -> memref<80xi32, #tpu.memory_space<vmem>>
        %dma_start3A_246 = arith.constant 0 : i32
        %dma_start3A_247 = arith.constant 0 : i32
        %dma_start3A_248 = tpu.memref_slice %arg2[%dma_start3A_246, %dma_start3A_247] : memref<10000x128xf32, #tpu.memory_space<hbm>> -> memref<10000x128xf32, #tpu.memory_space<hbm>>
        tpu.enqueue_indirect_dma source(%dma_start3A_248 : memref<10000x128xf32, #tpu.memory_space<hbm>>) target(%arg12 : memref<80x128xf32, #tpu.memory_space<vmem>>) offsets(%dma_start3A_245 : memref<80xi32, #tpu.memory_space<vmem>>) semaphore(%arg16 : memref<!tpu.dma_semaphore, #tpu.memory_space<semaphore_mem>>)
        %mul3A_249 = arith.constant 80 : i32
        %mul3A_250 = arith.muli %add3A_191, %mul3A_249 : i32
        %scan3A_251 = arith.constant 0 : i32
        %scan3A_252 = arith.constant 0 : i32
        %scan3A_253 = arith.constant 20 : i32
        %scan3A_254 = arith.addi %scan3A_252, %scan3A_253 : i32
        %scan3A_255 = arith.constant 1 : i32
        scf.for %scan3A_263 = %scan3A_252 to %scan3A_254 step %scan3A_255  : i32 {
          %mul3A_264 = arith.constant 4 : i32
          %mul3A_265 = arith.muli %scan3A_263, %mul3A_264 : i32
          %broadcast_in_dim3A_266 = arith.constant 0 : i32
          %broadcast_in_dim3A_267 = vector.broadcast %broadcast_in_dim3A_266 : i32 to vector<16xi32>
          %add3A_268 = arith.addi %mul3A_250, %mul3A_265 : i32
          %add3A_269 = arith.constant 0 : i32
          %add3A_270 = arith.addi %add3A_268, %add3A_269 : i32
          %add3A_271 = vector.broadcast %add3A_270 : i32 to vector<16xi32>
          %add3A_272 = arith.addi %broadcast_in_dim3A_267, %add3A_271 : vector<16xi32>
          %gather3A = tpu.vector_load_idx %arg9[%add3A_272] : memref<2000xf32, #tpu.memory_space<vmem>>[vector<16xi32>], vector<16xf32>,
          %add3A_273 = arith.constant 0 : i32
          %add3A_274 = arith.addi %mul3A_265, %add3A_273 : i32
          %get3A = arith.index_cast %add3A_274 : i32 to index
          %get3A_275 = arith.constant 0 : index
          %get3A_276 = tpu.vector_load %arg11[%get3A, %get3A_275] {strides = array<i32>} : memref<80x128xf32, #tpu.memory_space<vmem>>, vector<16xf32>,
          %mul3A_277 = arith.mulf %get3A_276, %gather3A : vector<16xf32>
          %add3A_278 = arith.constant 0 : i32
          %add3A_279 = arith.addi %mul3A_265, %add3A_278 : i32
          %swap3A = arith.index_cast %add3A_279 : i32 to index
          %swap3A_280 = arith.constant 0 : index
          %swap3A_281 = tpu.vector_load %arg11[%swap3A, %swap3A_280] {strides = array<i32>} : memref<80x128xf32, #tpu.memory_space<vmem>>, vector<16xf32>,
          tpu.vector_store %arg11[%swap3A, %swap3A_280], %mul3A_277 {strides = array<i32>} : memref<80x128xf32, #tpu.memory_space<vmem>>, vector<16xf32>,
          %add3A_282 = arith.constant 0 : i32
          %add3A_283 = arith.addi %mul3A_265, %add3A_282 : i32
          %get3A_284 = arith.index_cast %add3A_283 : i32 to index
          %get3A_285 = arith.constant 16 : index
          %get3A_286 = tpu.vector_load %arg11[%get3A_284, %get3A_285] {strides = array<i32>} : memref<80x128xf32, #tpu.memory_space<vmem>>, vector<16xf32>,
          %mul3A_287 = arith.mulf %get3A_286, %gather3A : vector<16xf32>
          %add3A_288 = arith.constant 0 : i32
          %add3A_289 = arith.addi %mul3A_265, %add3A_288 : i32
          %swap3A_290 = arith.index_cast %add3A_289 : i32 to index
          %swap3A_291 = arith.constant 16 : index
          %swap3A_292 = tpu.vector_load %arg11[%swap3A_290, %swap3A_291] {strides = array<i32>} : memref<80x128xf32, #tpu.memory_space<vmem>>, vector<16xf32>,
          tpu.vector_store %arg11[%swap3A_290, %swap3A_291], %mul3A_287 {strides = array<i32>} : memref<80x128xf32, #tpu.memory_space<vmem>>, vector<16xf32>,
          %add3A_293 = arith.constant 0 : i32
          %add3A_294 = arith.addi %mul3A_265, %add3A_293 : i32
          %get3A_295 = arith.index_cast %add3A_294 : i32 to index
          %get3A_296 = arith.constant 32 : index
          %get3A_297 = tpu.vector_load %arg11[%get3A_295, %get3A_296] {strides = array<i32>} : memref<80x128xf32, #tpu.memory_space<vmem>>, vector<16xf32>,
          %mul3A_298 = arith.mulf %get3A_297, %gather3A : vector<16xf32>
          %add3A_299 = arith.constant 0 : i32
          %add3A_300 = arith.addi %mul3A_265, %add3A_299 : i32
          %swap3A_301 = arith.index_cast %add3A_300 : i32 to index
          %swap3A_302 = arith.constant 32 : index
          %swap3A_303 = tpu.vector_load %arg11[%swap3A_301, %swap3A_302] {strides = array<i32>} : memref<80x128xf32, #tpu.memory_space<vmem>>, vector<16xf32>,
          tpu.vector_store %arg11[%swap3A_301, %swap3A_302], %mul3A_298 {strides = array<i32>} : memref<80x128xf32, #tpu.memory_space<vmem>>, vector<16xf32>,
          %add3A_304 = arith.constant 0 : i32
          %add3A_305 = arith.addi %mul3A_265, %add3A_304 : i32
          %get3A_306 = arith.index_cast %add3A_305 : i32 to index
          %get3A_307 = arith.constant 48 : index
          %get3A_308 = tpu.vector_load %arg11[%get3A_306, %get3A_307] {strides = array<i32>} : memref<80x128xf32, #tpu.memory_space<vmem>>, vector<16xf32>,
          %mul3A_309 = arith.mulf %get3A_308, %gather3A : vector<16xf32>
          %add3A_310 = arith.constant 0 : i32
          %add3A_311 = arith.addi %mul3A_265, %add3A_310 : i32
          %swap3A_312 = arith.index_cast %add3A_311 : i32 to index
          %swap3A_313 = arith.constant 48 : index
          %swap3A_314 = tpu.vector_load %arg11[%swap3A_312, %swap3A_313] {strides = array<i32>} : memref<80x128xf32, #tpu.memory_space<vmem>>, vector<16xf32>,
          tpu.vector_store %arg11[%swap3A_312, %swap3A_313], %mul3A_309 {strides = array<i32>} : memref<80x128xf32, #tpu.memory_space<vmem>>, vector<16xf32>,
          %add3A_315 = arith.constant 0 : i32
          %add3A_316 = arith.addi %mul3A_265, %add3A_315 : i32
          %get3A_317 = arith.index_cast %add3A_316 : i32 to index
          %get3A_318 = arith.constant 64 : index
          %get3A_319 = tpu.vector_load %arg11[%get3A_317, %get3A_318] {strides = array<i32>} : memref<80x128xf32, #tpu.memory_space<vmem>>, vector<16xf32>,
          %mul3A_320 = arith.mulf %get3A_319, %gather3A : vector<16xf32>
          %add3A_321 = arith.constant 0 : i32
          %add3A_322 = arith.addi %mul3A_265, %add3A_321 : i32
          %swap3A_323 = arith.index_cast %add3A_322 : i32 to index
          %swap3A_324 = arith.constant 64 : index
          %swap3A_325 = tpu.vector_load %arg11[%swap3A_323, %swap3A_324] {strides = array<i32>} : memref<80x128xf32, #tpu.memory_space<vmem>>, vector<16xf32>,
          tpu.vector_store %arg11[%swap3A_323, %swap3A_324], %mul3A_320 {strides = array<i32>} : memref<80x128xf32, #tpu.memory_space<vmem>>, vector<16xf32>,
          %add3A_326 = arith.constant 0 : i32
          %add3A_327 = arith.addi %mul3A_265, %add3A_326 : i32
          %get3A_328 = arith.index_cast %add3A_327 : i32 to index
          %get3A_329 = arith.constant 80 : index
          %get3A_330 = tpu.vector_load %arg11[%get3A_328, %get3A_329] {strides = array<i32>} : memref<80x128xf32, #tpu.memory_space<vmem>>, vector<16xf32>,
          %mul3A_331 = arith.mulf %get3A_330, %gather3A : vector<16xf32>
          %add3A_332 = arith.constant 0 : i32
          %add3A_333 = arith.addi %mul3A_265, %add3A_332 : i32
          %swap3A_334 = arith.index_cast %add3A_333 : i32 to index
          %swap3A_335 = arith.constant 80 : index
          %swap3A_336 = tpu.vector_load %arg11[%swap3A_334, %swap3A_335] {strides = array<i32>} : memref<80x128xf32, #tpu.memory_space<vmem>>, vector<16xf32>,
          tpu.vector_store %arg11[%swap3A_334, %swap3A_335], %mul3A_331 {strides = array<i32>} : memref<80x128xf32, #tpu.memory_space<vmem>>, vector<16xf32>,
          %add3A_337 = arith.constant 0 : i32
          %add3A_338 = arith.addi %mul3A_265, %add3A_337 : i32
          %get3A_339 = arith.index_cast %add3A_338 : i32 to index
          %get3A_340 = arith.constant 96 : index
          %get3A_341 = tpu.vector_load %arg11[%get3A_339, %get3A_340] {strides = array<i32>} : memref<80x128xf32, #tpu.memory_space<vmem>>, vector<16xf32>,
          %mul3A_342 = arith.mulf %get3A_341, %gather3A : vector<16xf32>
          %add3A_343 = arith.constant 0 : i32
          %add3A_344 = arith.addi %mul3A_265, %add3A_343 : i32
          %swap3A_345 = arith.index_cast %add3A_344 : i32 to index
          %swap3A_346 = arith.constant 96 : index
          %swap3A_347 = tpu.vector_load %arg11[%swap3A_345, %swap3A_346] {strides = array<i32>} : memref<80x128xf32, #tpu.memory_space<vmem>>, vector<16xf32>,
          tpu.vector_store %arg11[%swap3A_345, %swap3A_346], %mul3A_342 {strides = array<i32>} : memref<80x128xf32, #tpu.memory_space<vmem>>, vector<16xf32>,
          %add3A_348 = arith.constant 0 : i32
          %add3A_349 = arith.addi %mul3A_265, %add3A_348 : i32
          %get3A_350 = arith.index_cast %add3A_349 : i32 to index
          %get3A_351 = arith.constant 112 : index
          %get3A_352 = tpu.vector_load %arg11[%get3A_350, %get3A_351] {strides = array<i32>} : memref<80x128xf32, #tpu.memory_space<vmem>>, vector<16xf32>,
          %mul3A_353 = arith.mulf %get3A_352, %gather3A : vector<16xf32>
          %add3A_354 = arith.constant 0 : i32
          %add3A_355 = arith.addi %mul3A_265, %add3A_354 : i32
          %swap3A_356 = arith.index_cast %add3A_355 : i32 to index
          %swap3A_357 = arith.constant 112 : index
          %swap3A_358 = tpu.vector_load %arg11[%swap3A_356, %swap3A_357] {strides = array<i32>} : memref<80x128xf32, #tpu.memory_space<vmem>>, vector<16xf32>,
          tpu.vector_store %arg11[%swap3A_356, %swap3A_357], %mul3A_353 {strides = array<i32>} : memref<80x128xf32, #tpu.memory_space<vmem>>, vector<16xf32>,
          %broadcast_in_dim3A_359 = arith.constant 0 : i32
          %broadcast_in_dim3A_360 = vector.broadcast %broadcast_in_dim3A_359 : i32 to vector<16xi32>
          %add3A_361 = arith.addi %mul3A_250, %mul3A_265 : i32
          %add3A_362 = arith.constant 1 : i32
          %add3A_363 = arith.addi %add3A_361, %add3A_362 : i32
          %add3A_364 = vector.broadcast %add3A_363 : i32 to vector<16xi32>
          %add3A_365 = arith.addi %broadcast_in_dim3A_360, %add3A_364 : vector<16xi32>
          %gather3A_366 = tpu.vector_load_idx %arg9[%add3A_365] : memref<2000xf32, #tpu.memory_space<vmem>>[vector<16xi32>], vector<16xf32>,
          %add3A_367 = arith.constant 1 : i32
          %add3A_368 = arith.addi %mul3A_265, %add3A_367 : i32
          %get3A_369 = arith.index_cast %add3A_368 : i32 to index
          %get3A_370 = arith.constant 0 : index
          %get3A_371 = tpu.vector_load %arg11[%get3A_369, %get3A_370] {strides = array<i32>} : memref<80x128xf32, #tpu.memory_space<vmem>>, vector<16xf32>,
          %mul3A_372 = arith.mulf %get3A_371, %gather3A_366 : vector<16xf32>
          %add3A_373 = arith.constant 1 : i32
          %add3A_374 = arith.addi %mul3A_265, %add3A_373 : i32
          %swap3A_375 = arith.index_cast %add3A_374 : i32 to index
          %swap3A_376 = arith.constant 0 : index
          %swap3A_377 = tpu.vector_load %arg11[%swap3A_375, %swap3A_376] {strides = array<i32>} : memref<80x128xf32, #tpu.memory_space<vmem>>, vector<16xf32>,
          tpu.vector_store %arg11[%swap3A_375, %swap3A_376], %mul3A_372 {strides = array<i32>} : memref<80x128xf32, #tpu.memory_space<vmem>>, vector<16xf32>,
          %add3A_378 = arith.constant 1 : i32
          %add3A_379 = arith.addi %mul3A_265, %add3A_378 : i32
          %get3A_380 = arith.index_cast %add3A_379 : i32 to index
          %get3A_381 = arith.constant 16 : index
          %get3A_382 = tpu.vector_load %arg11[%get3A_380, %get3A_381] {strides = array<i32>} : memref<80x128xf32, #tpu.memory_space<vmem>>, vector<16xf32>,
          %mul3A_383 = arith.mulf %get3A_382, %gather3A_366 : vector<16xf32>
          %add3A_384 = arith.constant 1 : i32
          %add3A_385 = arith.addi %mul3A_265, %add3A_384 : i32
          %swap3A_386 = arith.index_cast %add3A_385 : i32 to index
          %swap3A_387 = arith.constant 16 : index
          %swap3A_388 = tpu.vector_load %arg11[%swap3A_386, %swap3A_387] {strides = array<i32>} : memref<80x128xf32, #tpu.memory_space<vmem>>, vector<16xf32>,
          tpu.vector_store %arg11[%swap3A_386, %swap3A_387], %mul3A_383 {strides = array<i32>} : memref<80x128xf32, #tpu.memory_space<vmem>>, vector<16xf32>,
          %add3A_389 = arith.constant 1 : i32
          %add3A_390 = arith.addi %mul3A_265, %add3A_389 : i32
          %get3A_391 = arith.index_cast %add3A_390 : i32 to index
          %get3A_392 = arith.constant 32 : index
          %get3A_393 = tpu.vector_load %arg11[%get3A_391, %get3A_392] {strides = array<i32>} : memref<80x128xf32, #tpu.memory_space<vmem>>, vector<16xf32>,
          %mul3A_394 = arith.mulf %get3A_393, %gather3A_366 : vector<16xf32>
          %add3A_395 = arith.constant 1 : i32
          %add3A_396 = arith.addi %mul3A_265, %add3A_395 : i32
          %swap3A_397 = arith.index_cast %add3A_396 : i32 to index
          %swap3A_398 = arith.constant 32 : index
          %swap3A_399 = tpu.vector_load %arg11[%swap3A_397, %swap3A_398] {strides = array<i32>} : memref<80x128xf32, #tpu.memory_space<vmem>>, vector<16xf32>,
          tpu.vector_store %arg11[%swap3A_397, %swap3A_398], %mul3A_394 {strides = array<i32>} : memref<80x128xf32, #tpu.memory_space<vmem>>, vector<16xf32>,
          %add3A_400 = arith.constant 1 : i32
          %add3A_401 = arith.addi %mul3A_265, %add3A_400 : i32
          %get3A_402 = arith.index_cast %add3A_401 : i32 to index
          %get3A_403 = arith.constant 48 : index
          %get3A_404 = tpu.vector_load %arg11[%get3A_402, %get3A_403] {strides = array<i32>} : memref<80x128xf32, #tpu.memory_space<vmem>>, vector<16xf32>,
          %mul3A_405 = arith.mulf %get3A_404, %gather3A_366 : vector<16xf32>
          %add3A_406 = arith.constant 1 : i32
          %add3A_407 = arith.addi %mul3A_265, %add3A_406 : i32
          %swap3A_408 = arith.index_cast %add3A_407 : i32 to index
          %swap3A_409 = arith.constant 48 : index
          %swap3A_410 = tpu.vector_load %arg11[%swap3A_408, %swap3A_409] {strides = array<i32>} : memref<80x128xf32, #tpu.memory_space<vmem>>, vector<16xf32>,
          tpu.vector_store %arg11[%swap3A_408, %swap3A_409], %mul3A_405 {strides = array<i32>} : memref<80x128xf32, #tpu.memory_space<vmem>>, vector<16xf32>,
          %add3A_411 = arith.constant 1 : i32
          %add3A_412 = arith.addi %mul3A_265, %add3A_411 : i32
          %get3A_413 = arith.index_cast %add3A_412 : i32 to index
          %get3A_414 = arith.constant 64 : index
          %get3A_415 = tpu.vector_load %arg11[%get3A_413, %get3A_414] {strides = array<i32>} : memref<80x128xf32, #tpu.memory_space<vmem>>, vector<16xf32>,
          %mul3A_416 = arith.mulf %get3A_415, %gather3A_366 : vector<16xf32>
          %add3A_417 = arith.constant 1 : i32
          %add3A_418 = arith.addi %mul3A_265, %add3A_417 : i32
          %swap3A_419 = arith.index_cast %add3A_418 : i32 to index
          %swap3A_420 = arith.constant 64 : index
          %swap3A_421 = tpu.vector_load %arg11[%swap3A_419, %swap3A_420] {strides = array<i32>} : memref<80x128xf32, #tpu.memory_space<vmem>>, vector<16xf32>,
          tpu.vector_store %arg11[%swap3A_419, %swap3A_420], %mul3A_416 {strides = array<i32>} : memref<80x128xf32, #tpu.memory_space<vmem>>, vector<16xf32>,
          %add3A_422 = arith.constant 1 : i32
          %add3A_423 = arith.addi %mul3A_265, %add3A_422 : i32
          %get3A_424 = arith.index_cast %add3A_423 : i32 to index
          %get3A_425 = arith.constant 80 : index
          %get3A_426 = tpu.vector_load %arg11[%get3A_424, %get3A_425] {strides = array<i32>} : memref<80x128xf32, #tpu.memory_space<vmem>>, vector<16xf32>,
          %mul3A_427 = arith.mulf %get3A_426, %gather3A_366 : vector<16xf32>
          %add3A_428 = arith.constant 1 : i32
          %add3A_429 = arith.addi %mul3A_265, %add3A_428 : i32
          %swap3A_430 = arith.index_cast %add3A_429 : i32 to index
          %swap3A_431 = arith.constant 80 : index
          %swap3A_432 = tpu.vector_load %arg11[%swap3A_430, %swap3A_431] {strides = array<i32>} : memref<80x128xf32, #tpu.memory_space<vmem>>, vector<16xf32>,
          tpu.vector_store %arg11[%swap3A_430, %swap3A_431], %mul3A_427 {strides = array<i32>} : memref<80x128xf32, #tpu.memory_space<vmem>>, vector<16xf32>,
          %add3A_433 = arith.constant 1 : i32
          %add3A_434 = arith.addi %mul3A_265, %add3A_433 : i32
          %get3A_435 = arith.index_cast %add3A_434 : i32 to index
          %get3A_436 = arith.constant 96 : index
          %get3A_437 = tpu.vector_load %arg11[%get3A_435, %get3A_436] {strides = array<i32>} : memref<80x128xf32, #tpu.memory_space<vmem>>, vector<16xf32>,
          %mul3A_438 = arith.mulf %get3A_437, %gather3A_366 : vector<16xf32>
          %add3A_439 = arith.constant 1 : i32
          %add3A_440 = arith.addi %mul3A_265, %add3A_439 : i32
          %swap3A_441 = arith.index_cast %add3A_440 : i32 to index
          %swap3A_442 = arith.constant 96 : index
          %swap3A_443 = tpu.vector_load %arg11[%swap3A_441, %swap3A_442] {strides = array<i32>} : memref<80x128xf32, #tpu.memory_space<vmem>>, vector<16xf32>,
          tpu.vector_store %arg11[%swap3A_441, %swap3A_442], %mul3A_438 {strides = array<i32>} : memref<80x128xf32, #tpu.memory_space<vmem>>, vector<16xf32>,
          %add3A_444 = arith.constant 1 : i32
          %add3A_445 = arith.addi %mul3A_265, %add3A_444 : i32
          %get3A_446 = arith.index_cast %add3A_445 : i32 to index
          %get3A_447 = arith.constant 112 : index
          %get3A_448 = tpu.vector_load %arg11[%get3A_446, %get3A_447] {strides = array<i32>} : memref<80x128xf32, #tpu.memory_space<vmem>>, vector<16xf32>,
          %mul3A_449 = arith.mulf %get3A_448, %gather3A_366 : vector<16xf32>
          %add3A_450 = arith.constant 1 : i32
          %add3A_451 = arith.addi %mul3A_265, %add3A_450 : i32
          %swap3A_452 = arith.index_cast %add3A_451 : i32 to index
          %swap3A_453 = arith.constant 112 : index
          %swap3A_454 = tpu.vector_load %arg11[%swap3A_452, %swap3A_453] {strides = array<i32>} : memref<80x128xf32, #tpu.memory_space<vmem>>, vector<16xf32>,
          tpu.vector_store %arg11[%swap3A_452, %swap3A_453], %mul3A_449 {strides = array<i32>} : memref<80x128xf32, #tpu.memory_space<vmem>>, vector<16xf32>,
          %broadcast_in_dim3A_455 = arith.constant 0 : i32
          %broadcast_in_dim3A_456 = vector.broadcast %broadcast_in_dim3A_455 : i32 to vector<16xi32>
          %add3A_457 = arith.addi %mul3A_250, %mul3A_265 : i32
          %add3A_458 = arith.constant 2 : i32
          %add3A_459 = arith.addi %add3A_457, %add3A_458 : i32
          %add3A_460 = vector.broadcast %add3A_459 : i32 to vector<16xi32>
          %add3A_461 = arith.addi %broadcast_in_dim3A_456, %add3A_460 : vector<16xi32>
          %gather3A_462 = tpu.vector_load_idx %arg9[%add3A_461] : memref<2000xf32, #tpu.memory_space<vmem>>[vector<16xi32>], vector<16xf32>,
          %add3A_463 = arith.constant 2 : i32
          %add3A_464 = arith.addi %mul3A_265, %add3A_463 : i32
          %get3A_465 = arith.index_cast %add3A_464 : i32 to index
          %get3A_466 = arith.constant 0 : index
          %get3A_467 = tpu.vector_load %arg11[%get3A_465, %get3A_466] {strides = array<i32>} : memref<80x128xf32, #tpu.memory_space<vmem>>, vector<16xf32>,
          %mul3A_468 = arith.mulf %get3A_467, %gather3A_462 : vector<16xf32>
          %add3A_469 = arith.constant 2 : i32
          %add3A_470 = arith.addi %mul3A_265, %add3A_469 : i32
          %swap3A_471 = arith.index_cast %add3A_470 : i32 to index
          %swap3A_472 = arith.constant 0 : index
          %swap3A_473 = tpu.vector_load %arg11[%swap3A_471, %swap3A_472] {strides = array<i32>} : memref<80x128xf32, #tpu.memory_space<vmem>>, vector<16xf32>,
          tpu.vector_store %arg11[%swap3A_471, %swap3A_472], %mul3A_468 {strides = array<i32>} : memref<80x128xf32, #tpu.memory_space<vmem>>, vector<16xf32>,
          %add3A_474 = arith.constant 2 : i32
          %add3A_475 = arith.addi %mul3A_265, %add3A_474 : i32
          %get3A_476 = arith.index_cast %add3A_475 : i32 to index
          %get3A_477 = arith.constant 16 : index
          %get3A_478 = tpu.vector_load %arg11[%get3A_476, %get3A_477] {strides = array<i32>} : memref<80x128xf32, #tpu.memory_space<vmem>>, vector<16xf32>,
          %mul3A_479 = arith.mulf %get3A_478, %gather3A_462 : vector<16xf32>
          %add3A_480 = arith.constant 2 : i32
          %add3A_481 = arith.addi %mul3A_265, %add3A_480 : i32
          %swap3A_482 = arith.index_cast %add3A_481 : i32 to index
          %swap3A_483 = arith.constant 16 : index
          %swap3A_484 = tpu.vector_load %arg11[%swap3A_482, %swap3A_483] {strides = array<i32>} : memref<80x128xf32, #tpu.memory_space<vmem>>, vector<16xf32>,
          tpu.vector_store %arg11[%swap3A_482, %swap3A_483], %mul3A_479 {strides = array<i32>} : memref<80x128xf32, #tpu.memory_space<vmem>>, vector<16xf32>,
          %add3A_485 = arith.constant 2 : i32
          %add3A_486 = arith.addi %mul3A_265, %add3A_485 : i32
          %get3A_487 = arith.index_cast %add3A_486 : i32 to index
          %get3A_488 = arith.constant 32 : index
          %get3A_489 = tpu.vector_load %arg11[%get3A_487, %get3A_488] {strides = array<i32>} : memref<80x128xf32, #tpu.memory_space<vmem>>, vector<16xf32>,
          %mul3A_490 = arith.mulf %get3A_489, %gather3A_462 : vector<16xf32>
          %add3A_491 = arith.constant 2 : i32
          %add3A_492 = arith.addi %mul3A_265, %add3A_491 : i32
          %swap3A_493 = arith.index_cast %add3A_492 : i32 to index
          %swap3A_494 = arith.constant 32 : index
          %swap3A_495 = tpu.vector_load %arg11[%swap3A_493, %swap3A_494] {strides = array<i32>} : memref<80x128xf32, #tpu.memory_space<vmem>>, vector<16xf32>,
          tpu.vector_store %arg11[%swap3A_493, %swap3A_494], %mul3A_490 {strides = array<i32>} : memref<80x128xf32, #tpu.memory_space<vmem>>, vector<16xf32>,
          %add3A_496 = arith.constant 2 : i32
          %add3A_497 = arith.addi %mul3A_265, %add3A_496 : i32
          %get3A_498 = arith.index_cast %add3A_497 : i32 to index
          %get3A_499 = arith.constant 48 : index
          %get3A_500 = tpu.vector_load %arg11[%get3A_498, %get3A_499] {strides = array<i32>} : memref<80x128xf32, #tpu.memory_space<vmem>>, vector<16xf32>,
          %mul3A_501 = arith.mulf %get3A_500, %gather3A_462 : vector<16xf32>
          %add3A_502 = arith.constant 2 : i32
          %add3A_503 = arith.addi %mul3A_265, %add3A_502 : i32
          %swap3A_504 = arith.index_cast %add3A_503 : i32 to index
          %swap3A_505 = arith.constant 48 : index
          %swap3A_506 = tpu.vector_load %arg11[%swap3A_504, %swap3A_505] {strides = array<i32>} : memref<80x128xf32, #tpu.memory_space<vmem>>, vector<16xf32>,
          tpu.vector_store %arg11[%swap3A_504, %swap3A_505], %mul3A_501 {strides = array<i32>} : memref<80x128xf32, #tpu.memory_space<vmem>>, vector<16xf32>,
          %add3A_507 = arith.constant 2 : i32
          %add3A_508 = arith.addi %mul3A_265, %add3A_507 : i32
          %get3A_509 = arith.index_cast %add3A_508 : i32 to index
          %get3A_510 = arith.constant 64 : index
          %get3A_511 = tpu.vector_load %arg11[%get3A_509, %get3A_510] {strides = array<i32>} : memref<80x128xf32, #tpu.memory_space<vmem>>, vector<16xf32>,
          %mul3A_512 = arith.mulf %get3A_511, %gather3A_462 : vector<16xf32>
          %add3A_513 = arith.constant 2 : i32
          %add3A_514 = arith.addi %mul3A_265, %add3A_513 : i32
          %swap3A_515 = arith.index_cast %add3A_514 : i32 to index
          %swap3A_516 = arith.constant 64 : index
          %swap3A_517 = tpu.vector_load %arg11[%swap3A_515, %swap3A_516] {strides = array<i32>} : memref<80x128xf32, #tpu.memory_space<vmem>>, vector<16xf32>,
          tpu.vector_store %arg11[%swap3A_515, %swap3A_516], %mul3A_512 {strides = array<i32>} : memref<80x128xf32, #tpu.memory_space<vmem>>, vector<16xf32>,
          %add3A_518 = arith.constant 2 : i32
          %add3A_519 = arith.addi %mul3A_265, %add3A_518 : i32
          %get3A_520 = arith.index_cast %add3A_519 : i32 to index
          %get3A_521 = arith.constant 80 : index
          %get3A_522 = tpu.vector_load %arg11[%get3A_520, %get3A_521] {strides = array<i32>} : memref<80x128xf32, #tpu.memory_space<vmem>>, vector<16xf32>,
          %mul3A_523 = arith.mulf %get3A_522, %gather3A_462 : vector<16xf32>
          %add3A_524 = arith.constant 2 : i32
          %add3A_525 = arith.addi %mul3A_265, %add3A_524 : i32
          %swap3A_526 = arith.index_cast %add3A_525 : i32 to index
          %swap3A_527 = arith.constant 80 : index
          %swap3A_528 = tpu.vector_load %arg11[%swap3A_526, %swap3A_527] {strides = array<i32>} : memref<80x128xf32, #tpu.memory_space<vmem>>, vector<16xf32>,
          tpu.vector_store %arg11[%swap3A_526, %swap3A_527], %mul3A_523 {strides = array<i32>} : memref<80x128xf32, #tpu.memory_space<vmem>>, vector<16xf32>,
          %add3A_529 = arith.constant 2 : i32
          %add3A_530 = arith.addi %mul3A_265, %add3A_529 : i32
          %get3A_531 = arith.index_cast %add3A_530 : i32 to index
          %get3A_532 = arith.constant 96 : index
          %get3A_533 = tpu.vector_load %arg11[%get3A_531, %get3A_532] {strides = array<i32>} : memref<80x128xf32, #tpu.memory_space<vmem>>, vector<16xf32>,
          %mul3A_534 = arith.mulf %get3A_533, %gather3A_462 : vector<16xf32>
          %add3A_535 = arith.constant 2 : i32
          %add3A_536 = arith.addi %mul3A_265, %add3A_535 : i32
          %swap3A_537 = arith.index_cast %add3A_536 : i32 to index
          %swap3A_538 = arith.constant 96 : index
          %swap3A_539 = tpu.vector_load %arg11[%swap3A_537, %swap3A_538] {strides = array<i32>} : memref<80x128xf32, #tpu.memory_space<vmem>>, vector<16xf32>,
          tpu.vector_store %arg11[%swap3A_537, %swap3A_538], %mul3A_534 {strides = array<i32>} : memref<80x128xf32, #tpu.memory_space<vmem>>, vector<16xf32>,
          %add3A_540 = arith.constant 2 : i32
          %add3A_541 = arith.addi %mul3A_265, %add3A_540 : i32
          %get3A_542 = arith.index_cast %add3A_541 : i32 to index
          %get3A_543 = arith.constant 112 : index
          %get3A_544 = tpu.vector_load %arg11[%get3A_542, %get3A_543] {strides = array<i32>} : memref<80x128xf32, #tpu.memory_space<vmem>>, vector<16xf32>,
          %mul3A_545 = arith.mulf %get3A_544, %gather3A_462 : vector<16xf32>
          %add3A_546 = arith.constant 2 : i32
          %add3A_547 = arith.addi %mul3A_265, %add3A_546 : i32
          %swap3A_548 = arith.index_cast %add3A_547 : i32 to index
          %swap3A_549 = arith.constant 112 : index
          %swap3A_550 = tpu.vector_load %arg11[%swap3A_548, %swap3A_549] {strides = array<i32>} : memref<80x128xf32, #tpu.memory_space<vmem>>, vector<16xf32>,
          tpu.vector_store %arg11[%swap3A_548, %swap3A_549], %mul3A_545 {strides = array<i32>} : memref<80x128xf32, #tpu.memory_space<vmem>>, vector<16xf32>,
          %broadcast_in_dim3A_551 = arith.constant 0 : i32
          %broadcast_in_dim3A_552 = vector.broadcast %broadcast_in_dim3A_551 : i32 to vector<16xi32>
          %add3A_553 = arith.addi %mul3A_250, %mul3A_265 : i32
          %add3A_554 = arith.constant 3 : i32
          %add3A_555 = arith.addi %add3A_553, %add3A_554 : i32
          %add3A_556 = vector.broadcast %add3A_555 : i32 to vector<16xi32>
          %add3A_557 = arith.addi %broadcast_in_dim3A_552, %add3A_556 : vector<16xi32>
          %gather3A_558 = tpu.vector_load_idx %arg9[%add3A_557] : memref<2000xf32, #tpu.memory_space<vmem>>[vector<16xi32>], vector<16xf32>,
          %add3A_559 = arith.constant 3 : i32
          %add3A_560 = arith.addi %mul3A_265, %add3A_559 : i32
          %get3A_561 = arith.index_cast %add3A_560 : i32 to index
          %get3A_562 = arith.constant 0 : index
          %get3A_563 = tpu.vector_load %arg11[%get3A_561, %get3A_562] {strides = array<i32>} : memref<80x128xf32, #tpu.memory_space<vmem>>, vector<16xf32>,
          %mul3A_564 = arith.mulf %get3A_563, %gather3A_558 : vector<16xf32>
          %add3A_565 = arith.constant 3 : i32
          %add3A_566 = arith.addi %mul3A_265, %add3A_565 : i32
          %swap3A_567 = arith.index_cast %add3A_566 : i32 to index
          %swap3A_568 = arith.constant 0 : index
          %swap3A_569 = tpu.vector_load %arg11[%swap3A_567, %swap3A_568] {strides = array<i32>} : memref<80x128xf32, #tpu.memory_space<vmem>>, vector<16xf32>,
          tpu.vector_store %arg11[%swap3A_567, %swap3A_568], %mul3A_564 {strides = array<i32>} : memref<80x128xf32, #tpu.memory_space<vmem>>, vector<16xf32>,
          %add3A_570 = arith.constant 3 : i32
          %add3A_571 = arith.addi %mul3A_265, %add3A_570 : i32
          %get3A_572 = arith.index_cast %add3A_571 : i32 to index
          %get3A_573 = arith.constant 16 : index
          %get3A_574 = tpu.vector_load %arg11[%get3A_572, %get3A_573] {strides = array<i32>} : memref<80x128xf32, #tpu.memory_space<vmem>>, vector<16xf32>,
          %mul3A_575 = arith.mulf %get3A_574, %gather3A_558 : vector<16xf32>
          %add3A_576 = arith.constant 3 : i32
          %add3A_577 = arith.addi %mul3A_265, %add3A_576 : i32
          %swap3A_578 = arith.index_cast %add3A_577 : i32 to index
          %swap3A_579 = arith.constant 16 : index
          %swap3A_580 = tpu.vector_load %arg11[%swap3A_578, %swap3A_579] {strides = array<i32>} : memref<80x128xf32, #tpu.memory_space<vmem>>, vector<16xf32>,
          tpu.vector_store %arg11[%swap3A_578, %swap3A_579], %mul3A_575 {strides = array<i32>} : memref<80x128xf32, #tpu.memory_space<vmem>>, vector<16xf32>,
          %add3A_581 = arith.constant 3 : i32
          %add3A_582 = arith.addi %mul3A_265, %add3A_581 : i32
          %get3A_583 = arith.index_cast %add3A_582 : i32 to index
          %get3A_584 = arith.constant 32 : index
          %get3A_585 = tpu.vector_load %arg11[%get3A_583, %get3A_584] {strides = array<i32>} : memref<80x128xf32, #tpu.memory_space<vmem>>, vector<16xf32>,
          %mul3A_586 = arith.mulf %get3A_585, %gather3A_558 : vector<16xf32>
          %add3A_587 = arith.constant 3 : i32
          %add3A_588 = arith.addi %mul3A_265, %add3A_587 : i32
          %swap3A_589 = arith.index_cast %add3A_588 : i32 to index
          %swap3A_590 = arith.constant 32 : index
          %swap3A_591 = tpu.vector_load %arg11[%swap3A_589, %swap3A_590] {strides = array<i32>} : memref<80x128xf32, #tpu.memory_space<vmem>>, vector<16xf32>,
          tpu.vector_store %arg11[%swap3A_589, %swap3A_590], %mul3A_586 {strides = array<i32>} : memref<80x128xf32, #tpu.memory_space<vmem>>, vector<16xf32>,
          %add3A_592 = arith.constant 3 : i32
          %add3A_593 = arith.addi %mul3A_265, %add3A_592 : i32
          %get3A_594 = arith.index_cast %add3A_593 : i32 to index
          %get3A_595 = arith.constant 48 : index
          %get3A_596 = tpu.vector_load %arg11[%get3A_594, %get3A_595] {strides = array<i32>} : memref<80x128xf32, #tpu.memory_space<vmem>>, vector<16xf32>,
          %mul3A_597 = arith.mulf %get3A_596, %gather3A_558 : vector<16xf32>
          %add3A_598 = arith.constant 3 : i32
          %add3A_599 = arith.addi %mul3A_265, %add3A_598 : i32
          %swap3A_600 = arith.index_cast %add3A_599 : i32 to index
          %swap3A_601 = arith.constant 48 : index
          %swap3A_602 = tpu.vector_load %arg11[%swap3A_600, %swap3A_601] {strides = array<i32>} : memref<80x128xf32, #tpu.memory_space<vmem>>, vector<16xf32>,
          tpu.vector_store %arg11[%swap3A_600, %swap3A_601], %mul3A_597 {strides = array<i32>} : memref<80x128xf32, #tpu.memory_space<vmem>>, vector<16xf32>,
          %add3A_603 = arith.constant 3 : i32
          %add3A_604 = arith.addi %mul3A_265, %add3A_603 : i32
          %get3A_605 = arith.index_cast %add3A_604 : i32 to index
          %get3A_606 = arith.constant 64 : index
          %get3A_607 = tpu.vector_load %arg11[%get3A_605, %get3A_606] {strides = array<i32>} : memref<80x128xf32, #tpu.memory_space<vmem>>, vector<16xf32>,
          %mul3A_608 = arith.mulf %get3A_607, %gather3A_558 : vector<16xf32>
          %add3A_609 = arith.constant 3 : i32
          %add3A_610 = arith.addi %mul3A_265, %add3A_609 : i32
          %swap3A_611 = arith.index_cast %add3A_610 : i32 to index
          %swap3A_612 = arith.constant 64 : index
          %swap3A_613 = tpu.vector_load %arg11[%swap3A_611, %swap3A_612] {strides = array<i32>} : memref<80x128xf32, #tpu.memory_space<vmem>>, vector<16xf32>,
          tpu.vector_store %arg11[%swap3A_611, %swap3A_612], %mul3A_608 {strides = array<i32>} : memref<80x128xf32, #tpu.memory_space<vmem>>, vector<16xf32>,
          %add3A_614 = arith.constant 3 : i32
          %add3A_615 = arith.addi %mul3A_265, %add3A_614 : i32
          %get3A_616 = arith.index_cast %add3A_615 : i32 to index
          %get3A_617 = arith.constant 80 : index
          %get3A_618 = tpu.vector_load %arg11[%get3A_616, %get3A_617] {strides = array<i32>} : memref<80x128xf32, #tpu.memory_space<vmem>>, vector<16xf32>,
          %mul3A_619 = arith.mulf %get3A_618, %gather3A_558 : vector<16xf32>
          %add3A_620 = arith.constant 3 : i32
          %add3A_621 = arith.addi %mul3A_265, %add3A_620 : i32
          %swap3A_622 = arith.index_cast %add3A_621 : i32 to index
          %swap3A_623 = arith.constant 80 : index
          %swap3A_624 = tpu.vector_load %arg11[%swap3A_622, %swap3A_623] {strides = array<i32>} : memref<80x128xf32, #tpu.memory_space<vmem>>, vector<16xf32>,
          tpu.vector_store %arg11[%swap3A_622, %swap3A_623], %mul3A_619 {strides = array<i32>} : memref<80x128xf32, #tpu.memory_space<vmem>>, vector<16xf32>,
          %add3A_625 = arith.constant 3 : i32
          %add3A_626 = arith.addi %mul3A_265, %add3A_625 : i32
          %get3A_627 = arith.index_cast %add3A_626 : i32 to index
          %get3A_628 = arith.constant 96 : index
          %get3A_629 = tpu.vector_load %arg11[%get3A_627, %get3A_628] {strides = array<i32>} : memref<80x128xf32, #tpu.memory_space<vmem>>, vector<16xf32>,
          %mul3A_630 = arith.mulf %get3A_629, %gather3A_558 : vector<16xf32>
          %add3A_631 = arith.constant 3 : i32
          %add3A_632 = arith.addi %mul3A_265, %add3A_631 : i32
          %swap3A_633 = arith.index_cast %add3A_632 : i32 to index
          %swap3A_634 = arith.constant 96 : index
          %swap3A_635 = tpu.vector_load %arg11[%swap3A_633, %swap3A_634] {strides = array<i32>} : memref<80x128xf32, #tpu.memory_space<vmem>>, vector<16xf32>,
          tpu.vector_store %arg11[%swap3A_633, %swap3A_634], %mul3A_630 {strides = array<i32>} : memref<80x128xf32, #tpu.memory_space<vmem>>, vector<16xf32>,
          %add3A_636 = arith.constant 3 : i32
          %add3A_637 = arith.addi %mul3A_265, %add3A_636 : i32
          %get3A_638 = arith.index_cast %add3A_637 : i32 to index
          %get3A_639 = arith.constant 112 : index
          %get3A_640 = tpu.vector_load %arg11[%get3A_638, %get3A_639] {strides = array<i32>} : memref<80x128xf32, #tpu.memory_space<vmem>>, vector<16xf32>,
          %mul3A_641 = arith.mulf %get3A_640, %gather3A_558 : vector<16xf32>
          %add3A_642 = arith.constant 3 : i32
          %add3A_643 = arith.addi %mul3A_265, %add3A_642 : i32
          %swap3A_644 = arith.index_cast %add3A_643 : i32 to index
          %swap3A_645 = arith.constant 112 : index
          %swap3A_646 = tpu.vector_load %arg11[%swap3A_644, %swap3A_645] {strides = array<i32>} : memref<80x128xf32, #tpu.memory_space<vmem>>, vector<16xf32>,
          tpu.vector_store %arg11[%swap3A_644, %swap3A_645], %mul3A_641 {strides = array<i32>} : memref<80x128xf32, #tpu.memory_space<vmem>>, vector<16xf32>,
        }
        %scan3A_256 = arith.constant 20 : i32
        %dma_start3A_257 = arith.constant 0 : i32
        %dma_start3A_258 = tpu.memref_slice %arg8[%add3A_191, %dma_start3A_257] : memref<25x80xi32, #tpu.memory_space<vmem>> -> memref<1x80xi32, #tpu.memory_space<vmem>>
        %dma_start3A_259 = tpu.memref_squeeze %dma_start3A_258 : memref<1x80xi32, #tpu.memory_space<vmem>> -> memref<80xi32, #tpu.memory_space<vmem>>
        %dma_start3A_260 = arith.constant 0 : i32
        %dma_start3A_261 = arith.constant 0 : i32
        %dma_start3A_262 = tpu.memref_slice %arg13[%dma_start3A_260, %dma_start3A_261] : memref<10240x128xf32, #tpu.memory_space<vmem_shared>> -> memref<10240x128xf32, #tpu.memory_space<vmem_shared>>
        tpu.enqueue_indirect_dma source(%arg11 : memref<80x128xf32, #tpu.memory_space<vmem>>) target(%dma_start3A_262 : memref<10240x128xf32, #tpu.memory_space<vmem_shared>>) offsets(%dma_start3A_259 : memref<80xi32, #tpu.memory_space<vmem>>) semaphore(%arg17 : memref<!tpu.dma_semaphore, #tpu.memory_space<semaphore_mem>>) {add = true}
      }
      %scan3A_114 = arith.constant 11 : i32
      %dma_wait3A_115 = arith.constant 23 : i32
      %dma_wait3A_116 = arith.constant 0 : i32
      %dma_wait3A_117 = tpu.memref_slice %arg7[%dma_wait3A_115, %dma_wait3A_116] : memref<25x80xi32, #tpu.memory_space<vmem>> -> memref<1x80xi32, #tpu.memory_space<vmem>>
      %dma_wait3A_118 = tpu.memref_squeeze %dma_wait3A_117 : memref<1x80xi32, #tpu.memory_space<vmem>> -> memref<80xi32, #tpu.memory_space<vmem>>
      %dma_wait3A_119 = arith.constant 0 : i32
      %dma_wait3A_120 = arith.constant 0 : i32
      %dma_wait3A_121 = tpu.memref_slice %arg2[%dma_wait3A_119, %dma_wait3A_120] : memref<10000x128xf32, #tpu.memory_space<hbm>> -> memref<10000x128xf32, #tpu.memory_space<hbm>>
      tpu.wait_indirect_dma semaphore(%arg16 : memref<!tpu.dma_semaphore, #tpu.memory_space<semaphore_mem>>) src(%dma_wait3A_121 : memref<10000x128xf32, #tpu.memory_space<hbm>>) dst(%arg12 : memref<80x128xf32, #tpu.memory_space<vmem>>)
      %dma_wait3A_122 = arith.constant 22 : i32
      %dma_wait3A_123 = arith.constant 0 : i32
      %dma_wait3A_124 = tpu.memref_slice %arg8[%dma_wait3A_122, %dma_wait3A_123] : memref<25x80xi32, #tpu.memory_space<vmem>> -> memref<1x80xi32, #tpu.memory_space<vmem>>
      %dma_wait3A_125 = tpu.memref_squeeze %dma_wait3A_124 : memref<1x80xi32, #tpu.memory_space<vmem>> -> memref<80xi32, #tpu.memory_space<vmem>>
      %dma_wait3A_126 = arith.constant 0 : i32
      %dma_wait3A_127 = arith.constant 0 : i32
      %dma_wait3A_128 = tpu.memref_slice %arg13[%dma_wait3A_126, %dma_wait3A_127] : memref<10240x128xf32, #tpu.memory_space<vmem_shared>> -> memref<10240x128xf32, #tpu.memory_space<vmem_shared>>
      tpu.wait_indirect_dma semaphore(%arg17 : memref<!tpu.dma_semaphore, #tpu.memory_space<semaphore_mem>>) src(%arg11 : memref<80x128xf32, #tpu.memory_space<vmem>>) dst(%dma_wait3A_128 : memref<10240x128xf32, #tpu.memory_space<vmem_shared>>)
      %dma_start3A_129 = arith.constant 24 : i32
      %dma_start3A_130 = arith.constant 0 : i32
      %dma_start3A_131 = tpu.memref_slice %arg7[%dma_start3A_129, %dma_start3A_130] : memref<25x80xi32, #tpu.memory_space<vmem>> -> memref<1x80xi32, #tpu.memory_space<vmem>>
      %dma_start3A_132 = tpu.memref_squeeze %dma_start3A_131 : memref<1x80xi32, #tpu.memory_space<vmem>> -> memref<80xi32, #tpu.memory_space<vmem>>
      %dma_start3A_133 = arith.constant 0 : i32
      %dma_start3A_134 = arith.constant 0 : i32
      %dma_start3A_135 = tpu.memref_slice %arg2[%dma_start3A_133, %dma_start3A_134] : memref<10000x128xf32, #tpu.memory_space<hbm>> -> memref<10000x128xf32, #tpu.memory_space<hbm>>
      tpu.enqueue_indirect_dma source(%dma_start3A_135 : memref<10000x128xf32, #tpu.memory_space<hbm>>) target(%arg11 : memref<80x128xf32, #tpu.memory_space<vmem>>) offsets(%dma_start3A_132 : memref<80xi32, #tpu.memory_space<vmem>>) semaphore(%arg15 : memref<!tpu.dma_semaphore, #tpu.memory_space<semaphore_mem>>)
      %scan3A_136 = arith.constant 0 : i32
      %scan3A_137 = arith.constant 0 : i32
      %scan3A_138 = arith.constant 20 : i32
      %scan3A_139 = arith.addi %scan3A_137, %scan3A_138 : i32
      %scan3A_140 = arith.constant 1 : i32
      scf.for %scan3A_183 = %scan3A_137 to %scan3A_139 step %scan3A_140  : i32 {
        %mul3A_184 = arith.constant 4 : i32
        %mul3A_185 = arith.muli %scan3A_183, %mul3A_184 : i32
        %broadcast_in_dim3A_186 = arith.constant 0 : i32
        %broadcast_in_dim3A_187 = vector.broadcast %broadcast_in_dim3A_186 : i32 to vector<16xi32>
        %add3A_188 = arith.constant 1840 : i32
        %add3A_189 = arith.addi %add3A_188, %mul3A_185 : i32
        %add3A_190 = arith.constant 0 : i32
        %add3A_191 = arith.addi %add3A_189, %add3A_190 : i32
        %add3A_192 = vector.broadcast %add3A_191 : i32 to vector<16xi32>
        %add3A_193 = arith.addi %broadcast_in_dim3A_187, %add3A_192 : vector<16xi32>
        %gather3A = tpu.vector_load_idx %arg9[%add3A_193] : memref<2000xf32, #tpu.memory_space<vmem>>[vector<16xi32>], vector<16xf32>,
        %add3A_194 = arith.constant 0 : i32
        %add3A_195 = arith.addi %mul3A_185, %add3A_194 : i32
        %get3A = arith.index_cast %add3A_195 : i32 to index
        %get3A_196 = arith.constant 0 : index
        %get3A_197 = tpu.vector_load %arg12[%get3A, %get3A_196] {strides = array<i32>} : memref<80x128xf32, #tpu.memory_space<vmem>>, vector<16xf32>,
        %mul3A_198 = arith.mulf %get3A_197, %gather3A : vector<16xf32>
        %add3A_199 = arith.constant 0 : i32
        %add3A_200 = arith.addi %mul3A_185, %add3A_199 : i32
        %swap3A = arith.index_cast %add3A_200 : i32 to index
        %swap3A_201 = arith.constant 0 : index
        %swap3A_202 = tpu.vector_load %arg12[%swap3A, %swap3A_201] {strides = array<i32>} : memref<80x128xf32, #tpu.memory_space<vmem>>, vector<16xf32>,
        tpu.vector_store %arg12[%swap3A, %swap3A_201], %mul3A_198 {strides = array<i32>} : memref<80x128xf32, #tpu.memory_space<vmem>>, vector<16xf32>,
        %add3A_203 = arith.constant 0 : i32
        %add3A_204 = arith.addi %mul3A_185, %add3A_203 : i32
        %get3A_205 = arith.index_cast %add3A_204 : i32 to index
        %get3A_206 = arith.constant 16 : index
        %get3A_207 = tpu.vector_load %arg12[%get3A_205, %get3A_206] {strides = array<i32>} : memref<80x128xf32, #tpu.memory_space<vmem>>, vector<16xf32>,
        %mul3A_208 = arith.mulf %get3A_207, %gather3A : vector<16xf32>
        %add3A_209 = arith.constant 0 : i32
        %add3A_210 = arith.addi %mul3A_185, %add3A_209 : i32
        %swap3A_211 = arith.index_cast %add3A_210 : i32 to index
        %swap3A_212 = arith.constant 16 : index
        %swap3A_213 = tpu.vector_load %arg12[%swap3A_211, %swap3A_212] {strides = array<i32>} : memref<80x128xf32, #tpu.memory_space<vmem>>, vector<16xf32>,
        tpu.vector_store %arg12[%swap3A_211, %swap3A_212], %mul3A_208 {strides = array<i32>} : memref<80x128xf32, #tpu.memory_space<vmem>>, vector<16xf32>,
        %add3A_214 = arith.constant 0 : i32
        %add3A_215 = arith.addi %mul3A_185, %add3A_214 : i32
        %get3A_216 = arith.index_cast %add3A_215 : i32 to index
        %get3A_217 = arith.constant 32 : index
        %get3A_218 = tpu.vector_load %arg12[%get3A_216, %get3A_217] {strides = array<i32>} : memref<80x128xf32, #tpu.memory_space<vmem>>, vector<16xf32>,
        %mul3A_219 = arith.mulf %get3A_218, %gather3A : vector<16xf32>
        %add3A_220 = arith.constant 0 : i32
        %add3A_221 = arith.addi %mul3A_185, %add3A_220 : i32
        %swap3A_222 = arith.index_cast %add3A_221 : i32 to index
        %swap3A_223 = arith.constant 32 : index
        %swap3A_224 = tpu.vector_load %arg12[%swap3A_222, %swap3A_223] {strides = array<i32>} : memref<80x128xf32, #tpu.memory_space<vmem>>, vector<16xf32>,
        tpu.vector_store %arg12[%swap3A_222, %swap3A_223], %mul3A_219 {strides = array<i32>} : memref<80x128xf32, #tpu.memory_space<vmem>>, vector<16xf32>,
        %add3A_225 = arith.constant 0 : i32
        %add3A_226 = arith.addi %mul3A_185, %add3A_225 : i32
        %get3A_227 = arith.index_cast %add3A_226 : i32 to index
        %get3A_228 = arith.constant 48 : index
        %get3A_229 = tpu.vector_load %arg12[%get3A_227, %get3A_228] {strides = array<i32>} : memref<80x128xf32, #tpu.memory_space<vmem>>, vector<16xf32>,
        %mul3A_230 = arith.mulf %get3A_229, %gather3A : vector<16xf32>
        %add3A_231 = arith.constant 0 : i32
        %add3A_232 = arith.addi %mul3A_185, %add3A_231 : i32
        %swap3A_233 = arith.index_cast %add3A_232 : i32 to index
        %swap3A_234 = arith.constant 48 : index
        %swap3A_235 = tpu.vector_load %arg12[%swap3A_233, %swap3A_234] {strides = array<i32>} : memref<80x128xf32, #tpu.memory_space<vmem>>, vector<16xf32>,
        tpu.vector_store %arg12[%swap3A_233, %swap3A_234], %mul3A_230 {strides = array<i32>} : memref<80x128xf32, #tpu.memory_space<vmem>>, vector<16xf32>,
        %add3A_236 = arith.constant 0 : i32
        %add3A_237 = arith.addi %mul3A_185, %add3A_236 : i32
        %get3A_238 = arith.index_cast %add3A_237 : i32 to index
        %get3A_239 = arith.constant 64 : index
        %get3A_240 = tpu.vector_load %arg12[%get3A_238, %get3A_239] {strides = array<i32>} : memref<80x128xf32, #tpu.memory_space<vmem>>, vector<16xf32>,
        %mul3A_241 = arith.mulf %get3A_240, %gather3A : vector<16xf32>
        %add3A_242 = arith.constant 0 : i32
        %add3A_243 = arith.addi %mul3A_185, %add3A_242 : i32
        %swap3A_244 = arith.index_cast %add3A_243 : i32 to index
        %swap3A_245 = arith.constant 64 : index
        %swap3A_246 = tpu.vector_load %arg12[%swap3A_244, %swap3A_245] {strides = array<i32>} : memref<80x128xf32, #tpu.memory_space<vmem>>, vector<16xf32>,
        tpu.vector_store %arg12[%swap3A_244, %swap3A_245], %mul3A_241 {strides = array<i32>} : memref<80x128xf32, #tpu.memory_space<vmem>>, vector<16xf32>,
        %add3A_247 = arith.constant 0 : i32
        %add3A_248 = arith.addi %mul3A_185, %add3A_247 : i32
        %get3A_249 = arith.index_cast %add3A_248 : i32 to index
        %get3A_250 = arith.constant 80 : index
        %get3A_251 = tpu.vector_load %arg12[%get3A_249, %get3A_250] {strides = array<i32>} : memref<80x128xf32, #tpu.memory_space<vmem>>, vector<16xf32>,
        %mul3A_252 = arith.mulf %get3A_251, %gather3A : vector<16xf32>
        %add3A_253 = arith.constant 0 : i32
        %add3A_254 = arith.addi %mul3A_185, %add3A_253 : i32
        %swap3A_255 = arith.index_cast %add3A_254 : i32 to index
        %swap3A_256 = arith.constant 80 : index
        %swap3A_257 = tpu.vector_load %arg12[%swap3A_255, %swap3A_256] {strides = array<i32>} : memref<80x128xf32, #tpu.memory_space<vmem>>, vector<16xf32>,
        tpu.vector_store %arg12[%swap3A_255, %swap3A_256], %mul3A_252 {strides = array<i32>} : memref<80x128xf32, #tpu.memory_space<vmem>>, vector<16xf32>,
        %add3A_258 = arith.constant 0 : i32
        %add3A_259 = arith.addi %mul3A_185, %add3A_258 : i32
        %get3A_260 = arith.index_cast %add3A_259 : i32 to index
        %get3A_261 = arith.constant 96 : index
        %get3A_262 = tpu.vector_load %arg12[%get3A_260, %get3A_261] {strides = array<i32>} : memref<80x128xf32, #tpu.memory_space<vmem>>, vector<16xf32>,
        %mul3A_263 = arith.mulf %get3A_262, %gather3A : vector<16xf32>
        %add3A_264 = arith.constant 0 : i32
        %add3A_265 = arith.addi %mul3A_185, %add3A_264 : i32
        %swap3A_266 = arith.index_cast %add3A_265 : i32 to index
        %swap3A_267 = arith.constant 96 : index
        %swap3A_268 = tpu.vector_load %arg12[%swap3A_266, %swap3A_267] {strides = array<i32>} : memref<80x128xf32, #tpu.memory_space<vmem>>, vector<16xf32>,
        tpu.vector_store %arg12[%swap3A_266, %swap3A_267], %mul3A_263 {strides = array<i32>} : memref<80x128xf32, #tpu.memory_space<vmem>>, vector<16xf32>,
        %add3A_269 = arith.constant 0 : i32
        %add3A_270 = arith.addi %mul3A_185, %add3A_269 : i32
        %get3A_271 = arith.index_cast %add3A_270 : i32 to index
        %get3A_272 = arith.constant 112 : index
        %get3A_273 = tpu.vector_load %arg12[%get3A_271, %get3A_272] {strides = array<i32>} : memref<80x128xf32, #tpu.memory_space<vmem>>, vector<16xf32>,
        %mul3A_274 = arith.mulf %get3A_273, %gather3A : vector<16xf32>
        %add3A_275 = arith.constant 0 : i32
        %add3A_276 = arith.addi %mul3A_185, %add3A_275 : i32
        %swap3A_277 = arith.index_cast %add3A_276 : i32 to index
        %swap3A_278 = arith.constant 112 : index
        %swap3A_279 = tpu.vector_load %arg12[%swap3A_277, %swap3A_278] {strides = array<i32>} : memref<80x128xf32, #tpu.memory_space<vmem>>, vector<16xf32>,
        tpu.vector_store %arg12[%swap3A_277, %swap3A_278], %mul3A_274 {strides = array<i32>} : memref<80x128xf32, #tpu.memory_space<vmem>>, vector<16xf32>,
        %broadcast_in_dim3A_280 = arith.constant 0 : i32
        %broadcast_in_dim3A_281 = vector.broadcast %broadcast_in_dim3A_280 : i32 to vector<16xi32>
        %add3A_282 = arith.constant 1840 : i32
        %add3A_283 = arith.addi %add3A_282, %mul3A_185 : i32
        %add3A_284 = arith.constant 1 : i32
        %add3A_285 = arith.addi %add3A_283, %add3A_284 : i32
        %add3A_286 = vector.broadcast %add3A_285 : i32 to vector<16xi32>
        %add3A_287 = arith.addi %broadcast_in_dim3A_281, %add3A_286 : vector<16xi32>
        %gather3A_288 = tpu.vector_load_idx %arg9[%add3A_287] : memref<2000xf32, #tpu.memory_space<vmem>>[vector<16xi32>], vector<16xf32>,
        %add3A_289 = arith.constant 1 : i32
        %add3A_290 = arith.addi %mul3A_185, %add3A_289 : i32
        %get3A_291 = arith.index_cast %add3A_290 : i32 to index
        %get3A_292 = arith.constant 0 : index
        %get3A_293 = tpu.vector_load %arg12[%get3A_291, %get3A_292] {strides = array<i32>} : memref<80x128xf32, #tpu.memory_space<vmem>>, vector<16xf32>,
        %mul3A_294 = arith.mulf %get3A_293, %gather3A_288 : vector<16xf32>
        %add3A_295 = arith.constant 1 : i32
        %add3A_296 = arith.addi %mul3A_185, %add3A_295 : i32
        %swap3A_297 = arith.index_cast %add3A_296 : i32 to index
        %swap3A_298 = arith.constant 0 : index
        %swap3A_299 = tpu.vector_load %arg12[%swap3A_297, %swap3A_298] {strides = array<i32>} : memref<80x128xf32, #tpu.memory_space<vmem>>, vector<16xf32>,
        tpu.vector_store %arg12[%swap3A_297, %swap3A_298], %mul3A_294 {strides = array<i32>} : memref<80x128xf32, #tpu.memory_space<vmem>>, vector<16xf32>,
        %add3A_300 = arith.constant 1 : i32
        %add3A_301 = arith.addi %mul3A_185, %add3A_300 : i32
        %get3A_302 = arith.index_cast %add3A_301 : i32 to index
        %get3A_303 = arith.constant 16 : index
        %get3A_304 = tpu.vector_load %arg12[%get3A_302, %get3A_303] {strides = array<i32>} : memref<80x128xf32, #tpu.memory_space<vmem>>, vector<16xf32>,
        %mul3A_305 = arith.mulf %get3A_304, %gather3A_288 : vector<16xf32>
        %add3A_306 = arith.constant 1 : i32
        %add3A_307 = arith.addi %mul3A_185, %add3A_306 : i32
        %swap3A_308 = arith.index_cast %add3A_307 : i32 to index
        %swap3A_309 = arith.constant 16 : index
        %swap3A_310 = tpu.vector_load %arg12[%swap3A_308, %swap3A_309] {strides = array<i32>} : memref<80x128xf32, #tpu.memory_space<vmem>>, vector<16xf32>,
        tpu.vector_store %arg12[%swap3A_308, %swap3A_309], %mul3A_305 {strides = array<i32>} : memref<80x128xf32, #tpu.memory_space<vmem>>, vector<16xf32>,
        %add3A_311 = arith.constant 1 : i32
        %add3A_312 = arith.addi %mul3A_185, %add3A_311 : i32
        %get3A_313 = arith.index_cast %add3A_312 : i32 to index
        %get3A_314 = arith.constant 32 : index
        %get3A_315 = tpu.vector_load %arg12[%get3A_313, %get3A_314] {strides = array<i32>} : memref<80x128xf32, #tpu.memory_space<vmem>>, vector<16xf32>,
        %mul3A_316 = arith.mulf %get3A_315, %gather3A_288 : vector<16xf32>
        %add3A_317 = arith.constant 1 : i32
        %add3A_318 = arith.addi %mul3A_185, %add3A_317 : i32
        %swap3A_319 = arith.index_cast %add3A_318 : i32 to index
        %swap3A_320 = arith.constant 32 : index
        %swap3A_321 = tpu.vector_load %arg12[%swap3A_319, %swap3A_320] {strides = array<i32>} : memref<80x128xf32, #tpu.memory_space<vmem>>, vector<16xf32>,
        tpu.vector_store %arg12[%swap3A_319, %swap3A_320], %mul3A_316 {strides = array<i32>} : memref<80x128xf32, #tpu.memory_space<vmem>>, vector<16xf32>,
        %add3A_322 = arith.constant 1 : i32
        %add3A_323 = arith.addi %mul3A_185, %add3A_322 : i32
        %get3A_324 = arith.index_cast %add3A_323 : i32 to index
        %get3A_325 = arith.constant 48 : index
        %get3A_326 = tpu.vector_load %arg12[%get3A_324, %get3A_325] {strides = array<i32>} : memref<80x128xf32, #tpu.memory_space<vmem>>, vector<16xf32>,
        %mul3A_327 = arith.mulf %get3A_326, %gather3A_288 : vector<16xf32>
        %add3A_328 = arith.constant 1 : i32
        %add3A_329 = arith.addi %mul3A_185, %add3A_328 : i32
        %swap3A_330 = arith.index_cast %add3A_329 : i32 to index
        %swap3A_331 = arith.constant 48 : index
        %swap3A_332 = tpu.vector_load %arg12[%swap3A_330, %swap3A_331] {strides = array<i32>} : memref<80x128xf32, #tpu.memory_space<vmem>>, vector<16xf32>,
        tpu.vector_store %arg12[%swap3A_330, %swap3A_331], %mul3A_327 {strides = array<i32>} : memref<80x128xf32, #tpu.memory_space<vmem>>, vector<16xf32>,
        %add3A_333 = arith.constant 1 : i32
        %add3A_334 = arith.addi %mul3A_185, %add3A_333 : i32
        %get3A_335 = arith.index_cast %add3A_334 : i32 to index
        %get3A_336 = arith.constant 64 : index
        %get3A_337 = tpu.vector_load %arg12[%get3A_335, %get3A_336] {strides = array<i32>} : memref<80x128xf32, #tpu.memory_space<vmem>>, vector<16xf32>,
        %mul3A_338 = arith.mulf %get3A_337, %gather3A_288 : vector<16xf32>
        %add3A_339 = arith.constant 1 : i32
        %add3A_340 = arith.addi %mul3A_185, %add3A_339 : i32
        %swap3A_341 = arith.index_cast %add3A_340 : i32 to index
        %swap3A_342 = arith.constant 64 : index
        %swap3A_343 = tpu.vector_load %arg12[%swap3A_341, %swap3A_342] {strides = array<i32>} : memref<80x128xf32, #tpu.memory_space<vmem>>, vector<16xf32>,
        tpu.vector_store %arg12[%swap3A_341, %swap3A_342], %mul3A_338 {strides = array<i32>} : memref<80x128xf32, #tpu.memory_space<vmem>>, vector<16xf32>,
        %add3A_344 = arith.constant 1 : i32
        %add3A_345 = arith.addi %mul3A_185, %add3A_344 : i32
        %get3A_346 = arith.index_cast %add3A_345 : i32 to index
        %get3A_347 = arith.constant 80 : index
        %get3A_348 = tpu.vector_load %arg12[%get3A_346, %get3A_347] {strides = array<i32>} : memref<80x128xf32, #tpu.memory_space<vmem>>, vector<16xf32>,
        %mul3A_349 = arith.mulf %get3A_348, %gather3A_288 : vector<16xf32>
        %add3A_350 = arith.constant 1 : i32
        %add3A_351 = arith.addi %mul3A_185, %add3A_350 : i32
        %swap3A_352 = arith.index_cast %add3A_351 : i32 to index
        %swap3A_353 = arith.constant 80 : index
        %swap3A_354 = tpu.vector_load %arg12[%swap3A_352, %swap3A_353] {strides = array<i32>} : memref<80x128xf32, #tpu.memory_space<vmem>>, vector<16xf32>,
        tpu.vector_store %arg12[%swap3A_352, %swap3A_353], %mul3A_349 {strides = array<i32>} : memref<80x128xf32, #tpu.memory_space<vmem>>, vector<16xf32>,
        %add3A_355 = arith.constant 1 : i32
        %add3A_356 = arith.addi %mul3A_185, %add3A_355 : i32
        %get3A_357 = arith.index_cast %add3A_356 : i32 to index
        %get3A_358 = arith.constant 96 : index
        %get3A_359 = tpu.vector_load %arg12[%get3A_357, %get3A_358] {strides = array<i32>} : memref<80x128xf32, #tpu.memory_space<vmem>>, vector<16xf32>,
        %mul3A_360 = arith.mulf %get3A_359, %gather3A_288 : vector<16xf32>
        %add3A_361 = arith.constant 1 : i32
        %add3A_362 = arith.addi %mul3A_185, %add3A_361 : i32
        %swap3A_363 = arith.index_cast %add3A_362 : i32 to index
        %swap3A_364 = arith.constant 96 : index
        %swap3A_365 = tpu.vector_load %arg12[%swap3A_363, %swap3A_364] {strides = array<i32>} : memref<80x128xf32, #tpu.memory_space<vmem>>, vector<16xf32>,
        tpu.vector_store %arg12[%swap3A_363, %swap3A_364], %mul3A_360 {strides = array<i32>} : memref<80x128xf32, #tpu.memory_space<vmem>>, vector<16xf32>,
        %add3A_366 = arith.constant 1 : i32
        %add3A_367 = arith.addi %mul3A_185, %add3A_366 : i32
        %get3A_368 = arith.index_cast %add3A_367 : i32 to index
        %get3A_369 = arith.constant 112 : index
        %get3A_370 = tpu.vector_load %arg12[%get3A_368, %get3A_369] {strides = array<i32>} : memref<80x128xf32, #tpu.memory_space<vmem>>, vector<16xf32>,
        %mul3A_371 = arith.mulf %get3A_370, %gather3A_288 : vector<16xf32>
        %add3A_372 = arith.constant 1 : i32
        %add3A_373 = arith.addi %mul3A_185, %add3A_372 : i32
        %swap3A_374 = arith.index_cast %add3A_373 : i32 to index
        %swap3A_375 = arith.constant 112 : index
        %swap3A_376 = tpu.vector_load %arg12[%swap3A_374, %swap3A_375] {strides = array<i32>} : memref<80x128xf32, #tpu.memory_space<vmem>>, vector<16xf32>,
        tpu.vector_store %arg12[%swap3A_374, %swap3A_375], %mul3A_371 {strides = array<i32>} : memref<80x128xf32, #tpu.memory_space<vmem>>, vector<16xf32>,
        %broadcast_in_dim3A_377 = arith.constant 0 : i32
        %broadcast_in_dim3A_378 = vector.broadcast %broadcast_in_dim3A_377 : i32 to vector<16xi32>
        %add3A_379 = arith.constant 1840 : i32
        %add3A_380 = arith.addi %add3A_379, %mul3A_185 : i32
        %add3A_381 = arith.constant 2 : i32
        %add3A_382 = arith.addi %add3A_380, %add3A_381 : i32
        %add3A_383 = vector.broadcast %add3A_382 : i32 to vector<16xi32>
        %add3A_384 = arith.addi %broadcast_in_dim3A_378, %add3A_383 : vector<16xi32>
        %gather3A_385 = tpu.vector_load_idx %arg9[%add3A_384] : memref<2000xf32, #tpu.memory_space<vmem>>[vector<16xi32>], vector<16xf32>,
        %add3A_386 = arith.constant 2 : i32
        %add3A_387 = arith.addi %mul3A_185, %add3A_386 : i32
        %get3A_388 = arith.index_cast %add3A_387 : i32 to index
        %get3A_389 = arith.constant 0 : index
        %get3A_390 = tpu.vector_load %arg12[%get3A_388, %get3A_389] {strides = array<i32>} : memref<80x128xf32, #tpu.memory_space<vmem>>, vector<16xf32>,
        %mul3A_391 = arith.mulf %get3A_390, %gather3A_385 : vector<16xf32>
        %add3A_392 = arith.constant 2 : i32
        %add3A_393 = arith.addi %mul3A_185, %add3A_392 : i32
        %swap3A_394 = arith.index_cast %add3A_393 : i32 to index
        %swap3A_395 = arith.constant 0 : index
        %swap3A_396 = tpu.vector_load %arg12[%swap3A_394, %swap3A_395] {strides = array<i32>} : memref<80x128xf32, #tpu.memory_space<vmem>>, vector<16xf32>,
        tpu.vector_store %arg12[%swap3A_394, %swap3A_395], %mul3A_391 {strides = array<i32>} : memref<80x128xf32, #tpu.memory_space<vmem>>, vector<16xf32>,
        %add3A_397 = arith.constant 2 : i32
        %add3A_398 = arith.addi %mul3A_185, %add3A_397 : i32
        %get3A_399 = arith.index_cast %add3A_398 : i32 to index
        %get3A_400 = arith.constant 16 : index
        %get3A_401 = tpu.vector_load %arg12[%get3A_399, %get3A_400] {strides = array<i32>} : memref<80x128xf32, #tpu.memory_space<vmem>>, vector<16xf32>,
        %mul3A_402 = arith.mulf %get3A_401, %gather3A_385 : vector<16xf32>
        %add3A_403 = arith.constant 2 : i32
        %add3A_404 = arith.addi %mul3A_185, %add3A_403 : i32
        %swap3A_405 = arith.index_cast %add3A_404 : i32 to index
        %swap3A_406 = arith.constant 16 : index
        %swap3A_407 = tpu.vector_load %arg12[%swap3A_405, %swap3A_406] {strides = array<i32>} : memref<80x128xf32, #tpu.memory_space<vmem>>, vector<16xf32>,
        tpu.vector_store %arg12[%swap3A_405, %swap3A_406], %mul3A_402 {strides = array<i32>} : memref<80x128xf32, #tpu.memory_space<vmem>>, vector<16xf32>,
        %add3A_408 = arith.constant 2 : i32
        %add3A_409 = arith.addi %mul3A_185, %add3A_408 : i32
        %get3A_410 = arith.index_cast %add3A_409 : i32 to index
        %get3A_411 = arith.constant 32 : index
        %get3A_412 = tpu.vector_load %arg12[%get3A_410, %get3A_411] {strides = array<i32>} : memref<80x128xf32, #tpu.memory_space<vmem>>, vector<16xf32>,
        %mul3A_413 = arith.mulf %get3A_412, %gather3A_385 : vector<16xf32>
        %add3A_414 = arith.constant 2 : i32
        %add3A_415 = arith.addi %mul3A_185, %add3A_414 : i32
        %swap3A_416 = arith.index_cast %add3A_415 : i32 to index
        %swap3A_417 = arith.constant 32 : index
        %swap3A_418 = tpu.vector_load %arg12[%swap3A_416, %swap3A_417] {strides = array<i32>} : memref<80x128xf32, #tpu.memory_space<vmem>>, vector<16xf32>,
        tpu.vector_store %arg12[%swap3A_416, %swap3A_417], %mul3A_413 {strides = array<i32>} : memref<80x128xf32, #tpu.memory_space<vmem>>, vector<16xf32>,
        %add3A_419 = arith.constant 2 : i32
        %add3A_420 = arith.addi %mul3A_185, %add3A_419 : i32
        %get3A_421 = arith.index_cast %add3A_420 : i32 to index
        %get3A_422 = arith.constant 48 : index
        %get3A_423 = tpu.vector_load %arg12[%get3A_421, %get3A_422] {strides = array<i32>} : memref<80x128xf32, #tpu.memory_space<vmem>>, vector<16xf32>,
        %mul3A_424 = arith.mulf %get3A_423, %gather3A_385 : vector<16xf32>
        %add3A_425 = arith.constant 2 : i32
        %add3A_426 = arith.addi %mul3A_185, %add3A_425 : i32
        %swap3A_427 = arith.index_cast %add3A_426 : i32 to index
        %swap3A_428 = arith.constant 48 : index
        %swap3A_429 = tpu.vector_load %arg12[%swap3A_427, %swap3A_428] {strides = array<i32>} : memref<80x128xf32, #tpu.memory_space<vmem>>, vector<16xf32>,
        tpu.vector_store %arg12[%swap3A_427, %swap3A_428], %mul3A_424 {strides = array<i32>} : memref<80x128xf32, #tpu.memory_space<vmem>>, vector<16xf32>,
        %add3A_430 = arith.constant 2 : i32
        %add3A_431 = arith.addi %mul3A_185, %add3A_430 : i32
        %get3A_432 = arith.index_cast %add3A_431 : i32 to index
        %get3A_433 = arith.constant 64 : index
        %get3A_434 = tpu.vector_load %arg12[%get3A_432, %get3A_433] {strides = array<i32>} : memref<80x128xf32, #tpu.memory_space<vmem>>, vector<16xf32>,
        %mul3A_435 = arith.mulf %get3A_434, %gather3A_385 : vector<16xf32>
        %add3A_436 = arith.constant 2 : i32
        %add3A_437 = arith.addi %mul3A_185, %add3A_436 : i32
        %swap3A_438 = arith.index_cast %add3A_437 : i32 to index
        %swap3A_439 = arith.constant 64 : index
        %swap3A_440 = tpu.vector_load %arg12[%swap3A_438, %swap3A_439] {strides = array<i32>} : memref<80x128xf32, #tpu.memory_space<vmem>>, vector<16xf32>,
        tpu.vector_store %arg12[%swap3A_438, %swap3A_439], %mul3A_435 {strides = array<i32>} : memref<80x128xf32, #tpu.memory_space<vmem>>, vector<16xf32>,
        %add3A_441 = arith.constant 2 : i32
        %add3A_442 = arith.addi %mul3A_185, %add3A_441 : i32
        %get3A_443 = arith.index_cast %add3A_442 : i32 to index
        %get3A_444 = arith.constant 80 : index
        %get3A_445 = tpu.vector_load %arg12[%get3A_443, %get3A_444] {strides = array<i32>} : memref<80x128xf32, #tpu.memory_space<vmem>>, vector<16xf32>,
        %mul3A_446 = arith.mulf %get3A_445, %gather3A_385 : vector<16xf32>
        %add3A_447 = arith.constant 2 : i32
        %add3A_448 = arith.addi %mul3A_185, %add3A_447 : i32
        %swap3A_449 = arith.index_cast %add3A_448 : i32 to index
        %swap3A_450 = arith.constant 80 : index
        %swap3A_451 = tpu.vector_load %arg12[%swap3A_449, %swap3A_450] {strides = array<i32>} : memref<80x128xf32, #tpu.memory_space<vmem>>, vector<16xf32>,
        tpu.vector_store %arg12[%swap3A_449, %swap3A_450], %mul3A_446 {strides = array<i32>} : memref<80x128xf32, #tpu.memory_space<vmem>>, vector<16xf32>,
        %add3A_452 = arith.constant 2 : i32
        %add3A_453 = arith.addi %mul3A_185, %add3A_452 : i32
        %get3A_454 = arith.index_cast %add3A_453 : i32 to index
        %get3A_455 = arith.constant 96 : index
        %get3A_456 = tpu.vector_load %arg12[%get3A_454, %get3A_455] {strides = array<i32>} : memref<80x128xf32, #tpu.memory_space<vmem>>, vector<16xf32>,
        %mul3A_457 = arith.mulf %get3A_456, %gather3A_385 : vector<16xf32>
        %add3A_458 = arith.constant 2 : i32
        %add3A_459 = arith.addi %mul3A_185, %add3A_458 : i32
        %swap3A_460 = arith.index_cast %add3A_459 : i32 to index
        %swap3A_461 = arith.constant 96 : index
        %swap3A_462 = tpu.vector_load %arg12[%swap3A_460, %swap3A_461] {strides = array<i32>} : memref<80x128xf32, #tpu.memory_space<vmem>>, vector<16xf32>,
        tpu.vector_store %arg12[%swap3A_460, %swap3A_461], %mul3A_457 {strides = array<i32>} : memref<80x128xf32, #tpu.memory_space<vmem>>, vector<16xf32>,
        %add3A_463 = arith.constant 2 : i32
        %add3A_464 = arith.addi %mul3A_185, %add3A_463 : i32
        %get3A_465 = arith.index_cast %add3A_464 : i32 to index
        %get3A_466 = arith.constant 112 : index
        %get3A_467 = tpu.vector_load %arg12[%get3A_465, %get3A_466] {strides = array<i32>} : memref<80x128xf32, #tpu.memory_space<vmem>>, vector<16xf32>,
        %mul3A_468 = arith.mulf %get3A_467, %gather3A_385 : vector<16xf32>
        %add3A_469 = arith.constant 2 : i32
        %add3A_470 = arith.addi %mul3A_185, %add3A_469 : i32
        %swap3A_471 = arith.index_cast %add3A_470 : i32 to index
        %swap3A_472 = arith.constant 112 : index
        %swap3A_473 = tpu.vector_load %arg12[%swap3A_471, %swap3A_472] {strides = array<i32>} : memref<80x128xf32, #tpu.memory_space<vmem>>, vector<16xf32>,
        tpu.vector_store %arg12[%swap3A_471, %swap3A_472], %mul3A_468 {strides = array<i32>} : memref<80x128xf32, #tpu.memory_space<vmem>>, vector<16xf32>,
        %broadcast_in_dim3A_474 = arith.constant 0 : i32
        %broadcast_in_dim3A_475 = vector.broadcast %broadcast_in_dim3A_474 : i32 to vector<16xi32>
        %add3A_476 = arith.constant 1840 : i32
        %add3A_477 = arith.addi %add3A_476, %mul3A_185 : i32
        %add3A_478 = arith.constant 3 : i32
        %add3A_479 = arith.addi %add3A_477, %add3A_478 : i32
        %add3A_480 = vector.broadcast %add3A_479 : i32 to vector<16xi32>
        %add3A_481 = arith.addi %broadcast_in_dim3A_475, %add3A_480 : vector<16xi32>
        %gather3A_482 = tpu.vector_load_idx %arg9[%add3A_481] : memref<2000xf32, #tpu.memory_space<vmem>>[vector<16xi32>], vector<16xf32>,
        %add3A_483 = arith.constant 3 : i32
        %add3A_484 = arith.addi %mul3A_185, %add3A_483 : i32
        %get3A_485 = arith.index_cast %add3A_484 : i32 to index
        %get3A_486 = arith.constant 0 : index
        %get3A_487 = tpu.vector_load %arg12[%get3A_485, %get3A_486] {strides = array<i32>} : memref<80x128xf32, #tpu.memory_space<vmem>>, vector<16xf32>,
        %mul3A_488 = arith.mulf %get3A_487, %gather3A_482 : vector<16xf32>
        %add3A_489 = arith.constant 3 : i32
        %add3A_490 = arith.addi %mul3A_185, %add3A_489 : i32
        %swap3A_491 = arith.index_cast %add3A_490 : i32 to index
        %swap3A_492 = arith.constant 0 : index
        %swap3A_493 = tpu.vector_load %arg12[%swap3A_491, %swap3A_492] {strides = array<i32>} : memref<80x128xf32, #tpu.memory_space<vmem>>, vector<16xf32>,
        tpu.vector_store %arg12[%swap3A_491, %swap3A_492], %mul3A_488 {strides = array<i32>} : memref<80x128xf32, #tpu.memory_space<vmem>>, vector<16xf32>,
        %add3A_494 = arith.constant 3 : i32
        %add3A_495 = arith.addi %mul3A_185, %add3A_494 : i32
        %get3A_496 = arith.index_cast %add3A_495 : i32 to index
        %get3A_497 = arith.constant 16 : index
        %get3A_498 = tpu.vector_load %arg12[%get3A_496, %get3A_497] {strides = array<i32>} : memref<80x128xf32, #tpu.memory_space<vmem>>, vector<16xf32>,
        %mul3A_499 = arith.mulf %get3A_498, %gather3A_482 : vector<16xf32>
        %add3A_500 = arith.constant 3 : i32
        %add3A_501 = arith.addi %mul3A_185, %add3A_500 : i32
        %swap3A_502 = arith.index_cast %add3A_501 : i32 to index
        %swap3A_503 = arith.constant 16 : index
        %swap3A_504 = tpu.vector_load %arg12[%swap3A_502, %swap3A_503] {strides = array<i32>} : memref<80x128xf32, #tpu.memory_space<vmem>>, vector<16xf32>,
        tpu.vector_store %arg12[%swap3A_502, %swap3A_503], %mul3A_499 {strides = array<i32>} : memref<80x128xf32, #tpu.memory_space<vmem>>, vector<16xf32>,
        %add3A_505 = arith.constant 3 : i32
        %add3A_506 = arith.addi %mul3A_185, %add3A_505 : i32
        %get3A_507 = arith.index_cast %add3A_506 : i32 to index
        %get3A_508 = arith.constant 32 : index
        %get3A_509 = tpu.vector_load %arg12[%get3A_507, %get3A_508] {strides = array<i32>} : memref<80x128xf32, #tpu.memory_space<vmem>>, vector<16xf32>,
        %mul3A_510 = arith.mulf %get3A_509, %gather3A_482 : vector<16xf32>
        %add3A_511 = arith.constant 3 : i32
        %add3A_512 = arith.addi %mul3A_185, %add3A_511 : i32
        %swap3A_513 = arith.index_cast %add3A_512 : i32 to index
        %swap3A_514 = arith.constant 32 : index
        %swap3A_515 = tpu.vector_load %arg12[%swap3A_513, %swap3A_514] {strides = array<i32>} : memref<80x128xf32, #tpu.memory_space<vmem>>, vector<16xf32>,
        tpu.vector_store %arg12[%swap3A_513, %swap3A_514], %mul3A_510 {strides = array<i32>} : memref<80x128xf32, #tpu.memory_space<vmem>>, vector<16xf32>,
        %add3A_516 = arith.constant 3 : i32
        %add3A_517 = arith.addi %mul3A_185, %add3A_516 : i32
        %get3A_518 = arith.index_cast %add3A_517 : i32 to index
        %get3A_519 = arith.constant 48 : index
        %get3A_520 = tpu.vector_load %arg12[%get3A_518, %get3A_519] {strides = array<i32>} : memref<80x128xf32, #tpu.memory_space<vmem>>, vector<16xf32>,
        %mul3A_521 = arith.mulf %get3A_520, %gather3A_482 : vector<16xf32>
        %add3A_522 = arith.constant 3 : i32
        %add3A_523 = arith.addi %mul3A_185, %add3A_522 : i32
        %swap3A_524 = arith.index_cast %add3A_523 : i32 to index
        %swap3A_525 = arith.constant 48 : index
        %swap3A_526 = tpu.vector_load %arg12[%swap3A_524, %swap3A_525] {strides = array<i32>} : memref<80x128xf32, #tpu.memory_space<vmem>>, vector<16xf32>,
        tpu.vector_store %arg12[%swap3A_524, %swap3A_525], %mul3A_521 {strides = array<i32>} : memref<80x128xf32, #tpu.memory_space<vmem>>, vector<16xf32>,
        %add3A_527 = arith.constant 3 : i32
        %add3A_528 = arith.addi %mul3A_185, %add3A_527 : i32
        %get3A_529 = arith.index_cast %add3A_528 : i32 to index
        %get3A_530 = arith.constant 64 : index
        %get3A_531 = tpu.vector_load %arg12[%get3A_529, %get3A_530] {strides = array<i32>} : memref<80x128xf32, #tpu.memory_space<vmem>>, vector<16xf32>,
        %mul3A_532 = arith.mulf %get3A_531, %gather3A_482 : vector<16xf32>
        %add3A_533 = arith.constant 3 : i32
        %add3A_534 = arith.addi %mul3A_185, %add3A_533 : i32
        %swap3A_535 = arith.index_cast %add3A_534 : i32 to index
        %swap3A_536 = arith.constant 64 : index
        %swap3A_537 = tpu.vector_load %arg12[%swap3A_535, %swap3A_536] {strides = array<i32>} : memref<80x128xf32, #tpu.memory_space<vmem>>, vector<16xf32>,
        tpu.vector_store %arg12[%swap3A_535, %swap3A_536], %mul3A_532 {strides = array<i32>} : memref<80x128xf32, #tpu.memory_space<vmem>>, vector<16xf32>,
        %add3A_538 = arith.constant 3 : i32
        %add3A_539 = arith.addi %mul3A_185, %add3A_538 : i32
        %get3A_540 = arith.index_cast %add3A_539 : i32 to index
        %get3A_541 = arith.constant 80 : index
        %get3A_542 = tpu.vector_load %arg12[%get3A_540, %get3A_541] {strides = array<i32>} : memref<80x128xf32, #tpu.memory_space<vmem>>, vector<16xf32>,
        %mul3A_543 = arith.mulf %get3A_542, %gather3A_482 : vector<16xf32>
        %add3A_544 = arith.constant 3 : i32
        %add3A_545 = arith.addi %mul3A_185, %add3A_544 : i32
        %swap3A_546 = arith.index_cast %add3A_545 : i32 to index
        %swap3A_547 = arith.constant 80 : index
        %swap3A_548 = tpu.vector_load %arg12[%swap3A_546, %swap3A_547] {strides = array<i32>} : memref<80x128xf32, #tpu.memory_space<vmem>>, vector<16xf32>,
        tpu.vector_store %arg12[%swap3A_546, %swap3A_547], %mul3A_543 {strides = array<i32>} : memref<80x128xf32, #tpu.memory_space<vmem>>, vector<16xf32>,
        %add3A_549 = arith.constant 3 : i32
        %add3A_550 = arith.addi %mul3A_185, %add3A_549 : i32
        %get3A_551 = arith.index_cast %add3A_550 : i32 to index
        %get3A_552 = arith.constant 96 : index
        %get3A_553 = tpu.vector_load %arg12[%get3A_551, %get3A_552] {strides = array<i32>} : memref<80x128xf32, #tpu.memory_space<vmem>>, vector<16xf32>,
        %mul3A_554 = arith.mulf %get3A_553, %gather3A_482 : vector<16xf32>
        %add3A_555 = arith.constant 3 : i32
        %add3A_556 = arith.addi %mul3A_185, %add3A_555 : i32
        %swap3A_557 = arith.index_cast %add3A_556 : i32 to index
        %swap3A_558 = arith.constant 96 : index
        %swap3A_559 = tpu.vector_load %arg12[%swap3A_557, %swap3A_558] {strides = array<i32>} : memref<80x128xf32, #tpu.memory_space<vmem>>, vector<16xf32>,
        tpu.vector_store %arg12[%swap3A_557, %swap3A_558], %mul3A_554 {strides = array<i32>} : memref<80x128xf32, #tpu.memory_space<vmem>>, vector<16xf32>,
        %add3A_560 = arith.constant 3 : i32
        %add3A_561 = arith.addi %mul3A_185, %add3A_560 : i32
        %get3A_562 = arith.index_cast %add3A_561 : i32 to index
        %get3A_563 = arith.constant 112 : index
        %get3A_564 = tpu.vector_load %arg12[%get3A_562, %get3A_563] {strides = array<i32>} : memref<80x128xf32, #tpu.memory_space<vmem>>, vector<16xf32>,
        %mul3A_565 = arith.mulf %get3A_564, %gather3A_482 : vector<16xf32>
        %add3A_566 = arith.constant 3 : i32
        %add3A_567 = arith.addi %mul3A_185, %add3A_566 : i32
        %swap3A_568 = arith.index_cast %add3A_567 : i32 to index
        %swap3A_569 = arith.constant 112 : index
        %swap3A_570 = tpu.vector_load %arg12[%swap3A_568, %swap3A_569] {strides = array<i32>} : memref<80x128xf32, #tpu.memory_space<vmem>>, vector<16xf32>,
        tpu.vector_store %arg12[%swap3A_568, %swap3A_569], %mul3A_565 {strides = array<i32>} : memref<80x128xf32, #tpu.memory_space<vmem>>, vector<16xf32>,
      }
      %scan3A_141 = arith.constant 20 : i32
      %dma_start3A_142 = arith.constant 23 : i32
      %dma_start3A_143 = arith.constant 0 : i32
      %dma_start3A_144 = tpu.memref_slice %arg8[%dma_start3A_142, %dma_start3A_143] : memref<25x80xi32, #tpu.memory_space<vmem>> -> memref<1x80xi32, #tpu.memory_space<vmem>>
      %dma_start3A_145 = tpu.memref_squeeze %dma_start3A_144 : memref<1x80xi32, #tpu.memory_space<vmem>> -> memref<80xi32, #tpu.memory_space<vmem>>
      %dma_start3A_146 = arith.constant 0 : i32
      %dma_start3A_147 = arith.constant 0 : i32
      %dma_start3A_148 = tpu.memref_slice %arg13[%dma_start3A_146, %dma_start3A_147] : memref<10240x128xf32, #tpu.memory_space<vmem_shared>> -> memref<10240x128xf32, #tpu.memory_space<vmem_shared>>
      tpu.enqueue_indirect_dma source(%arg12 : memref<80x128xf32, #tpu.memory_space<vmem>>) target(%dma_start3A_148 : memref<10240x128xf32, #tpu.memory_space<vmem_shared>>) offsets(%dma_start3A_145 : memref<80xi32, #tpu.memory_space<vmem>>) semaphore(%arg17 : memref<!tpu.dma_semaphore, #tpu.memory_space<semaphore_mem>>) {add = true}
      %dma_wait3A_149 = arith.constant 24 : i32
      %dma_wait3A_150 = arith.constant 0 : i32
      %dma_wait3A_151 = tpu.memref_slice %arg7[%dma_wait3A_149, %dma_wait3A_150] : memref<25x80xi32, #tpu.memory_space<vmem>> -> memref<1x80xi32, #tpu.memory_space<vmem>>
      %dma_wait3A_152 = tpu.memref_squeeze %dma_wait3A_151 : memref<1x80xi32, #tpu.memory_space<vmem>> -> memref<80xi32, #tpu.memory_space<vmem>>
      %dma_wait3A_153 = arith.constant 0 : i32
      %dma_wait3A_154 = arith.constant 0 : i32
      %dma_wait3A_155 = tpu.memref_slice %arg2[%dma_wait3A_153, %dma_wait3A_154] : memref<10000x128xf32, #tpu.memory_space<hbm>> -> memref<10000x128xf32, #tpu.memory_space<hbm>>
      tpu.wait_indirect_dma semaphore(%arg15 : memref<!tpu.dma_semaphore, #tpu.memory_space<semaphore_mem>>) src(%dma_wait3A_155 : memref<10000x128xf32, #tpu.memory_space<hbm>>) dst(%arg11 : memref<80x128xf32, #tpu.memory_space<vmem>>)
      %dma_wait3A_156 = arith.constant 23 : i32
      %dma_wait3A_157 = arith.constant 0 : i32
      %dma_wait3A_158 = tpu.memref_slice %arg8[%dma_wait3A_156, %dma_wait3A_157] : memref<25x80xi32, #tpu.memory_space<vmem>> -> memref<1x80xi32, #tpu.memory_space<vmem>>
      %dma_wait3A_159 = tpu.memref_squeeze %dma_wait3A_158 : memref<1x80xi32, #tpu.memory_space<vmem>> -> memref<80xi32, #tpu.memory_space<vmem>>
      %dma_wait3A_160 = arith.constant 0 : i32
      %dma_wait3A_161 = arith.constant 0 : i32
      %dma_wait3A_162 = tpu.memref_slice %arg13[%dma_wait3A_160, %dma_wait3A_161] : memref<10240x128xf32, #tpu.memory_space<vmem_shared>> -> memref<10240x128xf32, #tpu.memory_space<vmem_shared>>
      tpu.wait_indirect_dma semaphore(%arg17 : memref<!tpu.dma_semaphore, #tpu.memory_space<semaphore_mem>>) src(%arg12 : memref<80x128xf32, #tpu.memory_space<vmem>>) dst(%dma_wait3A_162 : memref<10240x128xf32, #tpu.memory_space<vmem_shared>>)
      %scan3A_163 = arith.constant 0 : i32
      %scan3A_164 = arith.constant 0 : i32
      %scan3A_165 = arith.constant 20 : i32
      %scan3A_166 = arith.addi %scan3A_164, %scan3A_165 : i32
      %scan3A_167 = arith.constant 1 : i32
      scf.for %scan3A_183 = %scan3A_164 to %scan3A_166 step %scan3A_167  : i32 {
        %mul3A_184 = arith.constant 4 : i32
        %mul3A_185 = arith.muli %scan3A_183, %mul3A_184 : i32
        %broadcast_in_dim3A_186 = arith.constant 0 : i32
        %broadcast_in_dim3A_187 = vector.broadcast %broadcast_in_dim3A_186 : i32 to vector<16xi32>
        %add3A_188 = arith.constant 1920 : i32
        %add3A_189 = arith.addi %add3A_188, %mul3A_185 : i32
        %add3A_190 = arith.constant 0 : i32
        %add3A_191 = arith.addi %add3A_189, %add3A_190 : i32
        %add3A_192 = vector.broadcast %add3A_191 : i32 to vector<16xi32>
        %add3A_193 = arith.addi %broadcast_in_dim3A_187, %add3A_192 : vector<16xi32>
        %gather3A = tpu.vector_load_idx %arg9[%add3A_193] : memref<2000xf32, #tpu.memory_space<vmem>>[vector<16xi32>], vector<16xf32>,
        %add3A_194 = arith.constant 0 : i32
        %add3A_195 = arith.addi %mul3A_185, %add3A_194 : i32
        %get3A = arith.index_cast %add3A_195 : i32 to index
        %get3A_196 = arith.constant 0 : index
        %get3A_197 = tpu.vector_load %arg11[%get3A, %get3A_196] {strides = array<i32>} : memref<80x128xf32, #tpu.memory_space<vmem>>, vector<16xf32>,
        %mul3A_198 = arith.mulf %get3A_197, %gather3A : vector<16xf32>
        %add3A_199 = arith.constant 0 : i32
        %add3A_200 = arith.addi %mul3A_185, %add3A_199 : i32
        %swap3A = arith.index_cast %add3A_200 : i32 to index
        %swap3A_201 = arith.constant 0 : index
        %swap3A_202 = tpu.vector_load %arg11[%swap3A, %swap3A_201] {strides = array<i32>} : memref<80x128xf32, #tpu.memory_space<vmem>>, vector<16xf32>,
        tpu.vector_store %arg11[%swap3A, %swap3A_201], %mul3A_198 {strides = array<i32>} : memref<80x128xf32, #tpu.memory_space<vmem>>, vector<16xf32>,
        %add3A_203 = arith.constant 0 : i32
        %add3A_204 = arith.addi %mul3A_185, %add3A_203 : i32
        %get3A_205 = arith.index_cast %add3A_204 : i32 to index
        %get3A_206 = arith.constant 16 : index
        %get3A_207 = tpu.vector_load %arg11[%get3A_205, %get3A_206] {strides = array<i32>} : memref<80x128xf32, #tpu.memory_space<vmem>>, vector<16xf32>,
        %mul3A_208 = arith.mulf %get3A_207, %gather3A : vector<16xf32>
        %add3A_209 = arith.constant 0 : i32
        %add3A_210 = arith.addi %mul3A_185, %add3A_209 : i32
        %swap3A_211 = arith.index_cast %add3A_210 : i32 to index
        %swap3A_212 = arith.constant 16 : index
        %swap3A_213 = tpu.vector_load %arg11[%swap3A_211, %swap3A_212] {strides = array<i32>} : memref<80x128xf32, #tpu.memory_space<vmem>>, vector<16xf32>,
        tpu.vector_store %arg11[%swap3A_211, %swap3A_212], %mul3A_208 {strides = array<i32>} : memref<80x128xf32, #tpu.memory_space<vmem>>, vector<16xf32>,
        %add3A_214 = arith.constant 0 : i32
        %add3A_215 = arith.addi %mul3A_185, %add3A_214 : i32
        %get3A_216 = arith.index_cast %add3A_215 : i32 to index
        %get3A_217 = arith.constant 32 : index
        %get3A_218 = tpu.vector_load %arg11[%get3A_216, %get3A_217] {strides = array<i32>} : memref<80x128xf32, #tpu.memory_space<vmem>>, vector<16xf32>,
        %mul3A_219 = arith.mulf %get3A_218, %gather3A : vector<16xf32>
        %add3A_220 = arith.constant 0 : i32
        %add3A_221 = arith.addi %mul3A_185, %add3A_220 : i32
        %swap3A_222 = arith.index_cast %add3A_221 : i32 to index
        %swap3A_223 = arith.constant 32 : index
        %swap3A_224 = tpu.vector_load %arg11[%swap3A_222, %swap3A_223] {strides = array<i32>} : memref<80x128xf32, #tpu.memory_space<vmem>>, vector<16xf32>,
        tpu.vector_store %arg11[%swap3A_222, %swap3A_223], %mul3A_219 {strides = array<i32>} : memref<80x128xf32, #tpu.memory_space<vmem>>, vector<16xf32>,
        %add3A_225 = arith.constant 0 : i32
        %add3A_226 = arith.addi %mul3A_185, %add3A_225 : i32
        %get3A_227 = arith.index_cast %add3A_226 : i32 to index
        %get3A_228 = arith.constant 48 : index
        %get3A_229 = tpu.vector_load %arg11[%get3A_227, %get3A_228] {strides = array<i32>} : memref<80x128xf32, #tpu.memory_space<vmem>>, vector<16xf32>,
        %mul3A_230 = arith.mulf %get3A_229, %gather3A : vector<16xf32>
        %add3A_231 = arith.constant 0 : i32
        %add3A_232 = arith.addi %mul3A_185, %add3A_231 : i32
        %swap3A_233 = arith.index_cast %add3A_232 : i32 to index
        %swap3A_234 = arith.constant 48 : index
        %swap3A_235 = tpu.vector_load %arg11[%swap3A_233, %swap3A_234] {strides = array<i32>} : memref<80x128xf32, #tpu.memory_space<vmem>>, vector<16xf32>,
        tpu.vector_store %arg11[%swap3A_233, %swap3A_234], %mul3A_230 {strides = array<i32>} : memref<80x128xf32, #tpu.memory_space<vmem>>, vector<16xf32>,
        %add3A_236 = arith.constant 0 : i32
        %add3A_237 = arith.addi %mul3A_185, %add3A_236 : i32
        %get3A_238 = arith.index_cast %add3A_237 : i32 to index
        %get3A_239 = arith.constant 64 : index
        %get3A_240 = tpu.vector_load %arg11[%get3A_238, %get3A_239] {strides = array<i32>} : memref<80x128xf32, #tpu.memory_space<vmem>>, vector<16xf32>,
        %mul3A_241 = arith.mulf %get3A_240, %gather3A : vector<16xf32>
        %add3A_242 = arith.constant 0 : i32
        %add3A_243 = arith.addi %mul3A_185, %add3A_242 : i32
        %swap3A_244 = arith.index_cast %add3A_243 : i32 to index
        %swap3A_245 = arith.constant 64 : index
        %swap3A_246 = tpu.vector_load %arg11[%swap3A_244, %swap3A_245] {strides = array<i32>} : memref<80x128xf32, #tpu.memory_space<vmem>>, vector<16xf32>,
        tpu.vector_store %arg11[%swap3A_244, %swap3A_245], %mul3A_241 {strides = array<i32>} : memref<80x128xf32, #tpu.memory_space<vmem>>, vector<16xf32>,
        %add3A_247 = arith.constant 0 : i32
        %add3A_248 = arith.addi %mul3A_185, %add3A_247 : i32
        %get3A_249 = arith.index_cast %add3A_248 : i32 to index
        %get3A_250 = arith.constant 80 : index
        %get3A_251 = tpu.vector_load %arg11[%get3A_249, %get3A_250] {strides = array<i32>} : memref<80x128xf32, #tpu.memory_space<vmem>>, vector<16xf32>,
        %mul3A_252 = arith.mulf %get3A_251, %gather3A : vector<16xf32>
        %add3A_253 = arith.constant 0 : i32
        %add3A_254 = arith.addi %mul3A_185, %add3A_253 : i32
        %swap3A_255 = arith.index_cast %add3A_254 : i32 to index
        %swap3A_256 = arith.constant 80 : index
        %swap3A_257 = tpu.vector_load %arg11[%swap3A_255, %swap3A_256] {strides = array<i32>} : memref<80x128xf32, #tpu.memory_space<vmem>>, vector<16xf32>,
        tpu.vector_store %arg11[%swap3A_255, %swap3A_256], %mul3A_252 {strides = array<i32>} : memref<80x128xf32, #tpu.memory_space<vmem>>, vector<16xf32>,
        %add3A_258 = arith.constant 0 : i32
        %add3A_259 = arith.addi %mul3A_185, %add3A_258 : i32
        %get3A_260 = arith.index_cast %add3A_259 : i32 to index
        %get3A_261 = arith.constant 96 : index
        %get3A_262 = tpu.vector_load %arg11[%get3A_260, %get3A_261] {strides = array<i32>} : memref<80x128xf32, #tpu.memory_space<vmem>>, vector<16xf32>,
        %mul3A_263 = arith.mulf %get3A_262, %gather3A : vector<16xf32>
        %add3A_264 = arith.constant 0 : i32
        %add3A_265 = arith.addi %mul3A_185, %add3A_264 : i32
        %swap3A_266 = arith.index_cast %add3A_265 : i32 to index
        %swap3A_267 = arith.constant 96 : index
        %swap3A_268 = tpu.vector_load %arg11[%swap3A_266, %swap3A_267] {strides = array<i32>} : memref<80x128xf32, #tpu.memory_space<vmem>>, vector<16xf32>,
        tpu.vector_store %arg11[%swap3A_266, %swap3A_267], %mul3A_263 {strides = array<i32>} : memref<80x128xf32, #tpu.memory_space<vmem>>, vector<16xf32>,
        %add3A_269 = arith.constant 0 : i32
        %add3A_270 = arith.addi %mul3A_185, %add3A_269 : i32
        %get3A_271 = arith.index_cast %add3A_270 : i32 to index
        %get3A_272 = arith.constant 112 : index
        %get3A_273 = tpu.vector_load %arg11[%get3A_271, %get3A_272] {strides = array<i32>} : memref<80x128xf32, #tpu.memory_space<vmem>>, vector<16xf32>,
        %mul3A_274 = arith.mulf %get3A_273, %gather3A : vector<16xf32>
        %add3A_275 = arith.constant 0 : i32
        %add3A_276 = arith.addi %mul3A_185, %add3A_275 : i32
        %swap3A_277 = arith.index_cast %add3A_276 : i32 to index
        %swap3A_278 = arith.constant 112 : index
        %swap3A_279 = tpu.vector_load %arg11[%swap3A_277, %swap3A_278] {strides = array<i32>} : memref<80x128xf32, #tpu.memory_space<vmem>>, vector<16xf32>,
        tpu.vector_store %arg11[%swap3A_277, %swap3A_278], %mul3A_274 {strides = array<i32>} : memref<80x128xf32, #tpu.memory_space<vmem>>, vector<16xf32>,
        %broadcast_in_dim3A_280 = arith.constant 0 : i32
        %broadcast_in_dim3A_281 = vector.broadcast %broadcast_in_dim3A_280 : i32 to vector<16xi32>
        %add3A_282 = arith.constant 1920 : i32
        %add3A_283 = arith.addi %add3A_282, %mul3A_185 : i32
        %add3A_284 = arith.constant 1 : i32
        %add3A_285 = arith.addi %add3A_283, %add3A_284 : i32
        %add3A_286 = vector.broadcast %add3A_285 : i32 to vector<16xi32>
        %add3A_287 = arith.addi %broadcast_in_dim3A_281, %add3A_286 : vector<16xi32>
        %gather3A_288 = tpu.vector_load_idx %arg9[%add3A_287] : memref<2000xf32, #tpu.memory_space<vmem>>[vector<16xi32>], vector<16xf32>,
        %add3A_289 = arith.constant 1 : i32
        %add3A_290 = arith.addi %mul3A_185, %add3A_289 : i32
        %get3A_291 = arith.index_cast %add3A_290 : i32 to index
        %get3A_292 = arith.constant 0 : index
        %get3A_293 = tpu.vector_load %arg11[%get3A_291, %get3A_292] {strides = array<i32>} : memref<80x128xf32, #tpu.memory_space<vmem>>, vector<16xf32>,
        %mul3A_294 = arith.mulf %get3A_293, %gather3A_288 : vector<16xf32>
        %add3A_295 = arith.constant 1 : i32
        %add3A_296 = arith.addi %mul3A_185, %add3A_295 : i32
        %swap3A_297 = arith.index_cast %add3A_296 : i32 to index
        %swap3A_298 = arith.constant 0 : index
        %swap3A_299 = tpu.vector_load %arg11[%swap3A_297, %swap3A_298] {strides = array<i32>} : memref<80x128xf32, #tpu.memory_space<vmem>>, vector<16xf32>,
        tpu.vector_store %arg11[%swap3A_297, %swap3A_298], %mul3A_294 {strides = array<i32>} : memref<80x128xf32, #tpu.memory_space<vmem>>, vector<16xf32>,
        %add3A_300 = arith.constant 1 : i32
        %add3A_301 = arith.addi %mul3A_185, %add3A_300 : i32
        %get3A_302 = arith.index_cast %add3A_301 : i32 to index
        %get3A_303 = arith.constant 16 : index
        %get3A_304 = tpu.vector_load %arg11[%get3A_302, %get3A_303] {strides = array<i32>} : memref<80x128xf32, #tpu.memory_space<vmem>>, vector<16xf32>,
        %mul3A_305 = arith.mulf %get3A_304, %gather3A_288 : vector<16xf32>
        %add3A_306 = arith.constant 1 : i32
        %add3A_307 = arith.addi %mul3A_185, %add3A_306 : i32
        %swap3A_308 = arith.index_cast %add3A_307 : i32 to index
        %swap3A_309 = arith.constant 16 : index
        %swap3A_310 = tpu.vector_load %arg11[%swap3A_308, %swap3A_309] {strides = array<i32>} : memref<80x128xf32, #tpu.memory_space<vmem>>, vector<16xf32>,
        tpu.vector_store %arg11[%swap3A_308, %swap3A_309], %mul3A_305 {strides = array<i32>} : memref<80x128xf32, #tpu.memory_space<vmem>>, vector<16xf32>,
        %add3A_311 = arith.constant 1 : i32
        %add3A_312 = arith.addi %mul3A_185, %add3A_311 : i32
        %get3A_313 = arith.index_cast %add3A_312 : i32 to index
        %get3A_314 = arith.constant 32 : index
        %get3A_315 = tpu.vector_load %arg11[%get3A_313, %get3A_314] {strides = array<i32>} : memref<80x128xf32, #tpu.memory_space<vmem>>, vector<16xf32>,
        %mul3A_316 = arith.mulf %get3A_315, %gather3A_288 : vector<16xf32>
        %add3A_317 = arith.constant 1 : i32
        %add3A_318 = arith.addi %mul3A_185, %add3A_317 : i32
        %swap3A_319 = arith.index_cast %add3A_318 : i32 to index
        %swap3A_320 = arith.constant 32 : index
        %swap3A_321 = tpu.vector_load %arg11[%swap3A_319, %swap3A_320] {strides = array<i32>} : memref<80x128xf32, #tpu.memory_space<vmem>>, vector<16xf32>,
        tpu.vector_store %arg11[%swap3A_319, %swap3A_320], %mul3A_316 {strides = array<i32>} : memref<80x128xf32, #tpu.memory_space<vmem>>, vector<16xf32>,
        %add3A_322 = arith.constant 1 : i32
        %add3A_323 = arith.addi %mul3A_185, %add3A_322 : i32
        %get3A_324 = arith.index_cast %add3A_323 : i32 to index
        %get3A_325 = arith.constant 48 : index
        %get3A_326 = tpu.vector_load %arg11[%get3A_324, %get3A_325] {strides = array<i32>} : memref<80x128xf32, #tpu.memory_space<vmem>>, vector<16xf32>,
        %mul3A_327 = arith.mulf %get3A_326, %gather3A_288 : vector<16xf32>
        %add3A_328 = arith.constant 1 : i32
        %add3A_329 = arith.addi %mul3A_185, %add3A_328 : i32
        %swap3A_330 = arith.index_cast %add3A_329 : i32 to index
        %swap3A_331 = arith.constant 48 : index
        %swap3A_332 = tpu.vector_load %arg11[%swap3A_330, %swap3A_331] {strides = array<i32>} : memref<80x128xf32, #tpu.memory_space<vmem>>, vector<16xf32>,
        tpu.vector_store %arg11[%swap3A_330, %swap3A_331], %mul3A_327 {strides = array<i32>} : memref<80x128xf32, #tpu.memory_space<vmem>>, vector<16xf32>,
        %add3A_333 = arith.constant 1 : i32
        %add3A_334 = arith.addi %mul3A_185, %add3A_333 : i32
        %get3A_335 = arith.index_cast %add3A_334 : i32 to index
        %get3A_336 = arith.constant 64 : index
        %get3A_337 = tpu.vector_load %arg11[%get3A_335, %get3A_336] {strides = array<i32>} : memref<80x128xf32, #tpu.memory_space<vmem>>, vector<16xf32>,
        %mul3A_338 = arith.mulf %get3A_337, %gather3A_288 : vector<16xf32>
        %add3A_339 = arith.constant 1 : i32
        %add3A_340 = arith.addi %mul3A_185, %add3A_339 : i32
        %swap3A_341 = arith.index_cast %add3A_340 : i32 to index
        %swap3A_342 = arith.constant 64 : index
        %swap3A_343 = tpu.vector_load %arg11[%swap3A_341, %swap3A_342] {strides = array<i32>} : memref<80x128xf32, #tpu.memory_space<vmem>>, vector<16xf32>,
        tpu.vector_store %arg11[%swap3A_341, %swap3A_342], %mul3A_338 {strides = array<i32>} : memref<80x128xf32, #tpu.memory_space<vmem>>, vector<16xf32>,
        %add3A_344 = arith.constant 1 : i32
        %add3A_345 = arith.addi %mul3A_185, %add3A_344 : i32
        %get3A_346 = arith.index_cast %add3A_345 : i32 to index
        %get3A_347 = arith.constant 80 : index
        %get3A_348 = tpu.vector_load %arg11[%get3A_346, %get3A_347] {strides = array<i32>} : memref<80x128xf32, #tpu.memory_space<vmem>>, vector<16xf32>,
        %mul3A_349 = arith.mulf %get3A_348, %gather3A_288 : vector<16xf32>
        %add3A_350 = arith.constant 1 : i32
        %add3A_351 = arith.addi %mul3A_185, %add3A_350 : i32
        %swap3A_352 = arith.index_cast %add3A_351 : i32 to index
        %swap3A_353 = arith.constant 80 : index
        %swap3A_354 = tpu.vector_load %arg11[%swap3A_352, %swap3A_353] {strides = array<i32>} : memref<80x128xf32, #tpu.memory_space<vmem>>, vector<16xf32>,
        tpu.vector_store %arg11[%swap3A_352, %swap3A_353], %mul3A_349 {strides = array<i32>} : memref<80x128xf32, #tpu.memory_space<vmem>>, vector<16xf32>,
        %add3A_355 = arith.constant 1 : i32
        %add3A_356 = arith.addi %mul3A_185, %add3A_355 : i32
        %get3A_357 = arith.index_cast %add3A_356 : i32 to index
        %get3A_358 = arith.constant 96 : index
        %get3A_359 = tpu.vector_load %arg11[%get3A_357, %get3A_358] {strides = array<i32>} : memref<80x128xf32, #tpu.memory_space<vmem>>, vector<16xf32>,
        %mul3A_360 = arith.mulf %get3A_359, %gather3A_288 : vector<16xf32>
        %add3A_361 = arith.constant 1 : i32
        %add3A_362 = arith.addi %mul3A_185, %add3A_361 : i32
        %swap3A_363 = arith.index_cast %add3A_362 : i32 to index
        %swap3A_364 = arith.constant 96 : index
        %swap3A_365 = tpu.vector_load %arg11[%swap3A_363, %swap3A_364] {strides = array<i32>} : memref<80x128xf32, #tpu.memory_space<vmem>>, vector<16xf32>,
        tpu.vector_store %arg11[%swap3A_363, %swap3A_364], %mul3A_360 {strides = array<i32>} : memref<80x128xf32, #tpu.memory_space<vmem>>, vector<16xf32>,
        %add3A_366 = arith.constant 1 : i32
        %add3A_367 = arith.addi %mul3A_185, %add3A_366 : i32
        %get3A_368 = arith.index_cast %add3A_367 : i32 to index
        %get3A_369 = arith.constant 112 : index
        %get3A_370 = tpu.vector_load %arg11[%get3A_368, %get3A_369] {strides = array<i32>} : memref<80x128xf32, #tpu.memory_space<vmem>>, vector<16xf32>,
        %mul3A_371 = arith.mulf %get3A_370, %gather3A_288 : vector<16xf32>
        %add3A_372 = arith.constant 1 : i32
        %add3A_373 = arith.addi %mul3A_185, %add3A_372 : i32
        %swap3A_374 = arith.index_cast %add3A_373 : i32 to index
        %swap3A_375 = arith.constant 112 : index
        %swap3A_376 = tpu.vector_load %arg11[%swap3A_374, %swap3A_375] {strides = array<i32>} : memref<80x128xf32, #tpu.memory_space<vmem>>, vector<16xf32>,
        tpu.vector_store %arg11[%swap3A_374, %swap3A_375], %mul3A_371 {strides = array<i32>} : memref<80x128xf32, #tpu.memory_space<vmem>>, vector<16xf32>,
        %broadcast_in_dim3A_377 = arith.constant 0 : i32
        %broadcast_in_dim3A_378 = vector.broadcast %broadcast_in_dim3A_377 : i32 to vector<16xi32>
        %add3A_379 = arith.constant 1920 : i32
        %add3A_380 = arith.addi %add3A_379, %mul3A_185 : i32
        %add3A_381 = arith.constant 2 : i32
        %add3A_382 = arith.addi %add3A_380, %add3A_381 : i32
        %add3A_383 = vector.broadcast %add3A_382 : i32 to vector<16xi32>
        %add3A_384 = arith.addi %broadcast_in_dim3A_378, %add3A_383 : vector<16xi32>
        %gather3A_385 = tpu.vector_load_idx %arg9[%add3A_384] : memref<2000xf32, #tpu.memory_space<vmem>>[vector<16xi32>], vector<16xf32>,
        %add3A_386 = arith.constant 2 : i32
        %add3A_387 = arith.addi %mul3A_185, %add3A_386 : i32
        %get3A_388 = arith.index_cast %add3A_387 : i32 to index
        %get3A_389 = arith.constant 0 : index
        %get3A_390 = tpu.vector_load %arg11[%get3A_388, %get3A_389] {strides = array<i32>} : memref<80x128xf32, #tpu.memory_space<vmem>>, vector<16xf32>,
        %mul3A_391 = arith.mulf %get3A_390, %gather3A_385 : vector<16xf32>
        %add3A_392 = arith.constant 2 : i32
        %add3A_393 = arith.addi %mul3A_185, %add3A_392 : i32
        %swap3A_394 = arith.index_cast %add3A_393 : i32 to index
        %swap3A_395 = arith.constant 0 : index
        %swap3A_396 = tpu.vector_load %arg11[%swap3A_394, %swap3A_395] {strides = array<i32>} : memref<80x128xf32, #tpu.memory_space<vmem>>, vector<16xf32>,
        tpu.vector_store %arg11[%swap3A_394, %swap3A_395], %mul3A_391 {strides = array<i32>} : memref<80x128xf32, #tpu.memory_space<vmem>>, vector<16xf32>,
        %add3A_397 = arith.constant 2 : i32
        %add3A_398 = arith.addi %mul3A_185, %add3A_397 : i32
        %get3A_399 = arith.index_cast %add3A_398 : i32 to index
        %get3A_400 = arith.constant 16 : index
        %get3A_401 = tpu.vector_load %arg11[%get3A_399, %get3A_400] {strides = array<i32>} : memref<80x128xf32, #tpu.memory_space<vmem>>, vector<16xf32>,
        %mul3A_402 = arith.mulf %get3A_401, %gather3A_385 : vector<16xf32>
        %add3A_403 = arith.constant 2 : i32
        %add3A_404 = arith.addi %mul3A_185, %add3A_403 : i32
        %swap3A_405 = arith.index_cast %add3A_404 : i32 to index
        %swap3A_406 = arith.constant 16 : index
        %swap3A_407 = tpu.vector_load %arg11[%swap3A_405, %swap3A_406] {strides = array<i32>} : memref<80x128xf32, #tpu.memory_space<vmem>>, vector<16xf32>,
        tpu.vector_store %arg11[%swap3A_405, %swap3A_406], %mul3A_402 {strides = array<i32>} : memref<80x128xf32, #tpu.memory_space<vmem>>, vector<16xf32>,
        %add3A_408 = arith.constant 2 : i32
        %add3A_409 = arith.addi %mul3A_185, %add3A_408 : i32
        %get3A_410 = arith.index_cast %add3A_409 : i32 to index
        %get3A_411 = arith.constant 32 : index
        %get3A_412 = tpu.vector_load %arg11[%get3A_410, %get3A_411] {strides = array<i32>} : memref<80x128xf32, #tpu.memory_space<vmem>>, vector<16xf32>,
        %mul3A_413 = arith.mulf %get3A_412, %gather3A_385 : vector<16xf32>
        %add3A_414 = arith.constant 2 : i32
        %add3A_415 = arith.addi %mul3A_185, %add3A_414 : i32
        %swap3A_416 = arith.index_cast %add3A_415 : i32 to index
        %swap3A_417 = arith.constant 32 : index
        %swap3A_418 = tpu.vector_load %arg11[%swap3A_416, %swap3A_417] {strides = array<i32>} : memref<80x128xf32, #tpu.memory_space<vmem>>, vector<16xf32>,
        tpu.vector_store %arg11[%swap3A_416, %swap3A_417], %mul3A_413 {strides = array<i32>} : memref<80x128xf32, #tpu.memory_space<vmem>>, vector<16xf32>,
        %add3A_419 = arith.constant 2 : i32
        %add3A_420 = arith.addi %mul3A_185, %add3A_419 : i32
        %get3A_421 = arith.index_cast %add3A_420 : i32 to index
        %get3A_422 = arith.constant 48 : index
        %get3A_423 = tpu.vector_load %arg11[%get3A_421, %get3A_422] {strides = array<i32>} : memref<80x128xf32, #tpu.memory_space<vmem>>, vector<16xf32>,
        %mul3A_424 = arith.mulf %get3A_423, %gather3A_385 : vector<16xf32>
        %add3A_425 = arith.constant 2 : i32
        %add3A_426 = arith.addi %mul3A_185, %add3A_425 : i32
        %swap3A_427 = arith.index_cast %add3A_426 : i32 to index
        %swap3A_428 = arith.constant 48 : index
        %swap3A_429 = tpu.vector_load %arg11[%swap3A_427, %swap3A_428] {strides = array<i32>} : memref<80x128xf32, #tpu.memory_space<vmem>>, vector<16xf32>,
        tpu.vector_store %arg11[%swap3A_427, %swap3A_428], %mul3A_424 {strides = array<i32>} : memref<80x128xf32, #tpu.memory_space<vmem>>, vector<16xf32>,
        %add3A_430 = arith.constant 2 : i32
        %add3A_431 = arith.addi %mul3A_185, %add3A_430 : i32
        %get3A_432 = arith.index_cast %add3A_431 : i32 to index
        %get3A_433 = arith.constant 64 : index
        %get3A_434 = tpu.vector_load %arg11[%get3A_432, %get3A_433] {strides = array<i32>} : memref<80x128xf32, #tpu.memory_space<vmem>>, vector<16xf32>,
        %mul3A_435 = arith.mulf %get3A_434, %gather3A_385 : vector<16xf32>
        %add3A_436 = arith.constant 2 : i32
        %add3A_437 = arith.addi %mul3A_185, %add3A_436 : i32
        %swap3A_438 = arith.index_cast %add3A_437 : i32 to index
        %swap3A_439 = arith.constant 64 : index
        %swap3A_440 = tpu.vector_load %arg11[%swap3A_438, %swap3A_439] {strides = array<i32>} : memref<80x128xf32, #tpu.memory_space<vmem>>, vector<16xf32>,
        tpu.vector_store %arg11[%swap3A_438, %swap3A_439], %mul3A_435 {strides = array<i32>} : memref<80x128xf32, #tpu.memory_space<vmem>>, vector<16xf32>,
        %add3A_441 = arith.constant 2 : i32
        %add3A_442 = arith.addi %mul3A_185, %add3A_441 : i32
        %get3A_443 = arith.index_cast %add3A_442 : i32 to index
        %get3A_444 = arith.constant 80 : index
        %get3A_445 = tpu.vector_load %arg11[%get3A_443, %get3A_444] {strides = array<i32>} : memref<80x128xf32, #tpu.memory_space<vmem>>, vector<16xf32>,
        %mul3A_446 = arith.mulf %get3A_445, %gather3A_385 : vector<16xf32>
        %add3A_447 = arith.constant 2 : i32
        %add3A_448 = arith.addi %mul3A_185, %add3A_447 : i32
        %swap3A_449 = arith.index_cast %add3A_448 : i32 to index
        %swap3A_450 = arith.constant 80 : index
        %swap3A_451 = tpu.vector_load %arg11[%swap3A_449, %swap3A_450] {strides = array<i32>} : memref<80x128xf32, #tpu.memory_space<vmem>>, vector<16xf32>,
        tpu.vector_store %arg11[%swap3A_449, %swap3A_450], %mul3A_446 {strides = array<i32>} : memref<80x128xf32, #tpu.memory_space<vmem>>, vector<16xf32>,
        %add3A_452 = arith.constant 2 : i32
        %add3A_453 = arith.addi %mul3A_185, %add3A_452 : i32
        %get3A_454 = arith.index_cast %add3A_453 : i32 to index
        %get3A_455 = arith.constant 96 : index
        %get3A_456 = tpu.vector_load %arg11[%get3A_454, %get3A_455] {strides = array<i32>} : memref<80x128xf32, #tpu.memory_space<vmem>>, vector<16xf32>,
        %mul3A_457 = arith.mulf %get3A_456, %gather3A_385 : vector<16xf32>
        %add3A_458 = arith.constant 2 : i32
        %add3A_459 = arith.addi %mul3A_185, %add3A_458 : i32
        %swap3A_460 = arith.index_cast %add3A_459 : i32 to index
        %swap3A_461 = arith.constant 96 : index
        %swap3A_462 = tpu.vector_load %arg11[%swap3A_460, %swap3A_461] {strides = array<i32>} : memref<80x128xf32, #tpu.memory_space<vmem>>, vector<16xf32>,
        tpu.vector_store %arg11[%swap3A_460, %swap3A_461], %mul3A_457 {strides = array<i32>} : memref<80x128xf32, #tpu.memory_space<vmem>>, vector<16xf32>,
        %add3A_463 = arith.constant 2 : i32
        %add3A_464 = arith.addi %mul3A_185, %add3A_463 : i32
        %get3A_465 = arith.index_cast %add3A_464 : i32 to index
        %get3A_466 = arith.constant 112 : index
        %get3A_467 = tpu.vector_load %arg11[%get3A_465, %get3A_466] {strides = array<i32>} : memref<80x128xf32, #tpu.memory_space<vmem>>, vector<16xf32>,
        %mul3A_468 = arith.mulf %get3A_467, %gather3A_385 : vector<16xf32>
        %add3A_469 = arith.constant 2 : i32
        %add3A_470 = arith.addi %mul3A_185, %add3A_469 : i32
        %swap3A_471 = arith.index_cast %add3A_470 : i32 to index
        %swap3A_472 = arith.constant 112 : index
        %swap3A_473 = tpu.vector_load %arg11[%swap3A_471, %swap3A_472] {strides = array<i32>} : memref<80x128xf32, #tpu.memory_space<vmem>>, vector<16xf32>,
        tpu.vector_store %arg11[%swap3A_471, %swap3A_472], %mul3A_468 {strides = array<i32>} : memref<80x128xf32, #tpu.memory_space<vmem>>, vector<16xf32>,
        %broadcast_in_dim3A_474 = arith.constant 0 : i32
        %broadcast_in_dim3A_475 = vector.broadcast %broadcast_in_dim3A_474 : i32 to vector<16xi32>
        %add3A_476 = arith.constant 1920 : i32
        %add3A_477 = arith.addi %add3A_476, %mul3A_185 : i32
        %add3A_478 = arith.constant 3 : i32
        %add3A_479 = arith.addi %add3A_477, %add3A_478 : i32
        %add3A_480 = vector.broadcast %add3A_479 : i32 to vector<16xi32>
        %add3A_481 = arith.addi %broadcast_in_dim3A_475, %add3A_480 : vector<16xi32>
        %gather3A_482 = tpu.vector_load_idx %arg9[%add3A_481] : memref<2000xf32, #tpu.memory_space<vmem>>[vector<16xi32>], vector<16xf32>,
        %add3A_483 = arith.constant 3 : i32
        %add3A_484 = arith.addi %mul3A_185, %add3A_483 : i32
        %get3A_485 = arith.index_cast %add3A_484 : i32 to index
        %get3A_486 = arith.constant 0 : index
        %get3A_487 = tpu.vector_load %arg11[%get3A_485, %get3A_486] {strides = array<i32>} : memref<80x128xf32, #tpu.memory_space<vmem>>, vector<16xf32>,
        %mul3A_488 = arith.mulf %get3A_487, %gather3A_482 : vector<16xf32>
        %add3A_489 = arith.constant 3 : i32
        %add3A_490 = arith.addi %mul3A_185, %add3A_489 : i32
        %swap3A_491 = arith.index_cast %add3A_490 : i32 to index
        %swap3A_492 = arith.constant 0 : index
        %swap3A_493 = tpu.vector_load %arg11[%swap3A_491, %swap3A_492] {strides = array<i32>} : memref<80x128xf32, #tpu.memory_space<vmem>>, vector<16xf32>,
        tpu.vector_store %arg11[%swap3A_491, %swap3A_492], %mul3A_488 {strides = array<i32>} : memref<80x128xf32, #tpu.memory_space<vmem>>, vector<16xf32>,
        %add3A_494 = arith.constant 3 : i32
        %add3A_495 = arith.addi %mul3A_185, %add3A_494 : i32
        %get3A_496 = arith.index_cast %add3A_495 : i32 to index
        %get3A_497 = arith.constant 16 : index
        %get3A_498 = tpu.vector_load %arg11[%get3A_496, %get3A_497] {strides = array<i32>} : memref<80x128xf32, #tpu.memory_space<vmem>>, vector<16xf32>,
        %mul3A_499 = arith.mulf %get3A_498, %gather3A_482 : vector<16xf32>
        %add3A_500 = arith.constant 3 : i32
        %add3A_501 = arith.addi %mul3A_185, %add3A_500 : i32
        %swap3A_502 = arith.index_cast %add3A_501 : i32 to index
        %swap3A_503 = arith.constant 16 : index
        %swap3A_504 = tpu.vector_load %arg11[%swap3A_502, %swap3A_503] {strides = array<i32>} : memref<80x128xf32, #tpu.memory_space<vmem>>, vector<16xf32>,
        tpu.vector_store %arg11[%swap3A_502, %swap3A_503], %mul3A_499 {strides = array<i32>} : memref<80x128xf32, #tpu.memory_space<vmem>>, vector<16xf32>,
        %add3A_505 = arith.constant 3 : i32
        %add3A_506 = arith.addi %mul3A_185, %add3A_505 : i32
        %get3A_507 = arith.index_cast %add3A_506 : i32 to index
        %get3A_508 = arith.constant 32 : index
        %get3A_509 = tpu.vector_load %arg11[%get3A_507, %get3A_508] {strides = array<i32>} : memref<80x128xf32, #tpu.memory_space<vmem>>, vector<16xf32>,
        %mul3A_510 = arith.mulf %get3A_509, %gather3A_482 : vector<16xf32>
        %add3A_511 = arith.constant 3 : i32
        %add3A_512 = arith.addi %mul3A_185, %add3A_511 : i32
        %swap3A_513 = arith.index_cast %add3A_512 : i32 to index
        %swap3A_514 = arith.constant 32 : index
        %swap3A_515 = tpu.vector_load %arg11[%swap3A_513, %swap3A_514] {strides = array<i32>} : memref<80x128xf32, #tpu.memory_space<vmem>>, vector<16xf32>,
        tpu.vector_store %arg11[%swap3A_513, %swap3A_514], %mul3A_510 {strides = array<i32>} : memref<80x128xf32, #tpu.memory_space<vmem>>, vector<16xf32>,
        %add3A_516 = arith.constant 3 : i32
        %add3A_517 = arith.addi %mul3A_185, %add3A_516 : i32
        %get3A_518 = arith.index_cast %add3A_517 : i32 to index
        %get3A_519 = arith.constant 48 : index
        %get3A_520 = tpu.vector_load %arg11[%get3A_518, %get3A_519] {strides = array<i32>} : memref<80x128xf32, #tpu.memory_space<vmem>>, vector<16xf32>,
        %mul3A_521 = arith.mulf %get3A_520, %gather3A_482 : vector<16xf32>
        %add3A_522 = arith.constant 3 : i32
        %add3A_523 = arith.addi %mul3A_185, %add3A_522 : i32
        %swap3A_524 = arith.index_cast %add3A_523 : i32 to index
        %swap3A_525 = arith.constant 48 : index
        %swap3A_526 = tpu.vector_load %arg11[%swap3A_524, %swap3A_525] {strides = array<i32>} : memref<80x128xf32, #tpu.memory_space<vmem>>, vector<16xf32>,
        tpu.vector_store %arg11[%swap3A_524, %swap3A_525], %mul3A_521 {strides = array<i32>} : memref<80x128xf32, #tpu.memory_space<vmem>>, vector<16xf32>,
        %add3A_527 = arith.constant 3 : i32
        %add3A_528 = arith.addi %mul3A_185, %add3A_527 : i32
        %get3A_529 = arith.index_cast %add3A_528 : i32 to index
        %get3A_530 = arith.constant 64 : index
        %get3A_531 = tpu.vector_load %arg11[%get3A_529, %get3A_530] {strides = array<i32>} : memref<80x128xf32, #tpu.memory_space<vmem>>, vector<16xf32>,
        %mul3A_532 = arith.mulf %get3A_531, %gather3A_482 : vector<16xf32>
        %add3A_533 = arith.constant 3 : i32
        %add3A_534 = arith.addi %mul3A_185, %add3A_533 : i32
        %swap3A_535 = arith.index_cast %add3A_534 : i32 to index
        %swap3A_536 = arith.constant 64 : index
        %swap3A_537 = tpu.vector_load %arg11[%swap3A_535, %swap3A_536] {strides = array<i32>} : memref<80x128xf32, #tpu.memory_space<vmem>>, vector<16xf32>,
        tpu.vector_store %arg11[%swap3A_535, %swap3A_536], %mul3A_532 {strides = array<i32>} : memref<80x128xf32, #tpu.memory_space<vmem>>, vector<16xf32>,
        %add3A_538 = arith.constant 3 : i32
        %add3A_539 = arith.addi %mul3A_185, %add3A_538 : i32
        %get3A_540 = arith.index_cast %add3A_539 : i32 to index
        %get3A_541 = arith.constant 80 : index
        %get3A_542 = tpu.vector_load %arg11[%get3A_540, %get3A_541] {strides = array<i32>} : memref<80x128xf32, #tpu.memory_space<vmem>>, vector<16xf32>,
        %mul3A_543 = arith.mulf %get3A_542, %gather3A_482 : vector<16xf32>
        %add3A_544 = arith.constant 3 : i32
        %add3A_545 = arith.addi %mul3A_185, %add3A_544 : i32
        %swap3A_546 = arith.index_cast %add3A_545 : i32 to index
        %swap3A_547 = arith.constant 80 : index
        %swap3A_548 = tpu.vector_load %arg11[%swap3A_546, %swap3A_547] {strides = array<i32>} : memref<80x128xf32, #tpu.memory_space<vmem>>, vector<16xf32>,
        tpu.vector_store %arg11[%swap3A_546, %swap3A_547], %mul3A_543 {strides = array<i32>} : memref<80x128xf32, #tpu.memory_space<vmem>>, vector<16xf32>,
        %add3A_549 = arith.constant 3 : i32
        %add3A_550 = arith.addi %mul3A_185, %add3A_549 : i32
        %get3A_551 = arith.index_cast %add3A_550 : i32 to index
        %get3A_552 = arith.constant 96 : index
        %get3A_553 = tpu.vector_load %arg11[%get3A_551, %get3A_552] {strides = array<i32>} : memref<80x128xf32, #tpu.memory_space<vmem>>, vector<16xf32>,
        %mul3A_554 = arith.mulf %get3A_553, %gather3A_482 : vector<16xf32>
        %add3A_555 = arith.constant 3 : i32
        %add3A_556 = arith.addi %mul3A_185, %add3A_555 : i32
        %swap3A_557 = arith.index_cast %add3A_556 : i32 to index
        %swap3A_558 = arith.constant 96 : index
        %swap3A_559 = tpu.vector_load %arg11[%swap3A_557, %swap3A_558] {strides = array<i32>} : memref<80x128xf32, #tpu.memory_space<vmem>>, vector<16xf32>,
        tpu.vector_store %arg11[%swap3A_557, %swap3A_558], %mul3A_554 {strides = array<i32>} : memref<80x128xf32, #tpu.memory_space<vmem>>, vector<16xf32>,
        %add3A_560 = arith.constant 3 : i32
        %add3A_561 = arith.addi %mul3A_185, %add3A_560 : i32
        %get3A_562 = arith.index_cast %add3A_561 : i32 to index
        %get3A_563 = arith.constant 112 : index
        %get3A_564 = tpu.vector_load %arg11[%get3A_562, %get3A_563] {strides = array<i32>} : memref<80x128xf32, #tpu.memory_space<vmem>>, vector<16xf32>,
        %mul3A_565 = arith.mulf %get3A_564, %gather3A_482 : vector<16xf32>
        %add3A_566 = arith.constant 3 : i32
        %add3A_567 = arith.addi %mul3A_185, %add3A_566 : i32
        %swap3A_568 = arith.index_cast %add3A_567 : i32 to index
        %swap3A_569 = arith.constant 112 : index
        %swap3A_570 = tpu.vector_load %arg11[%swap3A_568, %swap3A_569] {strides = array<i32>} : memref<80x128xf32, #tpu.memory_space<vmem>>, vector<16xf32>,
        tpu.vector_store %arg11[%swap3A_568, %swap3A_569], %mul3A_565 {strides = array<i32>} : memref<80x128xf32, #tpu.memory_space<vmem>>, vector<16xf32>,
      }
      %scan3A_168 = arith.constant 20 : i32
      %dma_start3A_169 = arith.constant 24 : i32
      %dma_start3A_170 = arith.constant 0 : i32
      %dma_start3A_171 = tpu.memref_slice %arg8[%dma_start3A_169, %dma_start3A_170] : memref<25x80xi32, #tpu.memory_space<vmem>> -> memref<1x80xi32, #tpu.memory_space<vmem>>
      %dma_start3A_172 = tpu.memref_squeeze %dma_start3A_171 : memref<1x80xi32, #tpu.memory_space<vmem>> -> memref<80xi32, #tpu.memory_space<vmem>>
      %dma_start3A_173 = arith.constant 0 : i32
      %dma_start3A_174 = arith.constant 0 : i32
      %dma_start3A_175 = tpu.memref_slice %arg13[%dma_start3A_173, %dma_start3A_174] : memref<10240x128xf32, #tpu.memory_space<vmem_shared>> -> memref<10240x128xf32, #tpu.memory_space<vmem_shared>>
      tpu.enqueue_indirect_dma source(%arg11 : memref<80x128xf32, #tpu.memory_space<vmem>>) target(%dma_start3A_175 : memref<10240x128xf32, #tpu.memory_space<vmem_shared>>) offsets(%dma_start3A_172 : memref<80xi32, #tpu.memory_space<vmem>>) semaphore(%arg17 : memref<!tpu.dma_semaphore, #tpu.memory_space<semaphore_mem>>) {add = true}
      %dma_wait3A_176 = arith.constant 24 : i32
      %dma_wait3A_177 = arith.constant 0 : i32
      %dma_wait3A_178 = tpu.memref_slice %arg8[%dma_wait3A_176, %dma_wait3A_177] : memref<25x80xi32, #tpu.memory_space<vmem>> -> memref<1x80xi32, #tpu.memory_space<vmem>>
      %dma_wait3A_179 = tpu.memref_squeeze %dma_wait3A_178 : memref<1x80xi32, #tpu.memory_space<vmem>> -> memref<80xi32, #tpu.memory_space<vmem>>
      %dma_wait3A_180 = arith.constant 0 : i32
      %dma_wait3A_181 = arith.constant 0 : i32
      %dma_wait3A_182 = tpu.memref_slice %arg13[%dma_wait3A_180, %dma_wait3A_181] : memref<10240x128xf32, #tpu.memory_space<vmem_shared>> -> memref<10240x128xf32, #tpu.memory_space<vmem_shared>>
      tpu.wait_indirect_dma semaphore(%arg17 : memref<!tpu.dma_semaphore, #tpu.memory_space<semaphore_mem>>) src(%arg11 : memref<80x128xf32, #tpu.memory_space<vmem>>) dst(%dma_wait3A_182 : memref<10240x128xf32, #tpu.memory_space<vmem_shared>>)
    }
    %scan3A_59 = arith.constant 5 : i32
    %barrier3A_60 = arith.constant 0 : index
    tpu.barrier barrier_id(%barrier3A_60)
    %mul3A_61 = arith.constant 640 : i32
    %mul3A_62 = arith.muli %arg1, %mul3A_61 : i32
    %mul3A_63 = arith.constant 640 : i32
    %mul3A_64 = arith.muli %arg1, %mul3A_63 : i32
    "tpu.region"() ({
      %run_scoped3A_65 = tpu.sem_alloc : memref<!tpu.dma_semaphore, #tpu.memory_space<semaphore_mem>>
      %dma_start3A = arith.constant 0 : i32
      %dma_start3A_66 = tpu.memref_slice %arg6[%arg0, %mul3A_64, %dma_start3A] : memref<2x10240x128xf32, #tpu.memory_space<hbm>> -> memref<1x640x128xf32, #tpu.memory_space<hbm>>
      %dma_start3A_67 = tpu.memref_squeeze %dma_start3A_66 : memref<1x640x128xf32, #tpu.memory_space<hbm>> -> memref<640x128xf32, #tpu.memory_space<hbm>>
      %dma_start3A_68 = arith.constant 0 : i32
      %dma_start3A_69 = tpu.memref_slice %arg13[%mul3A_62, %dma_start3A_68] : memref<10240x128xf32, #tpu.memory_space<vmem_shared>> -> memref<640x128xf32, #tpu.memory_space<vmem_shared>>
      tpu.enqueue_dma source(%dma_start3A_69 : memref<640x128xf32, #tpu.memory_space<vmem_shared>>) target(%dma_start3A_67 : memref<640x128xf32, #tpu.memory_space<hbm>>) target_semaphore(%run_scoped3A_65 : memref<!tpu.dma_semaphore, #tpu.memory_space<semaphore_mem>>)
      %dma_wait3A = arith.constant 0 : i32
      %dma_wait3A_70 = tpu.memref_slice %arg6[%arg0, %mul3A_64, %dma_wait3A] : memref<2x10240x128xf32, #tpu.memory_space<hbm>> -> memref<1x640x128xf32, #tpu.memory_space<hbm>>
      %dma_wait3A_71 = tpu.memref_squeeze %dma_wait3A_70 : memref<1x640x128xf32, #tpu.memory_space<hbm>> -> memref<640x128xf32, #tpu.memory_space<hbm>>
      %dma_wait3A_72 = arith.constant 0 : i32
      %dma_wait3A_73 = tpu.memref_slice %arg13[%mul3A_62, %dma_wait3A_72] : memref<10240x128xf32, #tpu.memory_space<vmem_shared>> -> memref<640x128xf32, #tpu.memory_space<vmem_shared>>
      tpu.wait_dma2 semaphore(%run_scoped3A_65 : memref<!tpu.dma_semaphore, #tpu.memory_space<semaphore_mem>>) src(%dma_wait3A_73 : memref<640x128xf32, #tpu.memory_space<vmem_shared>>) dst(%dma_wait3A_71 : memref<640x128xf32, #tpu.memory_space<hbm>>)
      tpu.yield
    }) : () -> ()
    return
  }
}

module attributes {stable_mosaic.version = 14 : i64} {
  func.func @_k2_body(%arg0: i32, %arg1: memref<1000x128xf32, #tpu.memory_space<vmem>>, %arg2: memref<1x1xf32, #tpu.memory_space<smem>>, %arg3: memref<1x1xf32, #tpu.memory_space<smem>>, %arg4: memref<1x1xf32, #tpu.memory_space<smem>>, %arg5: memref<1000x128xf32, #tpu.memory_space<vmem>>) attributes {dimension_semantics = [#tpu.dimension_semantics<arbitrary>], iteration_bounds = array<i64: 10>, scalar_prefetch = 0 : i64, scratch_operands = 0 : i64, tpu.core_type = #tpu.core_type<tc>, window_params = [{transform_indices = @transform_0, window_bounds = array<i64: 1000, 128>}, {transform_indices = @transform_1, window_bounds = array<i64: 1, 1>}, {transform_indices = @transform_2, window_bounds = array<i64: 1, 1>}, {transform_indices = @transform_3, window_bounds = array<i64: 1, 1>}, {transform_indices = @transform_4, window_bounds = array<i64: 1000, 128>}]} {
    %get3A = arith.constant 0 : index
    %get3A_0 = arith.constant 0 : index
    %get3A_1 = memref.load %arg4[%get3A, %get3A_0] : memref<1x1xf32, #tpu.memory_space<smem>>
    %get3A_2 = arith.constant 0 : index
    %get3A_3 = arith.constant 0 : index
    %get3A_4 = memref.load %arg3[%get3A_2, %get3A_3] : memref<1x1xf32, #tpu.memory_space<smem>>
    %neg3A = arith.constant 0.000000e+00 : f32
    %neg3A_5 = arith.subf %neg3A, %get3A_4 : f32
    %exp3A = math.exp %neg3A_5 : f32
    %add3A = arith.constant 1.000000e+00 : f32
    %add3A_6 = arith.addf %add3A, %exp3A : f32
    %div3A = arith.constant 1.000000e+00 : f32
    %div3A_7 = arith.divf %div3A, %add3A_6 : f32
    %add3A_8 = arith.addf %get3A_1, %div3A_7 : f32
    %get3A_9 = arith.constant 0 : index
    %get3A_10 = arith.constant 0 : index
    %get3A_11 = vector.load %arg1[%get3A_9, %get3A_10] : memref<1000x128xf32, #tpu.memory_space<vmem>>, vector<1000x128xf32>
    %get3A_12 = arith.constant 0 : index
    %get3A_13 = arith.constant 0 : index
    %get3A_14 = memref.load %arg2[%get3A_12, %get3A_13] : memref<1x1xf32, #tpu.memory_space<smem>>
    %sub3A = vector.broadcast %get3A_14 : f32 to vector<1000x128xf32>
    %sub3A_15 = arith.subf %get3A_11, %sub3A : vector<1000x128xf32>
    %add3A_16 = arith.constant 9.99999997E-7 : f32
    %add3A_17 = vector.broadcast %add3A_16 : f32 to vector<1000x128xf32>
    %add3A_18 = arith.addf %sub3A_15, %add3A_17 : vector<1000x128xf32>
    %log3A = math.log %add3A_18 : vector<1000x128xf32>
    %mul3A = vector.broadcast %add3A_8 : f32 to vector<1000x128xf32>
    %mul3A_19 = arith.mulf %mul3A, %log3A : vector<1000x128xf32>
    %exp3A_20 = math.exp %mul3A_19 : vector<1000x128xf32>
    %swap3A = arith.constant 0 : index
    %swap3A_21 = arith.constant 0 : index
    %swap3A_22 = vector.load %arg5[%swap3A, %swap3A_21] : memref<1000x128xf32, #tpu.memory_space<vmem>>, vector<1000x128xf32>
    tpu.vector_store %arg5[%swap3A, %swap3A_21], %exp3A_20 {strides = array<i32>} : memref<1000x128xf32, #tpu.memory_space<vmem>>, vector<1000x128xf32>,
    return
  }
  func.func @transform_0(%arg0: i32) -> (i32, i32) {
    %c0_i32 = arith.constant 0 : i32
    %c0_i32_0 = arith.constant 0 : i32
    return %arg0, %c0_i32 : i32, i32
  }
  func.func @transform_1(%arg0: i32) -> (i32, i32) {
    %c0_i32 = arith.constant 0 : i32
    %c0_i32_0 = arith.constant 0 : i32
    %c0_i32_1 = arith.constant 0 : i32
    return %c0_i32, %c0_i32_0 : i32, i32
  }
  func.func @transform_2(%arg0: i32) -> (i32, i32) {
    %c0_i32 = arith.constant 0 : i32
    %c0_i32_0 = arith.constant 0 : i32
    %c0_i32_1 = arith.constant 0 : i32
    return %c0_i32, %c0_i32_0 : i32, i32
  }
  func.func @transform_3(%arg0: i32) -> (i32, i32) {
    %c0_i32 = arith.constant 0 : i32
    %c0_i32_0 = arith.constant 0 : i32
    %c0_i32_1 = arith.constant 0 : i32
    return %c0_i32, %c0_i32_0 : i32, i32
  }
  func.func @transform_4(%arg0: i32) -> (i32, i32) {
    %c0_i32 = arith.constant 0 : i32
    %c0_i32_0 = arith.constant 0 : i32
    return %arg0, %c0_i32 : i32, i32
  }
}

module attributes {stable_mosaic.version = 14 : i64} {
  func.func @_k1_body(%arg0: i32, %arg1: memref<1024x128xf32, #tpu.memory_space<vmem>>, %arg2: memref<128x128xf32, #tpu.memory_space<vmem>>, %arg3: memref<1x128xf32, #tpu.memory_space<vmem>>, %arg4: memref<1x128xf32, #tpu.memory_space<vmem>>, %arg5: memref<1024x128xf32, #tpu.memory_space<vmem>>, %arg6: memref<8x128xf32, #tpu.memory_space<vmem>>, %arg7: memref<8x128xf32, #tpu.memory_space<vmem>>, %arg8: memref<1x1xf32, #tpu.memory_space<smem>>, %arg9: memref<1x1xf32, #tpu.memory_space<smem>>, %arg10: memref<1x1xf32, #tpu.memory_space<smem>>) attributes {dimension_semantics = [#tpu.dimension_semantics<arbitrary>], iteration_bounds = array<i64: 10>, scalar_prefetch = 0 : i64, scratch_operands = 0 : i64, tpu.core_type = #tpu.core_type<tc>, window_params = [{transform_indices = @transform_0, window_bounds = array<i64: 1024, 128>}, {pipeline_mode = #tpu.pipeline_mode<synchronous>, transform_indices = @transform_1, window_bounds = array<i64: 128, 128>}, {pipeline_mode = #tpu.pipeline_mode<synchronous>, transform_indices = @transform_2, window_bounds = array<i64: 1, 128>}, {pipeline_mode = #tpu.pipeline_mode<synchronous>, transform_indices = @transform_3, window_bounds = array<i64: 1, 128>}, {transform_indices = @transform_4, window_bounds = array<i64: 1024, 128>}, {transform_indices = @transform_5, window_bounds = array<i64: 8, 128>}, {transform_indices = @transform_6, window_bounds = array<i64: 8, 128>}, {transform_indices = @transform_7, window_bounds = array<i64: 1, 1>}, {transform_indices = @transform_8, window_bounds = array<i64: 1, 1>}, {transform_indices = @transform_9, window_bounds = array<i64: 1, 1>}]} {
    %get3A = arith.constant 0 : index
    %get3A_0 = arith.constant 0 : index
    %get3A_1 = vector.load %arg1[%get3A, %get3A_0] : memref<1024x128xf32, #tpu.memory_space<vmem>>, vector<1024x128xf32>
    %get3A_2 = arith.constant 0 : index
    %get3A_3 = arith.constant 0 : index
    %get3A_4 = vector.load %arg2[%get3A_2, %get3A_3] : memref<128x128xf32, #tpu.memory_space<vmem>>, vector<128x128xf32>
    %dot_general3A = arith.constant dense<0.000000e+00> : vector<1024x128xf32>
    %dot_general3A_5 = tpu.matmul %get3A_1, %get3A_4, %dot_general3A {dimension_numbers = #tpu.dot_dimension_numbers<[1], [0], [0], [1], [0, 0, 1, 1], [], []>, transpose_lhs_hint = false} : vector<1024x128xf32>, vector<128x128xf32>, vector<1024x128xf32> -> vector<1024x128xf32>
    %swap3A = arith.constant 0 : index
    %swap3A_6 = arith.constant 0 : index
    %swap3A_7 = vector.load %arg5[%swap3A, %swap3A_6] : memref<1024x128xf32, #tpu.memory_space<vmem>>, vector<1024x128xf32>
    tpu.vector_store %arg5[%swap3A, %swap3A_6], %dot_general3A_5 {strides = array<i32>} : memref<1024x128xf32, #tpu.memory_space<vmem>>, vector<1024x128xf32>,
    %get3A_8 = arith.constant 0 : index
    %get3A_9 = arith.constant 0 : index
    %get3A_10 = vector.load %arg3[%get3A_8, %get3A_9] : memref<1x128xf32, #tpu.memory_space<vmem>>, vector<1x128xf32>
    %mul3A = vector.broadcast %get3A_10 : vector<1x128xf32> to vector<1024x128xf32>
    %mul3A_11 = arith.mulf %dot_general3A_5, %mul3A : vector<1024x128xf32>
    %reduce_sum3A = arith.constant dense<0.000000e+00> : vector<1024xf32>
    %reduce_sum3A_12 = vector.multi_reduction <add>, %mul3A_11, %reduce_sum3A [1] : vector<1024x128xf32> to vector<1024xf32>
    %get3A_13 = arith.constant 0 : index
    %get3A_14 = arith.constant 0 : index
    %get3A_15 = vector.load %arg4[%get3A_13, %get3A_14] : memref<1x128xf32, #tpu.memory_space<vmem>>, vector<1x128xf32>
    %mul3A_16 = vector.broadcast %get3A_15 : vector<1x128xf32> to vector<1024x128xf32>
    %mul3A_17 = arith.mulf %dot_general3A_5, %mul3A_16 : vector<1024x128xf32>
    %reduce_sum3A_18 = arith.constant dense<0.000000e+00> : vector<1024xf32>
    %reduce_sum3A_19 = vector.multi_reduction <add>, %mul3A_17, %reduce_sum3A_18 [1] : vector<1024x128xf32> to vector<1024xf32>
    %reshape3A = vector.shape_cast %reduce_sum3A_12 : vector<1024xf32> to vector<8x128xf32>
    %swap3A_20 = arith.constant 0 : index
    %swap3A_21 = arith.constant 0 : index
    %swap3A_22 = vector.load %arg6[%swap3A_20, %swap3A_21] : memref<8x128xf32, #tpu.memory_space<vmem>>, vector<8x128xf32>
    tpu.vector_store %arg6[%swap3A_20, %swap3A_21], %reshape3A {strides = array<i32>} : memref<8x128xf32, #tpu.memory_space<vmem>>, vector<8x128xf32>,
    %reshape3A_23 = vector.shape_cast %reduce_sum3A_19 : vector<1024xf32> to vector<8x128xf32>
    %swap3A_24 = arith.constant 0 : index
    %swap3A_25 = arith.constant 0 : index
    %swap3A_26 = vector.load %arg7[%swap3A_24, %swap3A_25] : memref<8x128xf32, #tpu.memory_space<vmem>>, vector<8x128xf32>
    tpu.vector_store %arg7[%swap3A_24, %swap3A_25], %reshape3A_23 {strides = array<i32>} : memref<8x128xf32, #tpu.memory_space<vmem>>, vector<8x128xf32>,
    %mul3A_27 = arith.constant 1024 : i32
    %mul3A_28 = arith.muli %arg0, %mul3A_27 : i32
    %iota3A = tpu.iota {dimensions = array<i32: 0>} : vector<1024x1xi32>
    %add3A = vector.broadcast %mul3A_28 : i32 to vector<1024x1xi32>
    %add3A_29 = arith.addi %add3A, %iota3A : vector<1024x1xi32>
    %lt3A = arith.constant 10000 : i32
    %lt3A_30 = vector.broadcast %lt3A : i32 to vector<1024x1xi32>
    %lt3A_31 = arith.cmpi slt, %add3A_29, %lt3A_30 : vector<1024x1xi32>
    %jit3A = arith.constant 0x7F800000 : f32
    %broadcast_in_dim3A = vector.shape_cast %lt3A_31 : vector<1024x1xi1> to vector<1024x1xi1>
    %broadcast_in_dim3A_32 = vector.broadcast %broadcast_in_dim3A : vector<1024x1xi1> to vector<1024x128xi1>
    %broadcast_in_dim3A_33 = vector.broadcast %jit3A : f32 to vector<1024x128xf32>
    %select_n3A = arith.select %broadcast_in_dim3A_32, %dot_general3A_5, %broadcast_in_dim3A_33 : vector<1024x128xi1>, vector<1024x128xf32>
    %reduce_min3A = vector.shape_cast %select_n3A : vector<1024x128xf32> to vector<1x1024x128xf32>
    %reduce_min3A_34 = arith.constant dense<0x7F800000> : vector<1xf32>
    %reduce_min3A_35 = vector.multi_reduction <minimumf>, %reduce_min3A, %reduce_min3A_34 [1, 2] : vector<1x1024x128xf32> to vector<1xf32>
    %reduce_min3A_36 = vector.shape_cast %reduce_min3A_35 : vector<1xf32> to vector<1x1x1xf32>
    %reduce_min3A_37 = vector.extract %reduce_min3A_36[0, 0, 0] : f32 from vector<1x1x1xf32>
    %squeeze3A = vector.shape_cast %lt3A_31 : vector<1024x1xi1> to vector<1024xi1>
    %jit3A_38 = arith.constant 0xFF800000 : f32
    %broadcast_in_dim3A_39 = vector.broadcast %jit3A_38 : f32 to vector<1024xf32>
    %select_n3A_40 = arith.select %squeeze3A, %reduce_sum3A_12, %broadcast_in_dim3A_39 : vector<1024xi1>, vector<1024xf32>
    %reduce_max3A = vector.shape_cast %select_n3A_40 : vector<1024xf32> to vector<1x1024xf32>
    %reduce_max3A_41 = arith.constant dense<0xFF800000> : vector<1xf32>
    %reduce_max3A_42 = vector.multi_reduction <maximumf>, %reduce_max3A, %reduce_max3A_41 [1] : vector<1x1024xf32> to vector<1xf32>
    %reduce_max3A_43 = vector.shape_cast %reduce_max3A_42 : vector<1xf32> to vector<1x1xf32>
    %reduce_max3A_44 = vector.extract %reduce_max3A_43[0, 0] : f32 from vector<1x1xf32>
    %squeeze3A_45 = vector.shape_cast %lt3A_31 : vector<1024x1xi1> to vector<1024xi1>
    %jit3A_46 = arith.constant 0xFF800000 : f32
    %broadcast_in_dim3A_47 = vector.broadcast %jit3A_46 : f32 to vector<1024xf32>
    %select_n3A_48 = arith.select %squeeze3A_45, %reduce_sum3A_19, %broadcast_in_dim3A_47 : vector<1024xi1>, vector<1024xf32>
    %reduce_max3A_49 = vector.shape_cast %select_n3A_48 : vector<1024xf32> to vector<1x1024xf32>
    %reduce_max3A_50 = arith.constant dense<0xFF800000> : vector<1xf32>
    %reduce_max3A_51 = vector.multi_reduction <maximumf>, %reduce_max3A_49, %reduce_max3A_50 [1] : vector<1x1024xf32> to vector<1xf32>
    %reduce_max3A_52 = vector.shape_cast %reduce_max3A_51 : vector<1xf32> to vector<1x1xf32>
    %reduce_max3A_53 = vector.extract %reduce_max3A_52[0, 0] : f32 from vector<1x1xf32>
    %eq3A = arith.constant 0 : i32
    %eq3A_54 = arith.cmpi eq, %arg0, %eq3A : i32
    %convert_element_type3A = arith.extui %eq3A_54 : i1 to i32
    %cond3A = arith.constant 0 : i32
    %cond3A_55 = arith.cmpi ne, %convert_element_type3A, %cond3A : i32
    scf.if %cond3A_55 {
      %swap3A_60 = arith.constant 0 : index
      %swap3A_61 = arith.constant 0 : index
      %swap3A_62 = memref.load %arg8[%swap3A_60, %swap3A_61] : memref<1x1xf32, #tpu.memory_space<smem>>
      memref.store %reduce_min3A_37, %arg8[%swap3A_60, %swap3A_61] : memref<1x1xf32, #tpu.memory_space<smem>>
      %swap3A_63 = arith.constant 0 : index
      %swap3A_64 = arith.constant 0 : index
      %swap3A_65 = memref.load %arg9[%swap3A_63, %swap3A_64] : memref<1x1xf32, #tpu.memory_space<smem>>
      memref.store %reduce_max3A_44, %arg9[%swap3A_63, %swap3A_64] : memref<1x1xf32, #tpu.memory_space<smem>>
      %swap3A_66 = arith.constant 0 : index
      %swap3A_67 = arith.constant 0 : index
      %swap3A_68 = memref.load %arg10[%swap3A_66, %swap3A_67] : memref<1x1xf32, #tpu.memory_space<smem>>
      memref.store %reduce_max3A_53, %arg10[%swap3A_66, %swap3A_67] : memref<1x1xf32, #tpu.memory_space<smem>>
    } else {
    }
    %gt3A = arith.constant 0 : i32
    %gt3A_56 = arith.cmpi sgt, %arg0, %gt3A : i32
    %convert_element_type3A_57 = arith.extui %gt3A_56 : i1 to i32
    %cond3A_58 = arith.constant 0 : i32
    %cond3A_59 = arith.cmpi ne, %convert_element_type3A_57, %cond3A_58 : i32
    scf.if %cond3A_59 {
      %get3A_60 = arith.constant 0 : index
      %get3A_61 = arith.constant 0 : index
      %get3A_62 = memref.load %arg8[%get3A_60, %get3A_61] : memref<1x1xf32, #tpu.memory_space<smem>>
      %min3A = arith.minimumf %get3A_62, %reduce_min3A_37 : f32
      %swap3A_63 = arith.constant 0 : index
      %swap3A_64 = arith.constant 0 : index
      %swap3A_65 = memref.load %arg8[%swap3A_63, %swap3A_64] : memref<1x1xf32, #tpu.memory_space<smem>>
      memref.store %min3A, %arg8[%swap3A_63, %swap3A_64] : memref<1x1xf32, #tpu.memory_space<smem>>
      %get3A_66 = arith.constant 0 : index
      %get3A_67 = arith.constant 0 : index
      %get3A_68 = memref.load %arg9[%get3A_66, %get3A_67] : memref<1x1xf32, #tpu.memory_space<smem>>
      %max3A = arith.maximumf %get3A_68, %reduce_max3A_44 : f32
      %swap3A_69 = arith.constant 0 : index
      %swap3A_70 = arith.constant 0 : index
      %swap3A_71 = memref.load %arg9[%swap3A_69, %swap3A_70] : memref<1x1xf32, #tpu.memory_space<smem>>
      memref.store %max3A, %arg9[%swap3A_69, %swap3A_70] : memref<1x1xf32, #tpu.memory_space<smem>>
      %get3A_72 = arith.constant 0 : index
      %get3A_73 = arith.constant 0 : index
      %get3A_74 = memref.load %arg10[%get3A_72, %get3A_73] : memref<1x1xf32, #tpu.memory_space<smem>>
      %max3A_75 = arith.maximumf %get3A_74, %reduce_max3A_53 : f32
      %swap3A_76 = arith.constant 0 : index
      %swap3A_77 = arith.constant 0 : index
      %swap3A_78 = memref.load %arg10[%swap3A_76, %swap3A_77] : memref<1x1xf32, #tpu.memory_space<smem>>
      memref.store %max3A_75, %arg10[%swap3A_76, %swap3A_77] : memref<1x1xf32, #tpu.memory_space<smem>>
    } else {
    }
    return
  }
  func.func @transform_0(%arg0: i32) -> (i32, i32) {
    %c0_i32 = arith.constant 0 : i32
    %c0_i32_0 = arith.constant 0 : i32
    return %arg0, %c0_i32 : i32, i32
  }
  func.func @transform_1(%arg0: i32) -> (i32, i32) {
    %c0_i32 = arith.constant 0 : i32
    %c0_i32_0 = arith.constant 0 : i32
    %c0_i32_1 = arith.constant 0 : i32
    return %c0_i32, %c0_i32_0 : i32, i32
  }
  func.func @transform_2(%arg0: i32) -> (i32, i32) {
    %c0_i32 = arith.constant 0 : i32
    %c0_i32_0 = arith.constant 0 : i32
    %c0_i32_1 = arith.constant 0 : i32
    return %c0_i32, %c0_i32_0 : i32, i32
  }
  func.func @transform_3(%arg0: i32) -> (i32, i32) {
    %c0_i32 = arith.constant 0 : i32
    %c0_i32_0 = arith.constant 0 : i32
    %c0_i32_1 = arith.constant 0 : i32
    return %c0_i32, %c0_i32_0 : i32, i32
  }
  func.func @transform_4(%arg0: i32) -> (i32, i32) {
    %c0_i32 = arith.constant 0 : i32
    %c0_i32_0 = arith.constant 0 : i32
    return %arg0, %c0_i32 : i32, i32
  }
  func.func @transform_5(%arg0: i32) -> (i32, i32) {
    %c0_i32 = arith.constant 0 : i32
    %c0_i32_0 = arith.constant 0 : i32
    return %arg0, %c0_i32 : i32, i32
  }
  func.func @transform_6(%arg0: i32) -> (i32, i32) {
    %c0_i32 = arith.constant 0 : i32
    %c0_i32_0 = arith.constant 0 : i32
    return %arg0, %c0_i32 : i32, i32
  }
  func.func @transform_7(%arg0: i32) -> (i32, i32) {
    %c0_i32 = arith.constant 0 : i32
    %c0_i32_0 = arith.constant 0 : i32
    %c0_i32_1 = arith.constant 0 : i32
    return %c0_i32, %c0_i32_0 : i32, i32
  }
  func.func @transform_8(%arg0: i32) -> (i32, i32) {
    %c0_i32 = arith.constant 0 : i32
    %c0_i32_0 = arith.constant 0 : i32
    %c0_i32_1 = arith.constant 0 : i32
    return %c0_i32, %c0_i32_0 : i32, i32
  }
  func.func @transform_9(%arg0: i32) -> (i32, i32) {
    %c0_i32 = arith.constant 0 : i32
    %c0_i32_0 = arith.constant 0 : i32
    %c0_i32_1 = arith.constant 0 : i32
    return %c0_i32, %c0_i32_0 : i32, i32
  }
}

module attributes {stable_mosaic.version = 14 : i64} {
  func.func @_k3_body(%arg0: i32, %arg1: memref<1x1000x128xf32, #tpu.memory_space<vmem>>, %arg2: memref<1x1000x128xf32, #tpu.memory_space<vmem>>, %arg3: memref<1x128xf32, #tpu.memory_space<vmem>>, %arg4: memref<1x1xf32, #tpu.memory_space<smem>>, %arg5: memref<1x1xf32, #tpu.memory_space<smem>>, %arg6: memref<1x1xf32, #tpu.memory_space<smem>>, %arg7: memref<1000x128xf32, #tpu.memory_space<vmem>>) attributes {dimension_semantics = [#tpu.dimension_semantics<arbitrary>], iteration_bounds = array<i64: 10>, scalar_prefetch = 0 : i64, scratch_operands = 0 : i64, tpu.core_type = #tpu.core_type<tc>, window_params = [{transform_indices = @transform_0, window_bounds = array<i64: 1, 1000, 128>}, {transform_indices = @transform_1, window_bounds = array<i64: 1, 1000, 128>}, {pipeline_mode = #tpu.pipeline_mode<synchronous>, transform_indices = @transform_2, window_bounds = array<i64: 1, 128>}, {transform_indices = @transform_3, window_bounds = array<i64: 1, 1>}, {transform_indices = @transform_4, window_bounds = array<i64: 1, 1>}, {transform_indices = @transform_5, window_bounds = array<i64: 1, 1>}, {transform_indices = @transform_6, window_bounds = array<i64: 1000, 128>}]} {
    %get3A = arith.constant 0 : index
    %get3A_0 = arith.constant 0 : index
    %get3A_1 = memref.load %arg6[%get3A, %get3A_0] : memref<1x1xf32, #tpu.memory_space<smem>>
    %get3A_2 = arith.constant 0 : index
    %get3A_3 = arith.constant 0 : index
    %get3A_4 = memref.load %arg5[%get3A_2, %get3A_3] : memref<1x1xf32, #tpu.memory_space<smem>>
    %neg3A = arith.constant 0.000000e+00 : f32
    %neg3A_5 = arith.subf %neg3A, %get3A_4 : f32
    %exp3A = math.exp %neg3A_5 : f32
    %add3A = arith.constant 1.000000e+00 : f32
    %add3A_6 = arith.addf %add3A, %exp3A : f32
    %div3A = arith.constant 1.000000e+00 : f32
    %div3A_7 = arith.divf %div3A, %add3A_6 : f32
    %add3A_8 = arith.addf %get3A_1, %div3A_7 : f32
    %get3A_9 = arith.constant 0 : index
    %get3A_10 = arith.constant 0 : index
    %get3A_11 = arith.constant 0 : index
    %get3A_12 = vector.load %arg1[%get3A_9, %get3A_10, %get3A_11] : memref<1x1000x128xf32, #tpu.memory_space<vmem>>, vector<1x1000x128xf32>
    %get3A_13 = vector.shape_cast %get3A_12 : vector<1x1000x128xf32> to vector<1000x128xf32>
    %get3A_14 = arith.constant 0 : index
    %get3A_15 = arith.constant 0 : index
    %get3A_16 = arith.constant 0 : index
    %get3A_17 = vector.load %arg2[%get3A_14, %get3A_15, %get3A_16] : memref<1x1000x128xf32, #tpu.memory_space<vmem>>, vector<1x1000x128xf32>
    %get3A_18 = vector.shape_cast %get3A_17 : vector<1x1000x128xf32> to vector<1000x128xf32>
    %add3A_19 = arith.addf %get3A_13, %get3A_18 : vector<1000x128xf32>
    %add3A_20 = arith.constant 9.99999997E-7 : f32
    %add3A_21 = vector.broadcast %add3A_20 : f32 to vector<1000x128xf32>
    %add3A_22 = arith.addf %add3A_19, %add3A_21 : vector<1000x128xf32>
    %log3A = math.log %add3A_22 : vector<1000x128xf32>
    %div3A_23 = vector.broadcast %add3A_8 : f32 to vector<1000x128xf32>
    %div3A_24 = arith.divf %log3A, %div3A_23 : vector<1000x128xf32>
    %exp3A_25 = math.exp %div3A_24 : vector<1000x128xf32>
    %get3A_26 = arith.constant 0 : index
    %get3A_27 = arith.constant 0 : index
    %get3A_28 = memref.load %arg4[%get3A_26, %get3A_27] : memref<1x1xf32, #tpu.memory_space<smem>>
    %add3A_29 = vector.broadcast %get3A_28 : f32 to vector<1000x128xf32>
    %add3A_30 = arith.addf %exp3A_25, %add3A_29 : vector<1000x128xf32>
    %get3A_31 = arith.constant 0 : index
    %get3A_32 = arith.constant 0 : index
    %get3A_33 = vector.load %arg3[%get3A_31, %get3A_32] : memref<1x128xf32, #tpu.memory_space<vmem>>, vector<1x128xf32>
    %add3A_34 = vector.broadcast %get3A_33 : vector<1x128xf32> to vector<1000x128xf32>
    %add3A_35 = arith.addf %add3A_30, %add3A_34 : vector<1000x128xf32>
    %swap3A = arith.constant 0 : index
    %swap3A_36 = arith.constant 0 : index
    %swap3A_37 = vector.load %arg7[%swap3A, %swap3A_36] : memref<1000x128xf32, #tpu.memory_space<vmem>>, vector<1000x128xf32>
    tpu.vector_store %arg7[%swap3A, %swap3A_36], %add3A_35 {strides = array<i32>} : memref<1000x128xf32, #tpu.memory_space<vmem>>, vector<1000x128xf32>,
    return
  }
  func.func @transform_0(%arg0: i32) -> (i32, i32, i32) {
    %c0_i32 = arith.constant 0 : i32
    %c0_i32_0 = arith.constant 0 : i32
    %c0_i32_1 = arith.constant 0 : i32
    return %c0_i32, %arg0, %c0_i32_0 : i32, i32, i32
  }
  func.func @transform_1(%arg0: i32) -> (i32, i32, i32) {
    %c1_i32 = arith.constant 1 : i32
    %c0_i32 = arith.constant 0 : i32
    %c0_i32_0 = arith.constant 0 : i32
    return %c1_i32, %arg0, %c0_i32 : i32, i32, i32
  }
  func.func @transform_2(%arg0: i32) -> (i32, i32) {
    %c0_i32 = arith.constant 0 : i32
    %c0_i32_0 = arith.constant 0 : i32
    %c0_i32_1 = arith.constant 0 : i32
    return %c0_i32, %c0_i32_0 : i32, i32
  }
  func.func @transform_3(%arg0: i32) -> (i32, i32) {
    %c0_i32 = arith.constant 0 : i32
    %c0_i32_0 = arith.constant 0 : i32
    %c0_i32_1 = arith.constant 0 : i32
    return %c0_i32, %c0_i32_0 : i32, i32
  }
  func.func @transform_4(%arg0: i32) -> (i32, i32) {
    %c0_i32 = arith.constant 0 : i32
    %c0_i32_0 = arith.constant 0 : i32
    %c0_i32_1 = arith.constant 0 : i32
    return %c0_i32, %c0_i32_0 : i32, i32
  }
  func.func @transform_5(%arg0: i32) -> (i32, i32) {
    %c0_i32 = arith.constant 0 : i32
    %c0_i32_0 = arith.constant 0 : i32
    %c0_i32_1 = arith.constant 0 : i32
    return %c0_i32, %c0_i32_0 : i32, i32
  }
  func.func @transform_6(%arg0: i32) -> (i32, i32) {
    %c0_i32 = arith.constant 0 : i32
    %c0_i32_0 = arith.constant 0 : i32
    return %arg0, %c0_i32 : i32, i32
  }
}

</mosaic_0001>

<sc_bundles>
// kernel: kernel.10.cloned.1.call-start
scs
__scs_entry_jumppad:
0x0: {  	(pc) =	sbr.rel $0x88, $3  }
0x1: {  	(tag) =	ssettag $0x0;
	lr =	simm.s32 $0x1  }
0x2: {  	[smem:$0x3F99] =	sst lr;
	_ =	strace $0xD0000000  }
0x3: {  	_ = 	snop  }
0x4: {  	_ = 	snop  }
0x5: {  	_ = 	snop  }
0x6: {  	_ = 	snop  }
0x7: {  	_ = 	snop  }
__scs_overlays_trampoline_lowered:
0x8: {  	[smem:$0x3FA8] =	sst s0  }
0x9: {  	[smem:$0x3FA9] =	sst s1  }
0xa: {  	[smem:$0x3FAA] =	sst s2  }
0xb: {  	[smem:$0x3FAB] =	sst s3  }
0xc: {  	[smem:$0x3FAC] =	sst s4  }
0xd: {  	[smem:$0x3FAD] =	sst s5  }
0xe: {  	[smem:$0x3FAE] =	sst s6  }
0xf: {  	[smem:$0x3FAF] =	sst s7  }
0x10: {  	[smem:$0x3FB0] =	sst s8  }
0x11: {  	[smem:$0x3FB1] =	sst s9;
	s0 =	simm.s32 @!p0 $0x0  }
0x12: {  	s1 =	sld [smem:$0x3F97];
	s0 =	simm.s32 @p0 $0x1  }
0x13: {  	[smem:$0x3FB2] =	sst s0;
	s0 =	simm.s32 @!p1 $0x0  }
0x14: {  	s2 =	sld [smem:$0x3F96];
	s0 =	simm.s32 @p1 $0x1  }
0x15: {  	[smem:$0x3FB3] =	sst s0;
	s0 =	simm.s32 @!p2 $0x0  }
0x16: {  	s3 =	sld [smem:$0x3FDB];
	s0 =	simm.s32 @p2 $0x1  }
0x17: {  	s4 =	simm.s32 $0x1BF5;
	[smem:$0x3FB5] =	sst s0  }
0x18: {  	s0 =	sld [smem:$0x3F98];
	_ =	swait.ge [sflag:s4], $0x0  }
0x19: {  	s7 =	sld [smem:$0x3F99]  }
0x1a: {  	s8 =	sadd.s32 $0xFFFFE003, lr  }
0x1b: {  	s9 =	sadd.s32 $0xFFFFFEF7, lr;
	s5 =	simm.s32 $0xFFFFFFFF;
	p2 =	slt.u32 s8, $0xFFFFF086  }
0x1c: {  	p1 =	slt.u32 s9, $0xF7A;
	s5 =	simm.s32 @!p2 $0x0  }
0x1d: {  	s5 =	simm.s32 @p1 $0x1;
	p0 =	seq.s32 s7, s2  }
0x1e: {  	s7 =	smul.u32 @!p0 $0xF7A, s2;
	p2 =	seq.s32 @!p0 s5, $0x0  }
0x1f: {  	s9 =	smul.u32 $0xF7A, s1;
	s8 =	simm.s32 @!p0 $0x1BF5;
	p2 =	por !p2, p0  }
0x20: {  	[sflag:s8] =	ssyncset.s32 @!p0 $0xFFFFF086;
	s6 =	sadd.s32 @!p0 s3, s7;
	s7 =	simm.s32 @!p0 $0x108  }
0x21: {  	s3 =	sadd.s32 s3, s9;
	s6 =	sadd.s32 @!p0 $0x88, s6;
	s7 =	simm.s32 @p2 $0x1082  }
0x22: {  	[simem:s7], [sflag:s8] =	dma.local @!p0 [hbm:s6], $0xF7A  }
0x23: {  	s9 =	sor.u32 $0xD0000000, s2;
	s6 =	simm.s32 $0x108;
	_ =	swait.ge @!p0 [sflag:s8], $0x0  }
0x24: {  	s3 =	sadd.s32 $0x88, s3;
	s6 =	simm.s32 @!p1 $0x1082;
	[sflag:s4] =	ssyncset.s32 $0xFFFFF086  }
0x25: {  	[simem:s6], [sflag:s4] =	dma.local [hbm:s3], $0xF7A  }
0x26: {  	[smem:$0x3F99] =	sst s1;
	(tag) =	ssettag s2;
	_ =	strace s9  }
0x27: {  	s1 =	sld [smem:$0x3FA9]  }
0x28: {  	s2 =	sld [smem:$0x3FAA]  }
0x29: {  	s4 =	sld [smem:$0x3FAC]  }
0x2a: {  	p0 =	seq.s32 s5, $0x0;
	s5 =	sld [smem:$0x3FAD]  }
0x2b: {  	s6 =	sld [smem:$0x3FAE]  }
0x2c: {  	s7 =	sld [smem:$0x3FAF]  }
0x2d: {  	s3 =	simm.s32 $0x108;
	s8 =	sld [smem:$0x3FB0]  }
0x2e: {  	s3 =	simm.s32 @!p0 $0x1082;
	s9 =	sld [smem:$0x3FB1]  }
0x2f: {  	lr =	sadd.s32 s0, s3;
	s0 =	sld [smem:$0x3FA8]  }
0x30: {  	s3 =	sld [smem:$0x3FAB]  }
0x31: {  	[smem:$0x3FB4] =	sst s10  }
0x32: {  	s10 =	sld [smem:$0x3FB2];
	_ =	sdelay $0x3  }
0x33: {  	p0 =	seq.s32 s10, $0x1;
	s10 =	sld [smem:$0x3FB4];
	_ =	sdelay $0x3  }
0x34: {  	[smem:$0x3FB4] =	sst s10  }
0x35: {  	s10 =	sld [smem:$0x3FB3];
	_ =	sdelay $0x3  }
0x36: {  	p1 =	seq.s32 s10, $0x1;
	s10 =	sld [smem:$0x3FB4];
	_ =	sdelay $0x3  }
0x37: {  	[smem:$0x3FB4] =	sst s10  }
0x38: {  	s10 =	sld [smem:$0x3FB5]  }
0x39: {  	_ = 	snop;
	(pc) =	sbr.ind lr, $3  }
0x3a: {  	_ = 	snop  }
0x3b: {  	_ = 	snop  }
0x3c: {  	p2 =	seq.s32 s10, $0x1;
	s10 =	sld [smem:$0x3FB4]  }
0x3d: {  	_ =	shalt  }
0x3e: {  	_ =	shalt  }
0x3f: {  	_ =	shalt  }
0x40: {  	_ =	shalt  }
0x41: {  	_ =	shalt  }
0x42: {  	_ =	shalt  }
0x43: {  	_ =	shalt  }
0x44: {  	_ =	shalt  }
0x45: {  	_ =	shalt  }
0x46: {  	_ =	shalt  }
0x47: {  	_ =	shalt  }
0x48: {  	_ =	shalt  }
0x49: {  	_ =	shalt  }
0x4a: {  	_ =	shalt  }
0x4b: {  	_ =	shalt  }
0x4c: {  	_ =	shalt  }
0x4d: {  	_ =	shalt  }
0x4e: {  	_ =	shalt  }
0x4f: {  	_ =	shalt  }
0x50: {  	_ =	shalt  }
0x51: {  	_ =	shalt  }
0x52: {  	_ =	shalt  }
0x53: {  	_ =	shalt  }
0x54: {  	_ =	shalt  }
0x55: {  	_ =	shalt  }
0x56: {  	_ =	shalt  }
0x57: {  	_ =	shalt  }
0x58: {  	_ =	shalt  }
0x59: {  	_ =	shalt  }
0x5a: {  	_ =	shalt  }
0x5b: {  	_ =	shalt  }
0x5c: {  	_ =	shalt  }
0x5d: {  	_ =	shalt  }
0x5e: {  	_ =	shalt  }
0x5f: {  	_ =	shalt  }
0x60: {  	_ =	shalt  }
0x61: {  	_ =	shalt  }
0x62: {  	_ =	shalt  }
0x63: {  	_ =	shalt  }
0x64: {  	_ =	shalt  }
0x65: {  	_ =	shalt  }
0x66: {  	_ =	shalt  }
0x67: {  	_ =	shalt  }
0x68: {  	_ =	shalt  }
0x69: {  	_ =	shalt  }
0x6a: {  	_ =	shalt  }
0x6b: {  	_ =	shalt  }
0x6c: {  	_ =	shalt  }
0x6d: {  	_ =	shalt  }
0x6e: {  	_ =	shalt  }
0x6f: {  	_ =	shalt  }
0x70: {  	_ =	shalt  }
0x71: {  	_ =	shalt  }
0x72: {  	_ =	shalt  }
0x73: {  	_ =	shalt  }
0x74: {  	_ =	shalt  }
0x75: {  	_ =	shalt  }
0x76: {  	_ =	shalt  }
0x77: {  	_ =	shalt  }
0x78: {  	_ =	shalt  }
0x79: {  	_ =	shalt  }
0x7a: {  	_ =	shalt  }
0x7b: {  	_ =	shalt  }
0x7c: {  	_ =	shalt  }
0x7d: {  	_ =	shalt  }
0x7e: {  	_ =	shalt  }
0x7f: {  	_ =	shalt  }
0x80: {  	_ =	shalt  }
0x81: {  	_ =	shalt  }
0x82: {  	_ =	shalt  }
0x83: {  	_ =	shalt  }
0x84: {  	_ =	shalt  }
0x85: {  	_ =	shalt  }
0x86: {  	_ =	shalt  }
0x87: {  	_ =	shalt  }
.Lfunc_end0:
.L_simem_size_0:
called_computation.1_lowered:
.L_overlay_start_0:
0x88: {  	s2 =	sld [smem:$0x3FD9]  }
0x89: {  	s3 =	sld [smem:$0x3FFE];
	_ =	sdelay $0x1  }
0x8a: {  	s1 =	srdreg.scid  }
0x8b: {  	s0 =	sand.u32 $0x1, s1  }
0x8c: {  	s17 =	sshll.u32 s0, $0xA;
	s2 =	sadd.s32 s3, s2  }
0x8d: {  	s2 =	sadd.s32 s2, s17  }
0x8e: {  	[smem:$0x3FC0] =	sst s2  }
0x8f: {  	_ = 	snop  }
0x90: {  	s2 =	sld [smem:$0x3FD0];
	(tm) =	ssettm $0x1  }
0x91: {  	s18 =	sld [smem:$0x3FFB];
	_ =	sdelay $0x3  }
0x92: {  	_ =	strace s18  }
0x93: {  	s3 =	sld [smem:$0x3FFC];
	_ =	sdelay $0x3  }
0x94: {  	_ =	strace s3  }
0x95: {  	s3 =	sld [smem:$0x3FFD];
	_ =	sdelay $0x3  }
0x96: {  	_ =	strace s3  }
0x97: {  	_ =	strace $0x8FFFFFFF  }
0x98: {  	s19 =	sld [smem:$0x3FDB];
	_ =	sdelay $0x1  }
0x99: {  	s4 =	simm.s32 $_scs_section_size  }
0x9a: {  	s5 =	simm.s32 $_size__tile_overlayer_lowered;
	s6 =	simm.s32 $_tile_overlayer_lowered  }
0x9b: {  	s22 =	simm.s32 $0x1BFF;
	s21 =	sshll.u32 s6, $0x1;
	s3 =	sadd.s32 s4, s19  }
0x9c: {  	s7 =	simm.s32 $0x0;
	s20 =	sshll.u32 s5, $0x1;
	s5 =	sadd.s32 s21, s3  }
0x9d: {  	[timem:s7], [sflag:s22] =	dma.local [hbm:s5], s20  }
0x9e: {  	_ =	swait.ge [sflag:s22], s20  }
0x9f: {  	s4 =	ssub.s32 $0x0, s20;
	[sflag:s22] =	ssyncset.done $0x0  }
0xa0: {  	[sflag:s22] =	ssyncadd.s32 s4;
	_ =	sdelay $0x1  }
0xa1: {  	s23 =	simm.s32 $0x1B8B  }
0xa2: {  	_ =	swait.ge [sflag:s23], $0x1  }
0xa3: {  	[sflag:s23] =	ssyncset.done $0x0  }
0xa4: {  	s25 =	simm.s32 $0x1B8E;
	s24 =	sld [smem:$0x3FFE];
	[sflag:s23] =	ssyncadd.s32 $0xFFFFFFFF  }
0xa5: {  	s26 =	simm.s32 $execute0_lowered;
	[smem:$0x3FD2] =	sst s25  }
0xa6: {  	s5 =	sshll.u32 s26, $0x1;
	_ =	strace $0x80000049;
	[dreg:$0x1] =	wrdreg $0xFFFFFFFF  }
0xa7: {  	s28 =	simm.s32 $_size_execute0_lowered;
	s3 =	sadd.s32 s3, s5;
	[dreg:$0x0] =	wrdreg $0x0  }
0xa8: {  	s5 =	sshll.u32 s28, $0x1;
	[dreg:$0x2] =	wrdreg s3  }
0xa9: {  	[dreg:$0x3] =	wrdreg s5  }
0xaa: {  	[dreg:$0x4] =	wrdreg $0xC0  }
0xab: {  	_ =	task [dreg:s7], $0x5FFFF  }
0xac: {  	[dreg:$0x1] =	wrdreg $0xFFFFFFFF  }
0xad: {  	[dreg:$0x0] =	wrdreg $0x60  }
0xae: {  	[dreg:$0x2] =	wrdreg s2  }
0xaf: {  	[dreg:$0x3] =	wrdreg s24  }
0xb0: {  	[dreg:$0x4] =	wrdreg $0x9F800  }
0xb1: {  	[dreg:$0x5] =	wrdreg $0x1DF800  }
0xb2: {  	[dreg:$0x6] =	wrdreg $0x9  }
0xb3: {  	_ =	task.clear_ibuf [dreg:s7], $0x7FFFF;
	_ =	strace $0x90000049  }
0xb4: {  	s29 =	simm.s32 $0x9;
	_ =	strace $0x8000004B  }
0xb5: {  	_ =	swait.ge [sflag:s29], $0x1  }
0xb6: {  	[sflag:s29] =	ssyncadd.s32 $0xFFFFFFFF  }
0xb7: {  	_ =	strace $0x9000004B  }
0xb8: {  	_ =	sfence  }
0xb9: {  	s30 =	sld [smem:$0x0];
	_ =	sdelay $0x2  }
0xba: {  	s31 =	sshll.u32 s1, $0xD;
	s1 =	sshrl.u32 s1, $0x2  }
0xbb: {  	s3 =	sand.u32 $0x4000, s31;
	s1 =	sadd.s32 s1, s30  }
0xbc: {  	s0 =	sor.u32 s3, s0;
	s1 =	sshll.u32 s1, $0x11  }
0xbd: {  	s0 =	sor.u32 s1, s0  }
0xbe: {  	s0 =	sadd.s32 $0x8F2B, s0  }
0xbf: {  	[sflag:s0] =	ssyncadd.remote.s32 $0x1  }
0xc0: {  	_ =	sfence.sel $0xFFFF  }
0xc1: {  	[dreg:$0x0] =	wrdreg $0xFFFFFFFF;
	(pc) =	sbr.abs _section_cstart, $3  }
0xc2: {  	[dreg:$0x1] =	wrdreg $0xFFFFFFFF  }
0xc3: {  	_ =	task.clear_ibuf [dreg:s7], $0x2FFFF;
	_ =	strace $0x9FFFFFFF  }
0xc4: {  	(tm) =	ssettm $0x7FFFFFFF  }
0xc5: {  	_ =	shalt  }
tec
execute0_lowered:
.L_overlay_start_1:
0x0: {  	(tag) =	ssettag $0x1  }
0x1: {  	s0 =	rddreg [dreg:$0x0]  }
0x2: {  	s1 =	rddreg [dreg:$0x1]  }
0x3: {  	s3 =	rddreg [dreg:$0x2];
	s2 =	srdreg.scid  }
0x4: {  	s13 =	rddreg [dreg:$0x3];
	s5 =	stileid.u32  }
0x5: {  	s6 =	simm.s32 $0x0;
	s28 =	simm.s32 $0x2000;
	s7 =	smul.u32 $0x14000, s5  }
0x6: {  	s29 =	simm.s32 $0x4F80;
	s30 =	simm.s32 $0x2800;
	s8 =	smul.u32 $0xA0, s5  }
0x7: {  	s31 =	simm.s32 $0x1000;
	s2 =	sand.u32 $0x1, s2;
	s11 =	smul.u32 $0xA00, s5  }
0x8: {  	[smem:$0x7FF] =	sst s6;
	s10 =	sshll.u32 s5, $0x1;
	s14 =	smul.u32 $0x50000, s5  }
0x9: {  	s4 =	smul.u32 $0x140000, s2;
	_ =	strace $0x8000004A;
	s9 =	sadd.s32 s8, s1  }
0xa: {  	s26 =	ssub.s32 $0x2, s2;
	s2 =	sor.u32 s2, s10;
	s16 =	sadd.s32 $0x35200, s9  }
0xb: {  	s11 =	sshrl.u32 s11, $0x2;
	s17 =	sadd.s32 $0x35210, s9;
	[dreg:$0x5] =	wrdreg s16  }
0xc: {  	s10 =	sshrl.u32 s14, $0x2;
	s18 =	sadd.s32 s11, s13;
	[dreg:$0x6] =	wrdreg s17  }
0xd: {  	s6 =	sadd.s32 $0x1E00, s1;
	s10 =	sadd.s32 s10, s3;
	[dreg:$0x7] =	wrdreg s18  }
0xe: {  	s12 =	sshrl.u32 s26, $0x1;
	s19 =	sadd.s32 $0x2800, s10;
	[dreg:$0x8] =	wrdreg s10  }
0xf: {  	s8 =	smul.u32 $0x2710, s2;
	s20 =	sadd.s32 $0x5000, s10;
	[dreg:$0x9] =	wrdreg s19  }
0x10: {  	s14 =	simm.s32 $0x0;
	s21 =	sadd.s32 $0x7800, s10;
	[dreg:$0xa] =	wrdreg s20  }
0x11: {  	s4 =	sadd.s32 s7, s4;
	s22 =	sadd.s32 $0xA000, s10;
	[dreg:$0xb] =	wrdreg s21  }
0x12: {  	s7 =	sadd.s32 $0x2B400, s1;
	s23 =	sadd.s32 $0xC800, s10;
	[dreg:$0xc] =	wrdreg s22  }
0x13: {  	s15 =	ssub.s32 s26, s12;
	s24 =	sadd.s32 $0xF000, s10;
	[dreg:$0xd] =	wrdreg s23  }
0x14: {  	s9 =	simm.s32 $0x0;
	s25 =	sadd.s32 $0x11800, s10;
	[dreg:$0xe] =	wrdreg s24  }
0x15: {  	s4 =	sshrl.u32 s4, $0x3;
	s26 =	smax.u32 s15, $0x1;
	[dreg:$0xf] =	wrdreg s25  }
0x16: {  	s1 =	sadd.s32 s4, s1;
	s20 =	smul.u32 $0x5000, s2;
	[dreg:$0x11] =	wrdreg s26  }
0x17: {  	s23 =	simm.s32 $0x80;
	s25 =	simm.s32 $0x4;
	s26 =	simm.s32 $0x1  }
0x18: {  	s4 =	simm.s32 $0x7780;
	s2 =	simm.s32 $0x2;
	s1 =	sadd.s32 $0x36000, s1  }
0x19: {  	v0 =	vimm.f32 $0.0e+00;
	s24 =	simm.s32 $0x3;
	[dreg:$0x10] =	wrdreg s1;
	s1 =	simm.s32 $0x50  }
.LBB2_1:
0x1a: {  	[dreg:$0x12] =	wrdreg s9  }
0x1b: {  	s5 =	rddreg [dreg:$0x5];
	s18 =	simm.s32 $0x100  }
0x1c: {  	[tilespmem:s28], [sflag:$0x4] =	stream.strided.gather [hbm4b:s5+s23], $0x280, s18, s23, $0x38;
	[tilespmem:$0x1E200] =	vst v63  }
0x1d: {  	_ =	swait.ge [sflag:s25], $0x280  }
0x1e: {  	[sflag:s25] =	ssyncset.done $0x0  }
0x1f: {  	s11 =	simm.s32 $0x2280;
	s19 =	rddreg [dreg:$0x6];
	[sflag:s25] =	ssyncadd.s32 $0xFFFFFD80  }
0x20: {  	[tilespmem:s11], [sflag:$0x4] =	stream.strided.gather [hbm4b:s19+s23], $0x280, s18, s23, $0x38;
	[tilespmem:$0x1E200] =	vst v63  }
0x21: {  	_ =	swait.ge [sflag:s25], $0x280  }
0x22: {  	s21 =	simm.s32 $0x0;
	[sflag:s25] =	ssyncset.done $0x0  }
0x23: {  	s22 =	sand.u32 $0x3F0, s21;
	[sflag:s25] =	ssyncadd.s32 $0xFFFFFD80  }
0x24: {  	s12 =	simm.s32 $0x10;
	s9 =	simm.s32 $0x2000;
	v1 =	vld [tilespmem:s22+$0x2280]  }
.LBB2_2:
0x25: {  	p0 =	sne.s32 s12, $0x270;
	v2 =	vld [tilespmem:s9+$0x0];
	_ =	sdelay $0x4  }
0x26: {  	v1 =	vadd.f32 v1, v2;
	_ =	sdelay $0x1  }
0x27: {  	(erf) = vrcp.f32 v1;
	_ =	sdelay $0x6  }
.Ltmp0:
0x28: {  	(pc) =	sbr.rel @p0 .LBB2_2-.Ltmp0, $4  }
0x29: {  	_ = 	snop  }
0x2a: {  	v1 =	vpop (erf)  }
0x2b: {  	s13 =	sand.u32 $0x3F0, s12;
	[tilespmem:s9+$0x0] =	vst v1  }
0x2c: {  	s12 =	sadd.s32 $0x10, s12;
	s9 =	sadd.s32 $0x10, s9;
	v1 =	vld [tilespmem:s13+$0x2280]  }
0x2d: {  	v2 =	vld [tilespmem:s9+$0x0];
	_ =	sdelay $0x4  }
0x2e: {  	v1 =	vadd.f32 v1, v2;
	_ =	sdelay $0x1  }
0x2f: {  	(erf) = vrcp.f32 v1;
	_ =	sdelay $0x8  }
0x30: {  	v1 =	vpop (erf)  }
0x31: {  	s5 =	rddreg [dreg:$0x7];
	[tilespmem:s9+$0x0] =	vst v1  }
0x32: {  	[spmem:s5] =	stream.linear.scatter [tilespmem:s28], [sflag:$0x4], $0x280, $0x38;
	[tilespmem:$0x1E200] =	vst v63  }
0x33: {  	_ =	swait.ge [sflag:s25], $0x280  }
0x34: {  	[sflag:s25] =	ssyncset.done $0x0  }
0x35: {  	s12 =	simm.s32 $0x200;
	s9 =	simm.s32 $0x0;
	[sflag:s25] =	ssyncadd.s32 $0xFFFFFD80  }
.LBB2_4:
0x36: {  	p0 =	sne.s32 s12, $0x9E00;
	[tilespmem:s9+$0x4FF0] =	vst v0  }
0x37: {  	[tilespmem:s9+$0x4F80] =	vst v0  }
0x38: {  	[tilespmem:s9+$0x4F90] =	vst v0  }
.Ltmp1:
0x39: {  	[tilespmem:s9+$0x4FA0] =	vst v0;
	(pc) =	sbr.rel @p0 .LBB2_4-.Ltmp1, $4  }
0x3a: {  	[tilespmem:s9+$0x4FB0] =	vst v0  }
0x3b: {  	[tilespmem:s9+$0x4FC0] =	vst v0  }
0x3c: {  	[tilespmem:s9+$0x4FD0] =	vst v0  }
0x3d: {  	[tilespmem:s9+$0x4FE0] =	vst v0;
	s9 =	sshra.s32 s12, $0x2;
	s12 =	sadd.s32 $0x200, s12  }
0x3e: {  	[tilespmem:s9+$0x4FF0] =	vst v0  }
0x3f: {  	[tilespmem:s9+$0x4F80] =	vst v0  }
0x40: {  	[tilespmem:s9+$0x4F90] =	vst v0  }
0x41: {  	[tilespmem:s9+$0x4FA0] =	vst v0  }
0x42: {  	[tilespmem:s9+$0x4FB0] =	vst v0  }
0x43: {  	[tilespmem:s9+$0x4FC0] =	vst v0  }
0x44: {  	[tilespmem:s9+$0x4FD0] =	vst v0  }
0x45: {  	[tilespmem:s9+$0x4FE0] =	vst v0  }
0x46: {  	[spmem:s10] =	stream.linear.scatter [tilespmem:s29], [sflag:$0x4], $0x2800, $0x38;
	[tilespmem:$0x1E200] =	vst v63  }
0x47: {  	_ =	swait.ge [sflag:s25], $0x2800  }
0x48: {  	[sflag:s25] =	ssyncset.done $0x0  }
0x49: {  	s5 =	rddreg [dreg:$0x9];
	[sflag:s25] =	ssyncadd.s32 $0xFFFFD800  }
0x4a: {  	[spmem:s5] =	stream.linear.scatter [tilespmem:s29], [sflag:$0x4], $0x2800, $0x38;
	[tilespmem:$0x1E200] =	vst v63  }
0x4b: {  	_ =	swait.ge [sflag:s25], $0x2800  }
0x4c: {  	[sflag:s25] =	ssyncset.done $0x0  }
0x4d: {  	s15 =	rddreg [dreg:$0xa];
	[sflag:s25] =	ssyncadd.s32 $0xFFFFD800  }
0x4e: {  	[spmem:s15] =	stream.linear.scatter [tilespmem:s29], [sflag:$0x4], $0x2800, $0x38;
	[tilespmem:$0x1E200] =	vst v63  }
0x4f: {  	_ =	swait.ge [sflag:s25], $0x2800  }
0x50: {  	[sflag:s25] =	ssyncset.done $0x0  }
0x51: {  	s16 =	rddreg [dreg:$0xb];
	[sflag:s25] =	ssyncadd.s32 $0xFFFFD800  }
0x52: {  	[spmem:s16] =	stream.linear.scatter [tilespmem:s29], [sflag:$0x4], $0x2800, $0x38;
	[tilespmem:$0x1E200] =	vst v63  }
0x53: {  	_ =	swait.ge [sflag:s25], $0x2800  }
0x54: {  	[sflag:s25] =	ssyncset.done $0x0  }
0x55: {  	s17 =	rddreg [dreg:$0xc];
	[sflag:s25] =	ssyncadd.s32 $0xFFFFD800  }
0x56: {  	[spmem:s17] =	stream.linear.scatter [tilespmem:s29], [sflag:$0x4], $0x2800, $0x38;
	[tilespmem:$0x1E200] =	vst v63  }
0x57: {  	_ =	swait.ge [sflag:s25], $0x2800  }
0x58: {  	[sflag:s25] =	ssyncset.done $0x0  }
0x59: {  	s18 =	rddreg [dreg:$0xd];
	[sflag:s25] =	ssyncadd.s32 $0xFFFFD800  }
0x5a: {  	[spmem:s18] =	stream.linear.scatter [tilespmem:s29], [sflag:$0x4], $0x2800, $0x38;
	[tilespmem:$0x1E200] =	vst v63  }
0x5b: {  	_ =	swait.ge [sflag:s25], $0x2800  }
0x5c: {  	[sflag:s25] =	ssyncset.done $0x0  }
0x5d: {  	s19 =	rddreg [dreg:$0xe];
	[sflag:s25] =	ssyncadd.s32 $0xFFFFD800  }
0x5e: {  	[spmem:s19] =	stream.linear.scatter [tilespmem:s29], [sflag:$0x4], $0x2800, $0x38;
	[tilespmem:$0x1E200] =	vst v63  }
0x5f: {  	_ =	swait.ge [sflag:s25], $0x2800  }
0x60: {  	[sflag:s25] =	ssyncset.done $0x0  }
0x61: {  	s21 =	rddreg [dreg:$0xf];
	[sflag:s25] =	ssyncadd.s32 $0xFFFFD800  }
0x62: {  	[spmem:s21] =	stream.linear.scatter [tilespmem:s29], [sflag:$0x4], $0x2800, $0x38;
	[tilespmem:$0x1E200] =	vst v63  }
0x63: {  	_ =	swait.ge [sflag:s25], $0x2800  }
0x64: {  	[sflag:s25] =	ssyncset.done $0x0  }
0x65: {  	[sflag:s25] =	ssyncadd.s32 $0xFFFFD800  }
0x66: {  	[bflag:$0x0] =	sbarrier.arrive $0xFFFF  }
0x67: {  	s22 =	rddreg [dreg:$0x3]  }
0x68: {  	[tilespmem:s30], [sflag:$0x4] =	stream.linear.gather [spmem:s22], $0x2710, $0x38;
	[tilespmem:$0x1E200] =	vst v63  }
0x69: {  	_ =	swait.ge [sflag:s25], $0x2710  }
0x6a: {  	[sflag:s25] =	ssyncset.done $0x0  }
0x6b: {  	s15 =	simm.s32 $0x0;
	[sflag:s25] =	ssyncadd.s32 $0xFFFFD8F0  }
.LBB2_6:
0x6c: {  	s9 =	sshll.u32 s15, $0xC  }
0x6d: {  	s9 =	sadd.s32 s20, s9  }
0x6e: {  	s9 =	sshrl.u32 s9, $0x3  }
0x6f: {  	s9 =	sadd.s32 s6, s9  }
0x70: {  	[tilespmem:s14], [sflag:$0x4] =	stream.linear.gather [hbm4b:s9+s14], $0xC80, $0x38;
	[tilespmem:$0x1E200] =	vst v63  }
0x71: {  	_ =	swait.ge [sflag:s25], $0xC80  }
0x72: {  	[sflag:s25] =	ssyncset.done $0x0  }
0x73: {  	s12 =	smul.u32 $0x7D0, s15;
	s9 =	sadd.s32 $0x14000, s9;
	[sflag:s25] =	ssyncadd.s32 $0xFFFFF380  }
0x74: {  	[tilespmem:s31], [sflag:$0x4] =	stream.linear.gather [hbm4b:s9+s14], $0xC80, $0x38;
	[tilespmem:$0x1E200] =	vst v63  }
0x75: {  	s22 =	sadd.s32 s8, s12;
	_ =	swait.ge [sflag:s25], $0xC80  }
0x76: {  	s9 =	sshrl.u32 s22, $0x3;
	[sflag:s25] =	ssyncset.done $0x0  }
0x77: {  	s9 =	sadd.s32 s7, s9;
	[sflag:s25] =	ssyncadd.s32 $0xFFFFF380  }
0x78: {  	[tilespmem:s28], [sflag:$0x4] =	stream.linear.gather [hbm4b:s9+s14], $0x7D0, $0x38;
	[tilespmem:$0x1E200] =	vst v63  }
0x79: {  	_ =	swait.ge [sflag:s25], $0x7D0  }
0x7a: {  	[sflag:s25] =	ssyncset.done $0x0  }
0x7b: {  	s12 =	simm.s32 $0x0;
	s9 =	simm.s32 $0x2020;
	[sflag:s25] =	ssyncadd.s32 $0xFFFFF830  }
.LBB2_7:
0x7c: {  	s13 =	sshra.s32 s12, $0x2  }
0x7d: {  	v1 =	vld [tilespmem:s13+$0x1000];
	_ =	sdelay $0x6  }
0x7e: {  	v2 =	vld [tilespmem:s9+$0xFFFFFFE0]  }
0x7f: {  	v1 =	vld.idx.msk [tilespmem:v1+s30+$0x0], $0xffff;
	_ =	sdelay $0x4  }
0x80: {  	v1 =	vmul.f32 v2, v1;
	_ =	sdelay $0x1  }
0x81: {  	[tilespmem:s9+$0xFFFFFFE0] =	vst v1  }
0x82: {  	v1 =	vld [tilespmem:s13+$0x1010];
	_ =	sdelay $0x6  }
0x83: {  	v2 =	vld [tilespmem:s9+$0xFFFFFFF0]  }
0x84: {  	v1 =	vld.idx.msk [tilespmem:v1+s30+$0x0], $0xffff;
	_ =	sdelay $0x4  }
0x85: {  	v1 =	vmul.f32 v2, v1;
	_ =	sdelay $0x1  }
0x86: {  	[tilespmem:s9+$0xFFFFFFF0] =	vst v1  }
0x87: {  	v1 =	vld [tilespmem:s13+$0x1020];
	_ =	sdelay $0x6  }
0x88: {  	v2 =	vld [tilespmem:s9+$0x0]  }
0x89: {  	v1 =	vld.idx.msk [tilespmem:v1+s30+$0x0], $0xffff;
	_ =	sdelay $0x4  }
0x8a: {  	v1 =	vmul.f32 v2, v1;
	_ =	sdelay $0x1  }
0x8b: {  	[tilespmem:s9+$0x0] =	vst v1  }
0x8c: {  	v1 =	vld [tilespmem:s13+$0x1030];
	_ =	sdelay $0x6  }
0x8d: {  	v2 =	vld [tilespmem:s9+$0x10]  }
0x8e: {  	v1 =	vld.idx.msk [tilespmem:v1+s30+$0x0], $0xffff;
	_ =	sdelay $0x4  }
0x8f: {  	v1 =	vmul.f32 v2, v1;
	_ =	sdelay $0x1  }
0x90: {  	[tilespmem:s9+$0x10] =	vst v1  }
0x91: {  	v1 =	vld [tilespmem:s13+$0x1040];
	_ =	sdelay $0x6  }
0x92: {  	v2 =	vld [tilespmem:s9+$0x20]  }
0x93: {  	v1 =	vld.idx.msk [tilespmem:v1+s30+$0x0], $0xffff;
	_ =	sdelay $0x1  }
0x94: {  	p0 =	sne.s32 s12, $0x3000  }
.Ltmp2:
0x95: {  	_ = 	snop;
	(pc) =	sbr.rel @p0 .LBB2_7-.Ltmp2, $3  }
0x96: {  	_ = 	snop  }
0x97: {  	v1 =	vmul.f32 v2, v1;
	_ =	sdelay $0x1  }
0x98: {  	s12 =	sadd.s32 $0x200, s12;
	[tilespmem:s9+$0x20] =	vst v1;
	s9 =	sadd.s32 $0x50, s9  }
0x99: {  	s9 =	simm.s32 $0x0  }
0x9a: {  	v1 =	vmov s9  }
0x9b: {  	s5 =	simm.s32 $0x0;
	v1 =	vand.u32 $0xFFFFFFFC, v1  }
0x9c: {  	[tilespmem:s29], [sflag:$0x1] =	stream.indirect.gather [hbm4b:s0+s1], $0x80, s5, s1, $0xb8;
	v1 =	vbroadcast v1, $0x0;
	[tilespmem:$0x1E200] =	vst v63  }
0x9d: {  	_ =	swait.ge [sflag:s26], $0x2800  }
0x9e: {  	[sflag:s26] =	ssyncset.done $0x0  }
0x9f: {  	s16 =	simm.s32 $0x5080;
	[sflag:s26] =	ssyncadd.s32 $0xFFFFD800  }
0xa0: {  	[tilespmem:s4], [sflag:$0x2] =	stream.indirect.gather [hbm4b:s0+s1], $0x80, s23, s1, $0xb8;
	[tilespmem:$0x1E200] =	vst v63  }
0xa1: {  	v3 =	vld [tilespmem:s16+$0xFFFFFF70]  }
0xa2: {  	v1 =	vld.idx.msk [tilespmem:v1+s28+$0x0], $0xffff  }
0xa3: {  	v4 =	vld [tilespmem:s16+$0xFFFFFF00]  }
0xa4: {  	v5 =	vld [tilespmem:s16+$0xFFFFFF20]  }
0xa5: {  	v6 =	vld [tilespmem:s16+$0xFFFFFF30]  }
0xa6: {  	v2 =	vld [tilespmem:s16+$0xFFFFFF50]  }
0xa7: {  	v8 =	vld [tilespmem:s16+$0xFFFFFF10];
	v3 =	vmul.f32 v3, v1  }
0xa8: {  	s21 =	simm.s32 $0x1;
	v7 =	vld [tilespmem:s16+$0xFFFFFF60];
	v4 =	vmul.f32 v4, v1  }
0xa9: {  	v9 =	vld [tilespmem:s16+$0xFFFFFF40];
	v5 =	vmul.f32 v5, v1;
	[tilespmem:s16+$0xFFFFFF70] =	vst v3;
	v3 =	vmov s21  }
0xaa: {  	v6 =	vmul.f32 v6, v1;
	[tilespmem:s16+$0xFFFFFF00] =	vst v4;
	v3 =	vand.u32 $0xFFFFFFFD, v3  }
0xab: {  	v2 =	vmul.f32 v2, v1;
	[tilespmem:s16+$0xFFFFFF20] =	vst v5;
	v3 =	vbroadcast v3, $0x0  }
0xac: {  	v4 =	vmul.f32 v8, v1;
	[tilespmem:s16+$0xFFFFFF30] =	vst v6  }
0xad: {  	v5 =	vmul.f32 v7, v1;
	[tilespmem:s16+$0xFFFFFF50] =	vst v2  }
0xae: {  	v1 =	vmul.f32 v9, v1;
	[tilespmem:s16+$0xFFFFFF10] =	vst v4  }
0xaf: {  	[tilespmem:s16+$0xFFFFFF60] =	vst v5  }
0xb0: {  	[tilespmem:s16+$0xFFFFFF40] =	vst v1;
	v1 =	vld [tilespmem:s16+$0xFFFFFF80]  }
0xb1: {  	v3 =	vld.idx.msk [tilespmem:v3+s28+$0x0], $0xffff  }
0xb2: {  	v2 =	vld [tilespmem:s16+$0xFFFFFFA0]  }
0xb3: {  	v4 =	vld [tilespmem:s16+$0xFFFFFF90]  }
0xb4: {  	v5 =	vld [tilespmem:s16+$0xFFFFFFD0]  }
0xb5: {  	v6 =	vld [tilespmem:s16+$0xFFFFFFE0]  }
0xb6: {  	v7 =	vld [tilespmem:s16+$0xFFFFFFF0];
	v1 =	vmul.f32 v1, v3  }
0xb7: {  	s22 =	simm.s32 $0x2;
	v8 =	vld [tilespmem:s16+$0xFFFFFFB0];
	v2 =	vmul.f32 v2, v3  }
0xb8: {  	v63 =	vld [tilespmem:s16+$0xFFFFFFC0];
	v4 =	vmul.f32 v4, v3;
	[tilespmem:s16+$0xFFFFFF80] =	vst v1;
	v1 =	vmov s22  }
0xb9: {  	v5 =	vmul.f32 v5, v3;
	[tilespmem:s16+$0xFFFFFFA0] =	vst v2;
	v1 =	vand.u32 $0xFFFFFFFE, v1  }
0xba: {  	v2 =	vmul.f32 v6, v3;
	[tilespmem:s16+$0xFFFFFF90] =	vst v4;
	v4 =	vbroadcast v1, $0x0  }
0xbb: {  	v6 =	vmul.f32 v7, v3;
	[tilespmem:s16+$0xFFFFFFD0] =	vst v5;
	v7 =	vld [tilespmem:s16+$0x30]  }
0xbc: {  	v5 =	vmul.f32 v8, v3;
	v1 =	vld [tilespmem:s16+$0x40];
	[tilespmem:s16+$0xFFFFFFE0] =	vst v2  }
0xbd: {  	v3 =	vmul.f32 v63, v3;
	v2 =	vld [tilespmem:s16+$0x70];
	[tilespmem:s16+$0xFFFFFFF0] =	vst v6  }
0xbe: {  	[tilespmem:s16+$0xFFFFFFB0] =	vst v5;
	v5 =	vld [tilespmem:s16+$0x20]  }
0xbf: {  	[tilespmem:s16+$0xFFFFFFC0] =	vst v3;
	v6 =	vld [tilespmem:s16+$0x0]  }
0xc0: {  	v3 =	vld.idx.msk [tilespmem:v4+s28+$0x0], $0xffff  }
0xc1: {  	s17 =	simm.s32 $0x3;
	s12 =	simm.s32 $0x7;
	s13 =	simm.s32 $0x5080;
	v4 =	vld [tilespmem:s16+$0x10]  }
.LBB2_9:
0xc2: {  	p0 =	sne.s32 s12, $0x4F  }
0xc3: {  	v8 =	vld [tilespmem:s16+$0x50];
	s13 =	sadd.s32 $0x200, s13;
	s9 =	smov.u32 s12;
	s12 =	sadd.s32 $0x4, s12  }
0xc4: {  	v9 =	vld [tilespmem:s16+$0x60];
	_ =	sdelay $0x1  }
0xc5: {  	v6 =	vmul.f32 v6, v3;
	v4 =	vmul.f32 v4, v3  }
0xc6: {  	v5 =	vmul.f32 v5, v3;
	v7 =	vmul.f32 v7, v3  }
0xc7: {  	v1 =	vmul.f32 v1, v3;
	v2 =	vmul.f32 v2, v3;
	[tilespmem:s16+$0x0] =	vst v6  }
0xc8: {  	[tilespmem:s16+$0x20] =	vst v5;
	v5 =	vmul.f32 v8, v3;
	v3 =	vmul.f32 v9, v3  }
0xc9: {  	[tilespmem:s16+$0x30] =	vst v7;
	v6 =	vld [tilespmem:s16+$0x80]  }
0xca: {  	[tilespmem:s16+$0x60] =	vst v3;
	v3 =	vmov s17;
	v7 =	vld [tilespmem:s16+$0xD0];
	s17 =	smov.u32 s9  }
0xcb: {  	[tilespmem:s16+$0x50] =	vst v5;
	v5 =	vld [tilespmem:s16+$0xE0]  }
0xcc: {  	[tilespmem:s16+$0x40] =	vst v1;
	v8 =	vld [tilespmem:s16+$0xB0]  }
0xcd: {  	v1 =	vld [tilespmem:s13+$0x40];
	[tilespmem:s16+$0x70] =	vst v2  }
0xce: {  	v2 =	vld [tilespmem:s13+$0x70];
	[tilespmem:s16+$0x10] =	vst v4  }
0xcf: {  	v3 =	vld.idx.msk [tilespmem:v3+s28+$0x0], $0xffff  }
0xd0: {  	v4 =	vld [tilespmem:s16+$0x90]  }
0xd1: {  	v9 =	vld [tilespmem:s16+$0xA0]  }
0xd2: {  	v10 =	vld [tilespmem:s16+$0xC0]  }
0xd3: {  	v11 =	vld [tilespmem:s16+$0xF0];
	_ =	sdelay $0x1  }
0xd4: {  	v6 =	vmul.f32 v6, v3;
	v4 =	vmul.f32 v4, v3  }
0xd5: {  	s9 =	sadd.s32 $0xFFFFFFFD, s17;
	v8 =	vmul.f32 v8, v3;
	v9 =	vmul.f32 v9, v3  }
0xd6: {  	v12 =	vmov s9;
	v7 =	vmul.f32 v7, v3;
	[tilespmem:s16+$0x80] =	vst v6;
	v6 =	vmul.f32 v10, v3  }
0xd7: {  	v10 =	vand.u32 $0xFFFFFFFC, v12;
	[tilespmem:s16+$0x90] =	vst v4;
	v4 =	vmul.f32 v5, v3;
	v3 =	vmul.f32 v11, v3  }
0xd8: {  	v5 =	vbroadcast v10, $0x0;
	[tilespmem:s16+$0xA0] =	vst v9  }
0xd9: {  	[tilespmem:s16+$0xD0] =	vst v7  }
0xda: {  	v7 =	vld [tilespmem:s13+$0xFFFFFF50];
	[tilespmem:s16+$0xB0] =	vst v8  }
0xdb: {  	v8 =	vld [tilespmem:s13+$0xFFFFFF30];
	[tilespmem:s16+$0xC0] =	vst v6  }
0xdc: {  	v6 =	vld [tilespmem:s13+$0xFFFFFF60];
	[tilespmem:s16+$0xE0] =	vst v4  }
0xdd: {  	v4 =	vld [tilespmem:s13+$0xFFFFFF70];
	[tilespmem:s16+$0xF0] =	vst v3;
	s16 =	smov.u32 s13  }
0xde: {  	v3 =	vld.idx.msk [tilespmem:v5+s28+$0x0], $0xffff  }
0xdf: {  	v5 =	vld [tilespmem:s13+$0xFFFFFF00]  }
0xe0: {  	v9 =	vld [tilespmem:s13+$0xFFFFFF20]  }
0xe1: {  	v10 =	vld [tilespmem:s13+$0xFFFFFF10]  }
0xe2: {  	v11 =	vld [tilespmem:s13+$0xFFFFFF40];
	_ =	sdelay $0x1  }
0xe3: {  	v4 =	vmul.f32 v4, v3;
	v5 =	vmul.f32 v5, v3  }
0xe4: {  	s9 =	sadd.s32 $0xFFFFFFFE, s17;
	v6 =	vmul.f32 v6, v3;
	v9 =	vmul.f32 v9, v3  }
0xe5: {  	v8 =	vmul.f32 v8, v3;
	v10 =	vmul.f32 v10, v3;
	[tilespmem:s13+$0xFFFFFF70] =	vst v4;
	v4 =	vmov s9  }
0xe6: {  	[tilespmem:s13+$0xFFFFFF00] =	vst v5;
	v5 =	vmul.f32 v11, v3;
	v3 =	vmul.f32 v7, v3;
	v4 =	vand.u32 $0xFFFFFFFD, v4  }
0xe7: {  	[tilespmem:s13+$0xFFFFFF20] =	vst v9;
	v4 =	vbroadcast v4, $0x0  }
0xe8: {  	[tilespmem:s13+$0xFFFFFF30] =	vst v8  }
0xe9: {  	[tilespmem:s13+$0xFFFFFF50] =	vst v3;
	v3 =	vld [tilespmem:s13+$0xFFFFFFF0]  }
0xea: {  	[tilespmem:s13+$0xFFFFFF10] =	vst v10;
	v7 =	vld [tilespmem:s13+$0xFFFFFFD0]  }
0xeb: {  	[tilespmem:s13+$0xFFFFFF60] =	vst v6;
	v6 =	vld [tilespmem:s13+$0xFFFFFFB0]  }
0xec: {  	[tilespmem:s13+$0xFFFFFF40] =	vst v5;
	v5 =	vld [tilespmem:s13+$0xFFFFFF90]  }
0xed: {  	v4 =	vld.idx.msk [tilespmem:v4+s28+$0x0], $0xffff  }
0xee: {  	v8 =	vld [tilespmem:s13+$0xFFFFFF80]  }
0xef: {  	v9 =	vld [tilespmem:s13+$0xFFFFFFA0]  }
0xf0: {  	v10 =	vld [tilespmem:s13+$0xFFFFFFC0]  }
0xf1: {  	v11 =	vld [tilespmem:s13+$0xFFFFFFE0];
	_ =	sdelay $0x1  }
0xf2: {  	v5 =	vmul.f32 v5, v4;
	v8 =	vmul.f32 v8, v4  }
0xf3: {  	s9 =	sadd.s32 $0xFFFFFFFF, s17;
	v6 =	vmul.f32 v6, v4;
	v9 =	vmul.f32 v9, v4  }
0xf4: {  	v7 =	vmul.f32 v7, v4;
	[tilespmem:s13+$0xFFFFFF80] =	vst v8;
	v8 =	vmul.f32 v10, v4;
	v10 =	vmov s9  }
0xf5: {  	v3 =	vmul.f32 v3, v4;
	[tilespmem:s13+$0xFFFFFFA0] =	vst v9;
	v9 =	vmul.f32 v11, v4;
	v4 =	vand.u32 $0xFFFFFFFE, v10  }
0xf6: {  	[tilespmem:s13+$0xFFFFFF90] =	vst v5;
	v4 =	vbroadcast v4, $0x0  }
0xf7: {  	[tilespmem:s13+$0xFFFFFFD0] =	vst v7  }
0xf8: {  	[tilespmem:s13+$0xFFFFFFE0] =	vst v9  }
0xf9: {  	[tilespmem:s13+$0xFFFFFFB0] =	vst v6  }
.Ltmp3:
0xfa: {  	[tilespmem:s13+$0xFFFFFFF0] =	vst v3;
	v5 =	vld [tilespmem:s13+$0x20];
	(pc) =	sbr.rel @p0 .LBB2_9-.Ltmp3, $4  }
0xfb: {  	[tilespmem:s13+$0xFFFFFFC0] =	vst v8;
	v6 =	vld [tilespmem:s13+$0x0]  }
0xfc: {  	v3 =	vld.idx.msk [tilespmem:v4+s28+$0x0], $0xffff  }
0xfd: {  	v4 =	vld [tilespmem:s13+$0x10]  }
0xfe: {  	v7 =	vld [tilespmem:s13+$0x30]  }
0xff: {  	_ =	sdelay $0x1  }
0x100: {  	v8 =	vld [tilespmem:s16+$0x60];
	v6 =	vmul.f32 v6, v3  }
0x101: {  	v9 =	vld [tilespmem:s16+$0x50];
	v5 =	vmul.f32 v5, v3  }
0x102: {  	v1 =	vmul.f32 v1, v3;
	[tilespmem:s16+$0x0] =	vst v6  }
0x103: {  	v2 =	vmul.f32 v2, v3;
	[tilespmem:s16+$0x20] =	vst v5  }
0x104: {  	v7 =	vmul.f32 v7, v3;
	[tilespmem:s16+$0x40] =	vst v1  }
0x105: {  	v57 =	vmov s17;
	[tilespmem:s16+$0x70] =	vst v2;
	v54 =	vmul.f32 v8, v3  }
0x106: {  	v55 =	vmul.f32 v9, v3;
	[tilespmem:s16+$0x30] =	vst v7  }
0x107: {  	v3 =	vmul.f32 v4, v3;
	[tilespmem:s16+$0x60] =	vst v54  }
0x108: {  	[tilespmem:s16+$0x50] =	vst v55  }
0x109: {  	v56 =	vld [tilespmem:s16+$0x80];
	[tilespmem:s16+$0x10] =	vst v3  }
0x10a: {  	v1 =	vld.idx.msk [tilespmem:v57+s28+$0x0], $0xffff  }
0x10b: {  	v2 =	vld [tilespmem:s16+$0x90]  }
0x10c: {  	v3 =	vld [tilespmem:s16+$0xA0]  }
0x10d: {  	v58 =	vld [tilespmem:s16+$0xD0]  }
0x10e: {  	v61 =	vld [tilespmem:s16+$0xE0]  }
0x10f: {  	v59 =	vld [tilespmem:s16+$0xB0];
	v7 =	vmul.f32 v56, v1  }
0x110: {  	v60 =	vld [tilespmem:s16+$0xC0];
	v2 =	vmul.f32 v2, v1  }
0x111: {  	v62 =	vld [tilespmem:s16+$0xF0];
	v3 =	vmul.f32 v3, v1;
	[tilespmem:s16+$0x80] =	vst v7  }
0x112: {  	v4 =	vmul.f32 v58, v1;
	[tilespmem:s16+$0x90] =	vst v2  }
0x113: {  	v63 =	vmul.f32 v61, v1;
	[tilespmem:s16+$0xA0] =	vst v3  }
0x114: {  	v2 =	vmul.f32 v59, v1;
	[tilespmem:s16+$0xD0] =	vst v4  }
0x115: {  	v3 =	vmul.f32 v60, v1;
	[tilespmem:s16+$0xE0] =	vst v63  }
0x116: {  	v1 =	vmul.f32 v62, v1;
	[tilespmem:s16+$0xB0] =	vst v2  }
0x117: {  	[tilespmem:s16+$0xC0] =	vst v3  }
0x118: {  	s17 =	simm.s32 $0x0;
	[tilespmem:s16+$0xF0] =	vst v1;
	s16 =	simm.s32 $0x0  }
0x119: {  	[spmem:s3] =	stream.indirect.scatter.add.f32 [tilespmem:s29], [sflag:$0x3], $0x80, s31, s1, $0xb8;
	[tilespmem:$0x1E200] =	vst v63  }
.LBB2_11:
0x11a: {  	s9 =	sadd.s32 $0xFFFFFFB0, s16  }
0x11b: {  	s12 =	sadd.s32 $0xA0, s9  }
0x11c: {  	_ =	swait.ge [sflag:s2], $0x2800;
	v1 =	vmov s12  }
0x11d: {  	[sflag:s2] =	ssyncset.done $0x0;
	v1 =	vand.u32 $0xFFFFFFFC, v1  }
0x11e: {  	[sflag:s2] =	ssyncadd.s32 $0xFFFFD800;
	v1 =	vbroadcast v1, $0x0  }
0x11f: {  	_ =	swait.ge [sflag:s24], $0x2800  }
0x120: {  	s19 =	sshll.u32 s17, $0x8;
	[sflag:s24] =	ssyncset.done $0x0  }
0x121: {  	s21 =	simm.s32 $0x7880;
	s18 =	sadd.s32 $0x100, s19;
	[sflag:s24] =	ssyncadd.s32 $0xFFFFD800  }
0x122: {  	[tilespmem:s29], [sflag:$0x1] =	stream.indirect.gather [hbm4b:s0+s1], $0x80, s18, s1, $0xb8;
	[tilespmem:$0x1E200] =	vst v63  }
0x123: {  	v2 =	vld [tilespmem:s21+$0xFFFFFF70]  }
0x124: {  	v1 =	vld.idx.msk [tilespmem:v1+s28+$0x0], $0xffff  }
0x125: {  	v3 =	vld [tilespmem:s21+$0xFFFFFF00]  }
0x126: {  	v4 =	vld [tilespmem:s21+$0xFFFFFF20]  }
0x127: {  	v5 =	vld [tilespmem:s21+$0xFFFFFF50]  }
0x128: {  	v6 =	vld [tilespmem:s21+$0xFFFFFF40]  }
0x129: {  	v7 =	vld [tilespmem:s21+$0xFFFFFF60];
	v2 =	vmul.f32 v2, v1  }
0x12a: {  	s13 =	sadd.s32 $0xA1, s9;
	v8 =	vld [tilespmem:s21+$0xFFFFFF30];
	v3 =	vmul.f32 v3, v1  }
0x12b: {  	v9 =	vmov s13;
	v10 =	vld [tilespmem:s21+$0xFFFFFF10];
	v4 =	vmul.f32 v4, v1;
	[tilespmem:s21+$0xFFFFFF70] =	vst v2  }
0x12c: {  	v5 =	vmul.f32 v5, v1;
	v2 =	vand.u32 $0xFFFFFFFD, v9;
	[tilespmem:s21+$0xFFFFFF00] =	vst v3  }
0x12d: {  	v3 =	vmul.f32 v6, v1;
	[tilespmem:s21+$0xFFFFFF20] =	vst v4;
	v2 =	vbroadcast v2, $0x0  }
0x12e: {  	v4 =	vmul.f32 v7, v1;
	[tilespmem:s21+$0xFFFFFF50] =	vst v5  }
0x12f: {  	v5 =	vmul.f32 v8, v1;
	[tilespmem:s21+$0xFFFFFF40] =	vst v3  }
0x130: {  	v1 =	vmul.f32 v10, v1;
	[tilespmem:s21+$0xFFFFFF60] =	vst v4  }
0x131: {  	[tilespmem:s21+$0xFFFFFF30] =	vst v5  }
0x132: {  	[tilespmem:s21+$0xFFFFFF10] =	vst v1;
	v1 =	vld [tilespmem:s21+$0xFFFFFF90]  }
0x133: {  	v3 =	vld.idx.msk [tilespmem:v2+s28+$0x0], $0xffff  }
0x134: {  	v2 =	vld [tilespmem:s21+$0xFFFFFFA0]  }
0x135: {  	v4 =	vld [tilespmem:s21+$0xFFFFFF80]  }
0x136: {  	v5 =	vld [tilespmem:s21+$0xFFFFFFB0]  }
0x137: {  	v6 =	vld [tilespmem:s21+$0xFFFFFFC0]  }
0x138: {  	v7 =	vld [tilespmem:s21+$0xFFFFFFD0];
	v1 =	vmul.f32 v1, v3  }
0x139: {  	s22 =	sadd.s32 $0xA2, s9;
	v8 =	vld [tilespmem:s21+$0xFFFFFFF0];
	v2 =	vmul.f32 v2, v3  }
0x13a: {  	v62 =	vmov s22;
	v63 =	vld [tilespmem:s21+$0xFFFFFFE0];
	v4 =	vmul.f32 v4, v3;
	[tilespmem:s21+$0xFFFFFF90] =	vst v1  }
0x13b: {  	v5 =	vmul.f32 v5, v3;
	v1 =	vand.u32 $0xFFFFFFFE, v62;
	[tilespmem:s21+$0xFFFFFFA0] =	vst v2  }
0x13c: {  	v2 =	vmul.f32 v6, v3;
	[tilespmem:s21+$0xFFFFFF80] =	vst v4;
	v6 =	vld [tilespmem:s21+$0x60];
	v9 =	vbroadcast v1, $0x0  }
0x13d: {  	v4 =	vmul.f32 v7, v3;
	[tilespmem:s21+$0xFFFFFFB0] =	vst v5;
	v7 =	vld [tilespmem:s21+$0x0]  }
0x13e: {  	v5 =	vmul.f32 v8, v3;
	v1 =	vld [tilespmem:s21+$0x20];
	[tilespmem:s21+$0xFFFFFFC0] =	vst v2  }
0x13f: {  	v3 =	vmul.f32 v63, v3;
	v2 =	vld [tilespmem:s21+$0x30];
	[tilespmem:s21+$0xFFFFFFD0] =	vst v4  }
0x140: {  	[tilespmem:s21+$0xFFFFFFF0] =	vst v5;
	v4 =	vld [tilespmem:s21+$0x40]  }
0x141: {  	s9 =	sadd.s32 $0xA3, s9;
	[tilespmem:s21+$0xFFFFFFE0] =	vst v3;
	v5 =	vld [tilespmem:s21+$0x10]  }
0x142: {  	s22 =	sshllo.u32 s17, $0x1;
	s12 =	simm.s32 $0xFFFFFFB4;
	s13 =	simm.s32 $0x7880;
	v3 =	vld.idx.msk [tilespmem:v9+s28+$0x0], $0xffff  }
.LBB2_12:
0x143: {  	p0 =	sne.s32 s12, $0xFFFFFFFC  }
0x144: {  	v8 =	vld [tilespmem:s21+$0x50];
	s13 =	sadd.s32 $0x200, s13;
	s10 =	smov.u32 s12;
	s12 =	sadd.s32 $0x4, s12  }
0x145: {  	v9 =	vld [tilespmem:s21+$0x70];
	_ =	sdelay $0x1  }
0x146: {  	v6 =	vmul.f32 v6, v3;
	v7 =	vmul.f32 v7, v3  }
0x147: {  	v4 =	vmul.f32 v4, v3;
	v5 =	vmul.f32 v5, v3  }
0x148: {  	v1 =	vmul.f32 v1, v3;
	v2 =	vmul.f32 v2, v3;
	[tilespmem:s21+$0x60] =	vst v6  }
0x149: {  	[tilespmem:s21+$0x40] =	vst v4;
	v4 =	vmul.f32 v8, v3;
	v3 =	vmul.f32 v9, v3  }
0x14a: {  	[tilespmem:s21+$0x20] =	vst v1;
	v6 =	vld [tilespmem:s21+$0x80]  }
0x14b: {  	v1 =	vld [tilespmem:s13+$0x20];
	[tilespmem:s21+$0x0] =	vst v7;
	v7 =	vmov s9  }
0x14c: {  	[tilespmem:s21+$0x50] =	vst v4;
	v4 =	vld [tilespmem:s21+$0xE0]  }
0x14d: {  	[tilespmem:s21+$0x30] =	vst v2;
	v8 =	vld [tilespmem:s21+$0xC0]  }
0x14e: {  	v2 =	vld [tilespmem:s13+$0x30];
	[tilespmem:s21+$0x10] =	vst v5  }
0x14f: {  	[tilespmem:s21+$0x70] =	vst v3;
	v3 =	vld [tilespmem:s21+$0xA0]  }
0x150: {  	v5 =	vld.idx.msk [tilespmem:v7+s28+$0x0], $0xffff  }
0x151: {  	v7 =	vld [tilespmem:s21+$0x90]  }
0x152: {  	v9 =	vld [tilespmem:s21+$0xB0]  }
0x153: {  	v10 =	vld [tilespmem:s21+$0xD0]  }
0x154: {  	v11 =	vld [tilespmem:s21+$0xF0];
	_ =	sdelay $0x1  }
0x155: {  	s9 =	sadd.s32 s10, s16;
	v6 =	vmul.f32 v6, v5;
	v7 =	vmul.f32 v7, v5  }
0x156: {  	s10 =	sadd.s32 $0xA0, s9;
	s11 =	sadd.s32 $0xA1, s9;
	s5 =	sadd.s32 $0xA2, s9;
	v3 =	vmul.f32 v3, v5;
	v9 =	vmul.f32 v9, v5  }
0x157: {  	s9 =	sadd.s32 $0xA3, s9;
	v12 =	vmov s10;
	[tilespmem:s21+$0x80] =	vst v6;
	v6 =	vmul.f32 v8, v5;
	v8 =	vmul.f32 v10, v5  }
0x158: {  	v10 =	vand.u32 $0xFFFFFFFC, v12;
	[tilespmem:s21+$0xA0] =	vst v3;
	v3 =	vmul.f32 v4, v5;
	v4 =	vmul.f32 v11, v5  }
0x159: {  	v5 =	vbroadcast v10, $0x0;
	v10 =	vmov s11;
	v11 =	vmov s5;
	[tilespmem:s21+$0xC0] =	vst v6  }
0x15a: {  	v6 =	vand.u32 $0xFFFFFFFD, v10;
	v10 =	vand.u32 $0xFFFFFFFE, v11;
	[tilespmem:s21+$0xF0] =	vst v4  }
0x15b: {  	v4 =	vld [tilespmem:s13+$0xFFFFFF40];
	[tilespmem:s21+$0xE0] =	vst v3  }
0x15c: {  	v3 =	vld [tilespmem:s13+$0xFFFFFF50];
	[tilespmem:s21+$0x90] =	vst v7  }
0x15d: {  	v7 =	vld [tilespmem:s13+$0xFFFFFF60];
	[tilespmem:s21+$0xB0] =	vst v9  }
0x15e: {  	v9 =	vld [tilespmem:s13+$0xFFFFFF70];
	[tilespmem:s21+$0xD0] =	vst v8;
	s21 =	smov.u32 s13  }
0x15f: {  	v5 =	vld.idx.msk [tilespmem:v5+s28+$0x0], $0xffff  }
0x160: {  	v8 =	vld [tilespmem:s13+$0xFFFFFF00]  }
0x161: {  	v11 =	vld [tilespmem:s13+$0xFFFFFF20]  }
0x162: {  	v12 =	vld [tilespmem:s13+$0xFFFFFF10]  }
0x163: {  	v13 =	vld [tilespmem:s13+$0xFFFFFF30];
	_ =	sdelay $0x1  }
0x164: {  	v9 =	vmul.f32 v9, v5;
	v8 =	vmul.f32 v8, v5  }
0x165: {  	v7 =	vmul.f32 v7, v5;
	v11 =	vmul.f32 v11, v5  }
0x166: {  	v3 =	vmul.f32 v3, v5;
	v12 =	vmul.f32 v12, v5;
	[tilespmem:s13+$0xFFFFFF70] =	vst v9  }
0x167: {  	v4 =	vmul.f32 v4, v5;
	[tilespmem:s13+$0xFFFFFF00] =	vst v8;
	v8 =	vmul.f32 v13, v5  }
0x168: {  	v5 =	vbroadcast v6, $0x0;
	[tilespmem:s13+$0xFFFFFF20] =	vst v11  }
0x169: {  	[tilespmem:s13+$0xFFFFFF50] =	vst v3  }
0x16a: {  	[tilespmem:s13+$0xFFFFFF40] =	vst v4;
	v3 =	vld [tilespmem:s13+$0xFFFFFFF0]  }
0x16b: {  	[tilespmem:s13+$0xFFFFFF60] =	vst v7;
	v4 =	vld [tilespmem:s13+$0xFFFFFFC0]  }
0x16c: {  	[tilespmem:s13+$0xFFFFFF30] =	vst v8;
	v6 =	vld [tilespmem:s13+$0xFFFFFFD0]  }
0x16d: {  	[tilespmem:s13+$0xFFFFFF10] =	vst v12;
	v7 =	vld [tilespmem:s13+$0xFFFFFF90]  }
0x16e: {  	v5 =	vld.idx.msk [tilespmem:v5+s28+$0x0], $0xffff  }
0x16f: {  	v8 =	vld [tilespmem:s13+$0xFFFFFF80]  }
0x170: {  	v9 =	vld [tilespmem:s13+$0xFFFFFFA0]  }
0x171: {  	v11 =	vld [tilespmem:s13+$0xFFFFFFB0]  }
0x172: {  	v12 =	vld [tilespmem:s13+$0xFFFFFFE0];
	_ =	sdelay $0x1  }
0x173: {  	v7 =	vmul.f32 v7, v5;
	v8 =	vmul.f32 v8, v5  }
0x174: {  	v6 =	vmul.f32 v6, v5;
	v9 =	vmul.f32 v9, v5  }
0x175: {  	v4 =	vmul.f32 v4, v5;
	[tilespmem:s13+$0xFFFFFF90] =	vst v7;
	v7 =	vmul.f32 v11, v5  }
0x176: {  	v3 =	vmul.f32 v3, v5;
	[tilespmem:s13+$0xFFFFFFA0] =	vst v9;
	v9 =	vmul.f32 v12, v5  }
0x177: {  	v5 =	vbroadcast v10, $0x0;
	[tilespmem:s13+$0xFFFFFF80] =	vst v8  }
0x178: {  	[tilespmem:s13+$0xFFFFFFB0] =	vst v7  }
0x179: {  	[tilespmem:s13+$0xFFFFFFC0] =	vst v4  }
0x17a: {  	[tilespmem:s13+$0xFFFFFFD0] =	vst v6  }
.Ltmp4:
0x17b: {  	[tilespmem:s13+$0xFFFFFFF0] =	vst v3;
	v4 =	vld [tilespmem:s13+$0x40];
	(pc) =	sbr.rel @p0 .LBB2_12-.Ltmp4, $4  }
0x17c: {  	[tilespmem:s13+$0xFFFFFFE0] =	vst v9;
	v6 =	vld [tilespmem:s13+$0x60]  }
0x17d: {  	v3 =	vld.idx.msk [tilespmem:v5+s28+$0x0], $0xffff  }
0x17e: {  	v7 =	vld [tilespmem:s13+$0x0]  }
0x17f: {  	v5 =	vld [tilespmem:s13+$0x10]  }
0x180: {  	_ =	sdelay $0x1  }
0x181: {  	v6 =	vmul.f32 v6, v3  }
0x182: {  	v8 =	vld [tilespmem:s21+$0x50];
	v4 =	vmul.f32 v4, v3  }
0x183: {  	v9 =	vld [tilespmem:s21+$0x70];
	v1 =	vmul.f32 v1, v3;
	[tilespmem:s21+$0x60] =	vst v6  }
0x184: {  	v6 =	vmul.f32 v7, v3;
	[tilespmem:s21+$0x40] =	vst v4  }
0x185: {  	[tilespmem:s21+$0x20] =	vst v1;
	v1 =	vmul.f32 v2, v3  }
0x186: {  	v5 =	vmul.f32 v5, v3;
	[tilespmem:s21+$0x0] =	vst v6;
	v6 =	vmov s9  }
0x187: {  	v4 =	vmul.f32 v8, v3;
	[tilespmem:s21+$0x30] =	vst v1  }
0x188: {  	v3 =	vmul.f32 v9, v3;
	[tilespmem:s21+$0x10] =	vst v5  }
0x189: {  	[tilespmem:s21+$0x50] =	vst v4  }
0x18a: {  	v2 =	vld [tilespmem:s21+$0x80];
	[tilespmem:s21+$0x70] =	vst v3  }
0x18b: {  	v1 =	vld.idx.msk [tilespmem:v6+s28+$0x0], $0xffff  }
0x18c: {  	v3 =	vld [tilespmem:s21+$0xA0]  }
0x18d: {  	v4 =	vld [tilespmem:s21+$0xC0]  }
0x18e: {  	v5 =	vld [tilespmem:s21+$0xF0]  }
0x18f: {  	v6 =	vld [tilespmem:s21+$0xE0]  }
0x190: {  	v7 =	vld [tilespmem:s21+$0x90];
	v2 =	vmul.f32 v2, v1  }
0x191: {  	v8 =	vld [tilespmem:s21+$0xB0];
	v3 =	vmul.f32 v3, v1  }
0x192: {  	v60 =	vld [tilespmem:s21+$0xD0];
	[tilespmem:s21+$0x80] =	vst v2;
	v2 =	vmul.f32 v4, v1  }
0x193: {  	[tilespmem:s21+$0xA0] =	vst v3;
	v3 =	vmul.f32 v5, v1  }
0x194: {  	v4 =	vmul.f32 v6, v1;
	[tilespmem:s21+$0xC0] =	vst v2  }
0x195: {  	v2 =	vmul.f32 v7, v1;
	[tilespmem:s21+$0xF0] =	vst v3  }
0x196: {  	v3 =	vmul.f32 v8, v1;
	[tilespmem:s21+$0xE0] =	vst v4  }
0x197: {  	s5 =	sshll.u32 s22, $0x7;
	v1 =	vmul.f32 v60, v1;
	[tilespmem:s21+$0x90] =	vst v2  }
0x198: {  	s11 =	sadd.s32 $0xFFFFFFB0, s16;
	s5 =	sand.u32 $0x3FFFFF80, s5;
	[tilespmem:s21+$0xB0] =	vst v3  }
0x199: {  	s13 =	sadd.s32 $0xF0, s11;
	s5 =	sadd.s32 $0x1000, s5;
	[tilespmem:s21+$0xD0] =	vst v1  }
0x19a: {  	[spmem:s3] =	stream.indirect.scatter.add.f32 [tilespmem:s4], [sflag:$0x3], $0x80, s5, s1, $0xb8;
	[tilespmem:$0x1E200] =	vst v63  }
0x19b: {  	v1 =	vmov s13;
	_ =	swait.ge [sflag:s26], $0x2800  }
0x19c: {  	v1 =	vand.u32 $0xFFFFFFFC, v1;
	[sflag:s26] =	ssyncset.done $0x0  }
0x19d: {  	v1 =	vbroadcast v1, $0x0;
	[sflag:s26] =	ssyncadd.s32 $0xFFFFD800  }
0x19e: {  	_ =	swait.ge [sflag:s24], $0x2800  }
0x19f: {  	s19 =	sand.u32 $0x3FFFFF00, s19;
	[sflag:s24] =	ssyncset.done $0x0  }
0x1a0: {  	s5 =	sadd.s32 $0x180, s19;
	s19 =	simm.s32 $0x5080;
	[sflag:s24] =	ssyncadd.s32 $0xFFFFD800  }
0x1a1: {  	[tilespmem:s4], [sflag:$0x2] =	stream.indirect.gather [hbm4b:s0+s1], $0x80, s5, s1, $0xb8;
	[tilespmem:$0x1E200] =	vst v63  }
0x1a2: {  	v2 =	vld [tilespmem:s19+$0xFFFFFF70]  }
0x1a3: {  	v1 =	vld.idx.msk [tilespmem:v1+s28+$0x0], $0xffff  }
0x1a4: {  	v3 =	vld [tilespmem:s19+$0xFFFFFF00]  }
0x1a5: {  	v4 =	vld [tilespmem:s19+$0xFFFFFF20]  }
0x1a6: {  	v5 =	vld [tilespmem:s19+$0xFFFFFF50]  }
0x1a7: {  	v6 =	vld [tilespmem:s19+$0xFFFFFF40]  }
0x1a8: {  	v7 =	vld [tilespmem:s19+$0xFFFFFF60];
	v2 =	vmul.f32 v2, v1  }
0x1a9: {  	s21 =	sadd.s32 $0xF1, s11;
	v8 =	vld [tilespmem:s19+$0xFFFFFF30];
	v3 =	vmul.f32 v3, v1  }
0x1aa: {  	v61 =	vmov s21;
	v10 =	vld [tilespmem:s19+$0xFFFFFF10];
	v4 =	vmul.f32 v4, v1;
	[tilespmem:s19+$0xFFFFFF70] =	vst v2  }
0x1ab: {  	v5 =	vmul.f32 v5, v1;
	v2 =	vand.u32 $0xFFFFFFFD, v61;
	[tilespmem:s19+$0xFFFFFF00] =	vst v3  }
0x1ac: {  	v3 =	vmul.f32 v6, v1;
	[tilespmem:s19+$0xFFFFFF20] =	vst v4;
	v2 =	vbroadcast v2, $0x0  }
0x1ad: {  	v4 =	vmul.f32 v7, v1;
	[tilespmem:s19+$0xFFFFFF50] =	vst v5  }
0x1ae: {  	v5 =	vmul.f32 v8, v1;
	[tilespmem:s19+$0xFFFFFF40] =	vst v3  }
0x1af: {  	v1 =	vmul.f32 v10, v1;
	[tilespmem:s19+$0xFFFFFF60] =	vst v4  }
0x1b0: {  	[tilespmem:s19+$0xFFFFFF30] =	vst v5  }
0x1b1: {  	[tilespmem:s19+$0xFFFFFF10] =	vst v1;
	v1 =	vld [tilespmem:s19+$0xFFFFFF90]  }
0x1b2: {  	v3 =	vld.idx.msk [tilespmem:v2+s28+$0x0], $0xffff  }
0x1b3: {  	v2 =	vld [tilespmem:s19+$0xFFFFFFA0]  }
0x1b4: {  	v4 =	vld [tilespmem:s19+$0xFFFFFF80]  }
0x1b5: {  	v5 =	vld [tilespmem:s19+$0xFFFFFFB0]  }
0x1b6: {  	v6 =	vld [tilespmem:s19+$0xFFFFFFC0]  }
0x1b7: {  	v7 =	vld [tilespmem:s19+$0xFFFFFFD0];
	v1 =	vmul.f32 v1, v3  }
0x1b8: {  	s22 =	sadd.s32 $0xF2, s11;
	v8 =	vld [tilespmem:s19+$0xFFFFFFF0];
	v2 =	vmul.f32 v2, v3  }
0x1b9: {  	v62 =	vmov s22;
	v63 =	vld [tilespmem:s19+$0xFFFFFFE0];
	v4 =	vmul.f32 v4, v3;
	[tilespmem:s19+$0xFFFFFF90] =	vst v1  }
0x1ba: {  	v5 =	vmul.f32 v5, v3;
	v1 =	vand.u32 $0xFFFFFFFE, v62;
	[tilespmem:s19+$0xFFFFFFA0] =	vst v2  }
0x1bb: {  	v2 =	vmul.f32 v6, v3;
	[tilespmem:s19+$0xFFFFFF80] =	vst v4;
	v6 =	vld [tilespmem:s19+$0x60];
	v9 =	vbroadcast v1, $0x0  }
0x1bc: {  	v4 =	vmul.f32 v7, v3;
	[tilespmem:s19+$0xFFFFFFB0] =	vst v5;
	v7 =	vld [tilespmem:s19+$0x0]  }
0x1bd: {  	v5 =	vmul.f32 v8, v3;
	v1 =	vld [tilespmem:s19+$0x20];
	[tilespmem:s19+$0xFFFFFFC0] =	vst v2  }
0x1be: {  	v3 =	vmul.f32 v63, v3;
	v2 =	vld [tilespmem:s19+$0x30];
	[tilespmem:s19+$0xFFFFFFD0] =	vst v4  }
0x1bf: {  	[tilespmem:s19+$0xFFFFFFF0] =	vst v5;
	v4 =	vld [tilespmem:s19+$0x40]  }
0x1c0: {  	[tilespmem:s19+$0xFFFFFFE0] =	vst v3;
	v5 =	vld [tilespmem:s19+$0x10]  }
0x1c1: {  	s12 =	simm.s32 $0xFFFFFFB4;
	s9 =	sadd.s32 $0xF3, s11;
	s13 =	simm.s32 $0x5080;
	v3 =	vld.idx.msk [tilespmem:v9+s28+$0x0], $0xffff  }
.LBB2_14:
0x1c2: {  	p0 =	sne.s32 s12, $0xFFFFFFFC  }
0x1c3: {  	v8 =	vld [tilespmem:s19+$0x50];
	s13 =	sadd.s32 $0x200, s13;
	s5 =	smov.u32 s12;
	s12 =	sadd.s32 $0x4, s12  }
0x1c4: {  	v9 =	vld [tilespmem:s19+$0x70];
	_ =	sdelay $0x1  }
0x1c5: {  	v6 =	vmul.f32 v6, v3;
	v7 =	vmul.f32 v7, v3  }
0x1c6: {  	v4 =	vmul.f32 v4, v3;
	v5 =	vmul.f32 v5, v3  }
0x1c7: {  	v1 =	vmul.f32 v1, v3;
	v2 =	vmul.f32 v2, v3;
	[tilespmem:s19+$0x60] =	vst v6  }
0x1c8: {  	[tilespmem:s19+$0x40] =	vst v4;
	v4 =	vmul.f32 v8, v3;
	v3 =	vmul.f32 v9, v3  }
0x1c9: {  	[tilespmem:s19+$0x20] =	vst v1;
	v6 =	vld [tilespmem:s19+$0x80]  }
0x1ca: {  	v1 =	vld [tilespmem:s13+$0x20];
	[tilespmem:s19+$0x0] =	vst v7;
	v7 =	vmov s9  }
0x1cb: {  	[tilespmem:s19+$0x50] =	vst v4;
	v4 =	vld [tilespmem:s19+$0xE0]  }
0x1cc: {  	[tilespmem:s19+$0x30] =	vst v2;
	v8 =	vld [tilespmem:s19+$0xC0]  }
0x1cd: {  	v2 =	vld [tilespmem:s13+$0x30];
	[tilespmem:s19+$0x10] =	vst v5  }
0x1ce: {  	[tilespmem:s19+$0x70] =	vst v3;
	v3 =	vld [tilespmem:s19+$0xA0]  }
0x1cf: {  	v5 =	vld.idx.msk [tilespmem:v7+s28+$0x0], $0xffff  }
0x1d0: {  	v7 =	vld [tilespmem:s19+$0x90]  }
0x1d1: {  	v9 =	vld [tilespmem:s19+$0xB0]  }
0x1d2: {  	v10 =	vld [tilespmem:s19+$0xD0]  }
0x1d3: {  	v11 =	vld [tilespmem:s19+$0xF0];
	_ =	sdelay $0x1  }
0x1d4: {  	s5 =	sadd.s32 s5, s16;
	v6 =	vmul.f32 v6, v5;
	v7 =	vmul.f32 v7, v5  }
0x1d5: {  	s10 =	sadd.s32 $0xF1, s5;
	s11 =	sadd.s32 $0xF2, s5;
	s9 =	sadd.s32 $0xF0, s5;
	v3 =	vmul.f32 v3, v5;
	v9 =	vmul.f32 v9, v5  }
0x1d6: {  	v12 =	vmov s9;
	s9 =	sadd.s32 $0xF3, s5;
	[tilespmem:s19+$0x80] =	vst v6;
	v6 =	vmul.f32 v8, v5;
	v8 =	vmul.f32 v10, v5  }
0x1d7: {  	v10 =	vand.u32 $0xFFFFFFFC, v12;
	[tilespmem:s19+$0xA0] =	vst v3;
	v3 =	vmul.f32 v4, v5;
	v4 =	vmul.f32 v11, v5  }
0x1d8: {  	v5 =	vbroadcast v10, $0x0;
	v10 =	vmov s10;
	v11 =	vmov s11;
	[tilespmem:s19+$0xC0] =	vst v6  }
0x1d9: {  	v6 =	vand.u32 $0xFFFFFFFD, v10;
	v10 =	vand.u32 $0xFFFFFFFE, v11;
	[tilespmem:s19+$0xF0] =	vst v4  }
0x1da: {  	v4 =	vld [tilespmem:s13+$0xFFFFFF40];
	[tilespmem:s19+$0xE0] =	vst v3  }
0x1db: {  	v3 =	vld [tilespmem:s13+$0xFFFFFF50];
	[tilespmem:s19+$0x90] =	vst v7  }
0x1dc: {  	v7 =	vld [tilespmem:s13+$0xFFFFFF60];
	[tilespmem:s19+$0xB0] =	vst v9  }
0x1dd: {  	v9 =	vld [tilespmem:s13+$0xFFFFFF70];
	[tilespmem:s19+$0xD0] =	vst v8;
	s19 =	smov.u32 s13  }
0x1de: {  	v5 =	vld.idx.msk [tilespmem:v5+s28+$0x0], $0xffff  }
0x1df: {  	v8 =	vld [tilespmem:s13+$0xFFFFFF00]  }
0x1e0: {  	v11 =	vld [tilespmem:s13+$0xFFFFFF20]  }
0x1e1: {  	v12 =	vld [tilespmem:s13+$0xFFFFFF10]  }
0x1e2: {  	v13 =	vld [tilespmem:s13+$0xFFFFFF30];
	_ =	sdelay $0x1  }
0x1e3: {  	v9 =	vmul.f32 v9, v5;
	v8 =	vmul.f32 v8, v5  }
0x1e4: {  	v7 =	vmul.f32 v7, v5;
	v11 =	vmul.f32 v11, v5  }
0x1e5: {  	v3 =	vmul.f32 v3, v5;
	v12 =	vmul.f32 v12, v5;
	[tilespmem:s13+$0xFFFFFF70] =	vst v9  }
0x1e6: {  	v4 =	vmul.f32 v4, v5;
	[tilespmem:s13+$0xFFFFFF00] =	vst v8;
	v8 =	vmul.f32 v13, v5  }
0x1e7: {  	v5 =	vbroadcast v6, $0x0;
	[tilespmem:s13+$0xFFFFFF20] =	vst v11  }
0x1e8: {  	[tilespmem:s13+$0xFFFFFF50] =	vst v3  }
0x1e9: {  	[tilespmem:s13+$0xFFFFFF40] =	vst v4;
	v3 =	vld [tilespmem:s13+$0xFFFFFFF0]  }
0x1ea: {  	[tilespmem:s13+$0xFFFFFF60] =	vst v7;
	v4 =	vld [tilespmem:s13+$0xFFFFFFC0]  }
0x1eb: {  	[tilespmem:s13+$0xFFFFFF30] =	vst v8;
	v6 =	vld [tilespmem:s13+$0xFFFFFFD0]  }
0x1ec: {  	[tilespmem:s13+$0xFFFFFF10] =	vst v12;
	v7 =	vld [tilespmem:s13+$0xFFFFFF90]  }
0x1ed: {  	v5 =	vld.idx.msk [tilespmem:v5+s28+$0x0], $0xffff  }
0x1ee: {  	v8 =	vld [tilespmem:s13+$0xFFFFFF80]  }
0x1ef: {  	v9 =	vld [tilespmem:s13+$0xFFFFFFA0]  }
0x1f0: {  	v11 =	vld [tilespmem:s13+$0xFFFFFFB0]  }
0x1f1: {  	v12 =	vld [tilespmem:s13+$0xFFFFFFE0];
	_ =	sdelay $0x1  }
0x1f2: {  	v7 =	vmul.f32 v7, v5;
	v8 =	vmul.f32 v8, v5  }
0x1f3: {  	v6 =	vmul.f32 v6, v5;
	v9 =	vmul.f32 v9, v5  }
0x1f4: {  	v4 =	vmul.f32 v4, v5;
	[tilespmem:s13+$0xFFFFFF90] =	vst v7;
	v7 =	vmul.f32 v11, v5  }
0x1f5: {  	v3 =	vmul.f32 v3, v5;
	[tilespmem:s13+$0xFFFFFFA0] =	vst v9;
	v9 =	vmul.f32 v12, v5  }
0x1f6: {  	v5 =	vbroadcast v10, $0x0;
	[tilespmem:s13+$0xFFFFFF80] =	vst v8  }
0x1f7: {  	[tilespmem:s13+$0xFFFFFFB0] =	vst v7  }
0x1f8: {  	[tilespmem:s13+$0xFFFFFFC0] =	vst v4  }
0x1f9: {  	[tilespmem:s13+$0xFFFFFFD0] =	vst v6  }
.Ltmp5:
0x1fa: {  	[tilespmem:s13+$0xFFFFFFF0] =	vst v3;
	v4 =	vld [tilespmem:s13+$0x40];
	(pc) =	sbr.rel @p0 .LBB2_14-.Ltmp5, $4  }
0x1fb: {  	[tilespmem:s13+$0xFFFFFFE0] =	vst v9;
	v6 =	vld [tilespmem:s13+$0x60]  }
0x1fc: {  	v3 =	vld.idx.msk [tilespmem:v5+s28+$0x0], $0xffff  }
0x1fd: {  	v7 =	vld [tilespmem:s13+$0x0]  }
0x1fe: {  	v5 =	vld [tilespmem:s13+$0x10]  }
0x1ff: {  	_ =	sdelay $0x1  }
0x200: {  	v6 =	vmul.f32 v6, v3  }
0x201: {  	v8 =	vld [tilespmem:s19+$0x50];
	v4 =	vmul.f32 v4, v3  }
0x202: {  	v9 =	vld [tilespmem:s19+$0x70];
	v1 =	vmul.f32 v1, v3;
	[tilespmem:s19+$0x60] =	vst v6  }
0x203: {  	v54 =	vmul.f32 v7, v3;
	[tilespmem:s19+$0x40] =	vst v4  }
0x204: {  	[tilespmem:s19+$0x20] =	vst v1;
	v1 =	vmul.f32 v2, v3  }
0x205: {  	v56 =	vmov s9;
	v5 =	vmul.f32 v5, v3;
	[tilespmem:s19+$0x0] =	vst v54  }
0x206: {  	v55 =	vmul.f32 v8, v3;
	[tilespmem:s19+$0x30] =	vst v1  }
0x207: {  	v3 =	vmul.f32 v9, v3;
	[tilespmem:s19+$0x10] =	vst v5  }
0x208: {  	[tilespmem:s19+$0x50] =	vst v55  }
0x209: {  	v2 =	vld [tilespmem:s19+$0x80];
	[tilespmem:s19+$0x70] =	vst v3  }
0x20a: {  	v1 =	vld.idx.msk [tilespmem:v56+s28+$0x0], $0xffff  }
0x20b: {  	v3 =	vld [tilespmem:s19+$0xA0]  }
0x20c: {  	v59 =	vld [tilespmem:s19+$0xE0]  }
0x20d: {  	v57 =	vld [tilespmem:s19+$0xC0]  }
0x20e: {  	v58 =	vld [tilespmem:s19+$0xF0]  }
0x20f: {  	v60 =	vld [tilespmem:s19+$0x90];
	v2 =	vmul.f32 v2, v1  }
0x210: {  	v61 =	vld [tilespmem:s19+$0xB0];
	v3 =	vmul.f32 v3, v1  }
0x211: {  	v62 =	vld [tilespmem:s19+$0xD0];
	v63 =	vmul.f32 v59, v1;
	[tilespmem:s19+$0x80] =	vst v2  }
0x212: {  	v2 =	vmul.f32 v57, v1;
	[tilespmem:s19+$0xA0] =	vst v3  }
0x213: {  	s17 =	sadd.s32 $0x1, s17;
	v3 =	vmul.f32 v58, v1;
	[tilespmem:s19+$0xE0] =	vst v63  }
0x214: {  	p0 =	sne.s32 s17, $0xB;
	[tilespmem:s19+$0xC0] =	vst v2;
	v2 =	vmul.f32 v60, v1  }
.Ltmp6:
0x215: {  	[tilespmem:s19+$0xF0] =	vst v3;
	v3 =	vmul.f32 v61, v1;
	(pc) =	sbr.rel @p0 .LBB2_11-.Ltmp6, $4  }
0x216: {  	v1 =	vmul.f32 v62, v1;
	[tilespmem:s19+$0x90] =	vst v2  }
0x217: {  	[tilespmem:s19+$0xB0] =	vst v3  }
0x218: {  	s5 =	sadd.s32 $0x1000, s18;
	s16 =	sadd.s32 $0xA0, s16;
	[tilespmem:s19+$0xD0] =	vst v1  }
0x219: {  	[spmem:s3] =	stream.indirect.scatter.add.f32 [tilespmem:s29], [sflag:$0x3], $0x80, s5, s1, $0xb8;
	[tilespmem:$0x1E200] =	vst v63  }
0x21a: {  	s17 =	simm.s32 $0x730  }
0x21b: {  	_ =	swait.ge [sflag:s2], $0x2800;
	v1 =	vmov s17  }
0x21c: {  	[sflag:s2] =	ssyncset.done $0x0;
	v1 =	vand.u32 $0xFFFFFFFC, v1  }
0x21d: {  	[sflag:s2] =	ssyncadd.s32 $0xFFFFD800;
	v1 =	vbroadcast v1, $0x0  }
0x21e: {  	_ =	swait.ge [sflag:s24], $0x2800  }
0x21f: {  	[sflag:s24] =	ssyncset.done $0x0  }
0x220: {  	s5 =	simm.s32 $0xC00;
	s16 =	simm.s32 $0x7880;
	[sflag:s24] =	ssyncadd.s32 $0xFFFFD800  }
0x221: {  	[tilespmem:s29], [sflag:$0x1] =	stream.indirect.gather [hbm4b:s0+s1], $0x80, s5, s1, $0xb8;
	[tilespmem:$0x1E200] =	vst v63  }
0x222: {  	v2 =	vld [tilespmem:s16+$0xFFFFFF70]  }
0x223: {  	v1 =	vld.idx.msk [tilespmem:v1+s28+$0x0], $0xffff  }
0x224: {  	v3 =	vld [tilespmem:s16+$0xFFFFFF00]  }
0x225: {  	v4 =	vld [tilespmem:s16+$0xFFFFFF20]  }
0x226: {  	v5 =	vld [tilespmem:s16+$0xFFFFFF50]  }
0x227: {  	v6 =	vld [tilespmem:s16+$0xFFFFFF40]  }
0x228: {  	v7 =	vld [tilespmem:s16+$0xFFFFFF60];
	v2 =	vmul.f32 v2, v1  }
0x229: {  	s21 =	simm.s32 $0x731;
	v8 =	vld [tilespmem:s16+$0xFFFFFF30];
	v3 =	vmul.f32 v3, v1  }
0x22a: {  	v9 =	vld [tilespmem:s16+$0xFFFFFF10];
	v4 =	vmul.f32 v4, v1;
	[tilespmem:s16+$0xFFFFFF70] =	vst v2;
	v2 =	vmov s21  }
0x22b: {  	v5 =	vmul.f32 v5, v1;
	[tilespmem:s16+$0xFFFFFF00] =	vst v3;
	v2 =	vand.u32 $0xFFFFFFFD, v2  }
0x22c: {  	v3 =	vmul.f32 v6, v1;
	[tilespmem:s16+$0xFFFFFF20] =	vst v4;
	v2 =	vbroadcast v2, $0x0  }
0x22d: {  	v4 =	vmul.f32 v7, v1;
	[tilespmem:s16+$0xFFFFFF50] =	vst v5  }
0x22e: {  	v5 =	vmul.f32 v8, v1;
	[tilespmem:s16+$0xFFFFFF40] =	vst v3  }
0x22f: {  	v1 =	vmul.f32 v9, v1;
	[tilespmem:s16+$0xFFFFFF60] =	vst v4  }
0x230: {  	[tilespmem:s16+$0xFFFFFF30] =	vst v5  }
0x231: {  	[tilespmem:s16+$0xFFFFFF10] =	vst v1;
	v1 =	vld [tilespmem:s16+$0xFFFFFF90]  }
0x232: {  	v3 =	vld.idx.msk [tilespmem:v2+s28+$0x0], $0xffff  }
0x233: {  	v2 =	vld [tilespmem:s16+$0xFFFFFFA0]  }
0x234: {  	v4 =	vld [tilespmem:s16+$0xFFFFFF80]  }
0x235: {  	v5 =	vld [tilespmem:s16+$0xFFFFFFB0]  }
0x236: {  	v6 =	vld [tilespmem:s16+$0xFFFFFFC0]  }
0x237: {  	v7 =	vld [tilespmem:s16+$0xFFFFFFD0];
	v1 =	vmul.f32 v1, v3  }
0x238: {  	s22 =	simm.s32 $0x732;
	v8 =	vld [tilespmem:s16+$0xFFFFFFF0];
	v2 =	vmul.f32 v2, v3  }
0x239: {  	v63 =	vld [tilespmem:s16+$0xFFFFFFE0];
	v4 =	vmul.f32 v4, v3;
	[tilespmem:s16+$0xFFFFFF90] =	vst v1;
	v1 =	vmov s22  }
0x23a: {  	v5 =	vmul.f32 v5, v3;
	[tilespmem:s16+$0xFFFFFFA0] =	vst v2;
	v1 =	vand.u32 $0xFFFFFFFE, v1  }
0x23b: {  	v2 =	vmul.f32 v6, v3;
	[tilespmem:s16+$0xFFFFFF80] =	vst v4;
	v6 =	vld [tilespmem:s16+$0x60];
	v10 =	vbroadcast v1, $0x0  }
0x23c: {  	v4 =	vmul.f32 v7, v3;
	[tilespmem:s16+$0xFFFFFFB0] =	vst v5;
	v7 =	vld [tilespmem:s16+$0x0]  }
0x23d: {  	v5 =	vmul.f32 v8, v3;
	v1 =	vld [tilespmem:s16+$0x20];
	[tilespmem:s16+$0xFFFFFFC0] =	vst v2  }
0x23e: {  	v3 =	vmul.f32 v63, v3;
	v2 =	vld [tilespmem:s16+$0x30];
	[tilespmem:s16+$0xFFFFFFD0] =	vst v4  }
0x23f: {  	[tilespmem:s16+$0xFFFFFFF0] =	vst v5;
	v4 =	vld [tilespmem:s16+$0x40]  }
0x240: {  	[tilespmem:s16+$0xFFFFFFE0] =	vst v3;
	v5 =	vld [tilespmem:s16+$0x10]  }
0x241: {  	s12 =	simm.s32 $0x734;
	s13 =	simm.s32 $0x7880;
	v3 =	vld.idx.msk [tilespmem:v10+s28+$0x0], $0xffff  }
.LBB2_17:
0x242: {  	p0 =	sne.s32 s12, $0x77C  }
0x243: {  	v8 =	vld [tilespmem:s16+$0x50];
	s13 =	sadd.s32 $0x200, s13;
	s5 =	smov.u32 s12;
	s12 =	sadd.s32 $0x4, s12  }
0x244: {  	v9 =	vld [tilespmem:s16+$0x70];
	_ =	sdelay $0x1  }
0x245: {  	v6 =	vmul.f32 v6, v3;
	v7 =	vmul.f32 v7, v3  }
0x246: {  	v4 =	vmul.f32 v4, v3;
	v5 =	vmul.f32 v5, v3  }
0x247: {  	v1 =	vmul.f32 v1, v3;
	v2 =	vmul.f32 v2, v3;
	[tilespmem:s16+$0x60] =	vst v6  }
0x248: {  	[tilespmem:s16+$0x40] =	vst v4;
	v4 =	vmul.f32 v8, v3;
	v3 =	vmul.f32 v9, v3  }
0x249: {  	s9 =	sadd.s32 $0x3, s17;
	s17 =	smov.u32 s5;
	[tilespmem:s16+$0x20] =	vst v1;
	v6 =	vld [tilespmem:s16+$0x80]  }
0x24a: {  	v1 =	vld [tilespmem:s13+$0x20];
	[tilespmem:s16+$0x0] =	vst v7;
	v7 =	vmov s9  }
0x24b: {  	[tilespmem:s16+$0x50] =	vst v4;
	v4 =	vld [tilespmem:s16+$0xE0]  }
0x24c: {  	[tilespmem:s16+$0x30] =	vst v2;
	v8 =	vld [tilespmem:s16+$0xC0]  }
0x24d: {  	v2 =	vld [tilespmem:s13+$0x30];
	[tilespmem:s16+$0x10] =	vst v5  }
0x24e: {  	[tilespmem:s16+$0x70] =	vst v3;
	v3 =	vld [tilespmem:s16+$0xA0]  }
0x24f: {  	v5 =	vld.idx.msk [tilespmem:v7+s28+$0x0], $0xffff  }
0x250: {  	v7 =	vld [tilespmem:s16+$0x90]  }
0x251: {  	v9 =	vld [tilespmem:s16+$0xB0]  }
0x252: {  	v10 =	vld [tilespmem:s16+$0xD0]  }
0x253: {  	v11 =	vld [tilespmem:s16+$0xF0];
	_ =	sdelay $0x1  }
0x254: {  	v6 =	vmul.f32 v6, v5;
	v7 =	vmul.f32 v7, v5  }
0x255: {  	v3 =	vmul.f32 v3, v5;
	v9 =	vmul.f32 v9, v5  }
0x256: {  	v12 =	vmov s17;
	[tilespmem:s16+$0x80] =	vst v6;
	v6 =	vmul.f32 v8, v5;
	v8 =	vmul.f32 v10, v5  }
0x257: {  	v10 =	vand.u32 $0xFFFFFFFC, v12;
	[tilespmem:s16+$0xA0] =	vst v3;
	v3 =	vmul.f32 v4, v5;
	v4 =	vmul.f32 v11, v5  }
0x258: {  	v5 =	vbroadcast v10, $0x0;
	[tilespmem:s16+$0xC0] =	vst v6  }
0x259: {  	[tilespmem:s16+$0xF0] =	vst v4  }
0x25a: {  	v4 =	vld [tilespmem:s13+$0xFFFFFF40];
	[tilespmem:s16+$0xE0] =	vst v3  }
0x25b: {  	v3 =	vld [tilespmem:s13+$0xFFFFFF50];
	[tilespmem:s16+$0x90] =	vst v7  }
0x25c: {  	v6 =	vld [tilespmem:s13+$0xFFFFFF60];
	[tilespmem:s16+$0xB0] =	vst v9  }
0x25d: {  	v7 =	vld [tilespmem:s13+$0xFFFFFF70];
	[tilespmem:s16+$0xD0] =	vst v8;
	s16 =	smov.u32 s13  }
0x25e: {  	v5 =	vld.idx.msk [tilespmem:v5+s28+$0x0], $0xffff  }
0x25f: {  	v8 =	vld [tilespmem:s13+$0xFFFFFF00]  }
0x260: {  	v9 =	vld [tilespmem:s13+$0xFFFFFF20]  }
0x261: {  	v10 =	vld [tilespmem:s13+$0xFFFFFF10]  }
0x262: {  	v11 =	vld [tilespmem:s13+$0xFFFFFF30];
	_ =	sdelay $0x1  }
0x263: {  	v7 =	vmul.f32 v7, v5;
	v8 =	vmul.f32 v8, v5  }
0x264: {  	s5 =	sadd.s32 $0x1, s17;
	v6 =	vmul.f32 v6, v5;
	v9 =	vmul.f32 v9, v5  }
0x265: {  	v3 =	vmul.f32 v3, v5;
	v10 =	vmul.f32 v10, v5;
	[tilespmem:s13+$0xFFFFFF70] =	vst v7;
	v7 =	vmov s5  }
0x266: {  	v4 =	vmul.f32 v4, v5;
	[tilespmem:s13+$0xFFFFFF00] =	vst v8;
	v8 =	vmul.f32 v11, v5;
	v5 =	vand.u32 $0xFFFFFFFD, v7  }
0x267: {  	[tilespmem:s13+$0xFFFFFF20] =	vst v9;
	v5 =	vbroadcast v5, $0x0  }
0x268: {  	[tilespmem:s13+$0xFFFFFF50] =	vst v3  }
0x269: {  	[tilespmem:s13+$0xFFFFFF40] =	vst v4;
	v3 =	vld [tilespmem:s13+$0xFFFFFFF0]  }
0x26a: {  	[tilespmem:s13+$0xFFFFFF60] =	vst v6;
	v4 =	vld [tilespmem:s13+$0xFFFFFFC0]  }
0x26b: {  	[tilespmem:s13+$0xFFFFFF30] =	vst v8;
	v6 =	vld [tilespmem:s13+$0xFFFFFFD0]  }
0x26c: {  	[tilespmem:s13+$0xFFFFFF10] =	vst v10;
	v7 =	vld [tilespmem:s13+$0xFFFFFF90]  }
0x26d: {  	v5 =	vld.idx.msk [tilespmem:v5+s28+$0x0], $0xffff  }
0x26e: {  	v8 =	vld [tilespmem:s13+$0xFFFFFF80]  }
0x26f: {  	v9 =	vld [tilespmem:s13+$0xFFFFFFA0]  }
0x270: {  	v10 =	vld [tilespmem:s13+$0xFFFFFFB0]  }
0x271: {  	v11 =	vld [tilespmem:s13+$0xFFFFFFE0];
	_ =	sdelay $0x1  }
0x272: {  	v7 =	vmul.f32 v7, v5;
	v8 =	vmul.f32 v8, v5  }
0x273: {  	s5 =	sadd.s32 $0x2, s17;
	v6 =	vmul.f32 v6, v5;
	v9 =	vmul.f32 v9, v5  }
0x274: {  	v4 =	vmul.f32 v4, v5;
	[tilespmem:s13+$0xFFFFFF90] =	vst v7;
	v7 =	vmul.f32 v10, v5;
	v10 =	vmov s5  }
0x275: {  	v3 =	vmul.f32 v3, v5;
	[tilespmem:s13+$0xFFFFFFA0] =	vst v9;
	v9 =	vmul.f32 v11, v5;
	v5 =	vand.u32 $0xFFFFFFFE, v10  }
0x276: {  	[tilespmem:s13+$0xFFFFFF80] =	vst v8;
	v5 =	vbroadcast v5, $0x0  }
0x277: {  	[tilespmem:s13+$0xFFFFFFB0] =	vst v7  }
0x278: {  	[tilespmem:s13+$0xFFFFFFC0] =	vst v4  }
0x279: {  	[tilespmem:s13+$0xFFFFFFD0] =	vst v6  }
.Ltmp7:
0x27a: {  	[tilespmem:s13+$0xFFFFFFF0] =	vst v3;
	v4 =	vld [tilespmem:s13+$0x40];
	(pc) =	sbr.rel @p0 .LBB2_17-.Ltmp7, $4  }
0x27b: {  	[tilespmem:s13+$0xFFFFFFE0] =	vst v9;
	v6 =	vld [tilespmem:s13+$0x60]  }
0x27c: {  	v3 =	vld.idx.msk [tilespmem:v5+s28+$0x0], $0xffff  }
0x27d: {  	v7 =	vld [tilespmem:s13+$0x0]  }
0x27e: {  	v5 =	vld [tilespmem:s13+$0x10]  }
0x27f: {  	_ =	sdelay $0x1  }
0x280: {  	v6 =	vmul.f32 v6, v3  }
0x281: {  	v8 =	vld [tilespmem:s16+$0x50];
	v4 =	vmul.f32 v4, v3  }
0x282: {  	v9 =	vld [tilespmem:s16+$0x70];
	v1 =	vmul.f32 v1, v3;
	[tilespmem:s16+$0x60] =	vst v6  }
0x283: {  	v6 =	vmul.f32 v7, v3;
	[tilespmem:s16+$0x40] =	vst v4  }
0x284: {  	s5 =	sadd.s32 $0x3, s17;
	[tilespmem:s16+$0x20] =	vst v1;
	v1 =	vmul.f32 v2, v3  }
0x285: {  	v5 =	vmul.f32 v5, v3;
	[tilespmem:s16+$0x0] =	vst v6;
	v6 =	vmov s5  }
0x286: {  	v4 =	vmul.f32 v8, v3;
	[tilespmem:s16+$0x30] =	vst v1  }
0x287: {  	v3 =	vmul.f32 v9, v3;
	[tilespmem:s16+$0x10] =	vst v5  }
0x288: {  	[tilespmem:s16+$0x50] =	vst v4  }
0x289: {  	v2 =	vld [tilespmem:s16+$0x80];
	[tilespmem:s16+$0x70] =	vst v3  }
0x28a: {  	v1 =	vld.idx.msk [tilespmem:v6+s28+$0x0], $0xffff  }
0x28b: {  	v3 =	vld [tilespmem:s16+$0xA0]  }
0x28c: {  	v4 =	vld [tilespmem:s16+$0xC0]  }
0x28d: {  	v5 =	vld [tilespmem:s16+$0xF0]  }
0x28e: {  	v6 =	vld [tilespmem:s16+$0xE0]  }
0x28f: {  	v7 =	vld [tilespmem:s16+$0x90];
	v2 =	vmul.f32 v2, v1  }
0x290: {  	v8 =	vld [tilespmem:s16+$0xB0];
	v3 =	vmul.f32 v3, v1  }
0x291: {  	v61 =	vld [tilespmem:s16+$0xD0];
	[tilespmem:s16+$0x80] =	vst v2;
	v2 =	vmul.f32 v4, v1  }
0x292: {  	[tilespmem:s16+$0xA0] =	vst v3;
	v3 =	vmul.f32 v5, v1  }
0x293: {  	v4 =	vmul.f32 v6, v1;
	[tilespmem:s16+$0xC0] =	vst v2  }
0x294: {  	v2 =	vmul.f32 v7, v1;
	[tilespmem:s16+$0xF0] =	vst v3  }
0x295: {  	v3 =	vmul.f32 v8, v1;
	[tilespmem:s16+$0xE0] =	vst v4  }
0x296: {  	v1 =	vmul.f32 v61, v1;
	[tilespmem:s16+$0x90] =	vst v2  }
0x297: {  	[tilespmem:s16+$0xB0] =	vst v3  }
0x298: {  	s17 =	simm.s32 $0x780;
	s19 =	simm.s32 $0x1B80;
	[tilespmem:s16+$0xD0] =	vst v1  }
0x299: {  	v1 =	vmov s17;
	[spmem:s3] =	stream.indirect.scatter.add.f32 [tilespmem:s4], [sflag:$0x3], $0x80, s19, s1, $0xb8;
	[tilespmem:$0x1E200] =	vst v63  }
0x29a: {  	v1 =	vand.u32 $0xFFFFFFFC, v1;
	_ =	swait.ge [sflag:s26], $0x2800  }
0x29b: {  	v1 =	vbroadcast v1, $0x0;
	[sflag:s26] =	ssyncset.done $0x0  }
0x29c: {  	[sflag:s26] =	ssyncadd.s32 $0xFFFFD800  }
0x29d: {  	_ =	swait.ge [sflag:s24], $0x2800  }
0x29e: {  	[sflag:s24] =	ssyncset.done $0x0  }
0x29f: {  	s16 =	simm.s32 $0x5080;
	[sflag:s24] =	ssyncadd.s32 $0xFFFFD800  }
0x2a0: {  	v2 =	vld [tilespmem:s16+$0xFFFFFF70]  }
0x2a1: {  	v1 =	vld.idx.msk [tilespmem:v1+s28+$0x0], $0xffff  }
0x2a2: {  	v3 =	vld [tilespmem:s16+$0xFFFFFF00]  }
0x2a3: {  	v4 =	vld [tilespmem:s16+$0xFFFFFF20]  }
0x2a4: {  	v5 =	vld [tilespmem:s16+$0xFFFFFF50]  }
0x2a5: {  	v6 =	vld [tilespmem:s16+$0xFFFFFF40]  }
0x2a6: {  	v7 =	vld [tilespmem:s16+$0xFFFFFF60];
	v2 =	vmul.f32 v2, v1  }
0x2a7: {  	s21 =	simm.s32 $0x781;
	v8 =	vld [tilespmem:s16+$0xFFFFFF30];
	v3 =	vmul.f32 v3, v1  }
0x2a8: {  	v62 =	vld [tilespmem:s16+$0xFFFFFF10];
	v4 =	vmul.f32 v4, v1;
	[tilespmem:s16+$0xFFFFFF70] =	vst v2;
	v2 =	vmov s21  }
0x2a9: {  	v5 =	vmul.f32 v5, v1;
	[tilespmem:s16+$0xFFFFFF00] =	vst v3;
	v2 =	vand.u32 $0xFFFFFFFD, v2  }
0x2aa: {  	v3 =	vmul.f32 v6, v1;
	[tilespmem:s16+$0xFFFFFF20] =	vst v4;
	v2 =	vbroadcast v2, $0x0  }
0x2ab: {  	v4 =	vmul.f32 v7, v1;
	[tilespmem:s16+$0xFFFFFF50] =	vst v5  }
0x2ac: {  	v5 =	vmul.f32 v8, v1;
	[tilespmem:s16+$0xFFFFFF40] =	vst v3  }
0x2ad: {  	v1 =	vmul.f32 v62, v1;
	[tilespmem:s16+$0xFFFFFF60] =	vst v4  }
0x2ae: {  	[tilespmem:s16+$0xFFFFFF30] =	vst v5  }
0x2af: {  	[tilespmem:s16+$0xFFFFFF10] =	vst v1;
	v1 =	vld [tilespmem:s16+$0xFFFFFF90]  }
0x2b0: {  	v3 =	vld.idx.msk [tilespmem:v2+s28+$0x0], $0xffff  }
0x2b1: {  	v2 =	vld [tilespmem:s16+$0xFFFFFFA0]  }
0x2b2: {  	v4 =	vld [tilespmem:s16+$0xFFFFFF80]  }
0x2b3: {  	v5 =	vld [tilespmem:s16+$0xFFFFFFB0]  }
0x2b4: {  	v6 =	vld [tilespmem:s16+$0xFFFFFFC0]  }
0x2b5: {  	v7 =	vld [tilespmem:s16+$0xFFFFFFD0];
	v1 =	vmul.f32 v1, v3  }
0x2b6: {  	s22 =	simm.s32 $0x782;
	v8 =	vld [tilespmem:s16+$0xFFFFFFF0];
	v2 =	vmul.f32 v2, v3  }
0x2b7: {  	v63 =	vld [tilespmem:s16+$0xFFFFFFE0];
	v4 =	vmul.f32 v4, v3;
	[tilespmem:s16+$0xFFFFFF90] =	vst v1;
	v1 =	vmov s22  }
0x2b8: {  	v5 =	vmul.f32 v5, v3;
	[tilespmem:s16+$0xFFFFFFA0] =	vst v2;
	v1 =	vand.u32 $0xFFFFFFFE, v1  }
0x2b9: {  	v2 =	vmul.f32 v6, v3;
	[tilespmem:s16+$0xFFFFFF80] =	vst v4;
	v6 =	vld [tilespmem:s16+$0x60];
	v10 =	vbroadcast v1, $0x0  }
0x2ba: {  	v4 =	vmul.f32 v7, v3;
	[tilespmem:s16+$0xFFFFFFB0] =	vst v5;
	v7 =	vld [tilespmem:s16+$0x0]  }
0x2bb: {  	v5 =	vmul.f32 v8, v3;
	v1 =	vld [tilespmem:s16+$0x20];
	[tilespmem:s16+$0xFFFFFFC0] =	vst v2  }
0x2bc: {  	v3 =	vmul.f32 v63, v3;
	v2 =	vld [tilespmem:s16+$0x30];
	[tilespmem:s16+$0xFFFFFFD0] =	vst v4  }
0x2bd: {  	[tilespmem:s16+$0xFFFFFFF0] =	vst v5;
	v4 =	vld [tilespmem:s16+$0x40]  }
0x2be: {  	[tilespmem:s16+$0xFFFFFFE0] =	vst v3;
	v5 =	vld [tilespmem:s16+$0x10]  }
0x2bf: {  	s12 =	simm.s32 $0x784;
	s13 =	simm.s32 $0x5080;
	v3 =	vld.idx.msk [tilespmem:v10+s28+$0x0], $0xffff  }
.LBB2_19:
0x2c0: {  	p0 =	sne.s32 s12, $0x7CC  }
0x2c1: {  	v8 =	vld [tilespmem:s16+$0x50];
	s13 =	sadd.s32 $0x200, s13;
	s5 =	smov.u32 s12;
	s12 =	sadd.s32 $0x4, s12  }
0x2c2: {  	v9 =	vld [tilespmem:s16+$0x70];
	_ =	sdelay $0x1  }
0x2c3: {  	v6 =	vmul.f32 v6, v3;
	v7 =	vmul.f32 v7, v3  }
0x2c4: {  	v4 =	vmul.f32 v4, v3;
	v5 =	vmul.f32 v5, v3  }
0x2c5: {  	v1 =	vmul.f32 v1, v3;
	v2 =	vmul.f32 v2, v3;
	[tilespmem:s16+$0x60] =	vst v6  }
0x2c6: {  	[tilespmem:s16+$0x40] =	vst v4;
	v4 =	vmul.f32 v8, v3;
	v3 =	vmul.f32 v9, v3  }
0x2c7: {  	s9 =	sadd.s32 $0x3, s17;
	s17 =	smov.u32 s5;
	[tilespmem:s16+$0x20] =	vst v1;
	v6 =	vld [tilespmem:s16+$0x80]  }
0x2c8: {  	v1 =	vld [tilespmem:s13+$0x20];
	[tilespmem:s16+$0x0] =	vst v7;
	v7 =	vmov s9  }
0x2c9: {  	[tilespmem:s16+$0x50] =	vst v4;
	v4 =	vld [tilespmem:s16+$0xE0]  }
0x2ca: {  	[tilespmem:s16+$0x30] =	vst v2;
	v8 =	vld [tilespmem:s16+$0xC0]  }
0x2cb: {  	v2 =	vld [tilespmem:s13+$0x30];
	[tilespmem:s16+$0x10] =	vst v5  }
0x2cc: {  	[tilespmem:s16+$0x70] =	vst v3;
	v3 =	vld [tilespmem:s16+$0xA0]  }
0x2cd: {  	v5 =	vld.idx.msk [tilespmem:v7+s28+$0x0], $0xffff  }
0x2ce: {  	v7 =	vld [tilespmem:s16+$0x90]  }
0x2cf: {  	v9 =	vld [tilespmem:s16+$0xB0]  }
0x2d0: {  	v10 =	vld [tilespmem:s16+$0xD0]  }
0x2d1: {  	v11 =	vld [tilespmem:s16+$0xF0];
	_ =	sdelay $0x1  }
0x2d2: {  	v6 =	vmul.f32 v6, v5;
	v7 =	vmul.f32 v7, v5  }
0x2d3: {  	v3 =	vmul.f32 v3, v5;
	v9 =	vmul.f32 v9, v5  }
0x2d4: {  	v12 =	vmov s17;
	[tilespmem:s16+$0x80] =	vst v6;
	v6 =	vmul.f32 v8, v5;
	v8 =	vmul.f32 v10, v5  }
0x2d5: {  	v10 =	vand.u32 $0xFFFFFFFC, v12;
	[tilespmem:s16+$0xA0] =	vst v3;
	v3 =	vmul.f32 v4, v5;
	v4 =	vmul.f32 v11, v5  }
0x2d6: {  	v5 =	vbroadcast v10, $0x0;
	[tilespmem:s16+$0xC0] =	vst v6  }
0x2d7: {  	[tilespmem:s16+$0xF0] =	vst v4  }
0x2d8: {  	v4 =	vld [tilespmem:s13+$0xFFFFFF40];
	[tilespmem:s16+$0xE0] =	vst v3  }
0x2d9: {  	v3 =	vld [tilespmem:s13+$0xFFFFFF50];
	[tilespmem:s16+$0x90] =	vst v7  }
0x2da: {  	v6 =	vld [tilespmem:s13+$0xFFFFFF60];
	[tilespmem:s16+$0xB0] =	vst v9  }
0x2db: {  	v7 =	vld [tilespmem:s13+$0xFFFFFF70];
	[tilespmem:s16+$0xD0] =	vst v8;
	s16 =	smov.u32 s13  }
0x2dc: {  	v5 =	vld.idx.msk [tilespmem:v5+s28+$0x0], $0xffff  }
0x2dd: {  	v8 =	vld [tilespmem:s13+$0xFFFFFF00]  }
0x2de: {  	v9 =	vld [tilespmem:s13+$0xFFFFFF20]  }
0x2df: {  	v10 =	vld [tilespmem:s13+$0xFFFFFF10]  }
0x2e0: {  	v11 =	vld [tilespmem:s13+$0xFFFFFF30];
	_ =	sdelay $0x1  }
0x2e1: {  	v7 =	vmul.f32 v7, v5;
	v8 =	vmul.f32 v8, v5  }
0x2e2: {  	s5 =	sadd.s32 $0x1, s17;
	v6 =	vmul.f32 v6, v5;
	v9 =	vmul.f32 v9, v5  }
0x2e3: {  	v3 =	vmul.f32 v3, v5;
	v10 =	vmul.f32 v10, v5;
	[tilespmem:s13+$0xFFFFFF70] =	vst v7;
	v7 =	vmov s5  }
0x2e4: {  	v4 =	vmul.f32 v4, v5;
	[tilespmem:s13+$0xFFFFFF00] =	vst v8;
	v8 =	vmul.f32 v11, v5;
	v5 =	vand.u32 $0xFFFFFFFD, v7  }
0x2e5: {  	[tilespmem:s13+$0xFFFFFF20] =	vst v9;
	v5 =	vbroadcast v5, $0x0  }
0x2e6: {  	[tilespmem:s13+$0xFFFFFF50] =	vst v3  }
0x2e7: {  	[tilespmem:s13+$0xFFFFFF40] =	vst v4;
	v3 =	vld [tilespmem:s13+$0xFFFFFFF0]  }
0x2e8: {  	[tilespmem:s13+$0xFFFFFF60] =	vst v6;
	v4 =	vld [tilespmem:s13+$0xFFFFFFC0]  }
0x2e9: {  	[tilespmem:s13+$0xFFFFFF30] =	vst v8;
	v6 =	vld [tilespmem:s13+$0xFFFFFFD0]  }
0x2ea: {  	[tilespmem:s13+$0xFFFFFF10] =	vst v10;
	v7 =	vld [tilespmem:s13+$0xFFFFFF90]  }
0x2eb: {  	v5 =	vld.idx.msk [tilespmem:v5+s28+$0x0], $0xffff  }
0x2ec: {  	v8 =	vld [tilespmem:s13+$0xFFFFFF80]  }
0x2ed: {  	v9 =	vld [tilespmem:s13+$0xFFFFFFA0]  }
0x2ee: {  	v10 =	vld [tilespmem:s13+$0xFFFFFFB0]  }
0x2ef: {  	v11 =	vld [tilespmem:s13+$0xFFFFFFE0];
	_ =	sdelay $0x1  }
0x2f0: {  	v7 =	vmul.f32 v7, v5;
	v8 =	vmul.f32 v8, v5  }
0x2f1: {  	s5 =	sadd.s32 $0x2, s17;
	v6 =	vmul.f32 v6, v5;
	v9 =	vmul.f32 v9, v5  }
0x2f2: {  	v4 =	vmul.f32 v4, v5;
	[tilespmem:s13+$0xFFFFFF90] =	vst v7;
	v7 =	vmul.f32 v10, v5;
	v10 =	vmov s5  }
0x2f3: {  	v3 =	vmul.f32 v3, v5;
	[tilespmem:s13+$0xFFFFFFA0] =	vst v9;
	v9 =	vmul.f32 v11, v5;
	v5 =	vand.u32 $0xFFFFFFFE, v10  }
0x2f4: {  	[tilespmem:s13+$0xFFFFFF80] =	vst v8;
	v5 =	vbroadcast v5, $0x0  }
0x2f5: {  	[tilespmem:s13+$0xFFFFFFB0] =	vst v7  }
0x2f6: {  	[tilespmem:s13+$0xFFFFFFC0] =	vst v4  }
0x2f7: {  	[tilespmem:s13+$0xFFFFFFD0] =	vst v6  }
.Ltmp8:
0x2f8: {  	[tilespmem:s13+$0xFFFFFFF0] =	vst v3;
	v4 =	vld [tilespmem:s13+$0x40];
	(pc) =	sbr.rel @p0 .LBB2_19-.Ltmp8, $4  }
0x2f9: {  	[tilespmem:s13+$0xFFFFFFE0] =	vst v9;
	v6 =	vld [tilespmem:s13+$0x60]  }
0x2fa: {  	v3 =	vld.idx.msk [tilespmem:v5+s28+$0x0], $0xffff  }
0x2fb: {  	v7 =	vld [tilespmem:s13+$0x0]  }
0x2fc: {  	v5 =	vld [tilespmem:s13+$0x10]  }
0x2fd: {  	_ =	sdelay $0x1  }
0x2fe: {  	v6 =	vmul.f32 v6, v3  }
0x2ff: {  	v8 =	vld [tilespmem:s16+$0x50];
	v4 =	vmul.f32 v4, v3  }
0x300: {  	v9 =	vld [tilespmem:s16+$0x70];
	v1 =	vmul.f32 v1, v3;
	[tilespmem:s16+$0x60] =	vst v6  }
0x301: {  	v54 =	vmul.f32 v7, v3;
	[tilespmem:s16+$0x40] =	vst v4  }
0x302: {  	s5 =	sadd.s32 $0x3, s17;
	[tilespmem:s16+$0x20] =	vst v1;
	v1 =	vmul.f32 v2, v3  }
0x303: {  	v56 =	vmov s5;
	v5 =	vmul.f32 v5, v3;
	[tilespmem:s16+$0x0] =	vst v54  }
0x304: {  	v55 =	vmul.f32 v8, v3;
	[tilespmem:s16+$0x30] =	vst v1  }
0x305: {  	v3 =	vmul.f32 v9, v3;
	[tilespmem:s16+$0x10] =	vst v5  }
0x306: {  	[tilespmem:s16+$0x50] =	vst v55  }
0x307: {  	v2 =	vld [tilespmem:s16+$0x80];
	[tilespmem:s16+$0x70] =	vst v3  }
0x308: {  	v1 =	vld.idx.msk [tilespmem:v56+s28+$0x0], $0xffff  }
0x309: {  	v3 =	vld [tilespmem:s16+$0xA0]  }
0x30a: {  	v59 =	vld [tilespmem:s16+$0xE0]  }
0x30b: {  	v57 =	vld [tilespmem:s16+$0xC0]  }
0x30c: {  	v58 =	vld [tilespmem:s16+$0xF0]  }
0x30d: {  	v60 =	vld [tilespmem:s16+$0x90];
	v2 =	vmul.f32 v2, v1  }
0x30e: {  	v61 =	vld [tilespmem:s16+$0xB0];
	v3 =	vmul.f32 v3, v1  }
0x30f: {  	v62 =	vld [tilespmem:s16+$0xD0];
	v63 =	vmul.f32 v59, v1;
	[tilespmem:s16+$0x80] =	vst v2  }
0x310: {  	v2 =	vmul.f32 v57, v1;
	[tilespmem:s16+$0xA0] =	vst v3  }
0x311: {  	v3 =	vmul.f32 v58, v1;
	[tilespmem:s16+$0xE0] =	vst v63  }
0x312: {  	[tilespmem:s16+$0xC0] =	vst v2;
	v2 =	vmul.f32 v60, v1  }
0x313: {  	[tilespmem:s16+$0xF0] =	vst v3;
	v3 =	vmul.f32 v61, v1  }
0x314: {  	s15 =	sadd.s32 $0x1, s15;
	v1 =	vmul.f32 v62, v1;
	[tilespmem:s16+$0x90] =	vst v2  }
0x315: {  	p0 =	sne.s32 s15, $0x5;
	[tilespmem:s16+$0xB0] =	vst v3  }
.Ltmp9:
0x316: {  	s22 =	simm.s32 $0x1C00;
	[tilespmem:s16+$0xD0] =	vst v1;
	(pc) =	sbr.rel @p0 .LBB2_6-.Ltmp9, $4  }
0x317: {  	[spmem:s3] =	stream.indirect.scatter.add.f32 [tilespmem:s29], [sflag:$0x3], $0x80, s22, s1, $0xb8;
	[tilespmem:$0x1E200] =	vst v63  }
0x318: {  	_ =	swait.ge [sflag:s24], $0x2800  }
0x319: {  	[sflag:s24] =	ssyncset.done $0x0  }
0x31a: {  	[sflag:s24] =	ssyncadd.s32 $0xFFFFD800  }
0x31b: {  	s5 =	stileid.u32;
	[bflag:$0x0] =	sbarrier.arrive $0xFFFF  }
0x31c: {  	s5 =	sshll.u32 s5, $0x6;
	s10 =	rddreg [dreg:$0x8]  }
0x31d: {  	s11 =	rddreg [dreg:$0x10];
	s5 =	sor.u32 $0x1C04, s5;
	s9 =	sshrl.u32 s10, $0x3  }
0x31e: {  	[hbm:s11], [sflag:s5] =	dma.local [spmem:s9], $0x2800  }
0x31f: {  	_ =	swait.ge [sflag:s25], $0x2800  }
0x320: {  	s21 =	rddreg [dreg:$0x12]  }
0x321: {  	s22 =	rddreg [dreg:$0x11];
	s9 =	sadd.s32 $0x1, s21  }
0x322: {  	p0 =	sne.s32 s9, s22  }
.Ltmp10:
0x323: {  	_ = 	snop;
	(pc) =	sbr.rel @p0 .LBB2_1-.Ltmp10, $3  }
0x324: {  	_ =	sdelay $0x1  }
0x325: {  	[sflag:s25] =	ssyncset.done $0x0  }
0x326: {  	[sflag:s25] =	ssyncadd.s32 $0xFFFFD800  }
0x327: {  	_ =	sfence.sel $0x180000  }
0x328: {  	[bflag:$0x0] =	sbarrier.arrive $0xFFFF  }
0x329: {  	_ =	strace $0x9000004A  }
0x32a: {  	s0 =	stileid.u32;
	[bflag:$0x2] =	sbarrier.arrive $0xFFFF  }
0x32b: {  	p0 =	sne.s32 s0, $0x0;
	s0 =	rddreg [dreg:$0x4]  }
0x32c: {  	s0 =	sadd.s32 @!p0 $0x100000, s0  }
0x32d: {  	[sflag:s0] =	ssyncadd.tile.s32 @!p0 $0x1;
	_ =	shalt  }
.Lfunc_end2:
_tile_overlayer_lowered:
.L_overlay_start_2:
0x32e: {  	(tag) =	ssettag $0x2  }
0x32f: {  	s0 =	rddreg [dreg:$0x0];
	s2 =	stileid.u32  }
0x330: {  	s1 =	rddreg [dreg:$0x1];
	p0 =	sne.s32 s2, $0x0  }
0x331: {  	s3 =	rddreg [dreg:$0x2];
	[bflag:$0x3] =	sbarrier.arrive $0xFFFF;
	s2 =	simm.s32 @!p0 $0x1C04  }
0x332: {  	[timem:s3], [sflag:s2] =	dma.local @!p0 [hbm:s0], s1  }
0x333: {  	s0 =	simm.s32 @!p0 $0x4  }
0x334: {  	_ =	swait.ge @!p0 [sflag:s0], s1  }
0x335: {  	s1 =	ssub.s32 @!p0 $0x0, s1;
	[sflag:s0] =	ssyncset.done @!p0 $0x0  }
0x336: {  	[sflag:s0] =	ssyncadd.s32 @!p0 s1  }
0x337: {  	[bflag:$0x3] =	sbarrier.arrive $0xFFFF  }
0x338: {  	_ =	shalt  }

// kernel: kernel.7.cloned.1.call-start
scs
__scs_entry_jumppad:
0x0: {  	(pc) =	sbr.rel $0x88, $3  }
0x1: {  	(tag) =	ssettag $0x0;
	lr =	simm.s32 $0x1  }
0x2: {  	[smem:$0x3F99] =	sst lr;
	_ =	strace $0xD0000000  }
0x3: {  	_ = 	snop  }
0x4: {  	_ = 	snop  }
0x5: {  	_ = 	snop  }
0x6: {  	_ = 	snop  }
0x7: {  	_ = 	snop  }
__scs_overlays_trampoline_lowered:
0x8: {  	[smem:$0x3FA8] =	sst s0  }
0x9: {  	[smem:$0x3FA9] =	sst s1  }
0xa: {  	[smem:$0x3FAA] =	sst s2  }
0xb: {  	[smem:$0x3FAB] =	sst s3  }
0xc: {  	[smem:$0x3FAC] =	sst s4  }
0xd: {  	[smem:$0x3FAD] =	sst s5  }
0xe: {  	[smem:$0x3FAE] =	sst s6  }
0xf: {  	[smem:$0x3FAF] =	sst s7  }
0x10: {  	[smem:$0x3FB0] =	sst s8  }
0x11: {  	[smem:$0x3FB1] =	sst s9;
	s0 =	simm.s32 @!p0 $0x0  }
0x12: {  	s1 =	sld [smem:$0x3F97];
	s0 =	simm.s32 @p0 $0x1  }
0x13: {  	[smem:$0x3FB2] =	sst s0;
	s0 =	simm.s32 @!p1 $0x0  }
0x14: {  	s2 =	sld [smem:$0x3F96];
	s0 =	simm.s32 @p1 $0x1  }
0x15: {  	[smem:$0x3FB3] =	sst s0;
	s0 =	simm.s32 @!p2 $0x0  }
0x16: {  	s3 =	sld [smem:$0x3FDB];
	s0 =	simm.s32 @p2 $0x1  }
0x17: {  	s4 =	simm.s32 $0x1BF5;
	[smem:$0x3FB5] =	sst s0  }
0x18: {  	s0 =	sld [smem:$0x3F98];
	_ =	swait.ge [sflag:s4], $0x0  }
0x19: {  	s7 =	sld [smem:$0x3F99]  }
0x1a: {  	s8 =	sadd.s32 $0xFFFFE003, lr  }
0x1b: {  	s9 =	sadd.s32 $0xFFFFFEF7, lr;
	s5 =	simm.s32 $0xFFFFFFFF;
	p2 =	slt.u32 s8, $0xFFFFF086  }
0x1c: {  	p1 =	slt.u32 s9, $0xF7A;
	s5 =	simm.s32 @!p2 $0x0  }
0x1d: {  	s5 =	simm.s32 @p1 $0x1;
	p0 =	seq.s32 s7, s2  }
0x1e: {  	s7 =	smul.u32 @!p0 $0xF7A, s2;
	p2 =	seq.s32 @!p0 s5, $0x0  }
0x1f: {  	s9 =	smul.u32 $0xF7A, s1;
	s8 =	simm.s32 @!p0 $0x1BF5;
	p2 =	por !p2, p0  }
0x20: {  	[sflag:s8] =	ssyncset.s32 @!p0 $0xFFFFF086;
	s6 =	sadd.s32 @!p0 s3, s7;
	s7 =	simm.s32 @!p0 $0x108  }
0x21: {  	s3 =	sadd.s32 s3, s9;
	s6 =	sadd.s32 @!p0 $0x88, s6;
	s7 =	simm.s32 @p2 $0x1082  }
0x22: {  	[simem:s7], [sflag:s8] =	dma.local @!p0 [hbm:s6], $0xF7A  }
0x23: {  	s9 =	sor.u32 $0xD0000000, s2;
	s6 =	simm.s32 $0x108;
	_ =	swait.ge @!p0 [sflag:s8], $0x0  }
0x24: {  	s3 =	sadd.s32 $0x88, s3;
	s6 =	simm.s32 @!p1 $0x1082;
	[sflag:s4] =	ssyncset.s32 $0xFFFFF086  }
0x25: {  	[simem:s6], [sflag:s4] =	dma.local [hbm:s3], $0xF7A  }
0x26: {  	[smem:$0x3F99] =	sst s1;
	(tag) =	ssettag s2;
	_ =	strace s9  }
0x27: {  	s1 =	sld [smem:$0x3FA9]  }
0x28: {  	s2 =	sld [smem:$0x3FAA]  }
0x29: {  	s4 =	sld [smem:$0x3FAC]  }
0x2a: {  	p0 =	seq.s32 s5, $0x0;
	s5 =	sld [smem:$0x3FAD]  }
0x2b: {  	s6 =	sld [smem:$0x3FAE]  }
0x2c: {  	s7 =	sld [smem:$0x3FAF]  }
0x2d: {  	s3 =	simm.s32 $0x108;
	s8 =	sld [smem:$0x3FB0]  }
0x2e: {  	s3 =	simm.s32 @!p0 $0x1082;
	s9 =	sld [smem:$0x3FB1]  }
0x2f: {  	lr =	sadd.s32 s0, s3;
	s0 =	sld [smem:$0x3FA8]  }
0x30: {  	s3 =	sld [smem:$0x3FAB]  }
0x31: {  	[smem:$0x3FB4] =	sst s10  }
0x32: {  	s10 =	sld [smem:$0x3FB2];
	_ =	sdelay $0x3  }
0x33: {  	p0 =	seq.s32 s10, $0x1;
	s10 =	sld [smem:$0x3FB4];
	_ =	sdelay $0x3  }
0x34: {  	[smem:$0x3FB4] =	sst s10  }
0x35: {  	s10 =	sld [smem:$0x3FB3];
	_ =	sdelay $0x3  }
0x36: {  	p1 =	seq.s32 s10, $0x1;
	s10 =	sld [smem:$0x3FB4];
	_ =	sdelay $0x3  }
0x37: {  	[smem:$0x3FB4] =	sst s10  }
0x38: {  	s10 =	sld [smem:$0x3FB5]  }
0x39: {  	_ = 	snop;
	(pc) =	sbr.ind lr, $3  }
0x3a: {  	_ = 	snop  }
0x3b: {  	_ = 	snop  }
0x3c: {  	p2 =	seq.s32 s10, $0x1;
	s10 =	sld [smem:$0x3FB4]  }
0x3d: {  	_ =	shalt  }
0x3e: {  	_ =	shalt  }
0x3f: {  	_ =	shalt  }
0x40: {  	_ =	shalt  }
0x41: {  	_ =	shalt  }
0x42: {  	_ =	shalt  }
0x43: {  	_ =	shalt  }
0x44: {  	_ =	shalt  }
0x45: {  	_ =	shalt  }
0x46: {  	_ =	shalt  }
0x47: {  	_ =	shalt  }
0x48: {  	_ =	shalt  }
0x49: {  	_ =	shalt  }
0x4a: {  	_ =	shalt  }
0x4b: {  	_ =	shalt  }
0x4c: {  	_ =	shalt  }
0x4d: {  	_ =	shalt  }
0x4e: {  	_ =	shalt  }
0x4f: {  	_ =	shalt  }
0x50: {  	_ =	shalt  }
0x51: {  	_ =	shalt  }
0x52: {  	_ =	shalt  }
0x53: {  	_ =	shalt  }
0x54: {  	_ =	shalt  }
0x55: {  	_ =	shalt  }
0x56: {  	_ =	shalt  }
0x57: {  	_ =	shalt  }
0x58: {  	_ =	shalt  }
0x59: {  	_ =	shalt  }
0x5a: {  	_ =	shalt  }
0x5b: {  	_ =	shalt  }
0x5c: {  	_ =	shalt  }
0x5d: {  	_ =	shalt  }
0x5e: {  	_ =	shalt  }
0x5f: {  	_ =	shalt  }
0x60: {  	_ =	shalt  }
0x61: {  	_ =	shalt  }
0x62: {  	_ =	shalt  }
0x63: {  	_ =	shalt  }
0x64: {  	_ =	shalt  }
0x65: {  	_ =	shalt  }
0x66: {  	_ =	shalt  }
0x67: {  	_ =	shalt  }
0x68: {  	_ =	shalt  }
0x69: {  	_ =	shalt  }
0x6a: {  	_ =	shalt  }
0x6b: {  	_ =	shalt  }
0x6c: {  	_ =	shalt  }
0x6d: {  	_ =	shalt  }
0x6e: {  	_ =	shalt  }
0x6f: {  	_ =	shalt  }
0x70: {  	_ =	shalt  }
0x71: {  	_ =	shalt  }
0x72: {  	_ =	shalt  }
0x73: {  	_ =	shalt  }
0x74: {  	_ =	shalt  }
0x75: {  	_ =	shalt  }
0x76: {  	_ =	shalt  }
0x77: {  	_ =	shalt  }
0x78: {  	_ =	shalt  }
0x79: {  	_ =	shalt  }
0x7a: {  	_ =	shalt  }
0x7b: {  	_ =	shalt  }
0x7c: {  	_ =	shalt  }
0x7d: {  	_ =	shalt  }
0x7e: {  	_ =	shalt  }
0x7f: {  	_ =	shalt  }
0x80: {  	_ =	shalt  }
0x81: {  	_ =	shalt  }
0x82: {  	_ =	shalt  }
0x83: {  	_ =	shalt  }
0x84: {  	_ =	shalt  }
0x85: {  	_ =	shalt  }
0x86: {  	_ =	shalt  }
0x87: {  	_ =	shalt  }
.Lfunc_end0:
.L_simem_size_0:
called_computation_lowered:
.L_overlay_start_0:
0x88: {  	s2 =	sld [smem:$0x3FD9]  }
0x89: {  	s3 =	sld [smem:$0x3FFE];
	_ =	sdelay $0x1  }
0x8a: {  	s1 =	srdreg.scid  }
0x8b: {  	s0 =	sand.u32 $0x1, s1  }
0x8c: {  	s16 =	sshll.u32 s0, $0xA;
	s2 =	sadd.s32 s3, s2  }
0x8d: {  	s2 =	sadd.s32 s2, s16  }
0x8e: {  	[smem:$0x3FC0] =	sst s2  }
0x8f: {  	_ = 	snop  }
0x90: {  	(tm) =	ssettm $0x1  }
0x91: {  	s17 =	sld [smem:$0x3FFB];
	_ =	sdelay $0x3  }
0x92: {  	_ =	strace s17  }
0x93: {  	s2 =	sld [smem:$0x3FFC];
	_ =	sdelay $0x3  }
0x94: {  	_ =	strace s2  }
0x95: {  	s2 =	sld [smem:$0x3FFD];
	_ =	sdelay $0x3  }
0x96: {  	_ =	strace s2  }
0x97: {  	_ =	strace $0x8FFFFFFF  }
0x98: {  	s18 =	sld [smem:$0x3FDB];
	_ =	sdelay $0x1  }
0x99: {  	s19 =	simm.s32 $_scs_section_size  }
0x9a: {  	s4 =	simm.s32 $_size__tile_overlayer_lowered;
	s5 =	simm.s32 $_tile_overlayer_lowered  }
0x9b: {  	s22 =	simm.s32 $0x1BFF;
	s21 =	sshll.u32 s5, $0x1;
	s2 =	sadd.s32 s19, s18  }
0x9c: {  	s6 =	simm.s32 $0x0;
	s20 =	sshll.u32 s4, $0x1;
	s4 =	sadd.s32 s21, s2  }
0x9d: {  	[timem:s6], [sflag:s22] =	dma.local [hbm:s4], s20  }
0x9e: {  	_ =	swait.ge [sflag:s22], s20  }
0x9f: {  	s3 =	ssub.s32 $0x0, s20;
	[sflag:s22] =	ssyncset.done $0x0  }
0xa0: {  	[sflag:s22] =	ssyncadd.s32 s3;
	_ =	sdelay $0x1  }
0xa1: {  	s23 =	simm.s32 $0x1B8B  }
0xa2: {  	_ =	swait.ge [sflag:s23], $0x1  }
0xa3: {  	[sflag:s23] =	ssyncset.done $0x0  }
0xa4: {  	s25 =	simm.s32 $0x1B8E;
	s24 =	sld [smem:$0x3FFE];
	[sflag:s23] =	ssyncadd.s32 $0xFFFFFFFF  }
0xa5: {  	s26 =	simm.s32 $execute0_lowered;
	[smem:$0x3FD2] =	sst s25  }
0xa6: {  	s4 =	sshll.u32 s26, $0x1;
	_ =	strace $0x80000046;
	[dreg:$0x1] =	wrdreg $0xFFFFFFFF  }
0xa7: {  	s28 =	simm.s32 $_size_execute0_lowered;
	s2 =	sadd.s32 s2, s4;
	[dreg:$0x0] =	wrdreg $0x0  }
0xa8: {  	s4 =	sshll.u32 s28, $0x1;
	[dreg:$0x2] =	wrdreg s2  }
0xa9: {  	[dreg:$0x3] =	wrdreg s4  }
0xaa: {  	[dreg:$0x4] =	wrdreg $0xC0  }
0xab: {  	_ =	task [dreg:s6], $0x5FFFF  }
0xac: {  	[dreg:$0x1] =	wrdreg $0xFFFFFFFF  }
0xad: {  	[dreg:$0x0] =	wrdreg $0x60  }
0xae: {  	[dreg:$0x2] =	wrdreg s24  }
0xaf: {  	[dreg:$0x3] =	wrdreg $0x98000  }
0xb0: {  	[dreg:$0x4] =	wrdreg $0x9  }
0xb1: {  	_ =	task.clear_ibuf [dreg:s6], $0x5FFFF;
	_ =	strace $0x90000046  }
0xb2: {  	s29 =	simm.s32 $0x9;
	_ =	strace $0x80000048  }
0xb3: {  	_ =	swait.ge [sflag:s29], $0x1  }
0xb4: {  	[sflag:s29] =	ssyncadd.s32 $0xFFFFFFFF  }
0xb5: {  	_ =	strace $0x90000048  }
0xb6: {  	_ =	sfence  }
0xb7: {  	s30 =	sld [smem:$0x0];
	_ =	sdelay $0x2  }
0xb8: {  	s31 =	sshll.u32 s1, $0xD;
	s1 =	sshrl.u32 s1, $0x2  }
0xb9: {  	s3 =	sand.u32 $0x4000, s31;
	s1 =	sadd.s32 s1, s30  }
0xba: {  	s0 =	sor.u32 s3, s0;
	s1 =	sshll.u32 s1, $0x11  }
0xbb: {  	s0 =	sor.u32 s1, s0  }
0xbc: {  	s0 =	sadd.s32 $0x8F2B, s0  }
0xbd: {  	[sflag:s0] =	ssyncadd.remote.s32 $0x1  }
0xbe: {  	_ =	sfence.sel $0xFFFF  }
0xbf: {  	[dreg:$0x0] =	wrdreg $0xFFFFFFFF;
	(pc) =	sbr.abs _section_cstart, $3  }
0xc0: {  	[dreg:$0x1] =	wrdreg $0xFFFFFFFF  }
0xc1: {  	_ =	task.clear_ibuf [dreg:s6], $0x2FFFF;
	_ =	strace $0x9FFFFFFF  }
0xc2: {  	(tm) =	ssettm $0x7FFFFFFF  }
0xc3: {  	_ =	shalt  }
tec
execute0_lowered:
.L_overlay_start_1:
0x0: {  	(tag) =	ssettag $0x1  }
0x1: {  	s0 =	rddreg [dreg:$0x0];
	s1 =	srdreg.scid  }
0x2: {  	s5 =	stileid.u32;
	s2 =	rddreg [dreg:$0x1]  }
0x3: {  	s3 =	simm.s32 $0x0;
	s22 =	simm.s32 $0x1;
	s23 =	simm.s32 $0x2800  }
0x4: {  	s25 =	simm.s32 $0x5000;
	s26 =	simm.s32 $0x6000;
	s28 =	simm.s32 $0x50  }
0x5: {  	s1 =	sand.u32 $0x1, s1;
	s4 =	sshll.u32 s5, $0x1;
	[smem:$0x7FF] =	sst s3  }
0x6: {  	s7 =	sadd.s32 $0x2A800, s0;
	s29 =	sadd.s32 $0x2A200, s0;
	s30 =	smul.u32 $0x280, s5  }
0x7: {  	s8 =	smul.u32 $0x500, s5;
	_ =	strace $0x80000047;
	[dreg:$0x3] =	wrdreg s7  }
0x8: {  	s4 =	sor.u32 s1, s4;
	[dreg:$0x4] =	wrdreg s29;
	s10 =	sshll.u32 s1, $0x7  }
0x9: {  	s1 =	ssub.s32 $0x2, s1;
	s6 =	smul.u32 $0x5000, s4;
	s9 =	sshrl.u32 s30, $0x3  }
0xa: {  	s4 =	smul.u32 $0x4E2, s4;
	s8 =	sor.u32 s10, s8;
	s31 =	sshrl.u32 s1, $0x1  }
0xb: {  	s7 =	sadd.s32 s30, s2;
	s9 =	sadd.s32 s9, s0;
	s8 =	sshrl.u32 s8, $0x3  }
0xc: {  	s1 =	ssub.s32 s1, s31;
	s6 =	sshrl.u32 s6, $0x3;
	s4 =	sadd.s32 s4, s0  }
0xd: {  	s21 =	smax.u32 s1, $0x1;
	s1 =	simm.s32 $0x0;
	s18 =	sadd.s32 s6, s0  }
0xe: {  	s6 =	sadd.s32 $0x29E00, s0;
	s0 =	sadd.s32 s8, s0;
	s8 =	sadd.s32 $0x2AE00, s9  }
0xf: {  	s19 =	sadd.s32 $0x2B400, s4;
	s9 =	sadd.s32 $0x1E00, s18;
	s10 =	sadd.s32 $0x15E00, s18  }
0x10: {  	s11 =	sadd.s32 $0x2000, s18;
	s12 =	sadd.s32 $0x16000, s18;
	s13 =	sadd.s32 $0x2200, s18  }
0x11: {  	s14 =	sadd.s32 $0x16200, s18;
	s15 =	sadd.s32 $0x2400, s18;
	s16 =	sadd.s32 $0x16400, s18  }
0x12: {  	s17 =	sadd.s32 $0x2600, s18;
	s18 =	sadd.s32 $0x16600, s18;
	s20 =	sadd.s32 $0x35200, s0  }
.LBB2_1:
0x13: {  	s0 =	rddreg [dreg:$0x3]  }
0x14: {  	[tilespmem:s3], [sflag:$0x1] =	stream.linear.gather [hbm4b:s0+s3], $0x2800, $0x38;
	[tilespmem:$0x9A80] =	vst v63  }
0x15: {  	_ =	swait.ge [sflag:s22], $0x2800  }
0x16: {  	[sflag:s22] =	ssyncset.done $0x0  }
0x17: {  	s24 =	rddreg [dreg:$0x4];
	[sflag:s22] =	ssyncadd.s32 $0xFFFFD800  }
0x18: {  	[tilespmem:s23], [sflag:$0x1] =	stream.linear.gather [hbm4b:s24+s3], $0x2800, $0x38;
	[tilespmem:$0x9A80] =	vst v63  }
0x19: {  	_ =	swait.ge [sflag:s22], $0x2800  }
0x1a: {  	[sflag:s22] =	ssyncset.done $0x0  }
0x1b: {  	s30 =	simm.s32 $0x9780;
	[sflag:s22] =	ssyncadd.s32 $0xFFFFD800  }
0x1c: {  	[tilespmem:s30], [sflag:$0x1] =	stream.linear.gather [hbm4b:s6+s3], $0x80, $0x38;
	[tilespmem:$0x9A80] =	vst v63  }
0x1d: {  	s31 =	stileid.u32;
	_ =	swait.ge [sflag:s22], $0x80  }
0x1e: {  	s0 =	sshll.u32 s31, $0x6;
	[sflag:s22] =	ssyncset.done $0x0  }
0x1f: {  	s29 =	sshrl.u32 s7, $0x3;
	s24 =	sor.u32 $0x1C01, s0;
	[sflag:s22] =	ssyncadd.s32 $0xFFFFFF80  }
0x20: {  	[spmem:s29], [sflag:s24] =	dma.local [hbm:s8], $0x50  }
0x21: {  	_ =	swait.ge [sflag:s22], $0x50  }
0x22: {  	[sflag:s22] =	ssyncset.done $0x0  }
0x23: {  	[sflag:s22] =	ssyncadd.s32 $0xFFFFFFB0  }
0x24: {  	[bflag:$0x0] =	sbarrier.arrive $0xFFFF  }
0x25: {  	v0 =	vld [tilespmem:$0x9780];
	[tilespmem:s25], [sflag:$0x1] =	stream.linear.gather [hbm4b:s9+s3], $0xC80, $0x38  }
0x26: {  	_ =	swait.ge [sflag:s22], $0xC80  }
0x27: {  	[sflag:s22] =	ssyncset.done $0x0  }
0x28: {  	[sflag:s22] =	ssyncadd.s32 $0xFFFFF380  }
0x29: {  	[tilespmem:s26], [sflag:$0x1] =	stream.linear.gather [hbm4b:s10+s3], $0xC80, $0x38;
	[tilespmem:$0x9A80] =	vst v63  }
0x2a: {  	_ =	swait.ge [sflag:s22], $0xC80  }
0x2b: {  	[sflag:s22] =	ssyncset.done $0x0  }
0x2c: {  	s4 =	simm.s32 $0x0;
	s0 =	simm.s32 $0x7000;
	[sflag:s22] =	ssyncadd.s32 $0xFFFFF380  }
.LBB2_2:
0x2d: {  	s30 =	sshra.s32 s4, $0x2  }
0x2e: {  	v1 =	vld [tilespmem:s30+$0x5000]  }
0x2f: {  	v2 =	vld [tilespmem:s30+$0x6000];
	_ =	sdelay $0x6  }
0x30: {  	v1 =	vld.idx.msk [tilespmem:v1+s3+$0x0], $0xffff  }
0x31: {  	v2 =	vld.idx.msk [tilespmem:v2+s23+$0x0], $0xffff;
	_ =	sdelay $0x4  }
0x32: {  	v1 =	vadd.f32 v2, v1;
	_ =	sdelay $0x1  }
0x33: {  	v2 =	vmul.f32 $2.000000030e-01, v1  }
0x34: {  	vm0 =	vgt.f32 v1, $0.0e+00  }
0x35: {  	v1 =	vsel vm0, v1, v2  }
0x36: {  	v1 =	vsub.f32 v1, v0;
	_ =	sdelay $0x1  }
0x37: {  	v1 =	vmul.f32 $1.442695020e+00, v1;
	_ =	sdelay $0x1  }
0x38: {  	(erf) = vpow2.f32 v1;
	_ =	sdelay $0x8  }
0x39: {  	v1 =	vpop (erf)  }
0x3a: {  	[tilespmem:s0+$0x0] =	vst v1  }
0x3b: {  	v1 =	vld [tilespmem:s30+$0x5010]  }
0x3c: {  	v2 =	vld [tilespmem:s30+$0x6010];
	_ =	sdelay $0x6  }
0x3d: {  	v1 =	vld.idx.msk [tilespmem:v1+s3+$0x0], $0xffff  }
0x3e: {  	v2 =	vld.idx.msk [tilespmem:v2+s23+$0x0], $0xffff;
	_ =	sdelay $0x4  }
0x3f: {  	v1 =	vadd.f32 v2, v1;
	_ =	sdelay $0x1  }
0x40: {  	v2 =	vmul.f32 $2.000000030e-01, v1  }
0x41: {  	vm12 =	vgt.f32 v1, $0.0e+00  }
0x42: {  	v1 =	vsel vm12, v1, v2  }
0x43: {  	v1 =	vsub.f32 v1, v0;
	_ =	sdelay $0x1  }
0x44: {  	v1 =	vmul.f32 $1.442695020e+00, v1;
	_ =	sdelay $0x1  }
0x45: {  	(erf) = vpow2.f32 v1;
	_ =	sdelay $0x8  }
0x46: {  	v1 =	vpop (erf)  }
0x47: {  	[tilespmem:s0+$0x10] =	vst v1  }
0x48: {  	v1 =	vld [tilespmem:s30+$0x5020]  }
0x49: {  	v2 =	vld [tilespmem:s30+$0x6020];
	_ =	sdelay $0x6  }
0x4a: {  	v1 =	vld.idx.msk [tilespmem:v1+s3+$0x0], $0xffff  }
0x4b: {  	v2 =	vld.idx.msk [tilespmem:v2+s23+$0x0], $0xffff;
	_ =	sdelay $0x4  }
0x4c: {  	v1 =	vadd.f32 v2, v1;
	_ =	sdelay $0x1  }
0x4d: {  	v2 =	vmul.f32 $2.000000030e-01, v1  }
0x4e: {  	vm13 =	vgt.f32 v1, $0.0e+00  }
0x4f: {  	v1 =	vsel vm13, v1, v2  }
0x50: {  	v1 =	vsub.f32 v1, v0;
	_ =	sdelay $0x1  }
0x51: {  	v1 =	vmul.f32 $1.442695020e+00, v1;
	_ =	sdelay $0x1  }
0x52: {  	(erf) = vpow2.f32 v1;
	_ =	sdelay $0x8  }
0x53: {  	v1 =	vpop (erf)  }
0x54: {  	[tilespmem:s0+$0x20] =	vst v1  }
0x55: {  	v1 =	vld [tilespmem:s30+$0x5030]  }
0x56: {  	v2 =	vld [tilespmem:s30+$0x6030];
	_ =	sdelay $0x6  }
0x57: {  	v1 =	vld.idx.msk [tilespmem:v1+s3+$0x0], $0xffff  }
0x58: {  	v2 =	vld.idx.msk [tilespmem:v2+s23+$0x0], $0xffff;
	_ =	sdelay $0x4  }
0x59: {  	v1 =	vadd.f32 v2, v1;
	_ =	sdelay $0x1  }
0x5a: {  	v2 =	vmul.f32 $2.000000030e-01, v1  }
0x5b: {  	vm14 =	vgt.f32 v1, $0.0e+00  }
0x5c: {  	v1 =	vsel vm14, v1, v2  }
0x5d: {  	v1 =	vsub.f32 v1, v0;
	_ =	sdelay $0x1  }
0x5e: {  	v1 =	vmul.f32 $1.442695020e+00, v1;
	_ =	sdelay $0x1  }
0x5f: {  	(erf) = vpow2.f32 v1;
	_ =	sdelay $0x8  }
0x60: {  	v1 =	vpop (erf)  }
0x61: {  	[tilespmem:s0+$0x30] =	vst v1  }
0x62: {  	v1 =	vld [tilespmem:s30+$0x5040]  }
0x63: {  	v2 =	vld [tilespmem:s30+$0x6040];
	_ =	sdelay $0x6  }
0x64: {  	v1 =	vld.idx.msk [tilespmem:v1+s3+$0x0], $0xffff  }
0x65: {  	v2 =	vld.idx.msk [tilespmem:v2+s23+$0x0], $0xffff;
	_ =	sdelay $0x4  }
0x66: {  	v1 =	vadd.f32 v2, v1;
	_ =	sdelay $0x1  }
0x67: {  	v2 =	vmul.f32 $2.000000030e-01, v1  }
0x68: {  	vm15 =	vgt.f32 v1, $0.0e+00  }
0x69: {  	v1 =	vsel vm15, v1, v2  }
0x6a: {  	v1 =	vsub.f32 v1, v0;
	_ =	sdelay $0x1  }
0x6b: {  	v1 =	vmul.f32 $1.442695020e+00, v1;
	_ =	sdelay $0x1  }
0x6c: {  	(erf) = vpow2.f32 v1;
	_ =	sdelay $0x8  }
0x6d: {  	p0 =	sne.s32 s4, $0x3000;
	v1 =	vpop (erf)  }
.Ltmp0:
0x6e: {  	s30 =	sadd.s32 $0x6000, s30;
	[tilespmem:s0+$0x40] =	vst v1;
	(pc) =	sbr.rel @p0 .LBB2_2-.Ltmp0, $4  }
0x6f: {  	[spmem:s2] =	stream.indirect.scatter.add.f32 [tilespmem:s0], [sflag:$0x1], $0x1, s30, s28, $0xb8;
	[tilespmem:$0x9A80] =	vst v63  }
0x70: {  	_ =	swait.ge [sflag:s22], $0x50  }
0x71: {  	[sflag:s22] =	ssyncset.done $0x0  }
0x72: {  	s4 =	sadd.s32 $0x200, s4;
	s0 =	sadd.s32 $0x50, s0;
	[sflag:s22] =	ssyncadd.s32 $0xFFFFFFB0  }
0x73: {  	s30 =	simm.s32 $0x0  }
0x74: {  	[tilespmem:s25], [sflag:$0x1] =	stream.linear.gather [hbm4b:s11+s30], $0xC80, $0x38;
	[tilespmem:$0x9A80] =	vst v63  }
0x75: {  	_ =	swait.ge [sflag:s22], $0xC80  }
0x76: {  	[sflag:s22] =	ssyncset.done $0x0  }
0x77: {  	s31 =	simm.s32 $0x6000;
	[sflag:s22] =	ssyncadd.s32 $0xFFFFF380  }
0x78: {  	[tilespmem:s31], [sflag:$0x1] =	stream.linear.gather [hbm4b:s12+s30], $0xC80, $0x38;
	[tilespmem:$0x9A80] =	vst v63  }
0x79: {  	_ =	swait.ge [sflag:s22], $0xC80  }
0x7a: {  	[sflag:s22] =	ssyncset.done $0x0  }
0x7b: {  	s0 =	simm.s32 $0x77D0;
	s4 =	simm.s32 $0x5020;
	[sflag:s22] =	ssyncadd.s32 $0xFFFFF380  }
.LBB2_4:
0x7c: {  	v1 =	vld [tilespmem:s4+$0xFFFFFFE0]  }
0x7d: {  	v2 =	vld [tilespmem:s31+$0x0];
	_ =	sdelay $0x6  }
0x7e: {  	v1 =	vld.idx.msk [tilespmem:v1+s3+$0x0], $0xffff  }
0x7f: {  	v2 =	vld.idx.msk [tilespmem:v2+s23+$0x0], $0xffff;
	_ =	sdelay $0x4  }
0x80: {  	v1 =	vadd.f32 v2, v1;
	_ =	sdelay $0x1  }
0x81: {  	v2 =	vmul.f32 $2.000000030e-01, v1  }
0x82: {  	vm0 =	vgt.f32 v1, $0.0e+00  }
0x83: {  	v1 =	vsel vm0, v1, v2  }
0x84: {  	v1 =	vsub.f32 v1, v0;
	_ =	sdelay $0x1  }
0x85: {  	v1 =	vmul.f32 $1.442695020e+00, v1;
	_ =	sdelay $0x1  }
0x86: {  	(erf) = vpow2.f32 v1;
	_ =	sdelay $0x8  }
0x87: {  	v1 =	vpop (erf)  }
0x88: {  	[tilespmem:s0+$0x0] =	vst v1  }
0x89: {  	v1 =	vld [tilespmem:s4+$0xFFFFFFF0]  }
0x8a: {  	v2 =	vld [tilespmem:s31+$0x10];
	_ =	sdelay $0x6  }
0x8b: {  	v1 =	vld.idx.msk [tilespmem:v1+s3+$0x0], $0xffff  }
0x8c: {  	v2 =	vld.idx.msk [tilespmem:v2+s23+$0x0], $0xffff;
	_ =	sdelay $0x4  }
0x8d: {  	v1 =	vadd.f32 v2, v1;
	_ =	sdelay $0x1  }
0x8e: {  	v2 =	vmul.f32 $2.000000030e-01, v1  }
0x8f: {  	vm12 =	vgt.f32 v1, $0.0e+00  }
0x90: {  	v1 =	vsel vm12, v1, v2  }
0x91: {  	v1 =	vsub.f32 v1, v0;
	_ =	sdelay $0x1  }
0x92: {  	v1 =	vmul.f32 $1.442695020e+00, v1;
	_ =	sdelay $0x1  }
0x93: {  	(erf) = vpow2.f32 v1;
	_ =	sdelay $0x8  }
0x94: {  	v1 =	vpop (erf)  }
0x95: {  	[tilespmem:s0+$0x10] =	vst v1  }
0x96: {  	v1 =	vld [tilespmem:s4+$0x0]  }
0x97: {  	v2 =	vld [tilespmem:s31+$0x20];
	_ =	sdelay $0x6  }
0x98: {  	v1 =	vld.idx.msk [tilespmem:v1+s3+$0x0], $0xffff  }
0x99: {  	v2 =	vld.idx.msk [tilespmem:v2+s23+$0x0], $0xffff;
	_ =	sdelay $0x4  }
0x9a: {  	v1 =	vadd.f32 v2, v1;
	_ =	sdelay $0x1  }
0x9b: {  	v2 =	vmul.f32 $2.000000030e-01, v1  }
0x9c: {  	vm13 =	vgt.f32 v1, $0.0e+00  }
0x9d: {  	v1 =	vsel vm13, v1, v2  }
0x9e: {  	v1 =	vsub.f32 v1, v0;
	_ =	sdelay $0x1  }
0x9f: {  	v1 =	vmul.f32 $1.442695020e+00, v1;
	_ =	sdelay $0x1  }
0xa0: {  	(erf) = vpow2.f32 v1;
	_ =	sdelay $0x8  }
0xa1: {  	v1 =	vpop (erf)  }
0xa2: {  	[tilespmem:s0+$0x20] =	vst v1  }
0xa3: {  	v1 =	vld [tilespmem:s4+$0x10]  }
0xa4: {  	v2 =	vld [tilespmem:s31+$0x30];
	_ =	sdelay $0x6  }
0xa5: {  	v1 =	vld.idx.msk [tilespmem:v1+s3+$0x0], $0xffff  }
0xa6: {  	v2 =	vld.idx.msk [tilespmem:v2+s23+$0x0], $0xffff;
	_ =	sdelay $0x4  }
0xa7: {  	v1 =	vadd.f32 v2, v1;
	_ =	sdelay $0x1  }
0xa8: {  	v2 =	vmul.f32 $2.000000030e-01, v1  }
0xa9: {  	vm14 =	vgt.f32 v1, $0.0e+00  }
0xaa: {  	v1 =	vsel vm14, v1, v2  }
0xab: {  	v1 =	vsub.f32 v1, v0;
	_ =	sdelay $0x1  }
0xac: {  	v1 =	vmul.f32 $1.442695020e+00, v1;
	_ =	sdelay $0x1  }
0xad: {  	(erf) = vpow2.f32 v1;
	_ =	sdelay $0x8  }
0xae: {  	s5 =	sand.u32 $0xFF0, s30;
	v1 =	vpop (erf)  }
0xaf: {  	[tilespmem:s5+$0x7800] =	vst v1  }
0xb0: {  	v1 =	vld [tilespmem:s4+$0x20]  }
0xb1: {  	v2 =	vld [tilespmem:s31+$0x40];
	_ =	sdelay $0x6  }
0xb2: {  	v1 =	vld.idx.msk [tilespmem:v1+s3+$0x0], $0xffff  }
0xb3: {  	v2 =	vld.idx.msk [tilespmem:v2+s23+$0x0], $0xffff;
	_ =	sdelay $0x4  }
0xb4: {  	v1 =	vadd.f32 v2, v1;
	_ =	sdelay $0x1  }
0xb5: {  	v2 =	vmul.f32 $2.000000030e-01, v1  }
0xb6: {  	vm15 =	vgt.f32 v1, $0.0e+00  }
0xb7: {  	v1 =	vsel vm15, v1, v2  }
0xb8: {  	v1 =	vsub.f32 v1, v0;
	_ =	sdelay $0x1  }
0xb9: {  	v1 =	vmul.f32 $1.442695020e+00, v1;
	_ =	sdelay $0x1  }
0xba: {  	(erf) = vpow2.f32 v1;
	_ =	sdelay $0x8  }
0xbb: {  	p0 =	sne.s32 s30, $0x780;
	v1 =	vpop (erf)  }
.Ltmp1:
0xbc: {  	[tilespmem:s0+$0x40] =	vst v1;
	(pc) =	sbr.rel @p0 .LBB2_4-.Ltmp1, $4  }
0xbd: {  	[spmem:s2] =	stream.indirect.scatter.add.f32 [tilespmem:s0], [sflag:$0x1], $0x1, s31, s28, $0xb8;
	[tilespmem:$0x9A80] =	vst v63  }
0xbe: {  	_ =	swait.ge [sflag:s22], $0x50  }
0xbf: {  	s30 =	sadd.s32 $0x50, s30;
	s4 =	sadd.s32 $0x80, s4;
	[sflag:s22] =	ssyncset.done $0x0  }
0xc0: {  	s0 =	sadd.s32 $0x50, s0;
	s31 =	sadd.s32 $0x80, s31;
	[sflag:s22] =	ssyncadd.s32 $0xFFFFFFB0  }
0xc1: {  	s30 =	simm.s32 $0x0  }
0xc2: {  	[tilespmem:s25], [sflag:$0x1] =	stream.linear.gather [hbm4b:s13+s30], $0xC80, $0x38;
	[tilespmem:$0x9A80] =	vst v63  }
0xc3: {  	_ =	swait.ge [sflag:s22], $0xC80  }
0xc4: {  	[sflag:s22] =	ssyncset.done $0x0  }
0xc5: {  	[sflag:s22] =	ssyncadd.s32 $0xFFFFF380  }
0xc6: {  	[tilespmem:s26], [sflag:$0x1] =	stream.linear.gather [hbm4b:s14+s30], $0xC80, $0x38;
	[tilespmem:$0x9A80] =	vst v63  }
0xc7: {  	_ =	swait.ge [sflag:s22], $0xC80  }
0xc8: {  	[sflag:s22] =	ssyncset.done $0x0  }
0xc9: {  	s0 =	simm.s32 $0x7FA0;
	[sflag:s22] =	ssyncadd.s32 $0xFFFFF380  }
.LBB2_6:
0xca: {  	s4 =	sshra.s32 s30, $0x2  }
0xcb: {  	v1 =	vld [tilespmem:s4+$0x5000]  }
0xcc: {  	v2 =	vld [tilespmem:s4+$0x6000];
	_ =	sdelay $0x6  }
0xcd: {  	v1 =	vld.idx.msk [tilespmem:v1+s3+$0x0], $0xffff  }
0xce: {  	v2 =	vld.idx.msk [tilespmem:v2+s23+$0x0], $0xffff;
	_ =	sdelay $0x4  }
0xcf: {  	v1 =	vadd.f32 v2, v1;
	_ =	sdelay $0x1  }
0xd0: {  	v2 =	vmul.f32 $2.000000030e-01, v1  }
0xd1: {  	vm0 =	vgt.f32 v1, $0.0e+00  }
0xd2: {  	v1 =	vsel vm0, v1, v2  }
0xd3: {  	v1 =	vsub.f32 v1, v0;
	_ =	sdelay $0x1  }
0xd4: {  	v1 =	vmul.f32 $1.442695020e+00, v1;
	_ =	sdelay $0x1  }
0xd5: {  	(erf) = vpow2.f32 v1;
	_ =	sdelay $0x8  }
0xd6: {  	v1 =	vpop (erf)  }
0xd7: {  	[tilespmem:s0+$0x0] =	vst v1  }
0xd8: {  	v1 =	vld [tilespmem:s4+$0x5010]  }
0xd9: {  	v2 =	vld [tilespmem:s4+$0x6010];
	_ =	sdelay $0x6  }
0xda: {  	v1 =	vld.idx.msk [tilespmem:v1+s3+$0x0], $0xffff  }
0xdb: {  	v2 =	vld.idx.msk [tilespmem:v2+s23+$0x0], $0xffff;
	_ =	sdelay $0x4  }
0xdc: {  	v1 =	vadd.f32 v2, v1;
	_ =	sdelay $0x1  }
0xdd: {  	v2 =	vmul.f32 $2.000000030e-01, v1  }
0xde: {  	vm12 =	vgt.f32 v1, $0.0e+00  }
0xdf: {  	v1 =	vsel vm12, v1, v2  }
0xe0: {  	v1 =	vsub.f32 v1, v0;
	_ =	sdelay $0x1  }
0xe1: {  	v1 =	vmul.f32 $1.442695020e+00, v1;
	_ =	sdelay $0x1  }
0xe2: {  	(erf) = vpow2.f32 v1;
	_ =	sdelay $0x8  }
0xe3: {  	v1 =	vpop (erf)  }
0xe4: {  	[tilespmem:s0+$0x10] =	vst v1  }
0xe5: {  	v1 =	vld [tilespmem:s4+$0x5020]  }
0xe6: {  	v2 =	vld [tilespmem:s4+$0x6020];
	_ =	sdelay $0x6  }
0xe7: {  	v1 =	vld.idx.msk [tilespmem:v1+s3+$0x0], $0xffff  }
0xe8: {  	v2 =	vld.idx.msk [tilespmem:v2+s23+$0x0], $0xffff;
	_ =	sdelay $0x4  }
0xe9: {  	v1 =	vadd.f32 v2, v1;
	_ =	sdelay $0x1  }
0xea: {  	v2 =	vmul.f32 $2.000000030e-01, v1  }
0xeb: {  	vm13 =	vgt.f32 v1, $0.0e+00  }
0xec: {  	v1 =	vsel vm13, v1, v2  }
0xed: {  	v1 =	vsub.f32 v1, v0;
	_ =	sdelay $0x1  }
0xee: {  	v1 =	vmul.f32 $1.442695020e+00, v1;
	_ =	sdelay $0x1  }
0xef: {  	(erf) = vpow2.f32 v1;
	_ =	sdelay $0x8  }
0xf0: {  	v1 =	vpop (erf)  }
0xf1: {  	[tilespmem:s0+$0x20] =	vst v1  }
0xf2: {  	v1 =	vld [tilespmem:s4+$0x5030]  }
0xf3: {  	v2 =	vld [tilespmem:s4+$0x6030];
	_ =	sdelay $0x6  }
0xf4: {  	v1 =	vld.idx.msk [tilespmem:v1+s3+$0x0], $0xffff  }
0xf5: {  	v2 =	vld.idx.msk [tilespmem:v2+s23+$0x0], $0xffff;
	_ =	sdelay $0x4  }
0xf6: {  	v1 =	vadd.f32 v2, v1;
	_ =	sdelay $0x1  }
0xf7: {  	v2 =	vmul.f32 $2.000000030e-01, v1  }
0xf8: {  	vm14 =	vgt.f32 v1, $0.0e+00  }
0xf9: {  	v1 =	vsel vm14, v1, v2  }
0xfa: {  	v1 =	vsub.f32 v1, v0;
	_ =	sdelay $0x1  }
0xfb: {  	v1 =	vmul.f32 $1.442695020e+00, v1;
	_ =	sdelay $0x1  }
0xfc: {  	(erf) = vpow2.f32 v1;
	_ =	sdelay $0x8  }
0xfd: {  	v1 =	vpop (erf)  }
0xfe: {  	[tilespmem:s0+$0x30] =	vst v1  }
0xff: {  	v1 =	vld [tilespmem:s4+$0x5040]  }
0x100: {  	v2 =	vld [tilespmem:s4+$0x6040];
	_ =	sdelay $0x6  }
0x101: {  	v1 =	vld.idx.msk [tilespmem:v1+s3+$0x0], $0xffff  }
0x102: {  	v2 =	vld.idx.msk [tilespmem:v2+s23+$0x0], $0xffff;
	_ =	sdelay $0x4  }
0x103: {  	v1 =	vadd.f32 v2, v1;
	_ =	sdelay $0x1  }
0x104: {  	v2 =	vmul.f32 $2.000000030e-01, v1  }
0x105: {  	vm15 =	vgt.f32 v1, $0.0e+00  }
0x106: {  	v1 =	vsel vm15, v1, v2  }
0x107: {  	v1 =	vsub.f32 v1, v0;
	_ =	sdelay $0x1  }
0x108: {  	v1 =	vmul.f32 $1.442695020e+00, v1;
	_ =	sdelay $0x1  }
0x109: {  	(erf) = vpow2.f32 v1;
	_ =	sdelay $0x8  }
0x10a: {  	p0 =	sne.s32 s30, $0x3000;
	v1 =	vpop (erf)  }
.Ltmp2:
0x10b: {  	s4 =	sadd.s32 $0x6000, s4;
	[tilespmem:s0+$0x40] =	vst v1;
	(pc) =	sbr.rel @p0 .LBB2_6-.Ltmp2, $4  }
0x10c: {  	[spmem:s2] =	stream.indirect.scatter.add.f32 [tilespmem:s0], [sflag:$0x1], $0x1, s4, s28, $0xb8;
	[tilespmem:$0x9A80] =	vst v63  }
0x10d: {  	_ =	swait.ge [sflag:s22], $0x50  }
0x10e: {  	[sflag:s22] =	ssyncset.done $0x0  }
0x10f: {  	s30 =	sadd.s32 $0x200, s30;
	s0 =	sadd.s32 $0x50, s0;
	[sflag:s22] =	ssyncadd.s32 $0xFFFFFFB0  }
0x110: {  	s30 =	simm.s32 $0x0  }
0x111: {  	[tilespmem:s25], [sflag:$0x1] =	stream.linear.gather [hbm4b:s15+s30], $0xC80, $0x38;
	[tilespmem:$0x9A80] =	vst v63  }
0x112: {  	_ =	swait.ge [sflag:s22], $0xC80  }
0x113: {  	[sflag:s22] =	ssyncset.done $0x0  }
0x114: {  	s31 =	simm.s32 $0x6000;
	[sflag:s22] =	ssyncadd.s32 $0xFFFFF380  }
0x115: {  	[tilespmem:s31], [sflag:$0x1] =	stream.linear.gather [hbm4b:s16+s30], $0xC80, $0x38;
	[tilespmem:$0x9A80] =	vst v63  }
0x116: {  	_ =	swait.ge [sflag:s22], $0xC80  }
0x117: {  	[sflag:s22] =	ssyncset.done $0x0  }
0x118: {  	s0 =	simm.s32 $0x8770;
	s4 =	simm.s32 $0x5020;
	[sflag:s22] =	ssyncadd.s32 $0xFFFFF380  }
.LBB2_8:
0x119: {  	v1 =	vld [tilespmem:s4+$0xFFFFFFE0]  }
0x11a: {  	v2 =	vld [tilespmem:s31+$0x0];
	_ =	sdelay $0x6  }
0x11b: {  	v1 =	vld.idx.msk [tilespmem:v1+s3+$0x0], $0xffff  }
0x11c: {  	v2 =	vld.idx.msk [tilespmem:v2+s23+$0x0], $0xffff;
	_ =	sdelay $0x4  }
0x11d: {  	v1 =	vadd.f32 v2, v1;
	_ =	sdelay $0x1  }
0x11e: {  	v2 =	vmul.f32 $2.000000030e-01, v1  }
0x11f: {  	vm0 =	vgt.f32 v1, $0.0e+00  }
0x120: {  	v1 =	vsel vm0, v1, v2  }
0x121: {  	v1 =	vsub.f32 v1, v0;
	_ =	sdelay $0x1  }
0x122: {  	v1 =	vmul.f32 $1.442695020e+00, v1;
	_ =	sdelay $0x1  }
0x123: {  	(erf) = vpow2.f32 v1;
	_ =	sdelay $0x8  }
0x124: {  	v1 =	vpop (erf)  }
0x125: {  	[tilespmem:s0+$0x0] =	vst v1  }
0x126: {  	v1 =	vld [tilespmem:s4+$0xFFFFFFF0]  }
0x127: {  	v2 =	vld [tilespmem:s31+$0x10];
	_ =	sdelay $0x6  }
0x128: {  	v1 =	vld.idx.msk [tilespmem:v1+s3+$0x0], $0xffff  }
0x129: {  	v2 =	vld.idx.msk [tilespmem:v2+s23+$0x0], $0xffff;
	_ =	sdelay $0x4  }
0x12a: {  	v1 =	vadd.f32 v2, v1;
	_ =	sdelay $0x1  }
0x12b: {  	v2 =	vmul.f32 $2.000000030e-01, v1  }
0x12c: {  	vm12 =	vgt.f32 v1, $0.0e+00  }
0x12d: {  	v1 =	vsel vm12, v1, v2  }
0x12e: {  	v1 =	vsub.f32 v1, v0;
	_ =	sdelay $0x1  }
0x12f: {  	v1 =	vmul.f32 $1.442695020e+00, v1;
	_ =	sdelay $0x1  }
0x130: {  	(erf) = vpow2.f32 v1;
	_ =	sdelay $0x8  }
0x131: {  	s5 =	sand.u32 $0xFF0, s30;
	v1 =	vpop (erf)  }
0x132: {  	[tilespmem:s5+$0x8780] =	vst v1  }
0x133: {  	v1 =	vld [tilespmem:s4+$0x0]  }
0x134: {  	v2 =	vld [tilespmem:s31+$0x20];
	_ =	sdelay $0x6  }
0x135: {  	v1 =	vld.idx.msk [tilespmem:v1+s3+$0x0], $0xffff  }
0x136: {  	v2 =	vld.idx.msk [tilespmem:v2+s23+$0x0], $0xffff;
	_ =	sdelay $0x4  }
0x137: {  	v1 =	vadd.f32 v2, v1;
	_ =	sdelay $0x1  }
0x138: {  	v2 =	vmul.f32 $2.000000030e-01, v1  }
0x139: {  	vm13 =	vgt.f32 v1, $0.0e+00  }
0x13a: {  	v1 =	vsel vm13, v1, v2  }
0x13b: {  	v1 =	vsub.f32 v1, v0;
	_ =	sdelay $0x1  }
0x13c: {  	v1 =	vmul.f32 $1.442695020e+00, v1;
	_ =	sdelay $0x1  }
0x13d: {  	(erf) = vpow2.f32 v1;
	_ =	sdelay $0x8  }
0x13e: {  	v1 =	vpop (erf)  }
0x13f: {  	[tilespmem:s0+$0x20] =	vst v1  }
0x140: {  	v1 =	vld [tilespmem:s4+$0x10]  }
0x141: {  	v2 =	vld [tilespmem:s31+$0x30];
	_ =	sdelay $0x6  }
0x142: {  	v1 =	vld.idx.msk [tilespmem:v1+s3+$0x0], $0xffff  }
0x143: {  	v2 =	vld.idx.msk [tilespmem:v2+s23+$0x0], $0xffff;
	_ =	sdelay $0x4  }
0x144: {  	v1 =	vadd.f32 v2, v1;
	_ =	sdelay $0x1  }
0x145: {  	v2 =	vmul.f32 $2.000000030e-01, v1  }
0x146: {  	vm14 =	vgt.f32 v1, $0.0e+00  }
0x147: {  	v1 =	vsel vm14, v1, v2  }
0x148: {  	v1 =	vsub.f32 v1, v0;
	_ =	sdelay $0x1  }
0x149: {  	v1 =	vmul.f32 $1.442695020e+00, v1;
	_ =	sdelay $0x1  }
0x14a: {  	(erf) = vpow2.f32 v1;
	_ =	sdelay $0x8  }
0x14b: {  	v1 =	vpop (erf)  }
0x14c: {  	[tilespmem:s0+$0x30] =	vst v1  }
0x14d: {  	v1 =	vld [tilespmem:s4+$0x20]  }
0x14e: {  	v2 =	vld [tilespmem:s31+$0x40];
	_ =	sdelay $0x6  }
0x14f: {  	v1 =	vld.idx.msk [tilespmem:v1+s3+$0x0], $0xffff  }
0x150: {  	v2 =	vld.idx.msk [tilespmem:v2+s23+$0x0], $0xffff;
	_ =	sdelay $0x4  }
0x151: {  	v1 =	vadd.f32 v2, v1;
	_ =	sdelay $0x1  }
0x152: {  	v2 =	vmul.f32 $2.000000030e-01, v1  }
0x153: {  	vm15 =	vgt.f32 v1, $0.0e+00  }
0x154: {  	v1 =	vsel vm15, v1, v2  }
0x155: {  	v1 =	vsub.f32 v1, v0;
	_ =	sdelay $0x1  }
0x156: {  	v1 =	vmul.f32 $1.442695020e+00, v1;
	_ =	sdelay $0x1  }
0x157: {  	(erf) = vpow2.f32 v1;
	_ =	sdelay $0x8  }
0x158: {  	p0 =	sne.s32 s30, $0x780;
	v1 =	vpop (erf)  }
.Ltmp3:
0x159: {  	[tilespmem:s0+$0x40] =	vst v1;
	(pc) =	sbr.rel @p0 .LBB2_8-.Ltmp3, $4  }
0x15a: {  	[spmem:s2] =	stream.indirect.scatter.add.f32 [tilespmem:s0], [sflag:$0x1], $0x1, s31, s28, $0xb8;
	[tilespmem:$0x9A80] =	vst v63  }
0x15b: {  	_ =	swait.ge [sflag:s22], $0x50  }
0x15c: {  	s30 =	sadd.s32 $0x50, s30;
	s4 =	sadd.s32 $0x80, s4;
	[sflag:s22] =	ssyncset.done $0x0  }
0x15d: {  	s0 =	sadd.s32 $0x50, s0;
	s31 =	sadd.s32 $0x80, s31;
	[sflag:s22] =	ssyncadd.s32 $0xFFFFFFB0  }
0x15e: {  	s30 =	simm.s32 $0x0  }
0x15f: {  	[tilespmem:s25], [sflag:$0x1] =	stream.linear.gather [hbm4b:s17+s30], $0xC80, $0x38;
	[tilespmem:$0x9A80] =	vst v63  }
0x160: {  	_ =	swait.ge [sflag:s22], $0xC80  }
0x161: {  	[sflag:s22] =	ssyncset.done $0x0  }
0x162: {  	s31 =	simm.s32 $0x6000;
	[sflag:s22] =	ssyncadd.s32 $0xFFFFF380  }
0x163: {  	[tilespmem:s31], [sflag:$0x1] =	stream.linear.gather [hbm4b:s18+s30], $0xC80, $0x38;
	[tilespmem:$0x9A80] =	vst v63  }
0x164: {  	_ =	swait.ge [sflag:s22], $0xC80  }
0x165: {  	[sflag:s22] =	ssyncset.done $0x0  }
0x166: {  	s0 =	simm.s32 $0x8F40;
	s4 =	simm.s32 $0x5020;
	[sflag:s22] =	ssyncadd.s32 $0xFFFFF380  }
.LBB2_10:
0x167: {  	v1 =	vld [tilespmem:s4+$0xFFFFFFE0]  }
0x168: {  	v2 =	vld [tilespmem:s31+$0x0];
	_ =	sdelay $0x6  }
0x169: {  	v1 =	vld.idx.msk [tilespmem:v1+s3+$0x0], $0xffff  }
0x16a: {  	v2 =	vld.idx.msk [tilespmem:v2+s23+$0x0], $0xffff;
	_ =	sdelay $0x4  }
0x16b: {  	v1 =	vadd.f32 v2, v1;
	_ =	sdelay $0x1  }
0x16c: {  	v2 =	vmul.f32 $2.000000030e-01, v1  }
0x16d: {  	vm0 =	vgt.f32 v1, $0.0e+00  }
0x16e: {  	v1 =	vsel vm0, v1, v2  }
0x16f: {  	v1 =	vsub.f32 v1, v0;
	_ =	sdelay $0x1  }
0x170: {  	v1 =	vmul.f32 $1.442695020e+00, v1;
	_ =	sdelay $0x1  }
0x171: {  	(erf) = vpow2.f32 v1;
	_ =	sdelay $0x8  }
0x172: {  	v1 =	vpop (erf)  }
0x173: {  	[tilespmem:s0+$0x0] =	vst v1  }
0x174: {  	v1 =	vld [tilespmem:s4+$0xFFFFFFF0]  }
0x175: {  	v2 =	vld [tilespmem:s31+$0x10];
	_ =	sdelay $0x6  }
0x176: {  	v1 =	vld.idx.msk [tilespmem:v1+s3+$0x0], $0xffff  }
0x177: {  	v2 =	vld.idx.msk [tilespmem:v2+s23+$0x0], $0xffff;
	_ =	sdelay $0x4  }
0x178: {  	v1 =	vadd.f32 v2, v1;
	_ =	sdelay $0x1  }
0x179: {  	v2 =	vmul.f32 $2.000000030e-01, v1  }
0x17a: {  	vm12 =	vgt.f32 v1, $0.0e+00  }
0x17b: {  	v1 =	vsel vm12, v1, v2  }
0x17c: {  	v1 =	vsub.f32 v1, v0;
	_ =	sdelay $0x1  }
0x17d: {  	v1 =	vmul.f32 $1.442695020e+00, v1;
	_ =	sdelay $0x1  }
0x17e: {  	(erf) = vpow2.f32 v1;
	_ =	sdelay $0x8  }
0x17f: {  	v1 =	vpop (erf)  }
0x180: {  	[tilespmem:s0+$0x10] =	vst v1  }
0x181: {  	v1 =	vld [tilespmem:s4+$0x0]  }
0x182: {  	v2 =	vld [tilespmem:s31+$0x20];
	_ =	sdelay $0x6  }
0x183: {  	v1 =	vld.idx.msk [tilespmem:v1+s3+$0x0], $0xffff  }
0x184: {  	v2 =	vld.idx.msk [tilespmem:v2+s23+$0x0], $0xffff;
	_ =	sdelay $0x4  }
0x185: {  	v1 =	vadd.f32 v2, v1;
	_ =	sdelay $0x1  }
0x186: {  	v2 =	vmul.f32 $2.000000030e-01, v1  }
0x187: {  	vm13 =	vgt.f32 v1, $0.0e+00  }
0x188: {  	v1 =	vsel vm13, v1, v2  }
0x189: {  	v1 =	vsub.f32 v1, v0;
	_ =	sdelay $0x1  }
0x18a: {  	v1 =	vmul.f32 $1.442695020e+00, v1;
	_ =	sdelay $0x1  }
0x18b: {  	(erf) = vpow2.f32 v1;
	_ =	sdelay $0x8  }
0x18c: {  	v1 =	vpop (erf)  }
0x18d: {  	[tilespmem:s0+$0x20] =	vst v1  }
0x18e: {  	v1 =	vld [tilespmem:s4+$0x10]  }
0x18f: {  	v2 =	vld [tilespmem:s31+$0x30];
	_ =	sdelay $0x6  }
0x190: {  	v1 =	vld.idx.msk [tilespmem:v1+s3+$0x0], $0xffff  }
0x191: {  	v2 =	vld.idx.msk [tilespmem:v2+s23+$0x0], $0xffff;
	_ =	sdelay $0x4  }
0x192: {  	v1 =	vadd.f32 v2, v1;
	_ =	sdelay $0x1  }
0x193: {  	v2 =	vmul.f32 $2.000000030e-01, v1  }
0x194: {  	vm14 =	vgt.f32 v1, $0.0e+00  }
0x195: {  	v1 =	vsel vm14, v1, v2  }
0x196: {  	v1 =	vsub.f32 v1, v0;
	_ =	sdelay $0x1  }
0x197: {  	v1 =	vmul.f32 $1.442695020e+00, v1;
	_ =	sdelay $0x1  }
0x198: {  	(erf) = vpow2.f32 v1;
	_ =	sdelay $0x8  }
0x199: {  	v1 =	vpop (erf)  }
0x19a: {  	[tilespmem:s0+$0x30] =	vst v1  }
0x19b: {  	v1 =	vld [tilespmem:s4+$0x20]  }
0x19c: {  	v2 =	vld [tilespmem:s31+$0x40];
	_ =	sdelay $0x6  }
0x19d: {  	v1 =	vld.idx.msk [tilespmem:v1+s3+$0x0], $0xffff  }
0x19e: {  	v2 =	vld.idx.msk [tilespmem:v2+s23+$0x0], $0xffff;
	_ =	sdelay $0x4  }
0x19f: {  	v1 =	vadd.f32 v2, v1;
	_ =	sdelay $0x1  }
0x1a0: {  	v2 =	vmul.f32 $2.000000030e-01, v1  }
0x1a1: {  	vm15 =	vgt.f32 v1, $0.0e+00  }
0x1a2: {  	v1 =	vsel vm15, v1, v2  }
0x1a3: {  	v1 =	vsub.f32 v1, v0;
	_ =	sdelay $0x1  }
0x1a4: {  	v1 =	vmul.f32 $1.442695020e+00, v1;
	_ =	sdelay $0x1  }
0x1a5: {  	(erf) = vpow2.f32 v1;
	_ =	sdelay $0x8  }
0x1a6: {  	s5 =	sand.u32 $0xFF0, s30;
	p0 =	sne.s32 s30, $0x780;
	v1 =	vpop (erf)  }
.Ltmp4:
0x1a7: {  	[tilespmem:s5+$0x8F80] =	vst v1;
	(pc) =	sbr.rel @p0 .LBB2_10-.Ltmp4, $4  }
0x1a8: {  	[spmem:s2] =	stream.indirect.scatter.add.f32 [tilespmem:s0], [sflag:$0x1], $0x1, s31, s28, $0xb8;
	[tilespmem:$0x9A80] =	vst v63  }
0x1a9: {  	_ =	swait.ge [sflag:s22], $0x50  }
0x1aa: {  	s30 =	sadd.s32 $0x50, s30;
	s4 =	sadd.s32 $0x80, s4;
	[sflag:s22] =	ssyncset.done $0x0  }
0x1ab: {  	s0 =	sadd.s32 $0x50, s0;
	s31 =	sadd.s32 $0x80, s31;
	[sflag:s22] =	ssyncadd.s32 $0xFFFFFFB0  }
0x1ac: {  	s0 =	simm.s32 $0x7000  }
0x1ad: {  	[hbm4b:s19+s3] =	stream.linear.scatter [tilespmem:s0], [sflag:$0x1], $0x2710, $0x38;
	[tilespmem:$0x9A80] =	vst v63  }
0x1ae: {  	_ =	swait.ge [sflag:s22], $0x2710  }
0x1af: {  	s1 =	sadd.s32 $0x1, s1;
	[sflag:s22] =	ssyncset.done $0x0  }
0x1b0: {  	s31 =	simm.s32 $0x20;
	p0 =	sne.s32 s1, s21;
	[sflag:s22] =	ssyncadd.s32 $0xFFFFD8F0  }
.Ltmp5:
0x1b1: {  	s4 =	simm.s32 $0x10;
	[bflag:$0x0] =	sbarrier.arrive $0xFFFF;
	(pc) =	sbr.rel @p0 .LBB2_1-.Ltmp5, $4  }
0x1b2: {  	[hbm:s20@s31], [sflag:s24] =	dma.strided [spmem:s29@s4], $0x50, s22, $0x10   }
0x1b3: {  	_ =	swait.ge [sflag:s22], $0x50  }
0x1b4: {  	[sflag:s22] =	ssyncset.done $0x0  }
0x1b5: {  	[sflag:s22] =	ssyncadd.s32 $0xFFFFFFB0  }
0x1b6: {  	_ =	sfence.sel $0x180000  }
0x1b7: {  	[bflag:$0x0] =	sbarrier.arrive $0xFFFF  }
0x1b8: {  	_ =	strace $0x90000047  }
0x1b9: {  	s0 =	stileid.u32;
	[bflag:$0x2] =	sbarrier.arrive $0xFFFF  }
0x1ba: {  	p0 =	sne.s32 s0, $0x0;
	s0 =	rddreg [dreg:$0x2]  }
0x1bb: {  	s0 =	sadd.s32 @!p0 $0x100000, s0  }
0x1bc: {  	[sflag:s0] =	ssyncadd.tile.s32 @!p0 $0x1;
	_ =	shalt  }
.Lfunc_end2:
_tile_overlayer_lowered:
.L_overlay_start_2:
0x1bd: {  	(tag) =	ssettag $0x2  }
0x1be: {  	s0 =	rddreg [dreg:$0x0];
	s2 =	stileid.u32  }
0x1bf: {  	s1 =	rddreg [dreg:$0x1];
	p0 =	sne.s32 s2, $0x0  }
0x1c0: {  	s3 =	rddreg [dreg:$0x2];
	[bflag:$0x3] =	sbarrier.arrive $0xFFFF;
	s2 =	simm.s32 @!p0 $0x1C01  }
0x1c1: {  	[timem:s3], [sflag:s2] =	dma.local @!p0 [hbm:s0], s1  }
0x1c2: {  	s0 =	simm.s32 @!p0 $0x1  }
0x1c3: {  	_ =	swait.ge @!p0 [sflag:s0], s1  }
0x1c4: {  	s1 =	ssub.s32 @!p0 $0x0, s1;
	[sflag:s0] =	ssyncset.done @!p0 $0x0  }
0x1c5: {  	[sflag:s0] =	ssyncadd.s32 @!p0 s1  }
0x1c6: {  	[bflag:$0x3] =	sbarrier.arrive $0xFFFF  }
0x1c7: {  	_ =	shalt  }

</sc_bundles>
